<compile_context>
chip_gen: v7x
topology: tpu7x:2x2x1
jax: 0.10.2.dev20260603
libtpu: 0.0.44.dev20260713+nightly
codegen_flags: <defaults>
</compile_context>

<pallas_src>
import functools
import math

import jax
import jax.numpy as jnp
from jax import lax
from jax.experimental import pallas as pl
from jax.experimental.pallas import tpu as pltpu
from jax.experimental.pallas import tpu_sc as plsc

B = 4096
C = 1000
BLK = 256
T_KD_INV = 1.0 / 20.0
C20 = math.log2(math.e) / 20.0
C1 = math.log2(math.e)
KD_SCALE = 400.0

_NC = 2
_NS = 16
_NW = _NC * _NS
_L = 16

R_SC = 1024
B_TC = B - R_SC
_GPT = R_SC // (_NW * _L)

_NFC = 62
_TOFF = 984
_TCH = 62
_PAD = -1e30



def _sc_stats_body(t1, t2, t3, t4, t5, t6, t7, s_hbm, tb_hbm,
                   pm1_o, pb2_o, pz_o, pa_o, ptc_o, psc_o, pz1_o, pz20_o,
                   sbuf, xbuf, mbuf, svbuf, tbv,
                   stm, stb, stz, sta, stc, sts, s1s, s2s, sem):
    wid = lax.axis_index("s") * _NC + lax.axis_index("c")
    i16 = lax.iota(jnp.int32, _L)
    tail = i16 >= 8
    zeros = jnp.zeros((_L,), jnp.float32)
    ninf = jnp.full((_L,), -jnp.inf, jnp.float32)
    teachers = (t1, t2, t3, t4, t5, t6, t7)

    for g in range(_GPT):
        grow = (wid * _GPT + g) * _L
        row0 = B_TC + grow
        pltpu.sync_copy(s_hbm.at[pl.ds(row0, _L), :], sbuf)
        pltpu.sync_copy(tb_hbm.at[pl.ds(grow, _L), :], tbv)

        def srow(r, carry):
            ct = tbv[r, pl.ds(0, _L)] >> 4

            def scol(c, cc):
                z1, z20, cap = cc
                off = pl.ds(pl.multiple_of(c * _L, _L), _L)
                x = sbuf[r, off]
                sv = x * T_KD_INV
                svbuf[r, off] = sv
                return (z1 + jnp.exp(x), z20 + jnp.exp(sv),
                        jnp.where(ct == c, x, cap))

            z1v, z20v, cap = lax.fori_loop(0, _NFC, scol,
                                           (zeros, zeros, zeros))
            xt = sbuf[r, pl.ds(_TOFF, _L)]
            svbuf[r, pl.ds(_TOFF, _L)] = xt * T_KD_INV
            cap = jnp.where(ct == _TCH, xt, cap)
            z1v = z1v + jnp.where(tail, jnp.exp(xt), 0.0)
            z20v = z20v + jnp.where(tail, jnp.exp(xt * T_KD_INV), 0.0)
            soff = pl.ds(pl.multiple_of(r * _L, _L), _L)
            s1s[soff] = z1v
            s2s[soff] = z20v
            sts[soff] = cap
            return carry

        lax.fori_loop(0, _L, srow, 0)

        for k in range(8):
            if k < 7:
                pltpu.sync_copy(teachers[k].at[pl.ds(row0, _L), :], xbuf)

            def trow(r, carry, k=k):
                ct = tbv[r, pl.ds(0, _L)] >> 4

                def step(x, cc, sv):
                    m1, b2, z, a = cc
                    e = jnp.exp(x * T_KD_INV)
                    nm1 = jnp.maximum(m1, x)
                    nb2 = jnp.maximum(b2, jnp.minimum(m1, x))
                    return nm1, nb2, z + e, a + e * sv

                def tcol(c, cc, k=k):
                    off = pl.ds(pl.multiple_of(c * _L, _L), _L)
                    if k < 7:
                        x = xbuf[r, off]
                        if k == 0:
                            mbuf[r, off] = x
                        else:
                            mbuf[r, off] = mbuf[r, off] + x
                    else:
                        x = mbuf[r, off] * (1.0 / 7.0)
                    sv = svbuf[r, off]
                    cap = jnp.where(ct == c, x, cc[4])
                    return step(x, cc[:4], sv) + (cap,)

                m1v, b2v, zv, av, cap = lax.fori_loop(
                    0, _NFC, tcol, (ninf, ninf, zeros, zeros, zeros))
                toff = pl.ds(_TOFF, _L)
                if k < 7:
                    xt = xbuf[r, toff]
                    old = mbuf[r, toff]
                    if k == 0:
                        mbuf[r, toff] = xt
                    else:
                        mbuf[r, toff] = jnp.where(tail, old + xt, old)
                else:
                    xt = mbuf[r, toff] * (1.0 / 7.0)
                cap = jnp.where(ct == _TCH, xt, cap)
                xm = jnp.where(tail, xt, _PAD)
                svt = svbuf[r, toff]
                m1v, b2v, zv, av = step(xm, (m1v, b2v, zv, av), svt)
                soff = pl.ds(pl.multiple_of((k * _L + r) * _L, _L), _L)
                stm[soff] = m1v
                stb[soff] = b2v
                stz[soff] = zv
                sta[soff] = av
                stc[soff] = cap
                return carry

            lax.fori_loop(0, _L, trow, 0)

        blk = 8 * _L * _L
        pltpu.sync_copy(stm, pm1_o.at[pl.ds(grow * 8 * _L, blk)])
        pltpu.sync_copy(stb, pb2_o.at[pl.ds(grow * 8 * _L, blk)])
        pltpu.sync_copy(stz, pz_o.at[pl.ds(grow * 8 * _L, blk)])
        pltpu.sync_copy(sta, pa_o.at[pl.ds(grow * 8 * _L, blk)])
        pltpu.sync_copy(stc, ptc_o.at[pl.ds(grow * 8 * _L, blk)])
        pltpu.sync_copy(sts, psc_o.at[pl.ds(grow * _L, _L * _L)])
        pltpu.sync_copy(s1s, pz1_o.at[pl.ds(grow * _L, _L * _L)])
        pltpu.sync_copy(s2s, pz20_o.at[pl.ds(grow * _L, _L * _L)])


def _sc_stats(o1, o2, o3, o4, o5, o6, o7, s, tb):
    mesh = plsc.VectorSubcoreMesh(core_axis_name="c", subcore_axis_name="s")
    kern = functools.partial(
        pl.kernel,
        mesh=mesh,
        out_type=[
            jax.ShapeDtypeStruct((R_SC * 8 * _L,), jnp.float32),
            jax.ShapeDtypeStruct((R_SC * 8 * _L,), jnp.float32),
            jax.ShapeDtypeStruct((R_SC * 8 * _L,), jnp.float32),
            jax.ShapeDtypeStruct((R_SC * 8 * _L,), jnp.float32),
            jax.ShapeDtypeStruct((R_SC * 8 * _L,), jnp.float32),
            jax.ShapeDtypeStruct((R_SC * _L,), jnp.float32),
            jax.ShapeDtypeStruct((R_SC * _L,), jnp.float32),
            jax.ShapeDtypeStruct((R_SC * _L,), jnp.float32),
        ],
        scratch_types=[
            pltpu.VMEM((_L, C), jnp.float32),
            pltpu.VMEM((_L, C), jnp.float32),
            pltpu.VMEM((_L, C), jnp.float32),
            pltpu.VMEM((_L, C), jnp.float32),
            pltpu.VMEM((_L, _L), jnp.int32),
            pltpu.VMEM((8 * _L * _L,), jnp.float32),
            pltpu.VMEM((8 * _L * _L,), jnp.float32),
            pltpu.VMEM((8 * _L * _L,), jnp.float32),
            pltpu.VMEM((8 * _L * _L,), jnp.float32),
            pltpu.VMEM((8 * _L * _L,), jnp.float32),
            pltpu.VMEM((_L * _L,), jnp.float32),
            pltpu.VMEM((_L * _L,), jnp.float32),
            pltpu.VMEM((_L * _L,), jnp.float32),
            pltpu.SemaphoreType.DMA,
        ],
    )(_sc_stats_body)
    return kern(o1, o2, o3, o4, o5, o6, o7, s, tb)



def _row_stats(o, idx, tcol, sv):
    m1 = jnp.max(o, axis=1, keepdims=True)
    is_max = o == m1
    cnt = jnp.sum(is_max.astype(jnp.float32), axis=1, keepdims=True)
    t2 = jnp.max(jnp.where(is_max, -jnp.inf, o), axis=1, keepdims=True)
    top2 = jnp.where(cnt > 1.0, m1, t2)
    e = jnp.exp2(o * C20)
    z = jnp.sum(e, axis=1, keepdims=True)
    a = jnp.sum(e * sv, axis=1, keepdims=True)
    tval = jnp.sum(jnp.where(idx == tcol, o, 0.0), axis=1, keepdims=True)
    return m1, top2, z, a, tval


def _stage1_body(t1, t2, t3, t4, t5, t6, t7, s_ref, tgt_ref,
                 m1_ref, top2_ref, ar_ref, tval_ref, z1_ref, z20_ref, tvs_ref):
    idx = jax.lax.broadcasted_iota(jnp.int32, (BLK, C), 1)
    tcol = tgt_ref[...]

    s = s_ref[...]
    sv = s * T_KD_INV
    z1_ref[...] = jnp.sum(jnp.exp2(s * C1), axis=1, keepdims=True)
    z20_ref[...] = jnp.sum(jnp.exp2(sv * C1), axis=1, keepdims=True)
    tvs_ref[...] = jnp.sum(jnp.where(idx == tcol, s, 0.0), axis=1,
                           keepdims=True)

    m1s, top2s, ars, tvals = [], [], [], []
    macc = None
    for ref in (t1, t2, t3, t4, t5, t6, t7):
        o = ref[...]
        macc = o if macc is None else macc + o
        m1, top2, z, a, tval = _row_stats(o, idx, tcol, sv)
        m1s.append(m1)
        top2s.append(top2)
        ars.append(a / z)
        tvals.append(tval)

    mimic = macc * (1.0 / 7.0)
    m1, top2, z, a, tval = _row_stats(mimic, idx, tcol, sv)
    m1s.append(m1)
    top2s.append(top2)
    ars.append(a / z)
    tvals.append(tval)

    m1_ref[...] = jnp.concatenate(m1s, axis=1)
    top2_ref[...] = jnp.concatenate(top2s, axis=1)
    ar_ref[...] = jnp.concatenate(ars, axis=1)
    tval_ref[...] = jnp.concatenate(tvals, axis=1)



def _sc_merge_body(pm1, pb2, pz, pa, ptc, psc, pz1, pz20, lts,
                   m1_o, t2_o, ar_o, tv_o, z1_o, z20_o, tvs_o):
    ltb = lts[...]
    ilane = jax.lax.broadcasted_iota(jnp.int32, (R_SC, 8 * _L), 1) & (_L - 1)
    PM1 = pm1[...]
    PB2 = pb2[...]
    PZ = pz[...]
    PA = pa[...]
    PTC = jnp.where(ilane == ltb, ptc[...], 0.0)
    m1s, t2s, ars, tvs_ = [], [], [], []
    for k in range(8):
        sl = slice(k * _L, (k + 1) * _L)
        m1v = PM1[:, sl]
        s0 = jnp.max(m1v, axis=1, keepdims=True)
        eq = m1v == s0
        cnt = jnp.sum(eq.astype(jnp.float32), axis=1, keepdims=True)
        b_at = jnp.max(jnp.where(eq, PB2[:, sl], -jnp.inf), axis=1,
                       keepdims=True)
        s1 = jnp.max(jnp.where(eq, -jnp.inf, m1v), axis=1, keepdims=True)
        m1s.append(s0)
        t2s.append(jnp.where(cnt > 1.0, s0, jnp.maximum(b_at, s1)))
        ars.append(jnp.sum(PA[:, sl], axis=1, keepdims=True)
                   / jnp.sum(PZ[:, sl], axis=1, keepdims=True))
        tvs_.append(jnp.sum(PTC[:, sl], axis=1, keepdims=True))
    m1_o[...] = jnp.concatenate(m1s, axis=1)
    t2_o[...] = jnp.concatenate(t2s, axis=1)
    ar_o[...] = jnp.concatenate(ars, axis=1)
    tv_o[...] = jnp.concatenate(tvs_, axis=1)
    ism = jax.lax.broadcasted_iota(jnp.int32, (R_SC, _L), 1) == ltb
    z1_o[...] = jnp.sum(pz1[...], axis=1, keepdims=True)
    z20_o[...] = jnp.sum(pz20[...], axis=1, keepdims=True)
    tvs_o[...] = jnp.sum(jnp.where(ism, psc[...], 0.0), axis=1,
                         keepdims=True)


def _sc_merge(pm1, pb2, pz, pa, ptc, psc, pz1, pz20, lts):
    return pl.pallas_call(
        _sc_merge_body,
        out_shape=[jax.ShapeDtypeStruct((R_SC, 8), jnp.float32)] * 4
        + [jax.ShapeDtypeStruct((R_SC, 1), jnp.float32)] * 3,
    )(pm1, pb2, pz, pa, ptc, psc, pz1, pz20, lts)



def _stage2_body(m1_ref, top2_ref, ar_ref, tval_ref, z1_ref, z20_ref,
                 tvs_ref, out_ref):
    m1 = m1_ref[...]
    top2 = top2_ref[...]
    tval = tval_ref[...]
    kd = (jnp.log(z20_ref[...]) - ar_ref[...]) * KD_SCALE
    ce = jnp.log(z1_ref[...]) - tvs_ref[...]
    max_preds = jnp.max(m1[:, :7])
    d = jnp.where(tval == m1, m1 - top2, 0.0)
    m = jnp.max(d, axis=1, keepdims=True)
    e = jnp.exp((d - m) * 0.5)
    thr = e / jnp.sum(e, axis=1, keepdims=True)
    w = tval * (0.8 / max_preds)
    loss = (1.0 - w) * ce + w * kd
    out_ref[...] = jnp.sum(thr * loss, keepdims=True) * (1.0 / B)


def kernel(outputs1, outputs2, outputs3, outputs4, outputs5, outputs6,
           outputs7, out_s, targets):
    tgt = targets.astype(jnp.int32)
    arrays = (outputs1, outputs2, outputs3, outputs4, outputs5, outputs6,
              outputs7, out_s)

    t_sc = tgt[B_TC:]
    tb = jnp.broadcast_to(t_sc[:, None], (R_SC, _L))

    nblk = B_TC // BLK
    row_spec = pl.BlockSpec((BLK, C), lambda i: (i, 0))
    col_spec = pl.BlockSpec((BLK, 1), lambda i: (i, 0))
    out8_spec = pl.BlockSpec((BLK, 8), lambda i: (i, 0))

    tc_m1, tc_t2, tc_ar, tc_tv, tc_z1, tc_z20, tc_tvs = pl.pallas_call(
        _stage1_body,
        grid=(nblk,),
        in_specs=[row_spec] * 8 + [col_spec],
        out_specs=[out8_spec] * 4 + [col_spec] * 3,
        out_shape=[jax.ShapeDtypeStruct((B_TC, 8), jnp.float32)] * 4
        + [jax.ShapeDtypeStruct((B_TC, 1), jnp.float32)] * 3,
    )(*arrays, tgt.reshape(B, 1))

    pm1, pb2, pz, pa, ptc, psc, pz1, pz20 = _sc_stats(*arrays, tb)

    unk = lambda a: a.reshape(R_SC // _L, 8, _L, _L).transpose(
        0, 2, 1, 3).reshape(R_SC, 8 * _L)
    lt = jnp.where(t_sc >= 992, t_sc - _TOFF, t_sc & (_L - 1))
    sc_m1, sc_t2, sc_ar, sc_tv, sc_z1, sc_z20, sc_tvs = _sc_merge(
        unk(pm1), unk(pb2), unk(pz), unk(pa), unk(ptc),
        psc.reshape(R_SC, _L), pz1.reshape(R_SC, _L), pz20.reshape(R_SC, _L),
        lt.reshape(R_SC, 1))

    cat = lambda a, b: jnp.concatenate([a, b], axis=0)
    m1 = cat(tc_m1, sc_m1)
    top2 = cat(tc_t2, sc_t2)
    ar = cat(tc_ar, sc_ar)
    tval = cat(tc_tv, sc_tv)
    z1 = cat(tc_z1, sc_z1)
    z20 = cat(tc_z20, sc_z20)
    tvs = cat(tc_tvs, sc_tvs)

    out = pl.pallas_call(
        _stage2_body,
        out_shape=jax.ShapeDtypeStruct((1, 1), jnp.float32),
    )(m1, top2, ar, tval, z1, z20, tvs)
    return out.reshape(())

# --- scband reference (transcript-rebuilt; emitter-appended) ---
"""Pipeline reference for scband-dynamic-multi-teacher7-52699248721954 (READ-ONLY COPY).

The authoritative reference and input builder live on the scoring server;
editing this copy changes nothing except your own understanding.
"""

import jax, jax.numpy as jnp
import numpy as np

B = 4096
C = 1000


def setup_inputs(seed: int = 0) -> dict:
    key = jax.random.key(seed)
    ks = jax.random.split(key, 9)
    inp = {}
    for i in range(7):
        inp[f"outputs{i+1}"] = jax.random.normal(ks[i], (B, C), dtype=jnp.float32)
    inp["out_s"] = jax.random.normal(ks[7], (B, C), dtype=jnp.float32)
    inp["targets"] = jax.random.randint(ks[8], (B,), 0, C)
    return inp


def reference(outputs1, outputs2, outputs3, outputs4, outputs5, outputs6, outputs7, out_s, targets):
    T_thr = 2.0
    T_kd = 20.0
    teachers = [outputs1, outputs2, outputs3, outputs4, outputs5, outputs6, outputs7]
    mimic = (outputs1 + outputs2 + outputs3 + outputs4 + outputs5 + outputs6 + outputs7) / 7.0

    def d_margin(o):
        top2, _ = jax.lax.top_k(o, 2)
        tval = jnp.take_along_axis(o, targets[:, None], axis=1)[:, 0]
        return jnp.where(tval == top2[:, 0], top2[:, 0] - top2[:, 1], jnp.zeros_like(tval))

    ds = jnp.stack([d_margin(o) for o in teachers + [mimic]], axis=1)  # [B, 8]
    out_threshold = jax.nn.softmax(ds / T_thr, axis=1)
    max_preds = jnp.max(jnp.stack(teachers, axis=0))

    logp_s = jax.nn.log_softmax(out_s, axis=1)
    CE = -jnp.take_along_axis(logp_s, targets[:, None], axis=1)[:, 0]  # per-sample CE
    logp_sT = jax.nn.log_softmax(out_s / T_kd, axis=1)

    def loss_for(o):
        w = jnp.take_along_axis(o, targets[:, None], axis=1)[:, 0] / max_preds
        KD = -jnp.sum(jax.nn.softmax(o / T_kd, axis=1) * logp_sT, axis=1) * T_kd * T_kd
        return (1.0 - 0.8 * w) * CE + 0.8 * w * KD

    losses = jnp.stack([loss_for(o) for o in teachers + [mimic]], axis=1)  # [B, 8]
    return jnp.mean(jnp.sum(out_threshold * losses, axis=1))

if __name__ == "__main__":
    import jax
    _d = setup_inputs()
    print(jax.jit(kernel)(*tuple(_d.values())))

</pallas_src>

<mosaic_0001>
#map = affine_map<(d0, d1) -> (0, 0)>
#map1 = affine_map<(d0, d1) -> (0)>
module attributes {stable_mosaic.version = 14 : i64} {
  func.func @_sc_stats_body(%arg0: i32, %arg1: i32, %arg2: memref<4096x1000xf32, #tpu.memory_space<hbm>>, %arg3: memref<4096x1000xf32, #tpu.memory_space<hbm>>, %arg4: memref<4096x1000xf32, #tpu.memory_space<hbm>>, %arg5: memref<4096x1000xf32, #tpu.memory_space<hbm>>, %arg6: memref<4096x1000xf32, #tpu.memory_space<hbm>>, %arg7: memref<4096x1000xf32, #tpu.memory_space<hbm>>, %arg8: memref<4096x1000xf32, #tpu.memory_space<hbm>>, %arg9: memref<4096x1000xf32, #tpu.memory_space<hbm>>, %arg10: memref<1024x16xi32, #tpu.memory_space<hbm>>, %arg11: memref<131072xf32, #tpu.memory_space<hbm>>, %arg12: memref<131072xf32, #tpu.memory_space<hbm>>, %arg13: memref<131072xf32, #tpu.memory_space<hbm>>, %arg14: memref<131072xf32, #tpu.memory_space<hbm>>, %arg15: memref<131072xf32, #tpu.memory_space<hbm>>, %arg16: memref<16384xf32, #tpu.memory_space<hbm>>, %arg17: memref<16384xf32, #tpu.memory_space<hbm>>, %arg18: memref<16384xf32, #tpu.memory_space<hbm>>, %arg19: memref<16x1000xf32, #tpu.memory_space<vmem>>, %arg20: memref<16x1000xf32, #tpu.memory_space<vmem>>, %arg21: memref<16x1000xf32, #tpu.memory_space<vmem>>, %arg22: memref<16x1000xf32, #tpu.memory_space<vmem>>, %arg23: memref<16x16xi32, #tpu.memory_space<vmem>>, %arg24: memref<2048xf32, #tpu.memory_space<vmem>>, %arg25: memref<2048xf32, #tpu.memory_space<vmem>>, %arg26: memref<2048xf32, #tpu.memory_space<vmem>>, %arg27: memref<2048xf32, #tpu.memory_space<vmem>>, %arg28: memref<2048xf32, #tpu.memory_space<vmem>>, %arg29: memref<256xf32, #tpu.memory_space<vmem>>, %arg30: memref<256xf32, #tpu.memory_space<vmem>>, %arg31: memref<256xf32, #tpu.memory_space<vmem>>, %arg32: memref<!tpu.dma_semaphore, #tpu.memory_space<semaphore_mem>>) attributes {dimension_semantics = [#tpu.dimension_semantics<core_parallel>, #tpu.dimension_semantics<subcore_parallel>], iteration_bounds = array<i64: 2, 16>, scalar_prefetch = 0 : i64, scratch_operands = 14 : i64, tpu.core_type = #tpu.core_type<sc_vector_subcore>, window_params = [{transform_indices = #map}, {transform_indices = #map}, {transform_indices = #map}, {transform_indices = #map}, {transform_indices = #map}, {transform_indices = #map}, {transform_indices = #map}, {transform_indices = #map}, {transform_indices = #map}, {transform_indices = #map1}, {transform_indices = #map1}, {transform_indices = #map1}, {transform_indices = #map1}, {transform_indices = #map1}, {transform_indices = #map1}, {transform_indices = #map1}, {transform_indices = #map1}]} {
    %mul3A = arith.constant 2 : i32
    %mul3A_0 = arith.muli %arg1, %mul3A : i32
    %add3A = arith.addi %mul3A_0, %arg0 : i32
    %iota3A = tpu.iota {dimensions = array<i32: 0>} : vector<16xi32>
    %ge3A = arith.constant 8 : i32
    %ge3A_1 = vector.broadcast %ge3A : i32 to vector<16xi32>
    %ge3A_2 = arith.cmpi sge, %iota3A, %ge3A_1 : vector<16xi32>
    %broadcast_in_dim3A = arith.constant 0.000000e+00 : f32
    %broadcast_in_dim3A_3 = vector.broadcast %broadcast_in_dim3A : f32 to vector<16xf32>
    %broadcast_in_dim3A_4 = arith.constant 0xFF800000 : f32
    %broadcast_in_dim3A_5 = vector.broadcast %broadcast_in_dim3A_4 : f32 to vector<16xf32>
    %mul3A_6 = arith.constant 2 : i32
    %mul3A_7 = arith.muli %add3A, %mul3A_6 : i32
    %add3A_8 = arith.constant 0 : i32
    %add3A_9 = arith.addi %mul3A_7, %add3A_8 : i32
    %mul3A_10 = arith.constant 16 : i32
    %mul3A_11 = arith.muli %add3A_9, %mul3A_10 : i32
    %add3A_12 = arith.constant 3072 : i32
    %add3A_13 = arith.addi %add3A_12, %mul3A_11 : i32
    "tpu.region"() ({
      %run_scoped3A = tpu.sem_alloc : memref<!tpu.dma_semaphore, #tpu.memory_space<semaphore_mem>>
      %dma_start3A = arith.constant 0 : i32
      %dma_start3A_181 = tpu.memref_slice %arg9[%add3A_13, %dma_start3A] : memref<4096x1000xf32, #tpu.memory_space<hbm>> -> memref<16x1000xf32, #tpu.memory_space<hbm>>
      %dma_start3A_182 = arith.constant 0 : i32
      %dma_start3A_183 = tpu.memref_slice %arg9[%add3A_13, %dma_start3A_182] : memref<4096x1000xf32, #tpu.memory_space<hbm>> -> memref<16x1000xf32, #tpu.memory_space<hbm>>
      tpu.enqueue_dma source(%dma_start3A_183 : memref<16x1000xf32, #tpu.memory_space<hbm>>) target(%arg19 : memref<16x1000xf32, #tpu.memory_space<vmem>>) target_semaphore(%run_scoped3A : memref<!tpu.dma_semaphore, #tpu.memory_space<semaphore_mem>>)
      %dma_wait3A = arith.constant 0 : i32
      %dma_wait3A_184 = tpu.memref_slice %arg9[%add3A_13, %dma_wait3A] : memref<4096x1000xf32, #tpu.memory_space<hbm>> -> memref<16x1000xf32, #tpu.memory_space<hbm>>
      %dma_wait3A_185 = arith.constant 0 : i32
      %dma_wait3A_186 = tpu.memref_slice %arg9[%add3A_13, %dma_wait3A_185] : memref<4096x1000xf32, #tpu.memory_space<hbm>> -> memref<16x1000xf32, #tpu.memory_space<hbm>>
      tpu.wait_dma2 semaphore(%run_scoped3A : memref<!tpu.dma_semaphore, #tpu.memory_space<semaphore_mem>>) src(%dma_wait3A_186 : memref<16x1000xf32, #tpu.memory_space<hbm>>) dst(%arg19 : memref<16x1000xf32, #tpu.memory_space<vmem>>)
      tpu.yield
    }) : () -> ()
    "tpu.region"() ({
      %run_scoped3A = tpu.sem_alloc : memref<!tpu.dma_semaphore, #tpu.memory_space<semaphore_mem>>
      %dma_start3A = arith.constant 0 : i32
      %dma_start3A_181 = tpu.memref_slice %arg10[%mul3A_11, %dma_start3A] : memref<1024x16xi32, #tpu.memory_space<hbm>> -> memref<16x16xi32, #tpu.memory_space<hbm>>
      %dma_start3A_182 = arith.constant 0 : i32
      %dma_start3A_183 = tpu.memref_slice %arg10[%mul3A_11, %dma_start3A_182] : memref<1024x16xi32, #tpu.memory_space<hbm>> -> memref<16x16xi32, #tpu.memory_space<hbm>>
      tpu.enqueue_dma source(%dma_start3A_183 : memref<16x16xi32, #tpu.memory_space<hbm>>) target(%arg23 : memref<16x16xi32, #tpu.memory_space<vmem>>) target_semaphore(%run_scoped3A : memref<!tpu.dma_semaphore, #tpu.memory_space<semaphore_mem>>)
      %dma_wait3A = arith.constant 0 : i32
      %dma_wait3A_184 = tpu.memref_slice %arg10[%mul3A_11, %dma_wait3A] : memref<1024x16xi32, #tpu.memory_space<hbm>> -> memref<16x16xi32, #tpu.memory_space<hbm>>
      %dma_wait3A_185 = arith.constant 0 : i32
      %dma_wait3A_186 = tpu.memref_slice %arg10[%mul3A_11, %dma_wait3A_185] : memref<1024x16xi32, #tpu.memory_space<hbm>> -> memref<16x16xi32, #tpu.memory_space<hbm>>
      tpu.wait_dma2 semaphore(%run_scoped3A : memref<!tpu.dma_semaphore, #tpu.memory_space<semaphore_mem>>) src(%dma_wait3A_186 : memref<16x16xi32, #tpu.memory_space<hbm>>) dst(%arg23 : memref<16x16xi32, #tpu.memory_space<vmem>>)
      tpu.yield
    }) : () -> ()
    %scan3A = arith.constant 0 : i32
    %scan3A_14 = arith.constant 0 : i32
    %scan3A_15 = arith.constant 16 : i32
    %scan3A_16 = arith.addi %scan3A_14, %scan3A_15 : i32
    %scan3A_17 = arith.constant 1 : i32
    scf.for %scan3A_181 = %scan3A_14 to %scan3A_16 step %scan3A_17  : i32 {
      %get3A = arith.index_cast %scan3A_181 : i32 to index
      %get3A_182 = arith.constant 0 : index
      %get3A_183 = tpu.vector_load %arg23[%get3A, %get3A_182] {strides = array<i32>} : memref<16x16xi32, #tpu.memory_space<vmem>>, vector<1x16xi32>,
      %get3A_184 = vector.shape_cast %get3A_183 : vector<1x16xi32> to vector<16xi32>
      %shift_right_arithmetic3A = arith.constant 4 : i32
      %shift_right_arithmetic3A_185 = vector.broadcast %shift_right_arithmetic3A : i32 to vector<16xi32>
      %shift_right_arithmetic3A_186 = arith.shrsi %get3A_184, %shift_right_arithmetic3A_185 : vector<16xi32>
      %scan3A_187 = arith.constant 0 : i32
      %scan3A_188 = arith.constant 62 : i32
      %scan3A_189 = arith.addi %scan3A_187, %scan3A_188 : i32
      %scan3A_190 = arith.constant 1 : i32
      %scan3A_191:3 = scf.for %scan3A_231 = %scan3A_187 to %scan3A_189 step %scan3A_190 iter_args(%scan3A_232 = %broadcast_in_dim3A_3, %scan3A_233 = %broadcast_in_dim3A_3, %scan3A_234 = %broadcast_in_dim3A_3) -> (vector<16xf32>, vector<16xf32>, vector<16xf32>)  : i32 {
        %mul3A_235 = arith.constant 16 : i32
        %mul3A_236 = arith.muli %scan3A_231, %mul3A_235 : i32
        %multiple_of3A_237 = tpu.assume_multiple %mul3A_236, 16 : i32
        %get3A_238 = arith.index_cast %scan3A_181 : i32 to index
        %get3A_239 = arith.index_cast %multiple_of3A_237 : i32 to index
        %get3A_240 = tpu.vector_load %arg19[%get3A_238, %get3A_239] {strides = array<i32>} : memref<16x1000xf32, #tpu.memory_space<vmem>>, vector<1x16xf32>,
        %get3A_241 = vector.shape_cast %get3A_240 : vector<1x16xf32> to vector<16xf32>
        %mul3A_242 = arith.constant 5.000000e-02 : f32
        %mul3A_243 = vector.broadcast %mul3A_242 : f32 to vector<16xf32>
        %mul3A_244 = arith.mulf %get3A_241, %mul3A_243 : vector<16xf32>
        %swap3A_245 = arith.index_cast %scan3A_181 : i32 to index
        %swap3A_246 = arith.index_cast %multiple_of3A_237 : i32 to index
        %swap3A_247 = tpu.vector_load %arg22[%swap3A_245, %swap3A_246] {strides = array<i32>} : memref<16x1000xf32, #tpu.memory_space<vmem>>, vector<1x16xf32>,
        %swap3A_248 = vector.shape_cast %swap3A_247 : vector<1x16xf32> to vector<16xf32>
        %swap3A_249 = vector.shape_cast %mul3A_244 : vector<16xf32> to vector<1x16xf32>
        tpu.vector_store %arg22[%swap3A_245, %swap3A_246], %swap3A_249 {strides = array<i32>} : memref<16x1000xf32, #tpu.memory_space<vmem>>, vector<1x16xf32>,
        %exp3A_250 = math.exp %get3A_241 : vector<16xf32>
        %add3A_251 = arith.addf %scan3A_232, %exp3A_250 : vector<16xf32>
        %exp3A_252 = math.exp %mul3A_244 : vector<16xf32>
        %add3A_253 = arith.addf %scan3A_233, %exp3A_252 : vector<16xf32>
        %eq3A_254 = vector.broadcast %scan3A_231 : i32 to vector<16xi32>
        %eq3A_255 = arith.cmpi eq, %shift_right_arithmetic3A_186, %eq3A_254 : vector<16xi32>
        %select_n3A_256 = arith.select %eq3A_255, %get3A_241, %scan3A_234 : vector<16xi1>, vector<16xf32>
        scf.yield %add3A_251, %add3A_253, %select_n3A_256 : vector<16xf32>, vector<16xf32>, vector<16xf32>
      }
      %scan3A_192 = arith.constant 62 : i32
      %get3A_193 = arith.index_cast %scan3A_181 : i32 to index
      %get3A_194 = arith.constant 984 : index
      %get3A_195 = tpu.vector_load %arg19[%get3A_193, %get3A_194] {strides = array<i32>} : memref<16x1000xf32, #tpu.memory_space<vmem>>, vector<1x16xf32>,
      %get3A_196 = vector.shape_cast %get3A_195 : vector<1x16xf32> to vector<16xf32>
      %mul3A_197 = arith.constant 5.000000e-02 : f32
      %mul3A_198 = vector.broadcast %mul3A_197 : f32 to vector<16xf32>
      %mul3A_199 = arith.mulf %get3A_196, %mul3A_198 : vector<16xf32>
      %swap3A = arith.index_cast %scan3A_181 : i32 to index
      %swap3A_200 = arith.constant 984 : index
      %swap3A_201 = tpu.vector_load %arg22[%swap3A, %swap3A_200] {strides = array<i32>} : memref<16x1000xf32, #tpu.memory_space<vmem>>, vector<1x16xf32>,
      %swap3A_202 = vector.shape_cast %swap3A_201 : vector<1x16xf32> to vector<16xf32>
      %swap3A_203 = vector.shape_cast %mul3A_199 : vector<16xf32> to vector<1x16xf32>
      tpu.vector_store %arg22[%swap3A, %swap3A_200], %swap3A_203 {strides = array<i32>} : memref<16x1000xf32, #tpu.memory_space<vmem>>, vector<1x16xf32>,
      %eq3A = arith.constant 62 : i32
      %eq3A_204 = vector.broadcast %eq3A : i32 to vector<16xi32>
      %eq3A_205 = arith.cmpi eq, %shift_right_arithmetic3A_186, %eq3A_204 : vector<16xi32>
      %select_n3A = arith.select %eq3A_205, %get3A_196, %scan3A_191#2 : vector<16xi1>, vector<16xf32>
      %exp3A = math.exp %get3A_196 : vector<16xf32>
      %jit3A = arith.constant 0.000000e+00 : f32
      %broadcast_in_dim3A_206 = vector.broadcast %jit3A : f32 to vector<16xf32>
      %select_n3A_207 = arith.select %ge3A_2, %exp3A, %broadcast_in_dim3A_206 : vector<16xi1>, vector<16xf32>
      %add3A_208 = arith.addf %scan3A_191#0, %select_n3A_207 : vector<16xf32>
      %mul3A_209 = arith.constant 5.000000e-02 : f32
      %mul3A_210 = vector.broadcast %mul3A_209 : f32 to vector<16xf32>
      %mul3A_211 = arith.mulf %get3A_196, %mul3A_210 : vector<16xf32>
      %exp3A_212 = math.exp %mul3A_211 : vector<16xf32>
      %jit3A_213 = arith.constant 0.000000e+00 : f32
      %broadcast_in_dim3A_214 = vector.broadcast %jit3A_213 : f32 to vector<16xf32>
      %select_n3A_215 = arith.select %ge3A_2, %exp3A_212, %broadcast_in_dim3A_214 : vector<16xi1>, vector<16xf32>
      %add3A_216 = arith.addf %scan3A_191#1, %select_n3A_215 : vector<16xf32>
      %mul3A_217 = arith.constant 16 : i32
      %mul3A_218 = arith.muli %scan3A_181, %mul3A_217 : i32
      %multiple_of3A = tpu.assume_multiple %mul3A_218, 16 : i32
      %swap3A_219 = arith.index_cast %multiple_of3A : i32 to index
      %swap3A_220 = tpu.vector_load %arg30[%swap3A_219] {strides = array<i32>} : memref<256xf32, #tpu.memory_space<vmem>>, vector<16xf32>,
      %swap3A_221 = vector.shape_cast %swap3A_220 : vector<16xf32> to vector<16xf32>
      %swap3A_222 = vector.shape_cast %add3A_208 : vector<16xf32> to vector<16xf32>
      tpu.vector_store %arg30[%swap3A_219], %swap3A_222 {strides = array<i32>} : memref<256xf32, #tpu.memory_space<vmem>>, vector<16xf32>,
      %swap3A_223 = arith.index_cast %multiple_of3A : i32 to index
      %swap3A_224 = tpu.vector_load %arg31[%swap3A_223] {strides = array<i32>} : memref<256xf32, #tpu.memory_space<vmem>>, vector<16xf32>,
      %swap3A_225 = vector.shape_cast %swap3A_224 : vector<16xf32> to vector<16xf32>
      %swap3A_226 = vector.shape_cast %add3A_216 : vector<16xf32> to vector<16xf32>
      tpu.vector_store %arg31[%swap3A_223], %swap3A_226 {strides = array<i32>} : memref<256xf32, #tpu.memory_space<vmem>>, vector<16xf32>,
      %swap3A_227 = arith.index_cast %multiple_of3A : i32 to index
      %swap3A_228 = tpu.vector_load %arg29[%swap3A_227] {strides = array<i32>} : memref<256xf32, #tpu.memory_space<vmem>>, vector<16xf32>,
      %swap3A_229 = vector.shape_cast %swap3A_228 : vector<16xf32> to vector<16xf32>
      %swap3A_230 = vector.shape_cast %select_n3A : vector<16xf32> to vector<16xf32>
      tpu.vector_store %arg29[%swap3A_227], %swap3A_230 {strides = array<i32>} : memref<256xf32, #tpu.memory_space<vmem>>, vector<16xf32>,
    }
    %scan3A_18 = arith.constant 16 : i32
    "tpu.region"() ({
      %run_scoped3A = tpu.sem_alloc : memref<!tpu.dma_semaphore, #tpu.memory_space<semaphore_mem>>
      %dma_start3A = arith.constant 0 : i32
      %dma_start3A_181 = tpu.memref_slice %arg2[%add3A_13, %dma_start3A] : memref<4096x1000xf32, #tpu.memory_space<hbm>> -> memref<16x1000xf32, #tpu.memory_space<hbm>>
      %dma_start3A_182 = arith.constant 0 : i32
      %dma_start3A_183 = tpu.memref_slice %arg2[%add3A_13, %dma_start3A_182] : memref<4096x1000xf32, #tpu.memory_space<hbm>> -> memref<16x1000xf32, #tpu.memory_space<hbm>>
      tpu.enqueue_dma source(%dma_start3A_183 : memref<16x1000xf32, #tpu.memory_space<hbm>>) target(%arg20 : memref<16x1000xf32, #tpu.memory_space<vmem>>) target_semaphore(%run_scoped3A : memref<!tpu.dma_semaphore, #tpu.memory_space<semaphore_mem>>)
      %dma_wait3A = arith.constant 0 : i32
      %dma_wait3A_184 = tpu.memref_slice %arg2[%add3A_13, %dma_wait3A] : memref<4096x1000xf32, #tpu.memory_space<hbm>> -> memref<16x1000xf32, #tpu.memory_space<hbm>>
      %dma_wait3A_185 = arith.constant 0 : i32
      %dma_wait3A_186 = tpu.memref_slice %arg2[%add3A_13, %dma_wait3A_185] : memref<4096x1000xf32, #tpu.memory_space<hbm>> -> memref<16x1000xf32, #tpu.memory_space<hbm>>
      tpu.wait_dma2 semaphore(%run_scoped3A : memref<!tpu.dma_semaphore, #tpu.memory_space<semaphore_mem>>) src(%dma_wait3A_186 : memref<16x1000xf32, #tpu.memory_space<hbm>>) dst(%arg20 : memref<16x1000xf32, #tpu.memory_space<vmem>>)
      tpu.yield
    }) : () -> ()
    %scan3A_19 = arith.constant 0 : i32
    %scan3A_20 = arith.constant 0 : i32
    %scan3A_21 = arith.constant 16 : i32
    %scan3A_22 = arith.addi %scan3A_20, %scan3A_21 : i32
    %scan3A_23 = arith.constant 1 : i32
    scf.for %scan3A_181 = %scan3A_20 to %scan3A_22 step %scan3A_23  : i32 {
      %get3A = arith.index_cast %scan3A_181 : i32 to index
      %get3A_182 = arith.constant 0 : index
      %get3A_183 = tpu.vector_load %arg23[%get3A, %get3A_182] {strides = array<i32>} : memref<16x16xi32, #tpu.memory_space<vmem>>, vector<1x16xi32>,
      %get3A_184 = vector.shape_cast %get3A_183 : vector<1x16xi32> to vector<16xi32>
      %shift_right_arithmetic3A = arith.constant 4 : i32
      %shift_right_arithmetic3A_185 = vector.broadcast %shift_right_arithmetic3A : i32 to vector<16xi32>
      %shift_right_arithmetic3A_186 = arith.shrsi %get3A_184, %shift_right_arithmetic3A_185 : vector<16xi32>
      %scan3A_187 = arith.constant 0 : i32
      %scan3A_188 = arith.constant 62 : i32
      %scan3A_189 = arith.addi %scan3A_187, %scan3A_188 : i32
      %scan3A_190 = arith.constant 1 : i32
      %scan3A_191:5 = scf.for %scan3A_244 = %scan3A_187 to %scan3A_189 step %scan3A_190 iter_args(%scan3A_245 = %broadcast_in_dim3A_5, %scan3A_246 = %broadcast_in_dim3A_5, %scan3A_247 = %broadcast_in_dim3A_3, %scan3A_248 = %broadcast_in_dim3A_3, %scan3A_249 = %broadcast_in_dim3A_3) -> (vector<16xf32>, vector<16xf32>, vector<16xf32>, vector<16xf32>, vector<16xf32>)  : i32 {
        %mul3A_250 = arith.constant 16 : i32
        %mul3A_251 = arith.muli %scan3A_244, %mul3A_250 : i32
        %multiple_of3A_252 = tpu.assume_multiple %mul3A_251, 16 : i32
        %get3A_253 = arith.index_cast %scan3A_181 : i32 to index
        %get3A_254 = arith.index_cast %multiple_of3A_252 : i32 to index
        %get3A_255 = tpu.vector_load %arg20[%get3A_253, %get3A_254] {strides = array<i32>} : memref<16x1000xf32, #tpu.memory_space<vmem>>, vector<1x16xf32>,
        %get3A_256 = vector.shape_cast %get3A_255 : vector<1x16xf32> to vector<16xf32>
        %swap3A_257 = arith.index_cast %scan3A_181 : i32 to index
        %swap3A_258 = arith.index_cast %multiple_of3A_252 : i32 to index
        %swap3A_259 = tpu.vector_load %arg21[%swap3A_257, %swap3A_258] {strides = array<i32>} : memref<16x1000xf32, #tpu.memory_space<vmem>>, vector<1x16xf32>,
        %swap3A_260 = vector.shape_cast %swap3A_259 : vector<1x16xf32> to vector<16xf32>
        %swap3A_261 = vector.shape_cast %get3A_256 : vector<16xf32> to vector<1x16xf32>
        tpu.vector_store %arg21[%swap3A_257, %swap3A_258], %swap3A_261 {strides = array<i32>} : memref<16x1000xf32, #tpu.memory_space<vmem>>, vector<1x16xf32>,
        %get3A_262 = arith.index_cast %scan3A_181 : i32 to index
        %get3A_263 = arith.index_cast %multiple_of3A_252 : i32 to index
        %get3A_264 = tpu.vector_load %arg22[%get3A_262, %get3A_263] {strides = array<i32>} : memref<16x1000xf32, #tpu.memory_space<vmem>>, vector<1x16xf32>,
        %get3A_265 = vector.shape_cast %get3A_264 : vector<1x16xf32> to vector<16xf32>
        %eq3A_266 = vector.broadcast %scan3A_244 : i32 to vector<16xi32>
        %eq3A_267 = arith.cmpi eq, %shift_right_arithmetic3A_186, %eq3A_266 : vector<16xi32>
        %select_n3A_268 = arith.select %eq3A_267, %get3A_256, %scan3A_249 : vector<16xi1>, vector<16xf32>
        %mul3A_269 = arith.constant 5.000000e-02 : f32
        %mul3A_270 = vector.broadcast %mul3A_269 : f32 to vector<16xf32>
        %mul3A_271 = arith.mulf %get3A_256, %mul3A_270 : vector<16xf32>
        %exp3A_272 = math.exp %mul3A_271 : vector<16xf32>
        %max3A_273 = arith.maximumf %scan3A_245, %get3A_256 : vector<16xf32>
        %min3A_274 = arith.minimumf %scan3A_245, %get3A_256 : vector<16xf32>
        %max3A_275 = arith.maximumf %scan3A_246, %min3A_274 : vector<16xf32>
        %add3A_276 = arith.addf %scan3A_247, %exp3A_272 : vector<16xf32>
        %mul3A_277 = arith.mulf %exp3A_272, %get3A_265 : vector<16xf32>
        %add3A_278 = arith.addf %scan3A_248, %mul3A_277 : vector<16xf32>
        scf.yield %max3A_273, %max3A_275, %add3A_276, %add3A_278, %select_n3A_268 : vector<16xf32>, vector<16xf32>, vector<16xf32>, vector<16xf32>, vector<16xf32>
      }
      %scan3A_192 = arith.constant 62 : i32
      %get3A_193 = arith.index_cast %scan3A_181 : i32 to index
      %get3A_194 = arith.constant 984 : index
      %get3A_195 = tpu.vector_load %arg20[%get3A_193, %get3A_194] {strides = array<i32>} : memref<16x1000xf32, #tpu.memory_space<vmem>>, vector<1x16xf32>,
      %get3A_196 = vector.shape_cast %get3A_195 : vector<1x16xf32> to vector<16xf32>
      %get3A_197 = arith.index_cast %scan3A_181 : i32 to index
      %get3A_198 = arith.constant 984 : index
      %get3A_199 = tpu.vector_load %arg21[%get3A_197, %get3A_198] {strides = array<i32>} : memref<16x1000xf32, #tpu.memory_space<vmem>>, vector<1x16xf32>,
      %get3A_200 = vector.shape_cast %get3A_199 : vector<1x16xf32> to vector<16xf32>
      %swap3A = arith.index_cast %scan3A_181 : i32 to index
      %swap3A_201 = arith.constant 984 : index
      %swap3A_202 = tpu.vector_load %arg21[%swap3A, %swap3A_201] {strides = array<i32>} : memref<16x1000xf32, #tpu.memory_space<vmem>>, vector<1x16xf32>,
      %swap3A_203 = vector.shape_cast %swap3A_202 : vector<1x16xf32> to vector<16xf32>
      %swap3A_204 = vector.shape_cast %get3A_196 : vector<16xf32> to vector<1x16xf32>
      tpu.vector_store %arg21[%swap3A, %swap3A_201], %swap3A_204 {strides = array<i32>} : memref<16x1000xf32, #tpu.memory_space<vmem>>, vector<1x16xf32>,
      %eq3A = arith.constant 62 : i32
      %eq3A_205 = vector.broadcast %eq3A : i32 to vector<16xi32>
      %eq3A_206 = arith.cmpi eq, %shift_right_arithmetic3A_186, %eq3A_205 : vector<16xi32>
      %select_n3A = arith.select %eq3A_206, %get3A_196, %scan3A_191#4 : vector<16xi1>, vector<16xf32>
      %jit3A = arith.constant -1.000000e+30 : f32
      %broadcast_in_dim3A_207 = vector.broadcast %jit3A : f32 to vector<16xf32>
      %select_n3A_208 = arith.select %ge3A_2, %get3A_196, %broadcast_in_dim3A_207 : vector<16xi1>, vector<16xf32>
      %get3A_209 = arith.index_cast %scan3A_181 : i32 to index
      %get3A_210 = arith.constant 984 : index
      %get3A_211 = tpu.vector_load %arg22[%get3A_209, %get3A_210] {strides = array<i32>} : memref<16x1000xf32, #tpu.memory_space<vmem>>, vector<1x16xf32>,
      %get3A_212 = vector.shape_cast %get3A_211 : vector<1x16xf32> to vector<16xf32>
      %mul3A_213 = arith.constant 5.000000e-02 : f32
      %mul3A_214 = vector.broadcast %mul3A_213 : f32 to vector<16xf32>
      %mul3A_215 = arith.mulf %select_n3A_208, %mul3A_214 : vector<16xf32>
      %exp3A = math.exp %mul3A_215 : vector<16xf32>
      %max3A = arith.maximumf %scan3A_191#0, %select_n3A_208 : vector<16xf32>
      %min3A = arith.minimumf %scan3A_191#0, %select_n3A_208 : vector<16xf32>
      %max3A_216 = arith.maximumf %scan3A_191#1, %min3A : vector<16xf32>
      %add3A_217 = arith.addf %scan3A_191#2, %exp3A : vector<16xf32>
      %mul3A_218 = arith.mulf %exp3A, %get3A_212 : vector<16xf32>
      %add3A_219 = arith.addf %scan3A_191#3, %mul3A_218 : vector<16xf32>
      %add3A_220 = arith.constant 0 : i32
      %add3A_221 = arith.addi %add3A_220, %scan3A_181 : i32
      %mul3A_222 = arith.constant 16 : i32
      %mul3A_223 = arith.muli %add3A_221, %mul3A_222 : i32
      %multiple_of3A = tpu.assume_multiple %mul3A_223, 16 : i32
      %swap3A_224 = arith.index_cast %multiple_of3A : i32 to index
      %swap3A_225 = tpu.vector_load %arg24[%swap3A_224] {strides = array<i32>} : memref<2048xf32, #tpu.memory_space<vmem>>, vector<16xf32>,
      %swap3A_226 = vector.shape_cast %swap3A_225 : vector<16xf32> to vector<16xf32>
      %swap3A_227 = vector.shape_cast %max3A : vector<16xf32> to vector<16xf32>
      tpu.vector_store %arg24[%swap3A_224], %swap3A_227 {strides = array<i32>} : memref<2048xf32, #tpu.memory_space<vmem>>, vector<16xf32>,
      %swap3A_228 = arith.index_cast %multiple_of3A : i32 to index
      %swap3A_229 = tpu.vector_load %arg25[%swap3A_228] {strides = array<i32>} : memref<2048xf32, #tpu.memory_space<vmem>>, vector<16xf32>,
      %swap3A_230 = vector.shape_cast %swap3A_229 : vector<16xf32> to vector<16xf32>
      %swap3A_231 = vector.shape_cast %max3A_216 : vector<16xf32> to vector<16xf32>
      tpu.vector_store %arg25[%swap3A_228], %swap3A_231 {strides = array<i32>} : memref<2048xf32, #tpu.memory_space<vmem>>, vector<16xf32>,
      %swap3A_232 = arith.index_cast %multiple_of3A : i32 to index
      %swap3A_233 = tpu.vector_load %arg26[%swap3A_232] {strides = array<i32>} : memref<2048xf32, #tpu.memory_space<vmem>>, vector<16xf32>,
      %swap3A_234 = vector.shape_cast %swap3A_233 : vector<16xf32> to vector<16xf32>
      %swap3A_235 = vector.shape_cast %add3A_217 : vector<16xf32> to vector<16xf32>
      tpu.vector_store %arg26[%swap3A_232], %swap3A_235 {strides = array<i32>} : memref<2048xf32, #tpu.memory_space<vmem>>, vector<16xf32>,
      %swap3A_236 = arith.index_cast %multiple_of3A : i32 to index
      %swap3A_237 = tpu.vector_load %arg27[%swap3A_236] {strides = array<i32>} : memref<2048xf32, #tpu.memory_space<vmem>>, vector<16xf32>,
      %swap3A_238 = vector.shape_cast %swap3A_237 : vector<16xf32> to vector<16xf32>
      %swap3A_239 = vector.shape_cast %add3A_219 : vector<16xf32> to vector<16xf32>
      tpu.vector_store %arg27[%swap3A_236], %swap3A_239 {strides = array<i32>} : memref<2048xf32, #tpu.memory_space<vmem>>, vector<16xf32>,
      %swap3A_240 = arith.index_cast %multiple_of3A : i32 to index
      %swap3A_241 = tpu.vector_load %arg28[%swap3A_240] {strides = array<i32>} : memref<2048xf32, #tpu.memory_space<vmem>>, vector<16xf32>,
      %swap3A_242 = vector.shape_cast %swap3A_241 : vector<16xf32> to vector<16xf32>
      %swap3A_243 = vector.shape_cast %select_n3A : vector<16xf32> to vector<16xf32>
      tpu.vector_store %arg28[%swap3A_240], %swap3A_243 {strides = array<i32>} : memref<2048xf32, #tpu.memory_space<vmem>>, vector<16xf32>,
    }
    %scan3A_24 = arith.constant 16 : i32
    "tpu.region"() ({
      %run_scoped3A = tpu.sem_alloc : memref<!tpu.dma_semaphore, #tpu.memory_space<semaphore_mem>>
      %dma_start3A = arith.constant 0 : i32
      %dma_start3A_181 = tpu.memref_slice %arg3[%add3A_13, %dma_start3A] : memref<4096x1000xf32, #tpu.memory_space<hbm>> -> memref<16x1000xf32, #tpu.memory_space<hbm>>
      %dma_start3A_182 = arith.constant 0 : i32
      %dma_start3A_183 = tpu.memref_slice %arg3[%add3A_13, %dma_start3A_182] : memref<4096x1000xf32, #tpu.memory_space<hbm>> -> memref<16x1000xf32, #tpu.memory_space<hbm>>
      tpu.enqueue_dma source(%dma_start3A_183 : memref<16x1000xf32, #tpu.memory_space<hbm>>) target(%arg20 : memref<16x1000xf32, #tpu.memory_space<vmem>>) target_semaphore(%run_scoped3A : memref<!tpu.dma_semaphore, #tpu.memory_space<semaphore_mem>>)
      %dma_wait3A = arith.constant 0 : i32
      %dma_wait3A_184 = tpu.memref_slice %arg3[%add3A_13, %dma_wait3A] : memref<4096x1000xf32, #tpu.memory_space<hbm>> -> memref<16x1000xf32, #tpu.memory_space<hbm>>
      %dma_wait3A_185 = arith.constant 0 : i32
      %dma_wait3A_186 = tpu.memref_slice %arg3[%add3A_13, %dma_wait3A_185] : memref<4096x1000xf32, #tpu.memory_space<hbm>> -> memref<16x1000xf32, #tpu.memory_space<hbm>>
      tpu.wait_dma2 semaphore(%run_scoped3A : memref<!tpu.dma_semaphore, #tpu.memory_space<semaphore_mem>>) src(%dma_wait3A_186 : memref<16x1000xf32, #tpu.memory_space<hbm>>) dst(%arg20 : memref<16x1000xf32, #tpu.memory_space<vmem>>)
      tpu.yield
    }) : () -> ()
    %scan3A_25 = arith.constant 0 : i32
    %scan3A_26 = arith.constant 0 : i32
    %scan3A_27 = arith.constant 16 : i32
    %scan3A_28 = arith.addi %scan3A_26, %scan3A_27 : i32
    %scan3A_29 = arith.constant 1 : i32
    scf.for %scan3A_181 = %scan3A_26 to %scan3A_28 step %scan3A_29  : i32 {
      %get3A = arith.index_cast %scan3A_181 : i32 to index
      %get3A_182 = arith.constant 0 : index
      %get3A_183 = tpu.vector_load %arg23[%get3A, %get3A_182] {strides = array<i32>} : memref<16x16xi32, #tpu.memory_space<vmem>>, vector<1x16xi32>,
      %get3A_184 = vector.shape_cast %get3A_183 : vector<1x16xi32> to vector<16xi32>
      %shift_right_arithmetic3A = arith.constant 4 : i32
      %shift_right_arithmetic3A_185 = vector.broadcast %shift_right_arithmetic3A : i32 to vector<16xi32>
      %shift_right_arithmetic3A_186 = arith.shrsi %get3A_184, %shift_right_arithmetic3A_185 : vector<16xi32>
      %scan3A_187 = arith.constant 0 : i32
      %scan3A_188 = arith.constant 62 : i32
      %scan3A_189 = arith.addi %scan3A_187, %scan3A_188 : i32
      %scan3A_190 = arith.constant 1 : i32
      %scan3A_191:5 = scf.for %scan3A_246 = %scan3A_187 to %scan3A_189 step %scan3A_190 iter_args(%scan3A_247 = %broadcast_in_dim3A_5, %scan3A_248 = %broadcast_in_dim3A_5, %scan3A_249 = %broadcast_in_dim3A_3, %scan3A_250 = %broadcast_in_dim3A_3, %scan3A_251 = %broadcast_in_dim3A_3) -> (vector<16xf32>, vector<16xf32>, vector<16xf32>, vector<16xf32>, vector<16xf32>)  : i32 {
        %mul3A_252 = arith.constant 16 : i32
        %mul3A_253 = arith.muli %scan3A_246, %mul3A_252 : i32
        %multiple_of3A_254 = tpu.assume_multiple %mul3A_253, 16 : i32
        %get3A_255 = arith.index_cast %scan3A_181 : i32 to index
        %get3A_256 = arith.index_cast %multiple_of3A_254 : i32 to index
        %get3A_257 = tpu.vector_load %arg20[%get3A_255, %get3A_256] {strides = array<i32>} : memref<16x1000xf32, #tpu.memory_space<vmem>>, vector<1x16xf32>,
        %get3A_258 = vector.shape_cast %get3A_257 : vector<1x16xf32> to vector<16xf32>
        %get3A_259 = arith.index_cast %scan3A_181 : i32 to index
        %get3A_260 = arith.index_cast %multiple_of3A_254 : i32 to index
        %get3A_261 = tpu.vector_load %arg21[%get3A_259, %get3A_260] {strides = array<i32>} : memref<16x1000xf32, #tpu.memory_space<vmem>>, vector<1x16xf32>,
        %get3A_262 = vector.shape_cast %get3A_261 : vector<1x16xf32> to vector<16xf32>
        %add3A_263 = arith.addf %get3A_262, %get3A_258 : vector<16xf32>
        %swap3A_264 = arith.index_cast %scan3A_181 : i32 to index
        %swap3A_265 = arith.index_cast %multiple_of3A_254 : i32 to index
        %swap3A_266 = tpu.vector_load %arg21[%swap3A_264, %swap3A_265] {strides = array<i32>} : memref<16x1000xf32, #tpu.memory_space<vmem>>, vector<1x16xf32>,
        %swap3A_267 = vector.shape_cast %swap3A_266 : vector<1x16xf32> to vector<16xf32>
        %swap3A_268 = vector.shape_cast %add3A_263 : vector<16xf32> to vector<1x16xf32>
        tpu.vector_store %arg21[%swap3A_264, %swap3A_265], %swap3A_268 {strides = array<i32>} : memref<16x1000xf32, #tpu.memory_space<vmem>>, vector<1x16xf32>,
        %get3A_269 = arith.index_cast %scan3A_181 : i32 to index
        %get3A_270 = arith.index_cast %multiple_of3A_254 : i32 to index
        %get3A_271 = tpu.vector_load %arg22[%get3A_269, %get3A_270] {strides = array<i32>} : memref<16x1000xf32, #tpu.memory_space<vmem>>, vector<1x16xf32>,
        %get3A_272 = vector.shape_cast %get3A_271 : vector<1x16xf32> to vector<16xf32>
        %eq3A_273 = vector.broadcast %scan3A_246 : i32 to vector<16xi32>
        %eq3A_274 = arith.cmpi eq, %shift_right_arithmetic3A_186, %eq3A_273 : vector<16xi32>
        %select_n3A_275 = arith.select %eq3A_274, %get3A_258, %scan3A_251 : vector<16xi1>, vector<16xf32>
        %mul3A_276 = arith.constant 5.000000e-02 : f32
        %mul3A_277 = vector.broadcast %mul3A_276 : f32 to vector<16xf32>
        %mul3A_278 = arith.mulf %get3A_258, %mul3A_277 : vector<16xf32>
        %exp3A_279 = math.exp %mul3A_278 : vector<16xf32>
        %max3A_280 = arith.maximumf %scan3A_247, %get3A_258 : vector<16xf32>
        %min3A_281 = arith.minimumf %scan3A_247, %get3A_258 : vector<16xf32>
        %max3A_282 = arith.maximumf %scan3A_248, %min3A_281 : vector<16xf32>
        %add3A_283 = arith.addf %scan3A_249, %exp3A_279 : vector<16xf32>
        %mul3A_284 = arith.mulf %exp3A_279, %get3A_272 : vector<16xf32>
        %add3A_285 = arith.addf %scan3A_250, %mul3A_284 : vector<16xf32>
        scf.yield %max3A_280, %max3A_282, %add3A_283, %add3A_285, %select_n3A_275 : vector<16xf32>, vector<16xf32>, vector<16xf32>, vector<16xf32>, vector<16xf32>
      }
      %scan3A_192 = arith.constant 62 : i32
      %get3A_193 = arith.index_cast %scan3A_181 : i32 to index
      %get3A_194 = arith.constant 984 : index
      %get3A_195 = tpu.vector_load %arg20[%get3A_193, %get3A_194] {strides = array<i32>} : memref<16x1000xf32, #tpu.memory_space<vmem>>, vector<1x16xf32>,
      %get3A_196 = vector.shape_cast %get3A_195 : vector<1x16xf32> to vector<16xf32>
      %get3A_197 = arith.index_cast %scan3A_181 : i32 to index
      %get3A_198 = arith.constant 984 : index
      %get3A_199 = tpu.vector_load %arg21[%get3A_197, %get3A_198] {strides = array<i32>} : memref<16x1000xf32, #tpu.memory_space<vmem>>, vector<1x16xf32>,
      %get3A_200 = vector.shape_cast %get3A_199 : vector<1x16xf32> to vector<16xf32>
      %add3A_201 = arith.addf %get3A_200, %get3A_196 : vector<16xf32>
      %select_n3A = arith.select %ge3A_2, %add3A_201, %get3A_200 : vector<16xi1>, vector<16xf32>
      %swap3A = arith.index_cast %scan3A_181 : i32 to index
      %swap3A_202 = arith.constant 984 : index
      %swap3A_203 = tpu.vector_load %arg21[%swap3A, %swap3A_202] {strides = array<i32>} : memref<16x1000xf32, #tpu.memory_space<vmem>>, vector<1x16xf32>,
      %swap3A_204 = vector.shape_cast %swap3A_203 : vector<1x16xf32> to vector<16xf32>
      %swap3A_205 = vector.shape_cast %select_n3A : vector<16xf32> to vector<1x16xf32>
      tpu.vector_store %arg21[%swap3A, %swap3A_202], %swap3A_205 {strides = array<i32>} : memref<16x1000xf32, #tpu.memory_space<vmem>>, vector<1x16xf32>,
      %eq3A = arith.constant 62 : i32
      %eq3A_206 = vector.broadcast %eq3A : i32 to vector<16xi32>
      %eq3A_207 = arith.cmpi eq, %shift_right_arithmetic3A_186, %eq3A_206 : vector<16xi32>
      %select_n3A_208 = arith.select %eq3A_207, %get3A_196, %scan3A_191#4 : vector<16xi1>, vector<16xf32>
      %jit3A = arith.constant -1.000000e+30 : f32
      %broadcast_in_dim3A_209 = vector.broadcast %jit3A : f32 to vector<16xf32>
      %select_n3A_210 = arith.select %ge3A_2, %get3A_196, %broadcast_in_dim3A_209 : vector<16xi1>, vector<16xf32>
      %get3A_211 = arith.index_cast %scan3A_181 : i32 to index
      %get3A_212 = arith.constant 984 : index
      %get3A_213 = tpu.vector_load %arg22[%get3A_211, %get3A_212] {strides = array<i32>} : memref<16x1000xf32, #tpu.memory_space<vmem>>, vector<1x16xf32>,
      %get3A_214 = vector.shape_cast %get3A_213 : vector<1x16xf32> to vector<16xf32>
      %mul3A_215 = arith.constant 5.000000e-02 : f32
      %mul3A_216 = vector.broadcast %mul3A_215 : f32 to vector<16xf32>
      %mul3A_217 = arith.mulf %select_n3A_210, %mul3A_216 : vector<16xf32>
      %exp3A = math.exp %mul3A_217 : vector<16xf32>
      %max3A = arith.maximumf %scan3A_191#0, %select_n3A_210 : vector<16xf32>
      %min3A = arith.minimumf %scan3A_191#0, %select_n3A_210 : vector<16xf32>
      %max3A_218 = arith.maximumf %scan3A_191#1, %min3A : vector<16xf32>
      %add3A_219 = arith.addf %scan3A_191#2, %exp3A : vector<16xf32>
      %mul3A_220 = arith.mulf %exp3A, %get3A_214 : vector<16xf32>
      %add3A_221 = arith.addf %scan3A_191#3, %mul3A_220 : vector<16xf32>
      %add3A_222 = arith.constant 16 : i32
      %add3A_223 = arith.addi %add3A_222, %scan3A_181 : i32
      %mul3A_224 = arith.constant 16 : i32
      %mul3A_225 = arith.muli %add3A_223, %mul3A_224 : i32
      %multiple_of3A = tpu.assume_multiple %mul3A_225, 16 : i32
      %swap3A_226 = arith.index_cast %multiple_of3A : i32 to index
      %swap3A_227 = tpu.vector_load %arg24[%swap3A_226] {strides = array<i32>} : memref<2048xf32, #tpu.memory_space<vmem>>, vector<16xf32>,
      %swap3A_228 = vector.shape_cast %swap3A_227 : vector<16xf32> to vector<16xf32>
      %swap3A_229 = vector.shape_cast %max3A : vector<16xf32> to vector<16xf32>
      tpu.vector_store %arg24[%swap3A_226], %swap3A_229 {strides = array<i32>} : memref<2048xf32, #tpu.memory_space<vmem>>, vector<16xf32>,
      %swap3A_230 = arith.index_cast %multiple_of3A : i32 to index
      %swap3A_231 = tpu.vector_load %arg25[%swap3A_230] {strides = array<i32>} : memref<2048xf32, #tpu.memory_space<vmem>>, vector<16xf32>,
      %swap3A_232 = vector.shape_cast %swap3A_231 : vector<16xf32> to vector<16xf32>
      %swap3A_233 = vector.shape_cast %max3A_218 : vector<16xf32> to vector<16xf32>
      tpu.vector_store %arg25[%swap3A_230], %swap3A_233 {strides = array<i32>} : memref<2048xf32, #tpu.memory_space<vmem>>, vector<16xf32>,
      %swap3A_234 = arith.index_cast %multiple_of3A : i32 to index
      %swap3A_235 = tpu.vector_load %arg26[%swap3A_234] {strides = array<i32>} : memref<2048xf32, #tpu.memory_space<vmem>>, vector<16xf32>,
      %swap3A_236 = vector.shape_cast %swap3A_235 : vector<16xf32> to vector<16xf32>
      %swap3A_237 = vector.shape_cast %add3A_219 : vector<16xf32> to vector<16xf32>
      tpu.vector_store %arg26[%swap3A_234], %swap3A_237 {strides = array<i32>} : memref<2048xf32, #tpu.memory_space<vmem>>, vector<16xf32>,
      %swap3A_238 = arith.index_cast %multiple_of3A : i32 to index
      %swap3A_239 = tpu.vector_load %arg27[%swap3A_238] {strides = array<i32>} : memref<2048xf32, #tpu.memory_space<vmem>>, vector<16xf32>,
      %swap3A_240 = vector.shape_cast %swap3A_239 : vector<16xf32> to vector<16xf32>
      %swap3A_241 = vector.shape_cast %add3A_221 : vector<16xf32> to vector<16xf32>
      tpu.vector_store %arg27[%swap3A_238], %swap3A_241 {strides = array<i32>} : memref<2048xf32, #tpu.memory_space<vmem>>, vector<16xf32>,
      %swap3A_242 = arith.index_cast %multiple_of3A : i32 to index
      %swap3A_243 = tpu.vector_load %arg28[%swap3A_242] {strides = array<i32>} : memref<2048xf32, #tpu.memory_space<vmem>>, vector<16xf32>,
      %swap3A_244 = vector.shape_cast %swap3A_243 : vector<16xf32> to vector<16xf32>
      %swap3A_245 = vector.shape_cast %select_n3A_208 : vector<16xf32> to vector<16xf32>
      tpu.vector_store %arg28[%swap3A_242], %swap3A_245 {strides = array<i32>} : memref<2048xf32, #tpu.memory_space<vmem>>, vector<16xf32>,
    }
    %scan3A_30 = arith.constant 16 : i32
    "tpu.region"() ({
      %run_scoped3A = tpu.sem_alloc : memref<!tpu.dma_semaphore, #tpu.memory_space<semaphore_mem>>
      %dma_start3A = arith.constant 0 : i32
      %dma_start3A_181 = tpu.memref_slice %arg4[%add3A_13, %dma_start3A] : memref<4096x1000xf32, #tpu.memory_space<hbm>> -> memref<16x1000xf32, #tpu.memory_space<hbm>>
      %dma_start3A_182 = arith.constant 0 : i32
      %dma_start3A_183 = tpu.memref_slice %arg4[%add3A_13, %dma_start3A_182] : memref<4096x1000xf32, #tpu.memory_space<hbm>> -> memref<16x1000xf32, #tpu.memory_space<hbm>>
      tpu.enqueue_dma source(%dma_start3A_183 : memref<16x1000xf32, #tpu.memory_space<hbm>>) target(%arg20 : memref<16x1000xf32, #tpu.memory_space<vmem>>) target_semaphore(%run_scoped3A : memref<!tpu.dma_semaphore, #tpu.memory_space<semaphore_mem>>)
      %dma_wait3A = arith.constant 0 : i32
      %dma_wait3A_184 = tpu.memref_slice %arg4[%add3A_13, %dma_wait3A] : memref<4096x1000xf32, #tpu.memory_space<hbm>> -> memref<16x1000xf32, #tpu.memory_space<hbm>>
      %dma_wait3A_185 = arith.constant 0 : i32
      %dma_wait3A_186 = tpu.memref_slice %arg4[%add3A_13, %dma_wait3A_185] : memref<4096x1000xf32, #tpu.memory_space<hbm>> -> memref<16x1000xf32, #tpu.memory_space<hbm>>
      tpu.wait_dma2 semaphore(%run_scoped3A : memref<!tpu.dma_semaphore, #tpu.memory_space<semaphore_mem>>) src(%dma_wait3A_186 : memref<16x1000xf32, #tpu.memory_space<hbm>>) dst(%arg20 : memref<16x1000xf32, #tpu.memory_space<vmem>>)
      tpu.yield
    }) : () -> ()
    %scan3A_31 = arith.constant 0 : i32
    %scan3A_32 = arith.constant 0 : i32
    %scan3A_33 = arith.constant 16 : i32
    %scan3A_34 = arith.addi %scan3A_32, %scan3A_33 : i32
    %scan3A_35 = arith.constant 1 : i32
    scf.for %scan3A_181 = %scan3A_32 to %scan3A_34 step %scan3A_35  : i32 {
      %get3A = arith.index_cast %scan3A_181 : i32 to index
      %get3A_182 = arith.constant 0 : index
      %get3A_183 = tpu.vector_load %arg23[%get3A, %get3A_182] {strides = array<i32>} : memref<16x16xi32, #tpu.memory_space<vmem>>, vector<1x16xi32>,
      %get3A_184 = vector.shape_cast %get3A_183 : vector<1x16xi32> to vector<16xi32>
      %shift_right_arithmetic3A = arith.constant 4 : i32
      %shift_right_arithmetic3A_185 = vector.broadcast %shift_right_arithmetic3A : i32 to vector<16xi32>
      %shift_right_arithmetic3A_186 = arith.shrsi %get3A_184, %shift_right_arithmetic3A_185 : vector<16xi32>
      %scan3A_187 = arith.constant 0 : i32
      %scan3A_188 = arith.constant 62 : i32
      %scan3A_189 = arith.addi %scan3A_187, %scan3A_188 : i32
      %scan3A_190 = arith.constant 1 : i32
      %scan3A_191:5 = scf.for %scan3A_246 = %scan3A_187 to %scan3A_189 step %scan3A_190 iter_args(%scan3A_247 = %broadcast_in_dim3A_5, %scan3A_248 = %broadcast_in_dim3A_5, %scan3A_249 = %broadcast_in_dim3A_3, %scan3A_250 = %broadcast_in_dim3A_3, %scan3A_251 = %broadcast_in_dim3A_3) -> (vector<16xf32>, vector<16xf32>, vector<16xf32>, vector<16xf32>, vector<16xf32>)  : i32 {
        %mul3A_252 = arith.constant 16 : i32
        %mul3A_253 = arith.muli %scan3A_246, %mul3A_252 : i32
        %multiple_of3A_254 = tpu.assume_multiple %mul3A_253, 16 : i32
        %get3A_255 = arith.index_cast %scan3A_181 : i32 to index
        %get3A_256 = arith.index_cast %multiple_of3A_254 : i32 to index
        %get3A_257 = tpu.vector_load %arg20[%get3A_255, %get3A_256] {strides = array<i32>} : memref<16x1000xf32, #tpu.memory_space<vmem>>, vector<1x16xf32>,
        %get3A_258 = vector.shape_cast %get3A_257 : vector<1x16xf32> to vector<16xf32>
        %get3A_259 = arith.index_cast %scan3A_181 : i32 to index
        %get3A_260 = arith.index_cast %multiple_of3A_254 : i32 to index
        %get3A_261 = tpu.vector_load %arg21[%get3A_259, %get3A_260] {strides = array<i32>} : memref<16x1000xf32, #tpu.memory_space<vmem>>, vector<1x16xf32>,
        %get3A_262 = vector.shape_cast %get3A_261 : vector<1x16xf32> to vector<16xf32>
        %add3A_263 = arith.addf %get3A_262, %get3A_258 : vector<16xf32>
        %swap3A_264 = arith.index_cast %scan3A_181 : i32 to index
        %swap3A_265 = arith.index_cast %multiple_of3A_254 : i32 to index
        %swap3A_266 = tpu.vector_load %arg21[%swap3A_264, %swap3A_265] {strides = array<i32>} : memref<16x1000xf32, #tpu.memory_space<vmem>>, vector<1x16xf32>,
        %swap3A_267 = vector.shape_cast %swap3A_266 : vector<1x16xf32> to vector<16xf32>
        %swap3A_268 = vector.shape_cast %add3A_263 : vector<16xf32> to vector<1x16xf32>
        tpu.vector_store %arg21[%swap3A_264, %swap3A_265], %swap3A_268 {strides = array<i32>} : memref<16x1000xf32, #tpu.memory_space<vmem>>, vector<1x16xf32>,
        %get3A_269 = arith.index_cast %scan3A_181 : i32 to index
        %get3A_270 = arith.index_cast %multiple_of3A_254 : i32 to index
        %get3A_271 = tpu.vector_load %arg22[%get3A_269, %get3A_270] {strides = array<i32>} : memref<16x1000xf32, #tpu.memory_space<vmem>>, vector<1x16xf32>,
        %get3A_272 = vector.shape_cast %get3A_271 : vector<1x16xf32> to vector<16xf32>
        %eq3A_273 = vector.broadcast %scan3A_246 : i32 to vector<16xi32>
        %eq3A_274 = arith.cmpi eq, %shift_right_arithmetic3A_186, %eq3A_273 : vector<16xi32>
        %select_n3A_275 = arith.select %eq3A_274, %get3A_258, %scan3A_251 : vector<16xi1>, vector<16xf32>
        %mul3A_276 = arith.constant 5.000000e-02 : f32
        %mul3A_277 = vector.broadcast %mul3A_276 : f32 to vector<16xf32>
        %mul3A_278 = arith.mulf %get3A_258, %mul3A_277 : vector<16xf32>
        %exp3A_279 = math.exp %mul3A_278 : vector<16xf32>
        %max3A_280 = arith.maximumf %scan3A_247, %get3A_258 : vector<16xf32>
        %min3A_281 = arith.minimumf %scan3A_247, %get3A_258 : vector<16xf32>
        %max3A_282 = arith.maximumf %scan3A_248, %min3A_281 : vector<16xf32>
        %add3A_283 = arith.addf %scan3A_249, %exp3A_279 : vector<16xf32>
        %mul3A_284 = arith.mulf %exp3A_279, %get3A_272 : vector<16xf32>
        %add3A_285 = arith.addf %scan3A_250, %mul3A_284 : vector<16xf32>
        scf.yield %max3A_280, %max3A_282, %add3A_283, %add3A_285, %select_n3A_275 : vector<16xf32>, vector<16xf32>, vector<16xf32>, vector<16xf32>, vector<16xf32>
      }
      %scan3A_192 = arith.constant 62 : i32
      %get3A_193 = arith.index_cast %scan3A_181 : i32 to index
      %get3A_194 = arith.constant 984 : index
      %get3A_195 = tpu.vector_load %arg20[%get3A_193, %get3A_194] {strides = array<i32>} : memref<16x1000xf32, #tpu.memory_space<vmem>>, vector<1x16xf32>,
      %get3A_196 = vector.shape_cast %get3A_195 : vector<1x16xf32> to vector<16xf32>
      %get3A_197 = arith.index_cast %scan3A_181 : i32 to index
      %get3A_198 = arith.constant 984 : index
      %get3A_199 = tpu.vector_load %arg21[%get3A_197, %get3A_198] {strides = array<i32>} : memref<16x1000xf32, #tpu.memory_space<vmem>>, vector<1x16xf32>,
      %get3A_200 = vector.shape_cast %get3A_199 : vector<1x16xf32> to vector<16xf32>
      %add3A_201 = arith.addf %get3A_200, %get3A_196 : vector<16xf32>
      %select_n3A = arith.select %ge3A_2, %add3A_201, %get3A_200 : vector<16xi1>, vector<16xf32>
      %swap3A = arith.index_cast %scan3A_181 : i32 to index
      %swap3A_202 = arith.constant 984 : index
      %swap3A_203 = tpu.vector_load %arg21[%swap3A, %swap3A_202] {strides = array<i32>} : memref<16x1000xf32, #tpu.memory_space<vmem>>, vector<1x16xf32>,
      %swap3A_204 = vector.shape_cast %swap3A_203 : vector<1x16xf32> to vector<16xf32>
      %swap3A_205 = vector.shape_cast %select_n3A : vector<16xf32> to vector<1x16xf32>
      tpu.vector_store %arg21[%swap3A, %swap3A_202], %swap3A_205 {strides = array<i32>} : memref<16x1000xf32, #tpu.memory_space<vmem>>, vector<1x16xf32>,
      %eq3A = arith.constant 62 : i32
      %eq3A_206 = vector.broadcast %eq3A : i32 to vector<16xi32>
      %eq3A_207 = arith.cmpi eq, %shift_right_arithmetic3A_186, %eq3A_206 : vector<16xi32>
      %select_n3A_208 = arith.select %eq3A_207, %get3A_196, %scan3A_191#4 : vector<16xi1>, vector<16xf32>
      %jit3A = arith.constant -1.000000e+30 : f32
      %broadcast_in_dim3A_209 = vector.broadcast %jit3A : f32 to vector<16xf32>
      %select_n3A_210 = arith.select %ge3A_2, %get3A_196, %broadcast_in_dim3A_209 : vector<16xi1>, vector<16xf32>
      %get3A_211 = arith.index_cast %scan3A_181 : i32 to index
      %get3A_212 = arith.constant 984 : index
      %get3A_213 = tpu.vector_load %arg22[%get3A_211, %get3A_212] {strides = array<i32>} : memref<16x1000xf32, #tpu.memory_space<vmem>>, vector<1x16xf32>,
      %get3A_214 = vector.shape_cast %get3A_213 : vector<1x16xf32> to vector<16xf32>
      %mul3A_215 = arith.constant 5.000000e-02 : f32
      %mul3A_216 = vector.broadcast %mul3A_215 : f32 to vector<16xf32>
      %mul3A_217 = arith.mulf %select_n3A_210, %mul3A_216 : vector<16xf32>
      %exp3A = math.exp %mul3A_217 : vector<16xf32>
      %max3A = arith.maximumf %scan3A_191#0, %select_n3A_210 : vector<16xf32>
      %min3A = arith.minimumf %scan3A_191#0, %select_n3A_210 : vector<16xf32>
      %max3A_218 = arith.maximumf %scan3A_191#1, %min3A : vector<16xf32>
      %add3A_219 = arith.addf %scan3A_191#2, %exp3A : vector<16xf32>
      %mul3A_220 = arith.mulf %exp3A, %get3A_214 : vector<16xf32>
      %add3A_221 = arith.addf %scan3A_191#3, %mul3A_220 : vector<16xf32>
      %add3A_222 = arith.constant 32 : i32
      %add3A_223 = arith.addi %add3A_222, %scan3A_181 : i32
      %mul3A_224 = arith.constant 16 : i32
      %mul3A_225 = arith.muli %add3A_223, %mul3A_224 : i32
      %multiple_of3A = tpu.assume_multiple %mul3A_225, 16 : i32
      %swap3A_226 = arith.index_cast %multiple_of3A : i32 to index
      %swap3A_227 = tpu.vector_load %arg24[%swap3A_226] {strides = array<i32>} : memref<2048xf32, #tpu.memory_space<vmem>>, vector<16xf32>,
      %swap3A_228 = vector.shape_cast %swap3A_227 : vector<16xf32> to vector<16xf32>
      %swap3A_229 = vector.shape_cast %max3A : vector<16xf32> to vector<16xf32>
      tpu.vector_store %arg24[%swap3A_226], %swap3A_229 {strides = array<i32>} : memref<2048xf32, #tpu.memory_space<vmem>>, vector<16xf32>,
      %swap3A_230 = arith.index_cast %multiple_of3A : i32 to index
      %swap3A_231 = tpu.vector_load %arg25[%swap3A_230] {strides = array<i32>} : memref<2048xf32, #tpu.memory_space<vmem>>, vector<16xf32>,
      %swap3A_232 = vector.shape_cast %swap3A_231 : vector<16xf32> to vector<16xf32>
      %swap3A_233 = vector.shape_cast %max3A_218 : vector<16xf32> to vector<16xf32>
      tpu.vector_store %arg25[%swap3A_230], %swap3A_233 {strides = array<i32>} : memref<2048xf32, #tpu.memory_space<vmem>>, vector<16xf32>,
      %swap3A_234 = arith.index_cast %multiple_of3A : i32 to index
      %swap3A_235 = tpu.vector_load %arg26[%swap3A_234] {strides = array<i32>} : memref<2048xf32, #tpu.memory_space<vmem>>, vector<16xf32>,
      %swap3A_236 = vector.shape_cast %swap3A_235 : vector<16xf32> to vector<16xf32>
      %swap3A_237 = vector.shape_cast %add3A_219 : vector<16xf32> to vector<16xf32>
      tpu.vector_store %arg26[%swap3A_234], %swap3A_237 {strides = array<i32>} : memref<2048xf32, #tpu.memory_space<vmem>>, vector<16xf32>,
      %swap3A_238 = arith.index_cast %multiple_of3A : i32 to index
      %swap3A_239 = tpu.vector_load %arg27[%swap3A_238] {strides = array<i32>} : memref<2048xf32, #tpu.memory_space<vmem>>, vector<16xf32>,
      %swap3A_240 = vector.shape_cast %swap3A_239 : vector<16xf32> to vector<16xf32>
      %swap3A_241 = vector.shape_cast %add3A_221 : vector<16xf32> to vector<16xf32>
      tpu.vector_store %arg27[%swap3A_238], %swap3A_241 {strides = array<i32>} : memref<2048xf32, #tpu.memory_space<vmem>>, vector<16xf32>,
      %swap3A_242 = arith.index_cast %multiple_of3A : i32 to index
      %swap3A_243 = tpu.vector_load %arg28[%swap3A_242] {strides = array<i32>} : memref<2048xf32, #tpu.memory_space<vmem>>, vector<16xf32>,
      %swap3A_244 = vector.shape_cast %swap3A_243 : vector<16xf32> to vector<16xf32>
      %swap3A_245 = vector.shape_cast %select_n3A_208 : vector<16xf32> to vector<16xf32>
      tpu.vector_store %arg28[%swap3A_242], %swap3A_245 {strides = array<i32>} : memref<2048xf32, #tpu.memory_space<vmem>>, vector<16xf32>,
    }
    %scan3A_36 = arith.constant 16 : i32
    "tpu.region"() ({
      %run_scoped3A = tpu.sem_alloc : memref<!tpu.dma_semaphore, #tpu.memory_space<semaphore_mem>>
      %dma_start3A = arith.constant 0 : i32
      %dma_start3A_181 = tpu.memref_slice %arg5[%add3A_13, %dma_start3A] : memref<4096x1000xf32, #tpu.memory_space<hbm>> -> memref<16x1000xf32, #tpu.memory_space<hbm>>
      %dma_start3A_182 = arith.constant 0 : i32
      %dma_start3A_183 = tpu.memref_slice %arg5[%add3A_13, %dma_start3A_182] : memref<4096x1000xf32, #tpu.memory_space<hbm>> -> memref<16x1000xf32, #tpu.memory_space<hbm>>
      tpu.enqueue_dma source(%dma_start3A_183 : memref<16x1000xf32, #tpu.memory_space<hbm>>) target(%arg20 : memref<16x1000xf32, #tpu.memory_space<vmem>>) target_semaphore(%run_scoped3A : memref<!tpu.dma_semaphore, #tpu.memory_space<semaphore_mem>>)
      %dma_wait3A = arith.constant 0 : i32
      %dma_wait3A_184 = tpu.memref_slice %arg5[%add3A_13, %dma_wait3A] : memref<4096x1000xf32, #tpu.memory_space<hbm>> -> memref<16x1000xf32, #tpu.memory_space<hbm>>
      %dma_wait3A_185 = arith.constant 0 : i32
      %dma_wait3A_186 = tpu.memref_slice %arg5[%add3A_13, %dma_wait3A_185] : memref<4096x1000xf32, #tpu.memory_space<hbm>> -> memref<16x1000xf32, #tpu.memory_space<hbm>>
      tpu.wait_dma2 semaphore(%run_scoped3A : memref<!tpu.dma_semaphore, #tpu.memory_space<semaphore_mem>>) src(%dma_wait3A_186 : memref<16x1000xf32, #tpu.memory_space<hbm>>) dst(%arg20 : memref<16x1000xf32, #tpu.memory_space<vmem>>)
      tpu.yield
    }) : () -> ()
    %scan3A_37 = arith.constant 0 : i32
    %scan3A_38 = arith.constant 0 : i32
    %scan3A_39 = arith.constant 16 : i32
    %scan3A_40 = arith.addi %scan3A_38, %scan3A_39 : i32
    %scan3A_41 = arith.constant 1 : i32
    scf.for %scan3A_181 = %scan3A_38 to %scan3A_40 step %scan3A_41  : i32 {
      %get3A = arith.index_cast %scan3A_181 : i32 to index
      %get3A_182 = arith.constant 0 : index
      %get3A_183 = tpu.vector_load %arg23[%get3A, %get3A_182] {strides = array<i32>} : memref<16x16xi32, #tpu.memory_space<vmem>>, vector<1x16xi32>,
      %get3A_184 = vector.shape_cast %get3A_183 : vector<1x16xi32> to vector<16xi32>
      %shift_right_arithmetic3A = arith.constant 4 : i32
      %shift_right_arithmetic3A_185 = vector.broadcast %shift_right_arithmetic3A : i32 to vector<16xi32>
      %shift_right_arithmetic3A_186 = arith.shrsi %get3A_184, %shift_right_arithmetic3A_185 : vector<16xi32>
      %scan3A_187 = arith.constant 0 : i32
      %scan3A_188 = arith.constant 62 : i32
      %scan3A_189 = arith.addi %scan3A_187, %scan3A_188 : i32
      %scan3A_190 = arith.constant 1 : i32
      %scan3A_191:5 = scf.for %scan3A_246 = %scan3A_187 to %scan3A_189 step %scan3A_190 iter_args(%scan3A_247 = %broadcast_in_dim3A_5, %scan3A_248 = %broadcast_in_dim3A_5, %scan3A_249 = %broadcast_in_dim3A_3, %scan3A_250 = %broadcast_in_dim3A_3, %scan3A_251 = %broadcast_in_dim3A_3) -> (vector<16xf32>, vector<16xf32>, vector<16xf32>, vector<16xf32>, vector<16xf32>)  : i32 {
        %mul3A_252 = arith.constant 16 : i32
        %mul3A_253 = arith.muli %scan3A_246, %mul3A_252 : i32
        %multiple_of3A_254 = tpu.assume_multiple %mul3A_253, 16 : i32
        %get3A_255 = arith.index_cast %scan3A_181 : i32 to index
        %get3A_256 = arith.index_cast %multiple_of3A_254 : i32 to index
        %get3A_257 = tpu.vector_load %arg20[%get3A_255, %get3A_256] {strides = array<i32>} : memref<16x1000xf32, #tpu.memory_space<vmem>>, vector<1x16xf32>,
        %get3A_258 = vector.shape_cast %get3A_257 : vector<1x16xf32> to vector<16xf32>
        %get3A_259 = arith.index_cast %scan3A_181 : i32 to index
        %get3A_260 = arith.index_cast %multiple_of3A_254 : i32 to index
        %get3A_261 = tpu.vector_load %arg21[%get3A_259, %get3A_260] {strides = array<i32>} : memref<16x1000xf32, #tpu.memory_space<vmem>>, vector<1x16xf32>,
        %get3A_262 = vector.shape_cast %get3A_261 : vector<1x16xf32> to vector<16xf32>
        %add3A_263 = arith.addf %get3A_262, %get3A_258 : vector<16xf32>
        %swap3A_264 = arith.index_cast %scan3A_181 : i32 to index
        %swap3A_265 = arith.index_cast %multiple_of3A_254 : i32 to index
        %swap3A_266 = tpu.vector_load %arg21[%swap3A_264, %swap3A_265] {strides = array<i32>} : memref<16x1000xf32, #tpu.memory_space<vmem>>, vector<1x16xf32>,
        %swap3A_267 = vector.shape_cast %swap3A_266 : vector<1x16xf32> to vector<16xf32>
        %swap3A_268 = vector.shape_cast %add3A_263 : vector<16xf32> to vector<1x16xf32>
        tpu.vector_store %arg21[%swap3A_264, %swap3A_265], %swap3A_268 {strides = array<i32>} : memref<16x1000xf32, #tpu.memory_space<vmem>>, vector<1x16xf32>,
        %get3A_269 = arith.index_cast %scan3A_181 : i32 to index
        %get3A_270 = arith.index_cast %multiple_of3A_254 : i32 to index
        %get3A_271 = tpu.vector_load %arg22[%get3A_269, %get3A_270] {strides = array<i32>} : memref<16x1000xf32, #tpu.memory_space<vmem>>, vector<1x16xf32>,
        %get3A_272 = vector.shape_cast %get3A_271 : vector<1x16xf32> to vector<16xf32>
        %eq3A_273 = vector.broadcast %scan3A_246 : i32 to vector<16xi32>
        %eq3A_274 = arith.cmpi eq, %shift_right_arithmetic3A_186, %eq3A_273 : vector<16xi32>
        %select_n3A_275 = arith.select %eq3A_274, %get3A_258, %scan3A_251 : vector<16xi1>, vector<16xf32>
        %mul3A_276 = arith.constant 5.000000e-02 : f32
        %mul3A_277 = vector.broadcast %mul3A_276 : f32 to vector<16xf32>
        %mul3A_278 = arith.mulf %get3A_258, %mul3A_277 : vector<16xf32>
        %exp3A_279 = math.exp %mul3A_278 : vector<16xf32>
        %max3A_280 = arith.maximumf %scan3A_247, %get3A_258 : vector<16xf32>
        %min3A_281 = arith.minimumf %scan3A_247, %get3A_258 : vector<16xf32>
        %max3A_282 = arith.maximumf %scan3A_248, %min3A_281 : vector<16xf32>
        %add3A_283 = arith.addf %scan3A_249, %exp3A_279 : vector<16xf32>
        %mul3A_284 = arith.mulf %exp3A_279, %get3A_272 : vector<16xf32>
        %add3A_285 = arith.addf %scan3A_250, %mul3A_284 : vector<16xf32>
        scf.yield %max3A_280, %max3A_282, %add3A_283, %add3A_285, %select_n3A_275 : vector<16xf32>, vector<16xf32>, vector<16xf32>, vector<16xf32>, vector<16xf32>
      }
      %scan3A_192 = arith.constant 62 : i32
      %get3A_193 = arith.index_cast %scan3A_181 : i32 to index
      %get3A_194 = arith.constant 984 : index
      %get3A_195 = tpu.vector_load %arg20[%get3A_193, %get3A_194] {strides = array<i32>} : memref<16x1000xf32, #tpu.memory_space<vmem>>, vector<1x16xf32>,
      %get3A_196 = vector.shape_cast %get3A_195 : vector<1x16xf32> to vector<16xf32>
      %get3A_197 = arith.index_cast %scan3A_181 : i32 to index
      %get3A_198 = arith.constant 984 : index
      %get3A_199 = tpu.vector_load %arg21[%get3A_197, %get3A_198] {strides = array<i32>} : memref<16x1000xf32, #tpu.memory_space<vmem>>, vector<1x16xf32>,
      %get3A_200 = vector.shape_cast %get3A_199 : vector<1x16xf32> to vector<16xf32>
      %add3A_201 = arith.addf %get3A_200, %get3A_196 : vector<16xf32>
      %select_n3A = arith.select %ge3A_2, %add3A_201, %get3A_200 : vector<16xi1>, vector<16xf32>
      %swap3A = arith.index_cast %scan3A_181 : i32 to index
      %swap3A_202 = arith.constant 984 : index
      %swap3A_203 = tpu.vector_load %arg21[%swap3A, %swap3A_202] {strides = array<i32>} : memref<16x1000xf32, #tpu.memory_space<vmem>>, vector<1x16xf32>,
      %swap3A_204 = vector.shape_cast %swap3A_203 : vector<1x16xf32> to vector<16xf32>
      %swap3A_205 = vector.shape_cast %select_n3A : vector<16xf32> to vector<1x16xf32>
      tpu.vector_store %arg21[%swap3A, %swap3A_202], %swap3A_205 {strides = array<i32>} : memref<16x1000xf32, #tpu.memory_space<vmem>>, vector<1x16xf32>,
      %eq3A = arith.constant 62 : i32
      %eq3A_206 = vector.broadcast %eq3A : i32 to vector<16xi32>
      %eq3A_207 = arith.cmpi eq, %shift_right_arithmetic3A_186, %eq3A_206 : vector<16xi32>
      %select_n3A_208 = arith.select %eq3A_207, %get3A_196, %scan3A_191#4 : vector<16xi1>, vector<16xf32>
      %jit3A = arith.constant -1.000000e+30 : f32
      %broadcast_in_dim3A_209 = vector.broadcast %jit3A : f32 to vector<16xf32>
      %select_n3A_210 = arith.select %ge3A_2, %get3A_196, %broadcast_in_dim3A_209 : vector<16xi1>, vector<16xf32>
      %get3A_211 = arith.index_cast %scan3A_181 : i32 to index
      %get3A_212 = arith.constant 984 : index
      %get3A_213 = tpu.vector_load %arg22[%get3A_211, %get3A_212] {strides = array<i32>} : memref<16x1000xf32, #tpu.memory_space<vmem>>, vector<1x16xf32>,
      %get3A_214 = vector.shape_cast %get3A_213 : vector<1x16xf32> to vector<16xf32>
      %mul3A_215 = arith.constant 5.000000e-02 : f32
      %mul3A_216 = vector.broadcast %mul3A_215 : f32 to vector<16xf32>
      %mul3A_217 = arith.mulf %select_n3A_210, %mul3A_216 : vector<16xf32>
      %exp3A = math.exp %mul3A_217 : vector<16xf32>
      %max3A = arith.maximumf %scan3A_191#0, %select_n3A_210 : vector<16xf32>
      %min3A = arith.minimumf %scan3A_191#0, %select_n3A_210 : vector<16xf32>
      %max3A_218 = arith.maximumf %scan3A_191#1, %min3A : vector<16xf32>
      %add3A_219 = arith.addf %scan3A_191#2, %exp3A : vector<16xf32>
      %mul3A_220 = arith.mulf %exp3A, %get3A_214 : vector<16xf32>
      %add3A_221 = arith.addf %scan3A_191#3, %mul3A_220 : vector<16xf32>
      %add3A_222 = arith.constant 48 : i32
      %add3A_223 = arith.addi %add3A_222, %scan3A_181 : i32
      %mul3A_224 = arith.constant 16 : i32
      %mul3A_225 = arith.muli %add3A_223, %mul3A_224 : i32
      %multiple_of3A = tpu.assume_multiple %mul3A_225, 16 : i32
      %swap3A_226 = arith.index_cast %multiple_of3A : i32 to index
      %swap3A_227 = tpu.vector_load %arg24[%swap3A_226] {strides = array<i32>} : memref<2048xf32, #tpu.memory_space<vmem>>, vector<16xf32>,
      %swap3A_228 = vector.shape_cast %swap3A_227 : vector<16xf32> to vector<16xf32>
      %swap3A_229 = vector.shape_cast %max3A : vector<16xf32> to vector<16xf32>
      tpu.vector_store %arg24[%swap3A_226], %swap3A_229 {strides = array<i32>} : memref<2048xf32, #tpu.memory_space<vmem>>, vector<16xf32>,
      %swap3A_230 = arith.index_cast %multiple_of3A : i32 to index
      %swap3A_231 = tpu.vector_load %arg25[%swap3A_230] {strides = array<i32>} : memref<2048xf32, #tpu.memory_space<vmem>>, vector<16xf32>,
      %swap3A_232 = vector.shape_cast %swap3A_231 : vector<16xf32> to vector<16xf32>
      %swap3A_233 = vector.shape_cast %max3A_218 : vector<16xf32> to vector<16xf32>
      tpu.vector_store %arg25[%swap3A_230], %swap3A_233 {strides = array<i32>} : memref<2048xf32, #tpu.memory_space<vmem>>, vector<16xf32>,
      %swap3A_234 = arith.index_cast %multiple_of3A : i32 to index
      %swap3A_235 = tpu.vector_load %arg26[%swap3A_234] {strides = array<i32>} : memref<2048xf32, #tpu.memory_space<vmem>>, vector<16xf32>,
      %swap3A_236 = vector.shape_cast %swap3A_235 : vector<16xf32> to vector<16xf32>
      %swap3A_237 = vector.shape_cast %add3A_219 : vector<16xf32> to vector<16xf32>
      tpu.vector_store %arg26[%swap3A_234], %swap3A_237 {strides = array<i32>} : memref<2048xf32, #tpu.memory_space<vmem>>, vector<16xf32>,
      %swap3A_238 = arith.index_cast %multiple_of3A : i32 to index
      %swap3A_239 = tpu.vector_load %arg27[%swap3A_238] {strides = array<i32>} : memref<2048xf32, #tpu.memory_space<vmem>>, vector<16xf32>,
      %swap3A_240 = vector.shape_cast %swap3A_239 : vector<16xf32> to vector<16xf32>
      %swap3A_241 = vector.shape_cast %add3A_221 : vector<16xf32> to vector<16xf32>
      tpu.vector_store %arg27[%swap3A_238], %swap3A_241 {strides = array<i32>} : memref<2048xf32, #tpu.memory_space<vmem>>, vector<16xf32>,
      %swap3A_242 = arith.index_cast %multiple_of3A : i32 to index
      %swap3A_243 = tpu.vector_load %arg28[%swap3A_242] {strides = array<i32>} : memref<2048xf32, #tpu.memory_space<vmem>>, vector<16xf32>,
      %swap3A_244 = vector.shape_cast %swap3A_243 : vector<16xf32> to vector<16xf32>
      %swap3A_245 = vector.shape_cast %select_n3A_208 : vector<16xf32> to vector<16xf32>
      tpu.vector_store %arg28[%swap3A_242], %swap3A_245 {strides = array<i32>} : memref<2048xf32, #tpu.memory_space<vmem>>, vector<16xf32>,
    }
    %scan3A_42 = arith.constant 16 : i32
    "tpu.region"() ({
      %run_scoped3A = tpu.sem_alloc : memref<!tpu.dma_semaphore, #tpu.memory_space<semaphore_mem>>
      %dma_start3A = arith.constant 0 : i32
      %dma_start3A_181 = tpu.memref_slice %arg6[%add3A_13, %dma_start3A] : memref<4096x1000xf32, #tpu.memory_space<hbm>> -> memref<16x1000xf32, #tpu.memory_space<hbm>>
      %dma_start3A_182 = arith.constant 0 : i32
      %dma_start3A_183 = tpu.memref_slice %arg6[%add3A_13, %dma_start3A_182] : memref<4096x1000xf32, #tpu.memory_space<hbm>> -> memref<16x1000xf32, #tpu.memory_space<hbm>>
      tpu.enqueue_dma source(%dma_start3A_183 : memref<16x1000xf32, #tpu.memory_space<hbm>>) target(%arg20 : memref<16x1000xf32, #tpu.memory_space<vmem>>) target_semaphore(%run_scoped3A : memref<!tpu.dma_semaphore, #tpu.memory_space<semaphore_mem>>)
      %dma_wait3A = arith.constant 0 : i32
      %dma_wait3A_184 = tpu.memref_slice %arg6[%add3A_13, %dma_wait3A] : memref<4096x1000xf32, #tpu.memory_space<hbm>> -> memref<16x1000xf32, #tpu.memory_space<hbm>>
      %dma_wait3A_185 = arith.constant 0 : i32
      %dma_wait3A_186 = tpu.memref_slice %arg6[%add3A_13, %dma_wait3A_185] : memref<4096x1000xf32, #tpu.memory_space<hbm>> -> memref<16x1000xf32, #tpu.memory_space<hbm>>
      tpu.wait_dma2 semaphore(%run_scoped3A : memref<!tpu.dma_semaphore, #tpu.memory_space<semaphore_mem>>) src(%dma_wait3A_186 : memref<16x1000xf32, #tpu.memory_space<hbm>>) dst(%arg20 : memref<16x1000xf32, #tpu.memory_space<vmem>>)
      tpu.yield
    }) : () -> ()
    %scan3A_43 = arith.constant 0 : i32
    %scan3A_44 = arith.constant 0 : i32
    %scan3A_45 = arith.constant 16 : i32
    %scan3A_46 = arith.addi %scan3A_44, %scan3A_45 : i32
    %scan3A_47 = arith.constant 1 : i32
    scf.for %scan3A_181 = %scan3A_44 to %scan3A_46 step %scan3A_47  : i32 {
      %get3A = arith.index_cast %scan3A_181 : i32 to index
      %get3A_182 = arith.constant 0 : index
      %get3A_183 = tpu.vector_load %arg23[%get3A, %get3A_182] {strides = array<i32>} : memref<16x16xi32, #tpu.memory_space<vmem>>, vector<1x16xi32>,
      %get3A_184 = vector.shape_cast %get3A_183 : vector<1x16xi32> to vector<16xi32>
      %shift_right_arithmetic3A = arith.constant 4 : i32
      %shift_right_arithmetic3A_185 = vector.broadcast %shift_right_arithmetic3A : i32 to vector<16xi32>
      %shift_right_arithmetic3A_186 = arith.shrsi %get3A_184, %shift_right_arithmetic3A_185 : vector<16xi32>
      %scan3A_187 = arith.constant 0 : i32
      %scan3A_188 = arith.constant 62 : i32
      %scan3A_189 = arith.addi %scan3A_187, %scan3A_188 : i32
      %scan3A_190 = arith.constant 1 : i32
      %scan3A_191:5 = scf.for %scan3A_246 = %scan3A_187 to %scan3A_189 step %scan3A_190 iter_args(%scan3A_247 = %broadcast_in_dim3A_5, %scan3A_248 = %broadcast_in_dim3A_5, %scan3A_249 = %broadcast_in_dim3A_3, %scan3A_250 = %broadcast_in_dim3A_3, %scan3A_251 = %broadcast_in_dim3A_3) -> (vector<16xf32>, vector<16xf32>, vector<16xf32>, vector<16xf32>, vector<16xf32>)  : i32 {
        %mul3A_252 = arith.constant 16 : i32
        %mul3A_253 = arith.muli %scan3A_246, %mul3A_252 : i32
        %multiple_of3A_254 = tpu.assume_multiple %mul3A_253, 16 : i32
        %get3A_255 = arith.index_cast %scan3A_181 : i32 to index
        %get3A_256 = arith.index_cast %multiple_of3A_254 : i32 to index
        %get3A_257 = tpu.vector_load %arg20[%get3A_255, %get3A_256] {strides = array<i32>} : memref<16x1000xf32, #tpu.memory_space<vmem>>, vector<1x16xf32>,
        %get3A_258 = vector.shape_cast %get3A_257 : vector<1x16xf32> to vector<16xf32>
        %get3A_259 = arith.index_cast %scan3A_181 : i32 to index
        %get3A_260 = arith.index_cast %multiple_of3A_254 : i32 to index
        %get3A_261 = tpu.vector_load %arg21[%get3A_259, %get3A_260] {strides = array<i32>} : memref<16x1000xf32, #tpu.memory_space<vmem>>, vector<1x16xf32>,
        %get3A_262 = vector.shape_cast %get3A_261 : vector<1x16xf32> to vector<16xf32>
        %add3A_263 = arith.addf %get3A_262, %get3A_258 : vector<16xf32>
        %swap3A_264 = arith.index_cast %scan3A_181 : i32 to index
        %swap3A_265 = arith.index_cast %multiple_of3A_254 : i32 to index
        %swap3A_266 = tpu.vector_load %arg21[%swap3A_264, %swap3A_265] {strides = array<i32>} : memref<16x1000xf32, #tpu.memory_space<vmem>>, vector<1x16xf32>,
        %swap3A_267 = vector.shape_cast %swap3A_266 : vector<1x16xf32> to vector<16xf32>
        %swap3A_268 = vector.shape_cast %add3A_263 : vector<16xf32> to vector<1x16xf32>
        tpu.vector_store %arg21[%swap3A_264, %swap3A_265], %swap3A_268 {strides = array<i32>} : memref<16x1000xf32, #tpu.memory_space<vmem>>, vector<1x16xf32>,
        %get3A_269 = arith.index_cast %scan3A_181 : i32 to index
        %get3A_270 = arith.index_cast %multiple_of3A_254 : i32 to index
        %get3A_271 = tpu.vector_load %arg22[%get3A_269, %get3A_270] {strides = array<i32>} : memref<16x1000xf32, #tpu.memory_space<vmem>>, vector<1x16xf32>,
        %get3A_272 = vector.shape_cast %get3A_271 : vector<1x16xf32> to vector<16xf32>
        %eq3A_273 = vector.broadcast %scan3A_246 : i32 to vector<16xi32>
        %eq3A_274 = arith.cmpi eq, %shift_right_arithmetic3A_186, %eq3A_273 : vector<16xi32>
        %select_n3A_275 = arith.select %eq3A_274, %get3A_258, %scan3A_251 : vector<16xi1>, vector<16xf32>
        %mul3A_276 = arith.constant 5.000000e-02 : f32
        %mul3A_277 = vector.broadcast %mul3A_276 : f32 to vector<16xf32>
        %mul3A_278 = arith.mulf %get3A_258, %mul3A_277 : vector<16xf32>
        %exp3A_279 = math.exp %mul3A_278 : vector<16xf32>
        %max3A_280 = arith.maximumf %scan3A_247, %get3A_258 : vector<16xf32>
        %min3A_281 = arith.minimumf %scan3A_247, %get3A_258 : vector<16xf32>
        %max3A_282 = arith.maximumf %scan3A_248, %min3A_281 : vector<16xf32>
        %add3A_283 = arith.addf %scan3A_249, %exp3A_279 : vector<16xf32>
        %mul3A_284 = arith.mulf %exp3A_279, %get3A_272 : vector<16xf32>
        %add3A_285 = arith.addf %scan3A_250, %mul3A_284 : vector<16xf32>
        scf.yield %max3A_280, %max3A_282, %add3A_283, %add3A_285, %select_n3A_275 : vector<16xf32>, vector<16xf32>, vector<16xf32>, vector<16xf32>, vector<16xf32>
      }
      %scan3A_192 = arith.constant 62 : i32
      %get3A_193 = arith.index_cast %scan3A_181 : i32 to index
      %get3A_194 = arith.constant 984 : index
      %get3A_195 = tpu.vector_load %arg20[%get3A_193, %get3A_194] {strides = array<i32>} : memref<16x1000xf32, #tpu.memory_space<vmem>>, vector<1x16xf32>,
      %get3A_196 = vector.shape_cast %get3A_195 : vector<1x16xf32> to vector<16xf32>
      %get3A_197 = arith.index_cast %scan3A_181 : i32 to index
      %get3A_198 = arith.constant 984 : index
      %get3A_199 = tpu.vector_load %arg21[%get3A_197, %get3A_198] {strides = array<i32>} : memref<16x1000xf32, #tpu.memory_space<vmem>>, vector<1x16xf32>,
      %get3A_200 = vector.shape_cast %get3A_199 : vector<1x16xf32> to vector<16xf32>
      %add3A_201 = arith.addf %get3A_200, %get3A_196 : vector<16xf32>
      %select_n3A = arith.select %ge3A_2, %add3A_201, %get3A_200 : vector<16xi1>, vector<16xf32>
      %swap3A = arith.index_cast %scan3A_181 : i32 to index
      %swap3A_202 = arith.constant 984 : index
      %swap3A_203 = tpu.vector_load %arg21[%swap3A, %swap3A_202] {strides = array<i32>} : memref<16x1000xf32, #tpu.memory_space<vmem>>, vector<1x16xf32>,
      %swap3A_204 = vector.shape_cast %swap3A_203 : vector<1x16xf32> to vector<16xf32>
      %swap3A_205 = vector.shape_cast %select_n3A : vector<16xf32> to vector<1x16xf32>
      tpu.vector_store %arg21[%swap3A, %swap3A_202], %swap3A_205 {strides = array<i32>} : memref<16x1000xf32, #tpu.memory_space<vmem>>, vector<1x16xf32>,
      %eq3A = arith.constant 62 : i32
      %eq3A_206 = vector.broadcast %eq3A : i32 to vector<16xi32>
      %eq3A_207 = arith.cmpi eq, %shift_right_arithmetic3A_186, %eq3A_206 : vector<16xi32>
      %select_n3A_208 = arith.select %eq3A_207, %get3A_196, %scan3A_191#4 : vector<16xi1>, vector<16xf32>
      %jit3A = arith.constant -1.000000e+30 : f32
      %broadcast_in_dim3A_209 = vector.broadcast %jit3A : f32 to vector<16xf32>
      %select_n3A_210 = arith.select %ge3A_2, %get3A_196, %broadcast_in_dim3A_209 : vector<16xi1>, vector<16xf32>
      %get3A_211 = arith.index_cast %scan3A_181 : i32 to index
      %get3A_212 = arith.constant 984 : index
      %get3A_213 = tpu.vector_load %arg22[%get3A_211, %get3A_212] {strides = array<i32>} : memref<16x1000xf32, #tpu.memory_space<vmem>>, vector<1x16xf32>,
      %get3A_214 = vector.shape_cast %get3A_213 : vector<1x16xf32> to vector<16xf32>
      %mul3A_215 = arith.constant 5.000000e-02 : f32
      %mul3A_216 = vector.broadcast %mul3A_215 : f32 to vector<16xf32>
      %mul3A_217 = arith.mulf %select_n3A_210, %mul3A_216 : vector<16xf32>
      %exp3A = math.exp %mul3A_217 : vector<16xf32>
      %max3A = arith.maximumf %scan3A_191#0, %select_n3A_210 : vector<16xf32>
      %min3A = arith.minimumf %scan3A_191#0, %select_n3A_210 : vector<16xf32>
      %max3A_218 = arith.maximumf %scan3A_191#1, %min3A : vector<16xf32>
      %add3A_219 = arith.addf %scan3A_191#2, %exp3A : vector<16xf32>
      %mul3A_220 = arith.mulf %exp3A, %get3A_214 : vector<16xf32>
      %add3A_221 = arith.addf %scan3A_191#3, %mul3A_220 : vector<16xf32>
      %add3A_222 = arith.constant 64 : i32
      %add3A_223 = arith.addi %add3A_222, %scan3A_181 : i32
      %mul3A_224 = arith.constant 16 : i32
      %mul3A_225 = arith.muli %add3A_223, %mul3A_224 : i32
      %multiple_of3A = tpu.assume_multiple %mul3A_225, 16 : i32
      %swap3A_226 = arith.index_cast %multiple_of3A : i32 to index
      %swap3A_227 = tpu.vector_load %arg24[%swap3A_226] {strides = array<i32>} : memref<2048xf32, #tpu.memory_space<vmem>>, vector<16xf32>,
      %swap3A_228 = vector.shape_cast %swap3A_227 : vector<16xf32> to vector<16xf32>
      %swap3A_229 = vector.shape_cast %max3A : vector<16xf32> to vector<16xf32>
      tpu.vector_store %arg24[%swap3A_226], %swap3A_229 {strides = array<i32>} : memref<2048xf32, #tpu.memory_space<vmem>>, vector<16xf32>,
      %swap3A_230 = arith.index_cast %multiple_of3A : i32 to index
      %swap3A_231 = tpu.vector_load %arg25[%swap3A_230] {strides = array<i32>} : memref<2048xf32, #tpu.memory_space<vmem>>, vector<16xf32>,
      %swap3A_232 = vector.shape_cast %swap3A_231 : vector<16xf32> to vector<16xf32>
      %swap3A_233 = vector.shape_cast %max3A_218 : vector<16xf32> to vector<16xf32>
      tpu.vector_store %arg25[%swap3A_230], %swap3A_233 {strides = array<i32>} : memref<2048xf32, #tpu.memory_space<vmem>>, vector<16xf32>,
      %swap3A_234 = arith.index_cast %multiple_of3A : i32 to index
      %swap3A_235 = tpu.vector_load %arg26[%swap3A_234] {strides = array<i32>} : memref<2048xf32, #tpu.memory_space<vmem>>, vector<16xf32>,
      %swap3A_236 = vector.shape_cast %swap3A_235 : vector<16xf32> to vector<16xf32>
      %swap3A_237 = vector.shape_cast %add3A_219 : vector<16xf32> to vector<16xf32>
      tpu.vector_store %arg26[%swap3A_234], %swap3A_237 {strides = array<i32>} : memref<2048xf32, #tpu.memory_space<vmem>>, vector<16xf32>,
      %swap3A_238 = arith.index_cast %multiple_of3A : i32 to index
      %swap3A_239 = tpu.vector_load %arg27[%swap3A_238] {strides = array<i32>} : memref<2048xf32, #tpu.memory_space<vmem>>, vector<16xf32>,
      %swap3A_240 = vector.shape_cast %swap3A_239 : vector<16xf32> to vector<16xf32>
      %swap3A_241 = vector.shape_cast %add3A_221 : vector<16xf32> to vector<16xf32>
      tpu.vector_store %arg27[%swap3A_238], %swap3A_241 {strides = array<i32>} : memref<2048xf32, #tpu.memory_space<vmem>>, vector<16xf32>,
      %swap3A_242 = arith.index_cast %multiple_of3A : i32 to index
      %swap3A_243 = tpu.vector_load %arg28[%swap3A_242] {strides = array<i32>} : memref<2048xf32, #tpu.memory_space<vmem>>, vector<16xf32>,
      %swap3A_244 = vector.shape_cast %swap3A_243 : vector<16xf32> to vector<16xf32>
      %swap3A_245 = vector.shape_cast %select_n3A_208 : vector<16xf32> to vector<16xf32>
      tpu.vector_store %arg28[%swap3A_242], %swap3A_245 {strides = array<i32>} : memref<2048xf32, #tpu.memory_space<vmem>>, vector<16xf32>,
    }
    %scan3A_48 = arith.constant 16 : i32
    "tpu.region"() ({
      %run_scoped3A = tpu.sem_alloc : memref<!tpu.dma_semaphore, #tpu.memory_space<semaphore_mem>>
      %dma_start3A = arith.constant 0 : i32
      %dma_start3A_181 = tpu.memref_slice %arg7[%add3A_13, %dma_start3A] : memref<4096x1000xf32, #tpu.memory_space<hbm>> -> memref<16x1000xf32, #tpu.memory_space<hbm>>
      %dma_start3A_182 = arith.constant 0 : i32
      %dma_start3A_183 = tpu.memref_slice %arg7[%add3A_13, %dma_start3A_182] : memref<4096x1000xf32, #tpu.memory_space<hbm>> -> memref<16x1000xf32, #tpu.memory_space<hbm>>
      tpu.enqueue_dma source(%dma_start3A_183 : memref<16x1000xf32, #tpu.memory_space<hbm>>) target(%arg20 : memref<16x1000xf32, #tpu.memory_space<vmem>>) target_semaphore(%run_scoped3A : memref<!tpu.dma_semaphore, #tpu.memory_space<semaphore_mem>>)
      %dma_wait3A = arith.constant 0 : i32
      %dma_wait3A_184 = tpu.memref_slice %arg7[%add3A_13, %dma_wait3A] : memref<4096x1000xf32, #tpu.memory_space<hbm>> -> memref<16x1000xf32, #tpu.memory_space<hbm>>
      %dma_wait3A_185 = arith.constant 0 : i32
      %dma_wait3A_186 = tpu.memref_slice %arg7[%add3A_13, %dma_wait3A_185] : memref<4096x1000xf32, #tpu.memory_space<hbm>> -> memref<16x1000xf32, #tpu.memory_space<hbm>>
      tpu.wait_dma2 semaphore(%run_scoped3A : memref<!tpu.dma_semaphore, #tpu.memory_space<semaphore_mem>>) src(%dma_wait3A_186 : memref<16x1000xf32, #tpu.memory_space<hbm>>) dst(%arg20 : memref<16x1000xf32, #tpu.memory_space<vmem>>)
      tpu.yield
    }) : () -> ()
    %scan3A_49 = arith.constant 0 : i32
    %scan3A_50 = arith.constant 0 : i32
    %scan3A_51 = arith.constant 16 : i32
    %scan3A_52 = arith.addi %scan3A_50, %scan3A_51 : i32
    %scan3A_53 = arith.constant 1 : i32
    scf.for %scan3A_181 = %scan3A_50 to %scan3A_52 step %scan3A_53  : i32 {
      %get3A = arith.index_cast %scan3A_181 : i32 to index
      %get3A_182 = arith.constant 0 : index
      %get3A_183 = tpu.vector_load %arg23[%get3A, %get3A_182] {strides = array<i32>} : memref<16x16xi32, #tpu.memory_space<vmem>>, vector<1x16xi32>,
      %get3A_184 = vector.shape_cast %get3A_183 : vector<1x16xi32> to vector<16xi32>
      %shift_right_arithmetic3A = arith.constant 4 : i32
      %shift_right_arithmetic3A_185 = vector.broadcast %shift_right_arithmetic3A : i32 to vector<16xi32>
      %shift_right_arithmetic3A_186 = arith.shrsi %get3A_184, %shift_right_arithmetic3A_185 : vector<16xi32>
      %scan3A_187 = arith.constant 0 : i32
      %scan3A_188 = arith.constant 62 : i32
      %scan3A_189 = arith.addi %scan3A_187, %scan3A_188 : i32
      %scan3A_190 = arith.constant 1 : i32
      %scan3A_191:5 = scf.for %scan3A_246 = %scan3A_187 to %scan3A_189 step %scan3A_190 iter_args(%scan3A_247 = %broadcast_in_dim3A_5, %scan3A_248 = %broadcast_in_dim3A_5, %scan3A_249 = %broadcast_in_dim3A_3, %scan3A_250 = %broadcast_in_dim3A_3, %scan3A_251 = %broadcast_in_dim3A_3) -> (vector<16xf32>, vector<16xf32>, vector<16xf32>, vector<16xf32>, vector<16xf32>)  : i32 {
        %mul3A_252 = arith.constant 16 : i32
        %mul3A_253 = arith.muli %scan3A_246, %mul3A_252 : i32
        %multiple_of3A_254 = tpu.assume_multiple %mul3A_253, 16 : i32
        %get3A_255 = arith.index_cast %scan3A_181 : i32 to index
        %get3A_256 = arith.index_cast %multiple_of3A_254 : i32 to index
        %get3A_257 = tpu.vector_load %arg20[%get3A_255, %get3A_256] {strides = array<i32>} : memref<16x1000xf32, #tpu.memory_space<vmem>>, vector<1x16xf32>,
        %get3A_258 = vector.shape_cast %get3A_257 : vector<1x16xf32> to vector<16xf32>
        %get3A_259 = arith.index_cast %scan3A_181 : i32 to index
        %get3A_260 = arith.index_cast %multiple_of3A_254 : i32 to index
        %get3A_261 = tpu.vector_load %arg21[%get3A_259, %get3A_260] {strides = array<i32>} : memref<16x1000xf32, #tpu.memory_space<vmem>>, vector<1x16xf32>,
        %get3A_262 = vector.shape_cast %get3A_261 : vector<1x16xf32> to vector<16xf32>
        %add3A_263 = arith.addf %get3A_262, %get3A_258 : vector<16xf32>
        %swap3A_264 = arith.index_cast %scan3A_181 : i32 to index
        %swap3A_265 = arith.index_cast %multiple_of3A_254 : i32 to index
        %swap3A_266 = tpu.vector_load %arg21[%swap3A_264, %swap3A_265] {strides = array<i32>} : memref<16x1000xf32, #tpu.memory_space<vmem>>, vector<1x16xf32>,
        %swap3A_267 = vector.shape_cast %swap3A_266 : vector<1x16xf32> to vector<16xf32>
        %swap3A_268 = vector.shape_cast %add3A_263 : vector<16xf32> to vector<1x16xf32>
        tpu.vector_store %arg21[%swap3A_264, %swap3A_265], %swap3A_268 {strides = array<i32>} : memref<16x1000xf32, #tpu.memory_space<vmem>>, vector<1x16xf32>,
        %get3A_269 = arith.index_cast %scan3A_181 : i32 to index
        %get3A_270 = arith.index_cast %multiple_of3A_254 : i32 to index
        %get3A_271 = tpu.vector_load %arg22[%get3A_269, %get3A_270] {strides = array<i32>} : memref<16x1000xf32, #tpu.memory_space<vmem>>, vector<1x16xf32>,
        %get3A_272 = vector.shape_cast %get3A_271 : vector<1x16xf32> to vector<16xf32>
        %eq3A_273 = vector.broadcast %scan3A_246 : i32 to vector<16xi32>
        %eq3A_274 = arith.cmpi eq, %shift_right_arithmetic3A_186, %eq3A_273 : vector<16xi32>
        %select_n3A_275 = arith.select %eq3A_274, %get3A_258, %scan3A_251 : vector<16xi1>, vector<16xf32>
        %mul3A_276 = arith.constant 5.000000e-02 : f32
        %mul3A_277 = vector.broadcast %mul3A_276 : f32 to vector<16xf32>
        %mul3A_278 = arith.mulf %get3A_258, %mul3A_277 : vector<16xf32>
        %exp3A_279 = math.exp %mul3A_278 : vector<16xf32>
        %max3A_280 = arith.maximumf %scan3A_247, %get3A_258 : vector<16xf32>
        %min3A_281 = arith.minimumf %scan3A_247, %get3A_258 : vector<16xf32>
        %max3A_282 = arith.maximumf %scan3A_248, %min3A_281 : vector<16xf32>
        %add3A_283 = arith.addf %scan3A_249, %exp3A_279 : vector<16xf32>
        %mul3A_284 = arith.mulf %exp3A_279, %get3A_272 : vector<16xf32>
        %add3A_285 = arith.addf %scan3A_250, %mul3A_284 : vector<16xf32>
        scf.yield %max3A_280, %max3A_282, %add3A_283, %add3A_285, %select_n3A_275 : vector<16xf32>, vector<16xf32>, vector<16xf32>, vector<16xf32>, vector<16xf32>
      }
      %scan3A_192 = arith.constant 62 : i32
      %get3A_193 = arith.index_cast %scan3A_181 : i32 to index
      %get3A_194 = arith.constant 984 : index
      %get3A_195 = tpu.vector_load %arg20[%get3A_193, %get3A_194] {strides = array<i32>} : memref<16x1000xf32, #tpu.memory_space<vmem>>, vector<1x16xf32>,
      %get3A_196 = vector.shape_cast %get3A_195 : vector<1x16xf32> to vector<16xf32>
      %get3A_197 = arith.index_cast %scan3A_181 : i32 to index
      %get3A_198 = arith.constant 984 : index
      %get3A_199 = tpu.vector_load %arg21[%get3A_197, %get3A_198] {strides = array<i32>} : memref<16x1000xf32, #tpu.memory_space<vmem>>, vector<1x16xf32>,
      %get3A_200 = vector.shape_cast %get3A_199 : vector<1x16xf32> to vector<16xf32>
      %add3A_201 = arith.addf %get3A_200, %get3A_196 : vector<16xf32>
      %select_n3A = arith.select %ge3A_2, %add3A_201, %get3A_200 : vector<16xi1>, vector<16xf32>
      %swap3A = arith.index_cast %scan3A_181 : i32 to index
      %swap3A_202 = arith.constant 984 : index
      %swap3A_203 = tpu.vector_load %arg21[%swap3A, %swap3A_202] {strides = array<i32>} : memref<16x1000xf32, #tpu.memory_space<vmem>>, vector<1x16xf32>,
      %swap3A_204 = vector.shape_cast %swap3A_203 : vector<1x16xf32> to vector<16xf32>
      %swap3A_205 = vector.shape_cast %select_n3A : vector<16xf32> to vector<1x16xf32>
      tpu.vector_store %arg21[%swap3A, %swap3A_202], %swap3A_205 {strides = array<i32>} : memref<16x1000xf32, #tpu.memory_space<vmem>>, vector<1x16xf32>,
      %eq3A = arith.constant 62 : i32
      %eq3A_206 = vector.broadcast %eq3A : i32 to vector<16xi32>
      %eq3A_207 = arith.cmpi eq, %shift_right_arithmetic3A_186, %eq3A_206 : vector<16xi32>
      %select_n3A_208 = arith.select %eq3A_207, %get3A_196, %scan3A_191#4 : vector<16xi1>, vector<16xf32>
      %jit3A = arith.constant -1.000000e+30 : f32
      %broadcast_in_dim3A_209 = vector.broadcast %jit3A : f32 to vector<16xf32>
      %select_n3A_210 = arith.select %ge3A_2, %get3A_196, %broadcast_in_dim3A_209 : vector<16xi1>, vector<16xf32>
      %get3A_211 = arith.index_cast %scan3A_181 : i32 to index
      %get3A_212 = arith.constant 984 : index
      %get3A_213 = tpu.vector_load %arg22[%get3A_211, %get3A_212] {strides = array<i32>} : memref<16x1000xf32, #tpu.memory_space<vmem>>, vector<1x16xf32>,
      %get3A_214 = vector.shape_cast %get3A_213 : vector<1x16xf32> to vector<16xf32>
      %mul3A_215 = arith.constant 5.000000e-02 : f32
      %mul3A_216 = vector.broadcast %mul3A_215 : f32 to vector<16xf32>
      %mul3A_217 = arith.mulf %select_n3A_210, %mul3A_216 : vector<16xf32>
      %exp3A = math.exp %mul3A_217 : vector<16xf32>
      %max3A = arith.maximumf %scan3A_191#0, %select_n3A_210 : vector<16xf32>
      %min3A = arith.minimumf %scan3A_191#0, %select_n3A_210 : vector<16xf32>
      %max3A_218 = arith.maximumf %scan3A_191#1, %min3A : vector<16xf32>
      %add3A_219 = arith.addf %scan3A_191#2, %exp3A : vector<16xf32>
      %mul3A_220 = arith.mulf %exp3A, %get3A_214 : vector<16xf32>
      %add3A_221 = arith.addf %scan3A_191#3, %mul3A_220 : vector<16xf32>
      %add3A_222 = arith.constant 80 : i32
      %add3A_223 = arith.addi %add3A_222, %scan3A_181 : i32
      %mul3A_224 = arith.constant 16 : i32
      %mul3A_225 = arith.muli %add3A_223, %mul3A_224 : i32
      %multiple_of3A = tpu.assume_multiple %mul3A_225, 16 : i32
      %swap3A_226 = arith.index_cast %multiple_of3A : i32 to index
      %swap3A_227 = tpu.vector_load %arg24[%swap3A_226] {strides = array<i32>} : memref<2048xf32, #tpu.memory_space<vmem>>, vector<16xf32>,
      %swap3A_228 = vector.shape_cast %swap3A_227 : vector<16xf32> to vector<16xf32>
      %swap3A_229 = vector.shape_cast %max3A : vector<16xf32> to vector<16xf32>
      tpu.vector_store %arg24[%swap3A_226], %swap3A_229 {strides = array<i32>} : memref<2048xf32, #tpu.memory_space<vmem>>, vector<16xf32>,
      %swap3A_230 = arith.index_cast %multiple_of3A : i32 to index
      %swap3A_231 = tpu.vector_load %arg25[%swap3A_230] {strides = array<i32>} : memref<2048xf32, #tpu.memory_space<vmem>>, vector<16xf32>,
      %swap3A_232 = vector.shape_cast %swap3A_231 : vector<16xf32> to vector<16xf32>
      %swap3A_233 = vector.shape_cast %max3A_218 : vector<16xf32> to vector<16xf32>
      tpu.vector_store %arg25[%swap3A_230], %swap3A_233 {strides = array<i32>} : memref<2048xf32, #tpu.memory_space<vmem>>, vector<16xf32>,
      %swap3A_234 = arith.index_cast %multiple_of3A : i32 to index
      %swap3A_235 = tpu.vector_load %arg26[%swap3A_234] {strides = array<i32>} : memref<2048xf32, #tpu.memory_space<vmem>>, vector<16xf32>,
      %swap3A_236 = vector.shape_cast %swap3A_235 : vector<16xf32> to vector<16xf32>
      %swap3A_237 = vector.shape_cast %add3A_219 : vector<16xf32> to vector<16xf32>
      tpu.vector_store %arg26[%swap3A_234], %swap3A_237 {strides = array<i32>} : memref<2048xf32, #tpu.memory_space<vmem>>, vector<16xf32>,
      %swap3A_238 = arith.index_cast %multiple_of3A : i32 to index
      %swap3A_239 = tpu.vector_load %arg27[%swap3A_238] {strides = array<i32>} : memref<2048xf32, #tpu.memory_space<vmem>>, vector<16xf32>,
      %swap3A_240 = vector.shape_cast %swap3A_239 : vector<16xf32> to vector<16xf32>
      %swap3A_241 = vector.shape_cast %add3A_221 : vector<16xf32> to vector<16xf32>
      tpu.vector_store %arg27[%swap3A_238], %swap3A_241 {strides = array<i32>} : memref<2048xf32, #tpu.memory_space<vmem>>, vector<16xf32>,
      %swap3A_242 = arith.index_cast %multiple_of3A : i32 to index
      %swap3A_243 = tpu.vector_load %arg28[%swap3A_242] {strides = array<i32>} : memref<2048xf32, #tpu.memory_space<vmem>>, vector<16xf32>,
      %swap3A_244 = vector.shape_cast %swap3A_243 : vector<16xf32> to vector<16xf32>
      %swap3A_245 = vector.shape_cast %select_n3A_208 : vector<16xf32> to vector<16xf32>
      tpu.vector_store %arg28[%swap3A_242], %swap3A_245 {strides = array<i32>} : memref<2048xf32, #tpu.memory_space<vmem>>, vector<16xf32>,
    }
    %scan3A_54 = arith.constant 16 : i32
    "tpu.region"() ({
      %run_scoped3A = tpu.sem_alloc : memref<!tpu.dma_semaphore, #tpu.memory_space<semaphore_mem>>
      %dma_start3A = arith.constant 0 : i32
      %dma_start3A_181 = tpu.memref_slice %arg8[%add3A_13, %dma_start3A] : memref<4096x1000xf32, #tpu.memory_space<hbm>> -> memref<16x1000xf32, #tpu.memory_space<hbm>>
      %dma_start3A_182 = arith.constant 0 : i32
      %dma_start3A_183 = tpu.memref_slice %arg8[%add3A_13, %dma_start3A_182] : memref<4096x1000xf32, #tpu.memory_space<hbm>> -> memref<16x1000xf32, #tpu.memory_space<hbm>>
      tpu.enqueue_dma source(%dma_start3A_183 : memref<16x1000xf32, #tpu.memory_space<hbm>>) target(%arg20 : memref<16x1000xf32, #tpu.memory_space<vmem>>) target_semaphore(%run_scoped3A : memref<!tpu.dma_semaphore, #tpu.memory_space<semaphore_mem>>)
      %dma_wait3A = arith.constant 0 : i32
      %dma_wait3A_184 = tpu.memref_slice %arg8[%add3A_13, %dma_wait3A] : memref<4096x1000xf32, #tpu.memory_space<hbm>> -> memref<16x1000xf32, #tpu.memory_space<hbm>>
      %dma_wait3A_185 = arith.constant 0 : i32
      %dma_wait3A_186 = tpu.memref_slice %arg8[%add3A_13, %dma_wait3A_185] : memref<4096x1000xf32, #tpu.memory_space<hbm>> -> memref<16x1000xf32, #tpu.memory_space<hbm>>
      tpu.wait_dma2 semaphore(%run_scoped3A : memref<!tpu.dma_semaphore, #tpu.memory_space<semaphore_mem>>) src(%dma_wait3A_186 : memref<16x1000xf32, #tpu.memory_space<hbm>>) dst(%arg20 : memref<16x1000xf32, #tpu.memory_space<vmem>>)
      tpu.yield
    }) : () -> ()
    %scan3A_55 = arith.constant 0 : i32
    %scan3A_56 = arith.constant 0 : i32
    %scan3A_57 = arith.constant 16 : i32
    %scan3A_58 = arith.addi %scan3A_56, %scan3A_57 : i32
    %scan3A_59 = arith.constant 1 : i32
    scf.for %scan3A_181 = %scan3A_56 to %scan3A_58 step %scan3A_59  : i32 {
      %get3A = arith.index_cast %scan3A_181 : i32 to index
      %get3A_182 = arith.constant 0 : index
      %get3A_183 = tpu.vector_load %arg23[%get3A, %get3A_182] {strides = array<i32>} : memref<16x16xi32, #tpu.memory_space<vmem>>, vector<1x16xi32>,
      %get3A_184 = vector.shape_cast %get3A_183 : vector<1x16xi32> to vector<16xi32>
      %shift_right_arithmetic3A = arith.constant 4 : i32
      %shift_right_arithmetic3A_185 = vector.broadcast %shift_right_arithmetic3A : i32 to vector<16xi32>
      %shift_right_arithmetic3A_186 = arith.shrsi %get3A_184, %shift_right_arithmetic3A_185 : vector<16xi32>
      %scan3A_187 = arith.constant 0 : i32
      %scan3A_188 = arith.constant 62 : i32
      %scan3A_189 = arith.addi %scan3A_187, %scan3A_188 : i32
      %scan3A_190 = arith.constant 1 : i32
      %scan3A_191:5 = scf.for %scan3A_246 = %scan3A_187 to %scan3A_189 step %scan3A_190 iter_args(%scan3A_247 = %broadcast_in_dim3A_5, %scan3A_248 = %broadcast_in_dim3A_5, %scan3A_249 = %broadcast_in_dim3A_3, %scan3A_250 = %broadcast_in_dim3A_3, %scan3A_251 = %broadcast_in_dim3A_3) -> (vector<16xf32>, vector<16xf32>, vector<16xf32>, vector<16xf32>, vector<16xf32>)  : i32 {
        %mul3A_252 = arith.constant 16 : i32
        %mul3A_253 = arith.muli %scan3A_246, %mul3A_252 : i32
        %multiple_of3A_254 = tpu.assume_multiple %mul3A_253, 16 : i32
        %get3A_255 = arith.index_cast %scan3A_181 : i32 to index
        %get3A_256 = arith.index_cast %multiple_of3A_254 : i32 to index
        %get3A_257 = tpu.vector_load %arg20[%get3A_255, %get3A_256] {strides = array<i32>} : memref<16x1000xf32, #tpu.memory_space<vmem>>, vector<1x16xf32>,
        %get3A_258 = vector.shape_cast %get3A_257 : vector<1x16xf32> to vector<16xf32>
        %get3A_259 = arith.index_cast %scan3A_181 : i32 to index
        %get3A_260 = arith.index_cast %multiple_of3A_254 : i32 to index
        %get3A_261 = tpu.vector_load %arg21[%get3A_259, %get3A_260] {strides = array<i32>} : memref<16x1000xf32, #tpu.memory_space<vmem>>, vector<1x16xf32>,
        %get3A_262 = vector.shape_cast %get3A_261 : vector<1x16xf32> to vector<16xf32>
        %add3A_263 = arith.addf %get3A_262, %get3A_258 : vector<16xf32>
        %swap3A_264 = arith.index_cast %scan3A_181 : i32 to index
        %swap3A_265 = arith.index_cast %multiple_of3A_254 : i32 to index
        %swap3A_266 = tpu.vector_load %arg21[%swap3A_264, %swap3A_265] {strides = array<i32>} : memref<16x1000xf32, #tpu.memory_space<vmem>>, vector<1x16xf32>,
        %swap3A_267 = vector.shape_cast %swap3A_266 : vector<1x16xf32> to vector<16xf32>
        %swap3A_268 = vector.shape_cast %add3A_263 : vector<16xf32> to vector<1x16xf32>
        tpu.vector_store %arg21[%swap3A_264, %swap3A_265], %swap3A_268 {strides = array<i32>} : memref<16x1000xf32, #tpu.memory_space<vmem>>, vector<1x16xf32>,
        %get3A_269 = arith.index_cast %scan3A_181 : i32 to index
        %get3A_270 = arith.index_cast %multiple_of3A_254 : i32 to index
        %get3A_271 = tpu.vector_load %arg22[%get3A_269, %get3A_270] {strides = array<i32>} : memref<16x1000xf32, #tpu.memory_space<vmem>>, vector<1x16xf32>,
        %get3A_272 = vector.shape_cast %get3A_271 : vector<1x16xf32> to vector<16xf32>
        %eq3A_273 = vector.broadcast %scan3A_246 : i32 to vector<16xi32>
        %eq3A_274 = arith.cmpi eq, %shift_right_arithmetic3A_186, %eq3A_273 : vector<16xi32>
        %select_n3A_275 = arith.select %eq3A_274, %get3A_258, %scan3A_251 : vector<16xi1>, vector<16xf32>
        %mul3A_276 = arith.constant 5.000000e-02 : f32
        %mul3A_277 = vector.broadcast %mul3A_276 : f32 to vector<16xf32>
        %mul3A_278 = arith.mulf %get3A_258, %mul3A_277 : vector<16xf32>
        %exp3A_279 = math.exp %mul3A_278 : vector<16xf32>
        %max3A_280 = arith.maximumf %scan3A_247, %get3A_258 : vector<16xf32>
        %min3A_281 = arith.minimumf %scan3A_247, %get3A_258 : vector<16xf32>
        %max3A_282 = arith.maximumf %scan3A_248, %min3A_281 : vector<16xf32>
        %add3A_283 = arith.addf %scan3A_249, %exp3A_279 : vector<16xf32>
        %mul3A_284 = arith.mulf %exp3A_279, %get3A_272 : vector<16xf32>
        %add3A_285 = arith.addf %scan3A_250, %mul3A_284 : vector<16xf32>
        scf.yield %max3A_280, %max3A_282, %add3A_283, %add3A_285, %select_n3A_275 : vector<16xf32>, vector<16xf32>, vector<16xf32>, vector<16xf32>, vector<16xf32>
      }
      %scan3A_192 = arith.constant 62 : i32
      %get3A_193 = arith.index_cast %scan3A_181 : i32 to index
      %get3A_194 = arith.constant 984 : index
      %get3A_195 = tpu.vector_load %arg20[%get3A_193, %get3A_194] {strides = array<i32>} : memref<16x1000xf32, #tpu.memory_space<vmem>>, vector<1x16xf32>,
      %get3A_196 = vector.shape_cast %get3A_195 : vector<1x16xf32> to vector<16xf32>
      %get3A_197 = arith.index_cast %scan3A_181 : i32 to index
      %get3A_198 = arith.constant 984 : index
      %get3A_199 = tpu.vector_load %arg21[%get3A_197, %get3A_198] {strides = array<i32>} : memref<16x1000xf32, #tpu.memory_space<vmem>>, vector<1x16xf32>,
      %get3A_200 = vector.shape_cast %get3A_199 : vector<1x16xf32> to vector<16xf32>
      %add3A_201 = arith.addf %get3A_200, %get3A_196 : vector<16xf32>
      %select_n3A = arith.select %ge3A_2, %add3A_201, %get3A_200 : vector<16xi1>, vector<16xf32>
      %swap3A = arith.index_cast %scan3A_181 : i32 to index
      %swap3A_202 = arith.constant 984 : index
      %swap3A_203 = tpu.vector_load %arg21[%swap3A, %swap3A_202] {strides = array<i32>} : memref<16x1000xf32, #tpu.memory_space<vmem>>, vector<1x16xf32>,
      %swap3A_204 = vector.shape_cast %swap3A_203 : vector<1x16xf32> to vector<16xf32>
      %swap3A_205 = vector.shape_cast %select_n3A : vector<16xf32> to vector<1x16xf32>
      tpu.vector_store %arg21[%swap3A, %swap3A_202], %swap3A_205 {strides = array<i32>} : memref<16x1000xf32, #tpu.memory_space<vmem>>, vector<1x16xf32>,
      %eq3A = arith.constant 62 : i32
      %eq3A_206 = vector.broadcast %eq3A : i32 to vector<16xi32>
      %eq3A_207 = arith.cmpi eq, %shift_right_arithmetic3A_186, %eq3A_206 : vector<16xi32>
      %select_n3A_208 = arith.select %eq3A_207, %get3A_196, %scan3A_191#4 : vector<16xi1>, vector<16xf32>
      %jit3A = arith.constant -1.000000e+30 : f32
      %broadcast_in_dim3A_209 = vector.broadcast %jit3A : f32 to vector<16xf32>
      %select_n3A_210 = arith.select %ge3A_2, %get3A_196, %broadcast_in_dim3A_209 : vector<16xi1>, vector<16xf32>
      %get3A_211 = arith.index_cast %scan3A_181 : i32 to index
      %get3A_212 = arith.constant 984 : index
      %get3A_213 = tpu.vector_load %arg22[%get3A_211, %get3A_212] {strides = array<i32>} : memref<16x1000xf32, #tpu.memory_space<vmem>>, vector<1x16xf32>,
      %get3A_214 = vector.shape_cast %get3A_213 : vector<1x16xf32> to vector<16xf32>
      %mul3A_215 = arith.constant 5.000000e-02 : f32
      %mul3A_216 = vector.broadcast %mul3A_215 : f32 to vector<16xf32>
      %mul3A_217 = arith.mulf %select_n3A_210, %mul3A_216 : vector<16xf32>
      %exp3A = math.exp %mul3A_217 : vector<16xf32>
      %max3A = arith.maximumf %scan3A_191#0, %select_n3A_210 : vector<16xf32>
      %min3A = arith.minimumf %scan3A_191#0, %select_n3A_210 : vector<16xf32>
      %max3A_218 = arith.maximumf %scan3A_191#1, %min3A : vector<16xf32>
      %add3A_219 = arith.addf %scan3A_191#2, %exp3A : vector<16xf32>
      %mul3A_220 = arith.mulf %exp3A, %get3A_214 : vector<16xf32>
      %add3A_221 = arith.addf %scan3A_191#3, %mul3A_220 : vector<16xf32>
      %add3A_222 = arith.constant 96 : i32
      %add3A_223 = arith.addi %add3A_222, %scan3A_181 : i32
      %mul3A_224 = arith.constant 16 : i32
      %mul3A_225 = arith.muli %add3A_223, %mul3A_224 : i32
      %multiple_of3A = tpu.assume_multiple %mul3A_225, 16 : i32
      %swap3A_226 = arith.index_cast %multiple_of3A : i32 to index
      %swap3A_227 = tpu.vector_load %arg24[%swap3A_226] {strides = array<i32>} : memref<2048xf32, #tpu.memory_space<vmem>>, vector<16xf32>,
      %swap3A_228 = vector.shape_cast %swap3A_227 : vector<16xf32> to vector<16xf32>
      %swap3A_229 = vector.shape_cast %max3A : vector<16xf32> to vector<16xf32>
      tpu.vector_store %arg24[%swap3A_226], %swap3A_229 {strides = array<i32>} : memref<2048xf32, #tpu.memory_space<vmem>>, vector<16xf32>,
      %swap3A_230 = arith.index_cast %multiple_of3A : i32 to index
      %swap3A_231 = tpu.vector_load %arg25[%swap3A_230] {strides = array<i32>} : memref<2048xf32, #tpu.memory_space<vmem>>, vector<16xf32>,
      %swap3A_232 = vector.shape_cast %swap3A_231 : vector<16xf32> to vector<16xf32>
      %swap3A_233 = vector.shape_cast %max3A_218 : vector<16xf32> to vector<16xf32>
      tpu.vector_store %arg25[%swap3A_230], %swap3A_233 {strides = array<i32>} : memref<2048xf32, #tpu.memory_space<vmem>>, vector<16xf32>,
      %swap3A_234 = arith.index_cast %multiple_of3A : i32 to index
      %swap3A_235 = tpu.vector_load %arg26[%swap3A_234] {strides = array<i32>} : memref<2048xf32, #tpu.memory_space<vmem>>, vector<16xf32>,
      %swap3A_236 = vector.shape_cast %swap3A_235 : vector<16xf32> to vector<16xf32>
      %swap3A_237 = vector.shape_cast %add3A_219 : vector<16xf32> to vector<16xf32>
      tpu.vector_store %arg26[%swap3A_234], %swap3A_237 {strides = array<i32>} : memref<2048xf32, #tpu.memory_space<vmem>>, vector<16xf32>,
      %swap3A_238 = arith.index_cast %multiple_of3A : i32 to index
      %swap3A_239 = tpu.vector_load %arg27[%swap3A_238] {strides = array<i32>} : memref<2048xf32, #tpu.memory_space<vmem>>, vector<16xf32>,
      %swap3A_240 = vector.shape_cast %swap3A_239 : vector<16xf32> to vector<16xf32>
      %swap3A_241 = vector.shape_cast %add3A_221 : vector<16xf32> to vector<16xf32>
      tpu.vector_store %arg27[%swap3A_238], %swap3A_241 {strides = array<i32>} : memref<2048xf32, #tpu.memory_space<vmem>>, vector<16xf32>,
      %swap3A_242 = arith.index_cast %multiple_of3A : i32 to index
      %swap3A_243 = tpu.vector_load %arg28[%swap3A_242] {strides = array<i32>} : memref<2048xf32, #tpu.memory_space<vmem>>, vector<16xf32>,
      %swap3A_244 = vector.shape_cast %swap3A_243 : vector<16xf32> to vector<16xf32>
      %swap3A_245 = vector.shape_cast %select_n3A_208 : vector<16xf32> to vector<16xf32>
      tpu.vector_store %arg28[%swap3A_242], %swap3A_245 {strides = array<i32>} : memref<2048xf32, #tpu.memory_space<vmem>>, vector<16xf32>,
    }
    %scan3A_60 = arith.constant 16 : i32
    %scan3A_61 = arith.constant 0 : i32
    %scan3A_62 = arith.constant 0 : i32
    %scan3A_63 = arith.constant 16 : i32
    %scan3A_64 = arith.addi %scan3A_62, %scan3A_63 : i32
    %scan3A_65 = arith.constant 1 : i32
    scf.for %scan3A_181 = %scan3A_62 to %scan3A_64 step %scan3A_65  : i32 {
      %get3A = arith.index_cast %scan3A_181 : i32 to index
      %get3A_182 = arith.constant 0 : index
      %get3A_183 = tpu.vector_load %arg23[%get3A, %get3A_182] {strides = array<i32>} : memref<16x16xi32, #tpu.memory_space<vmem>>, vector<1x16xi32>,
      %get3A_184 = vector.shape_cast %get3A_183 : vector<1x16xi32> to vector<16xi32>
      %shift_right_arithmetic3A = arith.constant 4 : i32
      %shift_right_arithmetic3A_185 = vector.broadcast %shift_right_arithmetic3A : i32 to vector<16xi32>
      %shift_right_arithmetic3A_186 = arith.shrsi %get3A_184, %shift_right_arithmetic3A_185 : vector<16xi32>
      %scan3A_187 = arith.constant 0 : i32
      %scan3A_188 = arith.constant 62 : i32
      %scan3A_189 = arith.addi %scan3A_187, %scan3A_188 : i32
      %scan3A_190 = arith.constant 1 : i32
      %scan3A_191:5 = scf.for %scan3A_238 = %scan3A_187 to %scan3A_189 step %scan3A_190 iter_args(%scan3A_239 = %broadcast_in_dim3A_5, %scan3A_240 = %broadcast_in_dim3A_5, %scan3A_241 = %broadcast_in_dim3A_3, %scan3A_242 = %broadcast_in_dim3A_3, %scan3A_243 = %broadcast_in_dim3A_3) -> (vector<16xf32>, vector<16xf32>, vector<16xf32>, vector<16xf32>, vector<16xf32>)  : i32 {
        %mul3A_244 = arith.constant 16 : i32
        %mul3A_245 = arith.muli %scan3A_238, %mul3A_244 : i32
        %multiple_of3A_246 = tpu.assume_multiple %mul3A_245, 16 : i32
        %get3A_247 = arith.index_cast %scan3A_181 : i32 to index
        %get3A_248 = arith.index_cast %multiple_of3A_246 : i32 to index
        %get3A_249 = tpu.vector_load %arg21[%get3A_247, %get3A_248] {strides = array<i32>} : memref<16x1000xf32, #tpu.memory_space<vmem>>, vector<1x16xf32>,
        %get3A_250 = vector.shape_cast %get3A_249 : vector<1x16xf32> to vector<16xf32>
        %mul3A_251 = arith.constant 0.142857149 : f32
        %mul3A_252 = vector.broadcast %mul3A_251 : f32 to vector<16xf32>
        %mul3A_253 = arith.mulf %get3A_250, %mul3A_252 : vector<16xf32>
        %get3A_254 = arith.index_cast %scan3A_181 : i32 to index
        %get3A_255 = arith.index_cast %multiple_of3A_246 : i32 to index
        %get3A_256 = tpu.vector_load %arg22[%get3A_254, %get3A_255] {strides = array<i32>} : memref<16x1000xf32, #tpu.memory_space<vmem>>, vector<1x16xf32>,
        %get3A_257 = vector.shape_cast %get3A_256 : vector<1x16xf32> to vector<16xf32>
        %eq3A_258 = vector.broadcast %scan3A_238 : i32 to vector<16xi32>
        %eq3A_259 = arith.cmpi eq, %shift_right_arithmetic3A_186, %eq3A_258 : vector<16xi32>
        %select_n3A_260 = arith.select %eq3A_259, %mul3A_253, %scan3A_243 : vector<16xi1>, vector<16xf32>
        %mul3A_261 = arith.constant 5.000000e-02 : f32
        %mul3A_262 = vector.broadcast %mul3A_261 : f32 to vector<16xf32>
        %mul3A_263 = arith.mulf %mul3A_253, %mul3A_262 : vector<16xf32>
        %exp3A_264 = math.exp %mul3A_263 : vector<16xf32>
        %max3A_265 = arith.maximumf %scan3A_239, %mul3A_253 : vector<16xf32>
        %min3A_266 = arith.minimumf %scan3A_239, %mul3A_253 : vector<16xf32>
        %max3A_267 = arith.maximumf %scan3A_240, %min3A_266 : vector<16xf32>
        %add3A_268 = arith.addf %scan3A_241, %exp3A_264 : vector<16xf32>
        %mul3A_269 = arith.mulf %exp3A_264, %get3A_257 : vector<16xf32>
        %add3A_270 = arith.addf %scan3A_242, %mul3A_269 : vector<16xf32>
        scf.yield %max3A_265, %max3A_267, %add3A_268, %add3A_270, %select_n3A_260 : vector<16xf32>, vector<16xf32>, vector<16xf32>, vector<16xf32>, vector<16xf32>
      }
      %scan3A_192 = arith.constant 62 : i32
      %get3A_193 = arith.index_cast %scan3A_181 : i32 to index
      %get3A_194 = arith.constant 984 : index
      %get3A_195 = tpu.vector_load %arg21[%get3A_193, %get3A_194] {strides = array<i32>} : memref<16x1000xf32, #tpu.memory_space<vmem>>, vector<1x16xf32>,
      %get3A_196 = vector.shape_cast %get3A_195 : vector<1x16xf32> to vector<16xf32>
      %mul3A_197 = arith.constant 0.142857149 : f32
      %mul3A_198 = vector.broadcast %mul3A_197 : f32 to vector<16xf32>
      %mul3A_199 = arith.mulf %get3A_196, %mul3A_198 : vector<16xf32>
      %eq3A = arith.constant 62 : i32
      %eq3A_200 = vector.broadcast %eq3A : i32 to vector<16xi32>
      %eq3A_201 = arith.cmpi eq, %shift_right_arithmetic3A_186, %eq3A_200 : vector<16xi32>
      %select_n3A = arith.select %eq3A_201, %mul3A_199, %scan3A_191#4 : vector<16xi1>, vector<16xf32>
      %jit3A = arith.constant -1.000000e+30 : f32
      %broadcast_in_dim3A_202 = vector.broadcast %jit3A : f32 to vector<16xf32>
      %select_n3A_203 = arith.select %ge3A_2, %mul3A_199, %broadcast_in_dim3A_202 : vector<16xi1>, vector<16xf32>
      %get3A_204 = arith.index_cast %scan3A_181 : i32 to index
      %get3A_205 = arith.constant 984 : index
      %get3A_206 = tpu.vector_load %arg22[%get3A_204, %get3A_205] {strides = array<i32>} : memref<16x1000xf32, #tpu.memory_space<vmem>>, vector<1x16xf32>,
      %get3A_207 = vector.shape_cast %get3A_206 : vector<1x16xf32> to vector<16xf32>
      %mul3A_208 = arith.constant 5.000000e-02 : f32
      %mul3A_209 = vector.broadcast %mul3A_208 : f32 to vector<16xf32>
      %mul3A_210 = arith.mulf %select_n3A_203, %mul3A_209 : vector<16xf32>
      %exp3A = math.exp %mul3A_210 : vector<16xf32>
      %max3A = arith.maximumf %scan3A_191#0, %select_n3A_203 : vector<16xf32>
      %min3A = arith.minimumf %scan3A_191#0, %select_n3A_203 : vector<16xf32>
      %max3A_211 = arith.maximumf %scan3A_191#1, %min3A : vector<16xf32>
      %add3A_212 = arith.addf %scan3A_191#2, %exp3A : vector<16xf32>
      %mul3A_213 = arith.mulf %exp3A, %get3A_207 : vector<16xf32>
      %add3A_214 = arith.addf %scan3A_191#3, %mul3A_213 : vector<16xf32>
      %add3A_215 = arith.constant 112 : i32
      %add3A_216 = arith.addi %add3A_215, %scan3A_181 : i32
      %mul3A_217 = arith.constant 16 : i32
      %mul3A_218 = arith.muli %add3A_216, %mul3A_217 : i32
      %multiple_of3A = tpu.assume_multiple %mul3A_218, 16 : i32
      %swap3A = arith.index_cast %multiple_of3A : i32 to index
      %swap3A_219 = tpu.vector_load %arg24[%swap3A] {strides = array<i32>} : memref<2048xf32, #tpu.memory_space<vmem>>, vector<16xf32>,
      %swap3A_220 = vector.shape_cast %swap3A_219 : vector<16xf32> to vector<16xf32>
      %swap3A_221 = vector.shape_cast %max3A : vector<16xf32> to vector<16xf32>
      tpu.vector_store %arg24[%swap3A], %swap3A_221 {strides = array<i32>} : memref<2048xf32, #tpu.memory_space<vmem>>, vector<16xf32>,
      %swap3A_222 = arith.index_cast %multiple_of3A : i32 to index
      %swap3A_223 = tpu.vector_load %arg25[%swap3A_222] {strides = array<i32>} : memref<2048xf32, #tpu.memory_space<vmem>>, vector<16xf32>,
      %swap3A_224 = vector.shape_cast %swap3A_223 : vector<16xf32> to vector<16xf32>
      %swap3A_225 = vector.shape_cast %max3A_211 : vector<16xf32> to vector<16xf32>
      tpu.vector_store %arg25[%swap3A_222], %swap3A_225 {strides = array<i32>} : memref<2048xf32, #tpu.memory_space<vmem>>, vector<16xf32>,
      %swap3A_226 = arith.index_cast %multiple_of3A : i32 to index
      %swap3A_227 = tpu.vector_load %arg26[%swap3A_226] {strides = array<i32>} : memref<2048xf32, #tpu.memory_space<vmem>>, vector<16xf32>,
      %swap3A_228 = vector.shape_cast %swap3A_227 : vector<16xf32> to vector<16xf32>
      %swap3A_229 = vector.shape_cast %add3A_212 : vector<16xf32> to vector<16xf32>
      tpu.vector_store %arg26[%swap3A_226], %swap3A_229 {strides = array<i32>} : memref<2048xf32, #tpu.memory_space<vmem>>, vector<16xf32>,
      %swap3A_230 = arith.index_cast %multiple_of3A : i32 to index
      %swap3A_231 = tpu.vector_load %arg27[%swap3A_230] {strides = array<i32>} : memref<2048xf32, #tpu.memory_space<vmem>>, vector<16xf32>,
      %swap3A_232 = vector.shape_cast %swap3A_231 : vector<16xf32> to vector<16xf32>
      %swap3A_233 = vector.shape_cast %add3A_214 : vector<16xf32> to vector<16xf32>
      tpu.vector_store %arg27[%swap3A_230], %swap3A_233 {strides = array<i32>} : memref<2048xf32, #tpu.memory_space<vmem>>, vector<16xf32>,
      %swap3A_234 = arith.index_cast %multiple_of3A : i32 to index
      %swap3A_235 = tpu.vector_load %arg28[%swap3A_234] {strides = array<i32>} : memref<2048xf32, #tpu.memory_space<vmem>>, vector<16xf32>,
      %swap3A_236 = vector.shape_cast %swap3A_235 : vector<16xf32> to vector<16xf32>
      %swap3A_237 = vector.shape_cast %select_n3A : vector<16xf32> to vector<16xf32>
      tpu.vector_store %arg28[%swap3A_234], %swap3A_237 {strides = array<i32>} : memref<2048xf32, #tpu.memory_space<vmem>>, vector<16xf32>,
    }
    %scan3A_66 = arith.constant 16 : i32
    %mul3A_67 = arith.constant 8 : i32
    %mul3A_68 = arith.muli %mul3A_11, %mul3A_67 : i32
    %mul3A_69 = arith.constant 16 : i32
    %mul3A_70 = arith.muli %mul3A_68, %mul3A_69 : i32
    "tpu.region"() ({
      %run_scoped3A = tpu.sem_alloc : memref<!tpu.dma_semaphore, #tpu.memory_space<semaphore_mem>>
      %dma_start3A = tpu.memref_slice %arg11[%mul3A_70] : memref<131072xf32, #tpu.memory_space<hbm>> -> memref<2048xf32, #tpu.memory_space<hbm>>
      %dma_start3A_181 = tpu.memref_slice %arg11[%mul3A_70] : memref<131072xf32, #tpu.memory_space<hbm>> -> memref<2048xf32, #tpu.memory_space<hbm>>
      tpu.enqueue_dma source(%arg24 : memref<2048xf32, #tpu.memory_space<vmem>>) target(%dma_start3A_181 : memref<2048xf32, #tpu.memory_space<hbm>>) target_semaphore(%run_scoped3A : memref<!tpu.dma_semaphore, #tpu.memory_space<semaphore_mem>>)
      %dma_wait3A = tpu.memref_slice %arg11[%mul3A_70] : memref<131072xf32, #tpu.memory_space<hbm>> -> memref<2048xf32, #tpu.memory_space<hbm>>
      %dma_wait3A_182 = tpu.memref_slice %arg11[%mul3A_70] : memref<131072xf32, #tpu.memory_space<hbm>> -> memref<2048xf32, #tpu.memory_space<hbm>>
      tpu.wait_dma2 semaphore(%run_scoped3A : memref<!tpu.dma_semaphore, #tpu.memory_space<semaphore_mem>>) src(%arg24 : memref<2048xf32, #tpu.memory_space<vmem>>) dst(%dma_wait3A_182 : memref<2048xf32, #tpu.memory_space<hbm>>)
      tpu.yield
    }) : () -> ()
    %mul3A_71 = arith.constant 8 : i32
    %mul3A_72 = arith.muli %mul3A_11, %mul3A_71 : i32
    %mul3A_73 = arith.constant 16 : i32
    %mul3A_74 = arith.muli %mul3A_72, %mul3A_73 : i32
    "tpu.region"() ({
      %run_scoped3A = tpu.sem_alloc : memref<!tpu.dma_semaphore, #tpu.memory_space<semaphore_mem>>
      %dma_start3A = tpu.memref_slice %arg12[%mul3A_74] : memref<131072xf32, #tpu.memory_space<hbm>> -> memref<2048xf32, #tpu.memory_space<hbm>>
      %dma_start3A_181 = tpu.memref_slice %arg12[%mul3A_74] : memref<131072xf32, #tpu.memory_space<hbm>> -> memref<2048xf32, #tpu.memory_space<hbm>>
      tpu.enqueue_dma source(%arg25 : memref<2048xf32, #tpu.memory_space<vmem>>) target(%dma_start3A_181 : memref<2048xf32, #tpu.memory_space<hbm>>) target_semaphore(%run_scoped3A : memref<!tpu.dma_semaphore, #tpu.memory_space<semaphore_mem>>)
      %dma_wait3A = tpu.memref_slice %arg12[%mul3A_74] : memref<131072xf32, #tpu.memory_space<hbm>> -> memref<2048xf32, #tpu.memory_space<hbm>>
      %dma_wait3A_182 = tpu.memref_slice %arg12[%mul3A_74] : memref<131072xf32, #tpu.memory_space<hbm>> -> memref<2048xf32, #tpu.memory_space<hbm>>
      tpu.wait_dma2 semaphore(%run_scoped3A : memref<!tpu.dma_semaphore, #tpu.memory_space<semaphore_mem>>) src(%arg25 : memref<2048xf32, #tpu.memory_space<vmem>>) dst(%dma_wait3A_182 : memref<2048xf32, #tpu.memory_space<hbm>>)
      tpu.yield
    }) : () -> ()
    %mul3A_75 = arith.constant 8 : i32
    %mul3A_76 = arith.muli %mul3A_11, %mul3A_75 : i32
    %mul3A_77 = arith.constant 16 : i32
    %mul3A_78 = arith.muli %mul3A_76, %mul3A_77 : i32
    "tpu.region"() ({
      %run_scoped3A = tpu.sem_alloc : memref<!tpu.dma_semaphore, #tpu.memory_space<semaphore_mem>>
      %dma_start3A = tpu.memref_slice %arg13[%mul3A_78] : memref<131072xf32, #tpu.memory_space<hbm>> -> memref<2048xf32, #tpu.memory_space<hbm>>
      %dma_start3A_181 = tpu.memref_slice %arg13[%mul3A_78] : memref<131072xf32, #tpu.memory_space<hbm>> -> memref<2048xf32, #tpu.memory_space<hbm>>
      tpu.enqueue_dma source(%arg26 : memref<2048xf32, #tpu.memory_space<vmem>>) target(%dma_start3A_181 : memref<2048xf32, #tpu.memory_space<hbm>>) target_semaphore(%run_scoped3A : memref<!tpu.dma_semaphore, #tpu.memory_space<semaphore_mem>>)
      %dma_wait3A = tpu.memref_slice %arg13[%mul3A_78] : memref<131072xf32, #tpu.memory_space<hbm>> -> memref<2048xf32, #tpu.memory_space<hbm>>
      %dma_wait3A_182 = tpu.memref_slice %arg13[%mul3A_78] : memref<131072xf32, #tpu.memory_space<hbm>> -> memref<2048xf32, #tpu.memory_space<hbm>>
      tpu.wait_dma2 semaphore(%run_scoped3A : memref<!tpu.dma_semaphore, #tpu.memory_space<semaphore_mem>>) src(%arg26 : memref<2048xf32, #tpu.memory_space<vmem>>) dst(%dma_wait3A_182 : memref<2048xf32, #tpu.memory_space<hbm>>)
      tpu.yield
    }) : () -> ()
    %mul3A_79 = arith.constant 8 : i32
    %mul3A_80 = arith.muli %mul3A_11, %mul3A_79 : i32
    %mul3A_81 = arith.constant 16 : i32
    %mul3A_82 = arith.muli %mul3A_80, %mul3A_81 : i32
    "tpu.region"() ({
      %run_scoped3A = tpu.sem_alloc : memref<!tpu.dma_semaphore, #tpu.memory_space<semaphore_mem>>
      %dma_start3A = tpu.memref_slice %arg14[%mul3A_82] : memref<131072xf32, #tpu.memory_space<hbm>> -> memref<2048xf32, #tpu.memory_space<hbm>>
      %dma_start3A_181 = tpu.memref_slice %arg14[%mul3A_82] : memref<131072xf32, #tpu.memory_space<hbm>> -> memref<2048xf32, #tpu.memory_space<hbm>>
      tpu.enqueue_dma source(%arg27 : memref<2048xf32, #tpu.memory_space<vmem>>) target(%dma_start3A_181 : memref<2048xf32, #tpu.memory_space<hbm>>) target_semaphore(%run_scoped3A : memref<!tpu.dma_semaphore, #tpu.memory_space<semaphore_mem>>)
      %dma_wait3A = tpu.memref_slice %arg14[%mul3A_82] : memref<131072xf32, #tpu.memory_space<hbm>> -> memref<2048xf32, #tpu.memory_space<hbm>>
      %dma_wait3A_182 = tpu.memref_slice %arg14[%mul3A_82] : memref<131072xf32, #tpu.memory_space<hbm>> -> memref<2048xf32, #tpu.memory_space<hbm>>
      tpu.wait_dma2 semaphore(%run_scoped3A : memref<!tpu.dma_semaphore, #tpu.memory_space<semaphore_mem>>) src(%arg27 : memref<2048xf32, #tpu.memory_space<vmem>>) dst(%dma_wait3A_182 : memref<2048xf32, #tpu.memory_space<hbm>>)
      tpu.yield
    }) : () -> ()
    %mul3A_83 = arith.constant 8 : i32
    %mul3A_84 = arith.muli %mul3A_11, %mul3A_83 : i32
    %mul3A_85 = arith.constant 16 : i32
    %mul3A_86 = arith.muli %mul3A_84, %mul3A_85 : i32
    "tpu.region"() ({
      %run_scoped3A = tpu.sem_alloc : memref<!tpu.dma_semaphore, #tpu.memory_space<semaphore_mem>>
      %dma_start3A = tpu.memref_slice %arg15[%mul3A_86] : memref<131072xf32, #tpu.memory_space<hbm>> -> memref<2048xf32, #tpu.memory_space<hbm>>
      %dma_start3A_181 = tpu.memref_slice %arg15[%mul3A_86] : memref<131072xf32, #tpu.memory_space<hbm>> -> memref<2048xf32, #tpu.memory_space<hbm>>
      tpu.enqueue_dma source(%arg28 : memref<2048xf32, #tpu.memory_space<vmem>>) target(%dma_start3A_181 : memref<2048xf32, #tpu.memory_space<hbm>>) target_semaphore(%run_scoped3A : memref<!tpu.dma_semaphore, #tpu.memory_space<semaphore_mem>>)
      %dma_wait3A = tpu.memref_slice %arg15[%mul3A_86] : memref<131072xf32, #tpu.memory_space<hbm>> -> memref<2048xf32, #tpu.memory_space<hbm>>
      %dma_wait3A_182 = tpu.memref_slice %arg15[%mul3A_86] : memref<131072xf32, #tpu.memory_space<hbm>> -> memref<2048xf32, #tpu.memory_space<hbm>>
      tpu.wait_dma2 semaphore(%run_scoped3A : memref<!tpu.dma_semaphore, #tpu.memory_space<semaphore_mem>>) src(%arg28 : memref<2048xf32, #tpu.memory_space<vmem>>) dst(%dma_wait3A_182 : memref<2048xf32, #tpu.memory_space<hbm>>)
      tpu.yield
    }) : () -> ()
    %mul3A_87 = arith.constant 16 : i32
    %mul3A_88 = arith.muli %mul3A_11, %mul3A_87 : i32
    "tpu.region"() ({
      %run_scoped3A = tpu.sem_alloc : memref<!tpu.dma_semaphore, #tpu.memory_space<semaphore_mem>>
      %dma_start3A = tpu.memref_slice %arg16[%mul3A_88] : memref<16384xf32, #tpu.memory_space<hbm>> -> memref<256xf32, #tpu.memory_space<hbm>>
      %dma_start3A_181 = tpu.memref_slice %arg16[%mul3A_88] : memref<16384xf32, #tpu.memory_space<hbm>> -> memref<256xf32, #tpu.memory_space<hbm>>
      tpu.enqueue_dma source(%arg29 : memref<256xf32, #tpu.memory_space<vmem>>) target(%dma_start3A_181 : memref<256xf32, #tpu.memory_space<hbm>>) target_semaphore(%run_scoped3A : memref<!tpu.dma_semaphore, #tpu.memory_space<semaphore_mem>>)
      %dma_wait3A = tpu.memref_slice %arg16[%mul3A_88] : memref<16384xf32, #tpu.memory_space<hbm>> -> memref<256xf32, #tpu.memory_space<hbm>>
      %dma_wait3A_182 = tpu.memref_slice %arg16[%mul3A_88] : memref<16384xf32, #tpu.memory_space<hbm>> -> memref<256xf32, #tpu.memory_space<hbm>>
      tpu.wait_dma2 semaphore(%run_scoped3A : memref<!tpu.dma_semaphore, #tpu.memory_space<semaphore_mem>>) src(%arg29 : memref<256xf32, #tpu.memory_space<vmem>>) dst(%dma_wait3A_182 : memref<256xf32, #tpu.memory_space<hbm>>)
      tpu.yield
    }) : () -> ()
    %mul3A_89 = arith.constant 16 : i32
    %mul3A_90 = arith.muli %mul3A_11, %mul3A_89 : i32
    "tpu.region"() ({
      %run_scoped3A = tpu.sem_alloc : memref<!tpu.dma_semaphore, #tpu.memory_space<semaphore_mem>>
      %dma_start3A = tpu.memref_slice %arg17[%mul3A_90] : memref<16384xf32, #tpu.memory_space<hbm>> -> memref<256xf32, #tpu.memory_space<hbm>>
      %dma_start3A_181 = tpu.memref_slice %arg17[%mul3A_90] : memref<16384xf32, #tpu.memory_space<hbm>> -> memref<256xf32, #tpu.memory_space<hbm>>
      tpu.enqueue_dma source(%arg30 : memref<256xf32, #tpu.memory_space<vmem>>) target(%dma_start3A_181 : memref<256xf32, #tpu.memory_space<hbm>>) target_semaphore(%run_scoped3A : memref<!tpu.dma_semaphore, #tpu.memory_space<semaphore_mem>>)
      %dma_wait3A = tpu.memref_slice %arg17[%mul3A_90] : memref<16384xf32, #tpu.memory_space<hbm>> -> memref<256xf32, #tpu.memory_space<hbm>>
      %dma_wait3A_182 = tpu.memref_slice %arg17[%mul3A_90] : memref<16384xf32, #tpu.memory_space<hbm>> -> memref<256xf32, #tpu.memory_space<hbm>>
      tpu.wait_dma2 semaphore(%run_scoped3A : memref<!tpu.dma_semaphore, #tpu.memory_space<semaphore_mem>>) src(%arg30 : memref<256xf32, #tpu.memory_space<vmem>>) dst(%dma_wait3A_182 : memref<256xf32, #tpu.memory_space<hbm>>)
      tpu.yield
    }) : () -> ()
    %mul3A_91 = arith.constant 16 : i32
    %mul3A_92 = arith.muli %mul3A_11, %mul3A_91 : i32
    "tpu.region"() ({
      %run_scoped3A = tpu.sem_alloc : memref<!tpu.dma_semaphore, #tpu.memory_space<semaphore_mem>>
      %dma_start3A = tpu.memref_slice %arg18[%mul3A_92] : memref<16384xf32, #tpu.memory_space<hbm>> -> memref<256xf32, #tpu.memory_space<hbm>>
      %dma_start3A_181 = tpu.memref_slice %arg18[%mul3A_92] : memref<16384xf32, #tpu.memory_space<hbm>> -> memref<256xf32, #tpu.memory_space<hbm>>
      tpu.enqueue_dma source(%arg31 : memref<256xf32, #tpu.memory_space<vmem>>) target(%dma_start3A_181 : memref<256xf32, #tpu.memory_space<hbm>>) target_semaphore(%run_scoped3A : memref<!tpu.dma_semaphore, #tpu.memory_space<semaphore_mem>>)
      %dma_wait3A = tpu.memref_slice %arg18[%mul3A_92] : memref<16384xf32, #tpu.memory_space<hbm>> -> memref<256xf32, #tpu.memory_space<hbm>>
      %dma_wait3A_182 = tpu.memref_slice %arg18[%mul3A_92] : memref<16384xf32, #tpu.memory_space<hbm>> -> memref<256xf32, #tpu.memory_space<hbm>>
      tpu.wait_dma2 semaphore(%run_scoped3A : memref<!tpu.dma_semaphore, #tpu.memory_space<semaphore_mem>>) src(%arg31 : memref<256xf32, #tpu.memory_space<vmem>>) dst(%dma_wait3A_182 : memref<256xf32, #tpu.memory_space<hbm>>)
      tpu.yield
    }) : () -> ()
    %mul3A_93 = arith.constant 2 : i32
    %mul3A_94 = arith.muli %add3A, %mul3A_93 : i32
    %add3A_95 = arith.constant 1 : i32
    %add3A_96 = arith.addi %mul3A_94, %add3A_95 : i32
    %mul3A_97 = arith.constant 16 : i32
    %mul3A_98 = arith.muli %add3A_96, %mul3A_97 : i32
    %add3A_99 = arith.constant 3072 : i32
    %add3A_100 = arith.addi %add3A_99, %mul3A_98 : i32
    "tpu.region"() ({
      %run_scoped3A = tpu.sem_alloc : memref<!tpu.dma_semaphore, #tpu.memory_space<semaphore_mem>>
      %dma_start3A = arith.constant 0 : i32
      %dma_start3A_181 = tpu.memref_slice %arg9[%add3A_100, %dma_start3A] : memref<4096x1000xf32, #tpu.memory_space<hbm>> -> memref<16x1000xf32, #tpu.memory_space<hbm>>
      %dma_start3A_182 = arith.constant 0 : i32
      %dma_start3A_183 = tpu.memref_slice %arg9[%add3A_100, %dma_start3A_182] : memref<4096x1000xf32, #tpu.memory_space<hbm>> -> memref<16x1000xf32, #tpu.memory_space<hbm>>
      tpu.enqueue_dma source(%dma_start3A_183 : memref<16x1000xf32, #tpu.memory_space<hbm>>) target(%arg19 : memref<16x1000xf32, #tpu.memory_space<vmem>>) target_semaphore(%run_scoped3A : memref<!tpu.dma_semaphore, #tpu.memory_space<semaphore_mem>>)
      %dma_wait3A = arith.constant 0 : i32
      %dma_wait3A_184 = tpu.memref_slice %arg9[%add3A_100, %dma_wait3A] : memref<4096x1000xf32, #tpu.memory_space<hbm>> -> memref<16x1000xf32, #tpu.memory_space<hbm>>
      %dma_wait3A_185 = arith.constant 0 : i32
      %dma_wait3A_186 = tpu.memref_slice %arg9[%add3A_100, %dma_wait3A_185] : memref<4096x1000xf32, #tpu.memory_space<hbm>> -> memref<16x1000xf32, #tpu.memory_space<hbm>>
      tpu.wait_dma2 semaphore(%run_scoped3A : memref<!tpu.dma_semaphore, #tpu.memory_space<semaphore_mem>>) src(%dma_wait3A_186 : memref<16x1000xf32, #tpu.memory_space<hbm>>) dst(%arg19 : memref<16x1000xf32, #tpu.memory_space<vmem>>)
      tpu.yield
    }) : () -> ()
    "tpu.region"() ({
      %run_scoped3A = tpu.sem_alloc : memref<!tpu.dma_semaphore, #tpu.memory_space<semaphore_mem>>
      %dma_start3A = arith.constant 0 : i32
      %dma_start3A_181 = tpu.memref_slice %arg10[%mul3A_98, %dma_start3A] : memref<1024x16xi32, #tpu.memory_space<hbm>> -> memref<16x16xi32, #tpu.memory_space<hbm>>
      %dma_start3A_182 = arith.constant 0 : i32
      %dma_start3A_183 = tpu.memref_slice %arg10[%mul3A_98, %dma_start3A_182] : memref<1024x16xi32, #tpu.memory_space<hbm>> -> memref<16x16xi32, #tpu.memory_space<hbm>>
      tpu.enqueue_dma source(%dma_start3A_183 : memref<16x16xi32, #tpu.memory_space<hbm>>) target(%arg23 : memref<16x16xi32, #tpu.memory_space<vmem>>) target_semaphore(%run_scoped3A : memref<!tpu.dma_semaphore, #tpu.memory_space<semaphore_mem>>)
      %dma_wait3A = arith.constant 0 : i32
      %dma_wait3A_184 = tpu.memref_slice %arg10[%mul3A_98, %dma_wait3A] : memref<1024x16xi32, #tpu.memory_space<hbm>> -> memref<16x16xi32, #tpu.memory_space<hbm>>
      %dma_wait3A_185 = arith.constant 0 : i32
      %dma_wait3A_186 = tpu.memref_slice %arg10[%mul3A_98, %dma_wait3A_185] : memref<1024x16xi32, #tpu.memory_space<hbm>> -> memref<16x16xi32, #tpu.memory_space<hbm>>
      tpu.wait_dma2 semaphore(%run_scoped3A : memref<!tpu.dma_semaphore, #tpu.memory_space<semaphore_mem>>) src(%dma_wait3A_186 : memref<16x16xi32, #tpu.memory_space<hbm>>) dst(%arg23 : memref<16x16xi32, #tpu.memory_space<vmem>>)
      tpu.yield
    }) : () -> ()
    %scan3A_101 = arith.constant 0 : i32
    %scan3A_102 = arith.constant 0 : i32
    %scan3A_103 = arith.constant 16 : i32
    %scan3A_104 = arith.addi %scan3A_102, %scan3A_103 : i32
    %scan3A_105 = arith.constant 1 : i32
    scf.for %scan3A_181 = %scan3A_102 to %scan3A_104 step %scan3A_105  : i32 {
      %get3A = arith.index_cast %scan3A_181 : i32 to index
      %get3A_182 = arith.constant 0 : index
      %get3A_183 = tpu.vector_load %arg23[%get3A, %get3A_182] {strides = array<i32>} : memref<16x16xi32, #tpu.memory_space<vmem>>, vector<1x16xi32>,
      %get3A_184 = vector.shape_cast %get3A_183 : vector<1x16xi32> to vector<16xi32>
      %shift_right_arithmetic3A = arith.constant 4 : i32
      %shift_right_arithmetic3A_185 = vector.broadcast %shift_right_arithmetic3A : i32 to vector<16xi32>
      %shift_right_arithmetic3A_186 = arith.shrsi %get3A_184, %shift_right_arithmetic3A_185 : vector<16xi32>
      %scan3A_187 = arith.constant 0 : i32
      %scan3A_188 = arith.constant 62 : i32
      %scan3A_189 = arith.addi %scan3A_187, %scan3A_188 : i32
      %scan3A_190 = arith.constant 1 : i32
      %scan3A_191:3 = scf.for %scan3A_231 = %scan3A_187 to %scan3A_189 step %scan3A_190 iter_args(%scan3A_232 = %broadcast_in_dim3A_3, %scan3A_233 = %broadcast_in_dim3A_3, %scan3A_234 = %broadcast_in_dim3A_3) -> (vector<16xf32>, vector<16xf32>, vector<16xf32>)  : i32 {
        %mul3A_235 = arith.constant 16 : i32
        %mul3A_236 = arith.muli %scan3A_231, %mul3A_235 : i32
        %multiple_of3A_237 = tpu.assume_multiple %mul3A_236, 16 : i32
        %get3A_238 = arith.index_cast %scan3A_181 : i32 to index
        %get3A_239 = arith.index_cast %multiple_of3A_237 : i32 to index
        %get3A_240 = tpu.vector_load %arg19[%get3A_238, %get3A_239] {strides = array<i32>} : memref<16x1000xf32, #tpu.memory_space<vmem>>, vector<1x16xf32>,
        %get3A_241 = vector.shape_cast %get3A_240 : vector<1x16xf32> to vector<16xf32>
        %mul3A_242 = arith.constant 5.000000e-02 : f32
        %mul3A_243 = vector.broadcast %mul3A_242 : f32 to vector<16xf32>
        %mul3A_244 = arith.mulf %get3A_241, %mul3A_243 : vector<16xf32>
        %swap3A_245 = arith.index_cast %scan3A_181 : i32 to index
        %swap3A_246 = arith.index_cast %multiple_of3A_237 : i32 to index
        %swap3A_247 = tpu.vector_load %arg22[%swap3A_245, %swap3A_246] {strides = array<i32>} : memref<16x1000xf32, #tpu.memory_space<vmem>>, vector<1x16xf32>,
        %swap3A_248 = vector.shape_cast %swap3A_247 : vector<1x16xf32> to vector<16xf32>
        %swap3A_249 = vector.shape_cast %mul3A_244 : vector<16xf32> to vector<1x16xf32>
        tpu.vector_store %arg22[%swap3A_245, %swap3A_246], %swap3A_249 {strides = array<i32>} : memref<16x1000xf32, #tpu.memory_space<vmem>>, vector<1x16xf32>,
        %exp3A_250 = math.exp %get3A_241 : vector<16xf32>
        %add3A_251 = arith.addf %scan3A_232, %exp3A_250 : vector<16xf32>
        %exp3A_252 = math.exp %mul3A_244 : vector<16xf32>
        %add3A_253 = arith.addf %scan3A_233, %exp3A_252 : vector<16xf32>
        %eq3A_254 = vector.broadcast %scan3A_231 : i32 to vector<16xi32>
        %eq3A_255 = arith.cmpi eq, %shift_right_arithmetic3A_186, %eq3A_254 : vector<16xi32>
        %select_n3A_256 = arith.select %eq3A_255, %get3A_241, %scan3A_234 : vector<16xi1>, vector<16xf32>
        scf.yield %add3A_251, %add3A_253, %select_n3A_256 : vector<16xf32>, vector<16xf32>, vector<16xf32>
      }
      %scan3A_192 = arith.constant 62 : i32
      %get3A_193 = arith.index_cast %scan3A_181 : i32 to index
      %get3A_194 = arith.constant 984 : index
      %get3A_195 = tpu.vector_load %arg19[%get3A_193, %get3A_194] {strides = array<i32>} : memref<16x1000xf32, #tpu.memory_space<vmem>>, vector<1x16xf32>,
      %get3A_196 = vector.shape_cast %get3A_195 : vector<1x16xf32> to vector<16xf32>
      %mul3A_197 = arith.constant 5.000000e-02 : f32
      %mul3A_198 = vector.broadcast %mul3A_197 : f32 to vector<16xf32>
      %mul3A_199 = arith.mulf %get3A_196, %mul3A_198 : vector<16xf32>
      %swap3A = arith.index_cast %scan3A_181 : i32 to index
      %swap3A_200 = arith.constant 984 : index
      %swap3A_201 = tpu.vector_load %arg22[%swap3A, %swap3A_200] {strides = array<i32>} : memref<16x1000xf32, #tpu.memory_space<vmem>>, vector<1x16xf32>,
      %swap3A_202 = vector.shape_cast %swap3A_201 : vector<1x16xf32> to vector<16xf32>
      %swap3A_203 = vector.shape_cast %mul3A_199 : vector<16xf32> to vector<1x16xf32>
      tpu.vector_store %arg22[%swap3A, %swap3A_200], %swap3A_203 {strides = array<i32>} : memref<16x1000xf32, #tpu.memory_space<vmem>>, vector<1x16xf32>,
      %eq3A = arith.constant 62 : i32
      %eq3A_204 = vector.broadcast %eq3A : i32 to vector<16xi32>
      %eq3A_205 = arith.cmpi eq, %shift_right_arithmetic3A_186, %eq3A_204 : vector<16xi32>
      %select_n3A = arith.select %eq3A_205, %get3A_196, %scan3A_191#2 : vector<16xi1>, vector<16xf32>
      %exp3A = math.exp %get3A_196 : vector<16xf32>
      %jit3A = arith.constant 0.000000e+00 : f32
      %broadcast_in_dim3A_206 = vector.broadcast %jit3A : f32 to vector<16xf32>
      %select_n3A_207 = arith.select %ge3A_2, %exp3A, %broadcast_in_dim3A_206 : vector<16xi1>, vector<16xf32>
      %add3A_208 = arith.addf %scan3A_191#0, %select_n3A_207 : vector<16xf32>
      %mul3A_209 = arith.constant 5.000000e-02 : f32
      %mul3A_210 = vector.broadcast %mul3A_209 : f32 to vector<16xf32>
      %mul3A_211 = arith.mulf %get3A_196, %mul3A_210 : vector<16xf32>
      %exp3A_212 = math.exp %mul3A_211 : vector<16xf32>
      %jit3A_213 = arith.constant 0.000000e+00 : f32
      %broadcast_in_dim3A_214 = vector.broadcast %jit3A_213 : f32 to vector<16xf32>
      %select_n3A_215 = arith.select %ge3A_2, %exp3A_212, %broadcast_in_dim3A_214 : vector<16xi1>, vector<16xf32>
      %add3A_216 = arith.addf %scan3A_191#1, %select_n3A_215 : vector<16xf32>
      %mul3A_217 = arith.constant 16 : i32
      %mul3A_218 = arith.muli %scan3A_181, %mul3A_217 : i32
      %multiple_of3A = tpu.assume_multiple %mul3A_218, 16 : i32
      %swap3A_219 = arith.index_cast %multiple_of3A : i32 to index
      %swap3A_220 = tpu.vector_load %arg30[%swap3A_219] {strides = array<i32>} : memref<256xf32, #tpu.memory_space<vmem>>, vector<16xf32>,
      %swap3A_221 = vector.shape_cast %swap3A_220 : vector<16xf32> to vector<16xf32>
      %swap3A_222 = vector.shape_cast %add3A_208 : vector<16xf32> to vector<16xf32>
      tpu.vector_store %arg30[%swap3A_219], %swap3A_222 {strides = array<i32>} : memref<256xf32, #tpu.memory_space<vmem>>, vector<16xf32>,
      %swap3A_223 = arith.index_cast %multiple_of3A : i32 to index
      %swap3A_224 = tpu.vector_load %arg31[%swap3A_223] {strides = array<i32>} : memref<256xf32, #tpu.memory_space<vmem>>, vector<16xf32>,
      %swap3A_225 = vector.shape_cast %swap3A_224 : vector<16xf32> to vector<16xf32>
      %swap3A_226 = vector.shape_cast %add3A_216 : vector<16xf32> to vector<16xf32>
      tpu.vector_store %arg31[%swap3A_223], %swap3A_226 {strides = array<i32>} : memref<256xf32, #tpu.memory_space<vmem>>, vector<16xf32>,
      %swap3A_227 = arith.index_cast %multiple_of3A : i32 to index
      %swap3A_228 = tpu.vector_load %arg29[%swap3A_227] {strides = array<i32>} : memref<256xf32, #tpu.memory_space<vmem>>, vector<16xf32>,
      %swap3A_229 = vector.shape_cast %swap3A_228 : vector<16xf32> to vector<16xf32>
      %swap3A_230 = vector.shape_cast %select_n3A : vector<16xf32> to vector<16xf32>
      tpu.vector_store %arg29[%swap3A_227], %swap3A_230 {strides = array<i32>} : memref<256xf32, #tpu.memory_space<vmem>>, vector<16xf32>,
    }
    %scan3A_106 = arith.constant 16 : i32
    "tpu.region"() ({
      %run_scoped3A = tpu.sem_alloc : memref<!tpu.dma_semaphore, #tpu.memory_space<semaphore_mem>>
      %dma_start3A = arith.constant 0 : i32
      %dma_start3A_181 = tpu.memref_slice %arg2[%add3A_100, %dma_start3A] : memref<4096x1000xf32, #tpu.memory_space<hbm>> -> memref<16x1000xf32, #tpu.memory_space<hbm>>
      %dma_start3A_182 = arith.constant 0 : i32
      %dma_start3A_183 = tpu.memref_slice %arg2[%add3A_100, %dma_start3A_182] : memref<4096x1000xf32, #tpu.memory_space<hbm>> -> memref<16x1000xf32, #tpu.memory_space<hbm>>
      tpu.enqueue_dma source(%dma_start3A_183 : memref<16x1000xf32, #tpu.memory_space<hbm>>) target(%arg20 : memref<16x1000xf32, #tpu.memory_space<vmem>>) target_semaphore(%run_scoped3A : memref<!tpu.dma_semaphore, #tpu.memory_space<semaphore_mem>>)
      %dma_wait3A = arith.constant 0 : i32
      %dma_wait3A_184 = tpu.memref_slice %arg2[%add3A_100, %dma_wait3A] : memref<4096x1000xf32, #tpu.memory_space<hbm>> -> memref<16x1000xf32, #tpu.memory_space<hbm>>
      %dma_wait3A_185 = arith.constant 0 : i32
      %dma_wait3A_186 = tpu.memref_slice %arg2[%add3A_100, %dma_wait3A_185] : memref<4096x1000xf32, #tpu.memory_space<hbm>> -> memref<16x1000xf32, #tpu.memory_space<hbm>>
      tpu.wait_dma2 semaphore(%run_scoped3A : memref<!tpu.dma_semaphore, #tpu.memory_space<semaphore_mem>>) src(%dma_wait3A_186 : memref<16x1000xf32, #tpu.memory_space<hbm>>) dst(%arg20 : memref<16x1000xf32, #tpu.memory_space<vmem>>)
      tpu.yield
    }) : () -> ()
    %scan3A_107 = arith.constant 0 : i32
    %scan3A_108 = arith.constant 0 : i32
    %scan3A_109 = arith.constant 16 : i32
    %scan3A_110 = arith.addi %scan3A_108, %scan3A_109 : i32
    %scan3A_111 = arith.constant 1 : i32
    scf.for %scan3A_181 = %scan3A_108 to %scan3A_110 step %scan3A_111  : i32 {
      %get3A = arith.index_cast %scan3A_181 : i32 to index
      %get3A_182 = arith.constant 0 : index
      %get3A_183 = tpu.vector_load %arg23[%get3A, %get3A_182] {strides = array<i32>} : memref<16x16xi32, #tpu.memory_space<vmem>>, vector<1x16xi32>,
      %get3A_184 = vector.shape_cast %get3A_183 : vector<1x16xi32> to vector<16xi32>
      %shift_right_arithmetic3A = arith.constant 4 : i32
      %shift_right_arithmetic3A_185 = vector.broadcast %shift_right_arithmetic3A : i32 to vector<16xi32>
      %shift_right_arithmetic3A_186 = arith.shrsi %get3A_184, %shift_right_arithmetic3A_185 : vector<16xi32>
      %scan3A_187 = arith.constant 0 : i32
      %scan3A_188 = arith.constant 62 : i32
      %scan3A_189 = arith.addi %scan3A_187, %scan3A_188 : i32
      %scan3A_190 = arith.constant 1 : i32
      %scan3A_191:5 = scf.for %scan3A_244 = %scan3A_187 to %scan3A_189 step %scan3A_190 iter_args(%scan3A_245 = %broadcast_in_dim3A_5, %scan3A_246 = %broadcast_in_dim3A_5, %scan3A_247 = %broadcast_in_dim3A_3, %scan3A_248 = %broadcast_in_dim3A_3, %scan3A_249 = %broadcast_in_dim3A_3) -> (vector<16xf32>, vector<16xf32>, vector<16xf32>, vector<16xf32>, vector<16xf32>)  : i32 {
        %mul3A_250 = arith.constant 16 : i32
        %mul3A_251 = arith.muli %scan3A_244, %mul3A_250 : i32
        %multiple_of3A_252 = tpu.assume_multiple %mul3A_251, 16 : i32
        %get3A_253 = arith.index_cast %scan3A_181 : i32 to index
        %get3A_254 = arith.index_cast %multiple_of3A_252 : i32 to index
        %get3A_255 = tpu.vector_load %arg20[%get3A_253, %get3A_254] {strides = array<i32>} : memref<16x1000xf32, #tpu.memory_space<vmem>>, vector<1x16xf32>,
        %get3A_256 = vector.shape_cast %get3A_255 : vector<1x16xf32> to vector<16xf32>
        %swap3A_257 = arith.index_cast %scan3A_181 : i32 to index
        %swap3A_258 = arith.index_cast %multiple_of3A_252 : i32 to index
        %swap3A_259 = tpu.vector_load %arg21[%swap3A_257, %swap3A_258] {strides = array<i32>} : memref<16x1000xf32, #tpu.memory_space<vmem>>, vector<1x16xf32>,
        %swap3A_260 = vector.shape_cast %swap3A_259 : vector<1x16xf32> to vector<16xf32>
        %swap3A_261 = vector.shape_cast %get3A_256 : vector<16xf32> to vector<1x16xf32>
        tpu.vector_store %arg21[%swap3A_257, %swap3A_258], %swap3A_261 {strides = array<i32>} : memref<16x1000xf32, #tpu.memory_space<vmem>>, vector<1x16xf32>,
        %get3A_262 = arith.index_cast %scan3A_181 : i32 to index
        %get3A_263 = arith.index_cast %multiple_of3A_252 : i32 to index
        %get3A_264 = tpu.vector_load %arg22[%get3A_262, %get3A_263] {strides = array<i32>} : memref<16x1000xf32, #tpu.memory_space<vmem>>, vector<1x16xf32>,
        %get3A_265 = vector.shape_cast %get3A_264 : vector<1x16xf32> to vector<16xf32>
        %eq3A_266 = vector.broadcast %scan3A_244 : i32 to vector<16xi32>
        %eq3A_267 = arith.cmpi eq, %shift_right_arithmetic3A_186, %eq3A_266 : vector<16xi32>
        %select_n3A_268 = arith.select %eq3A_267, %get3A_256, %scan3A_249 : vector<16xi1>, vector<16xf32>
        %mul3A_269 = arith.constant 5.000000e-02 : f32
        %mul3A_270 = vector.broadcast %mul3A_269 : f32 to vector<16xf32>
        %mul3A_271 = arith.mulf %get3A_256, %mul3A_270 : vector<16xf32>
        %exp3A_272 = math.exp %mul3A_271 : vector<16xf32>
        %max3A_273 = arith.maximumf %scan3A_245, %get3A_256 : vector<16xf32>
        %min3A_274 = arith.minimumf %scan3A_245, %get3A_256 : vector<16xf32>
        %max3A_275 = arith.maximumf %scan3A_246, %min3A_274 : vector<16xf32>
        %add3A_276 = arith.addf %scan3A_247, %exp3A_272 : vector<16xf32>
        %mul3A_277 = arith.mulf %exp3A_272, %get3A_265 : vector<16xf32>
        %add3A_278 = arith.addf %scan3A_248, %mul3A_277 : vector<16xf32>
        scf.yield %max3A_273, %max3A_275, %add3A_276, %add3A_278, %select_n3A_268 : vector<16xf32>, vector<16xf32>, vector<16xf32>, vector<16xf32>, vector<16xf32>
      }
      %scan3A_192 = arith.constant 62 : i32
      %get3A_193 = arith.index_cast %scan3A_181 : i32 to index
      %get3A_194 = arith.constant 984 : index
      %get3A_195 = tpu.vector_load %arg20[%get3A_193, %get3A_194] {strides = array<i32>} : memref<16x1000xf32, #tpu.memory_space<vmem>>, vector<1x16xf32>,
      %get3A_196 = vector.shape_cast %get3A_195 : vector<1x16xf32> to vector<16xf32>
      %get3A_197 = arith.index_cast %scan3A_181 : i32 to index
      %get3A_198 = arith.constant 984 : index
      %get3A_199 = tpu.vector_load %arg21[%get3A_197, %get3A_198] {strides = array<i32>} : memref<16x1000xf32, #tpu.memory_space<vmem>>, vector<1x16xf32>,
      %get3A_200 = vector.shape_cast %get3A_199 : vector<1x16xf32> to vector<16xf32>
      %swap3A = arith.index_cast %scan3A_181 : i32 to index
      %swap3A_201 = arith.constant 984 : index
      %swap3A_202 = tpu.vector_load %arg21[%swap3A, %swap3A_201] {strides = array<i32>} : memref<16x1000xf32, #tpu.memory_space<vmem>>, vector<1x16xf32>,
      %swap3A_203 = vector.shape_cast %swap3A_202 : vector<1x16xf32> to vector<16xf32>
      %swap3A_204 = vector.shape_cast %get3A_196 : vector<16xf32> to vector<1x16xf32>
      tpu.vector_store %arg21[%swap3A, %swap3A_201], %swap3A_204 {strides = array<i32>} : memref<16x1000xf32, #tpu.memory_space<vmem>>, vector<1x16xf32>,
      %eq3A = arith.constant 62 : i32
      %eq3A_205 = vector.broadcast %eq3A : i32 to vector<16xi32>
      %eq3A_206 = arith.cmpi eq, %shift_right_arithmetic3A_186, %eq3A_205 : vector<16xi32>
      %select_n3A = arith.select %eq3A_206, %get3A_196, %scan3A_191#4 : vector<16xi1>, vector<16xf32>
      %jit3A = arith.constant -1.000000e+30 : f32
      %broadcast_in_dim3A_207 = vector.broadcast %jit3A : f32 to vector<16xf32>
      %select_n3A_208 = arith.select %ge3A_2, %get3A_196, %broadcast_in_dim3A_207 : vector<16xi1>, vector<16xf32>
      %get3A_209 = arith.index_cast %scan3A_181 : i32 to index
      %get3A_210 = arith.constant 984 : index
      %get3A_211 = tpu.vector_load %arg22[%get3A_209, %get3A_210] {strides = array<i32>} : memref<16x1000xf32, #tpu.memory_space<vmem>>, vector<1x16xf32>,
      %get3A_212 = vector.shape_cast %get3A_211 : vector<1x16xf32> to vector<16xf32>
      %mul3A_213 = arith.constant 5.000000e-02 : f32
      %mul3A_214 = vector.broadcast %mul3A_213 : f32 to vector<16xf32>
      %mul3A_215 = arith.mulf %select_n3A_208, %mul3A_214 : vector<16xf32>
      %exp3A = math.exp %mul3A_215 : vector<16xf32>
      %max3A = arith.maximumf %scan3A_191#0, %select_n3A_208 : vector<16xf32>
      %min3A = arith.minimumf %scan3A_191#0, %select_n3A_208 : vector<16xf32>
      %max3A_216 = arith.maximumf %scan3A_191#1, %min3A : vector<16xf32>
      %add3A_217 = arith.addf %scan3A_191#2, %exp3A : vector<16xf32>
      %mul3A_218 = arith.mulf %exp3A, %get3A_212 : vector<16xf32>
      %add3A_219 = arith.addf %scan3A_191#3, %mul3A_218 : vector<16xf32>
      %add3A_220 = arith.constant 0 : i32
      %add3A_221 = arith.addi %add3A_220, %scan3A_181 : i32
      %mul3A_222 = arith.constant 16 : i32
      %mul3A_223 = arith.muli %add3A_221, %mul3A_222 : i32
      %multiple_of3A = tpu.assume_multiple %mul3A_223, 16 : i32
      %swap3A_224 = arith.index_cast %multiple_of3A : i32 to index
      %swap3A_225 = tpu.vector_load %arg24[%swap3A_224] {strides = array<i32>} : memref<2048xf32, #tpu.memory_space<vmem>>, vector<16xf32>,
      %swap3A_226 = vector.shape_cast %swap3A_225 : vector<16xf32> to vector<16xf32>
      %swap3A_227 = vector.shape_cast %max3A : vector<16xf32> to vector<16xf32>
      tpu.vector_store %arg24[%swap3A_224], %swap3A_227 {strides = array<i32>} : memref<2048xf32, #tpu.memory_space<vmem>>, vector<16xf32>,
      %swap3A_228 = arith.index_cast %multiple_of3A : i32 to index
      %swap3A_229 = tpu.vector_load %arg25[%swap3A_228] {strides = array<i32>} : memref<2048xf32, #tpu.memory_space<vmem>>, vector<16xf32>,
      %swap3A_230 = vector.shape_cast %swap3A_229 : vector<16xf32> to vector<16xf32>
      %swap3A_231 = vector.shape_cast %max3A_216 : vector<16xf32> to vector<16xf32>
      tpu.vector_store %arg25[%swap3A_228], %swap3A_231 {strides = array<i32>} : memref<2048xf32, #tpu.memory_space<vmem>>, vector<16xf32>,
      %swap3A_232 = arith.index_cast %multiple_of3A : i32 to index
      %swap3A_233 = tpu.vector_load %arg26[%swap3A_232] {strides = array<i32>} : memref<2048xf32, #tpu.memory_space<vmem>>, vector<16xf32>,
      %swap3A_234 = vector.shape_cast %swap3A_233 : vector<16xf32> to vector<16xf32>
      %swap3A_235 = vector.shape_cast %add3A_217 : vector<16xf32> to vector<16xf32>
      tpu.vector_store %arg26[%swap3A_232], %swap3A_235 {strides = array<i32>} : memref<2048xf32, #tpu.memory_space<vmem>>, vector<16xf32>,
      %swap3A_236 = arith.index_cast %multiple_of3A : i32 to index
      %swap3A_237 = tpu.vector_load %arg27[%swap3A_236] {strides = array<i32>} : memref<2048xf32, #tpu.memory_space<vmem>>, vector<16xf32>,
      %swap3A_238 = vector.shape_cast %swap3A_237 : vector<16xf32> to vector<16xf32>
      %swap3A_239 = vector.shape_cast %add3A_219 : vector<16xf32> to vector<16xf32>
      tpu.vector_store %arg27[%swap3A_236], %swap3A_239 {strides = array<i32>} : memref<2048xf32, #tpu.memory_space<vmem>>, vector<16xf32>,
      %swap3A_240 = arith.index_cast %multiple_of3A : i32 to index
      %swap3A_241 = tpu.vector_load %arg28[%swap3A_240] {strides = array<i32>} : memref<2048xf32, #tpu.memory_space<vmem>>, vector<16xf32>,
      %swap3A_242 = vector.shape_cast %swap3A_241 : vector<16xf32> to vector<16xf32>
      %swap3A_243 = vector.shape_cast %select_n3A : vector<16xf32> to vector<16xf32>
      tpu.vector_store %arg28[%swap3A_240], %swap3A_243 {strides = array<i32>} : memref<2048xf32, #tpu.memory_space<vmem>>, vector<16xf32>,
    }
    %scan3A_112 = arith.constant 16 : i32
    "tpu.region"() ({
      %run_scoped3A = tpu.sem_alloc : memref<!tpu.dma_semaphore, #tpu.memory_space<semaphore_mem>>
      %dma_start3A = arith.constant 0 : i32
      %dma_start3A_181 = tpu.memref_slice %arg3[%add3A_100, %dma_start3A] : memref<4096x1000xf32, #tpu.memory_space<hbm>> -> memref<16x1000xf32, #tpu.memory_space<hbm>>
      %dma_start3A_182 = arith.constant 0 : i32
      %dma_start3A_183 = tpu.memref_slice %arg3[%add3A_100, %dma_start3A_182] : memref<4096x1000xf32, #tpu.memory_space<hbm>> -> memref<16x1000xf32, #tpu.memory_space<hbm>>
      tpu.enqueue_dma source(%dma_start3A_183 : memref<16x1000xf32, #tpu.memory_space<hbm>>) target(%arg20 : memref<16x1000xf32, #tpu.memory_space<vmem>>) target_semaphore(%run_scoped3A : memref<!tpu.dma_semaphore, #tpu.memory_space<semaphore_mem>>)
      %dma_wait3A = arith.constant 0 : i32
      %dma_wait3A_184 = tpu.memref_slice %arg3[%add3A_100, %dma_wait3A] : memref<4096x1000xf32, #tpu.memory_space<hbm>> -> memref<16x1000xf32, #tpu.memory_space<hbm>>
      %dma_wait3A_185 = arith.constant 0 : i32
      %dma_wait3A_186 = tpu.memref_slice %arg3[%add3A_100, %dma_wait3A_185] : memref<4096x1000xf32, #tpu.memory_space<hbm>> -> memref<16x1000xf32, #tpu.memory_space<hbm>>
      tpu.wait_dma2 semaphore(%run_scoped3A : memref<!tpu.dma_semaphore, #tpu.memory_space<semaphore_mem>>) src(%dma_wait3A_186 : memref<16x1000xf32, #tpu.memory_space<hbm>>) dst(%arg20 : memref<16x1000xf32, #tpu.memory_space<vmem>>)
      tpu.yield
    }) : () -> ()
    %scan3A_113 = arith.constant 0 : i32
    %scan3A_114 = arith.constant 0 : i32
    %scan3A_115 = arith.constant 16 : i32
    %scan3A_116 = arith.addi %scan3A_114, %scan3A_115 : i32
    %scan3A_117 = arith.constant 1 : i32
    scf.for %scan3A_181 = %scan3A_114 to %scan3A_116 step %scan3A_117  : i32 {
      %get3A = arith.index_cast %scan3A_181 : i32 to index
      %get3A_182 = arith.constant 0 : index
      %get3A_183 = tpu.vector_load %arg23[%get3A, %get3A_182] {strides = array<i32>} : memref<16x16xi32, #tpu.memory_space<vmem>>, vector<1x16xi32>,
      %get3A_184 = vector.shape_cast %get3A_183 : vector<1x16xi32> to vector<16xi32>
      %shift_right_arithmetic3A = arith.constant 4 : i32
      %shift_right_arithmetic3A_185 = vector.broadcast %shift_right_arithmetic3A : i32 to vector<16xi32>
      %shift_right_arithmetic3A_186 = arith.shrsi %get3A_184, %shift_right_arithmetic3A_185 : vector<16xi32>
      %scan3A_187 = arith.constant 0 : i32
      %scan3A_188 = arith.constant 62 : i32
      %scan3A_189 = arith.addi %scan3A_187, %scan3A_188 : i32
      %scan3A_190 = arith.constant 1 : i32
      %scan3A_191:5 = scf.for %scan3A_246 = %scan3A_187 to %scan3A_189 step %scan3A_190 iter_args(%scan3A_247 = %broadcast_in_dim3A_5, %scan3A_248 = %broadcast_in_dim3A_5, %scan3A_249 = %broadcast_in_dim3A_3, %scan3A_250 = %broadcast_in_dim3A_3, %scan3A_251 = %broadcast_in_dim3A_3) -> (vector<16xf32>, vector<16xf32>, vector<16xf32>, vector<16xf32>, vector<16xf32>)  : i32 {
        %mul3A_252 = arith.constant 16 : i32
        %mul3A_253 = arith.muli %scan3A_246, %mul3A_252 : i32
        %multiple_of3A_254 = tpu.assume_multiple %mul3A_253, 16 : i32
        %get3A_255 = arith.index_cast %scan3A_181 : i32 to index
        %get3A_256 = arith.index_cast %multiple_of3A_254 : i32 to index
        %get3A_257 = tpu.vector_load %arg20[%get3A_255, %get3A_256] {strides = array<i32>} : memref<16x1000xf32, #tpu.memory_space<vmem>>, vector<1x16xf32>,
        %get3A_258 = vector.shape_cast %get3A_257 : vector<1x16xf32> to vector<16xf32>
        %get3A_259 = arith.index_cast %scan3A_181 : i32 to index
        %get3A_260 = arith.index_cast %multiple_of3A_254 : i32 to index
        %get3A_261 = tpu.vector_load %arg21[%get3A_259, %get3A_260] {strides = array<i32>} : memref<16x1000xf32, #tpu.memory_space<vmem>>, vector<1x16xf32>,
        %get3A_262 = vector.shape_cast %get3A_261 : vector<1x16xf32> to vector<16xf32>
        %add3A_263 = arith.addf %get3A_262, %get3A_258 : vector<16xf32>
        %swap3A_264 = arith.index_cast %scan3A_181 : i32 to index
        %swap3A_265 = arith.index_cast %multiple_of3A_254 : i32 to index
        %swap3A_266 = tpu.vector_load %arg21[%swap3A_264, %swap3A_265] {strides = array<i32>} : memref<16x1000xf32, #tpu.memory_space<vmem>>, vector<1x16xf32>,
        %swap3A_267 = vector.shape_cast %swap3A_266 : vector<1x16xf32> to vector<16xf32>
        %swap3A_268 = vector.shape_cast %add3A_263 : vector<16xf32> to vector<1x16xf32>
        tpu.vector_store %arg21[%swap3A_264, %swap3A_265], %swap3A_268 {strides = array<i32>} : memref<16x1000xf32, #tpu.memory_space<vmem>>, vector<1x16xf32>,
        %get3A_269 = arith.index_cast %scan3A_181 : i32 to index
        %get3A_270 = arith.index_cast %multiple_of3A_254 : i32 to index
        %get3A_271 = tpu.vector_load %arg22[%get3A_269, %get3A_270] {strides = array<i32>} : memref<16x1000xf32, #tpu.memory_space<vmem>>, vector<1x16xf32>,
        %get3A_272 = vector.shape_cast %get3A_271 : vector<1x16xf32> to vector<16xf32>
        %eq3A_273 = vector.broadcast %scan3A_246 : i32 to vector<16xi32>
        %eq3A_274 = arith.cmpi eq, %shift_right_arithmetic3A_186, %eq3A_273 : vector<16xi32>
        %select_n3A_275 = arith.select %eq3A_274, %get3A_258, %scan3A_251 : vector<16xi1>, vector<16xf32>
        %mul3A_276 = arith.constant 5.000000e-02 : f32
        %mul3A_277 = vector.broadcast %mul3A_276 : f32 to vector<16xf32>
        %mul3A_278 = arith.mulf %get3A_258, %mul3A_277 : vector<16xf32>
        %exp3A_279 = math.exp %mul3A_278 : vector<16xf32>
        %max3A_280 = arith.maximumf %scan3A_247, %get3A_258 : vector<16xf32>
        %min3A_281 = arith.minimumf %scan3A_247, %get3A_258 : vector<16xf32>
        %max3A_282 = arith.maximumf %scan3A_248, %min3A_281 : vector<16xf32>
        %add3A_283 = arith.addf %scan3A_249, %exp3A_279 : vector<16xf32>
        %mul3A_284 = arith.mulf %exp3A_279, %get3A_272 : vector<16xf32>
        %add3A_285 = arith.addf %scan3A_250, %mul3A_284 : vector<16xf32>
        scf.yield %max3A_280, %max3A_282, %add3A_283, %add3A_285, %select_n3A_275 : vector<16xf32>, vector<16xf32>, vector<16xf32>, vector<16xf32>, vector<16xf32>
      }
      %scan3A_192 = arith.constant 62 : i32
      %get3A_193 = arith.index_cast %scan3A_181 : i32 to index
      %get3A_194 = arith.constant 984 : index
      %get3A_195 = tpu.vector_load %arg20[%get3A_193, %get3A_194] {strides = array<i32>} : memref<16x1000xf32, #tpu.memory_space<vmem>>, vector<1x16xf32>,
      %get3A_196 = vector.shape_cast %get3A_195 : vector<1x16xf32> to vector<16xf32>
      %get3A_197 = arith.index_cast %scan3A_181 : i32 to index
      %get3A_198 = arith.constant 984 : index
      %get3A_199 = tpu.vector_load %arg21[%get3A_197, %get3A_198] {strides = array<i32>} : memref<16x1000xf32, #tpu.memory_space<vmem>>, vector<1x16xf32>,
      %get3A_200 = vector.shape_cast %get3A_199 : vector<1x16xf32> to vector<16xf32>
      %add3A_201 = arith.addf %get3A_200, %get3A_196 : vector<16xf32>
      %select_n3A = arith.select %ge3A_2, %add3A_201, %get3A_200 : vector<16xi1>, vector<16xf32>
      %swap3A = arith.index_cast %scan3A_181 : i32 to index
      %swap3A_202 = arith.constant 984 : index
      %swap3A_203 = tpu.vector_load %arg21[%swap3A, %swap3A_202] {strides = array<i32>} : memref<16x1000xf32, #tpu.memory_space<vmem>>, vector<1x16xf32>,
      %swap3A_204 = vector.shape_cast %swap3A_203 : vector<1x16xf32> to vector<16xf32>
      %swap3A_205 = vector.shape_cast %select_n3A : vector<16xf32> to vector<1x16xf32>
      tpu.vector_store %arg21[%swap3A, %swap3A_202], %swap3A_205 {strides = array<i32>} : memref<16x1000xf32, #tpu.memory_space<vmem>>, vector<1x16xf32>,
      %eq3A = arith.constant 62 : i32
      %eq3A_206 = vector.broadcast %eq3A : i32 to vector<16xi32>
      %eq3A_207 = arith.cmpi eq, %shift_right_arithmetic3A_186, %eq3A_206 : vector<16xi32>
      %select_n3A_208 = arith.select %eq3A_207, %get3A_196, %scan3A_191#4 : vector<16xi1>, vector<16xf32>
      %jit3A = arith.constant -1.000000e+30 : f32
      %broadcast_in_dim3A_209 = vector.broadcast %jit3A : f32 to vector<16xf32>
      %select_n3A_210 = arith.select %ge3A_2, %get3A_196, %broadcast_in_dim3A_209 : vector<16xi1>, vector<16xf32>
      %get3A_211 = arith.index_cast %scan3A_181 : i32 to index
      %get3A_212 = arith.constant 984 : index
      %get3A_213 = tpu.vector_load %arg22[%get3A_211, %get3A_212] {strides = array<i32>} : memref<16x1000xf32, #tpu.memory_space<vmem>>, vector<1x16xf32>,
      %get3A_214 = vector.shape_cast %get3A_213 : vector<1x16xf32> to vector<16xf32>
      %mul3A_215 = arith.constant 5.000000e-02 : f32
      %mul3A_216 = vector.broadcast %mul3A_215 : f32 to vector<16xf32>
      %mul3A_217 = arith.mulf %select_n3A_210, %mul3A_216 : vector<16xf32>
      %exp3A = math.exp %mul3A_217 : vector<16xf32>
      %max3A = arith.maximumf %scan3A_191#0, %select_n3A_210 : vector<16xf32>
      %min3A = arith.minimumf %scan3A_191#0, %select_n3A_210 : vector<16xf32>
      %max3A_218 = arith.maximumf %scan3A_191#1, %min3A : vector<16xf32>
      %add3A_219 = arith.addf %scan3A_191#2, %exp3A : vector<16xf32>
      %mul3A_220 = arith.mulf %exp3A, %get3A_214 : vector<16xf32>
      %add3A_221 = arith.addf %scan3A_191#3, %mul3A_220 : vector<16xf32>
      %add3A_222 = arith.constant 16 : i32
      %add3A_223 = arith.addi %add3A_222, %scan3A_181 : i32
      %mul3A_224 = arith.constant 16 : i32
      %mul3A_225 = arith.muli %add3A_223, %mul3A_224 : i32
      %multiple_of3A = tpu.assume_multiple %mul3A_225, 16 : i32
      %swap3A_226 = arith.index_cast %multiple_of3A : i32 to index
      %swap3A_227 = tpu.vector_load %arg24[%swap3A_226] {strides = array<i32>} : memref<2048xf32, #tpu.memory_space<vmem>>, vector<16xf32>,
      %swap3A_228 = vector.shape_cast %swap3A_227 : vector<16xf32> to vector<16xf32>
      %swap3A_229 = vector.shape_cast %max3A : vector<16xf32> to vector<16xf32>
      tpu.vector_store %arg24[%swap3A_226], %swap3A_229 {strides = array<i32>} : memref<2048xf32, #tpu.memory_space<vmem>>, vector<16xf32>,
      %swap3A_230 = arith.index_cast %multiple_of3A : i32 to index
      %swap3A_231 = tpu.vector_load %arg25[%swap3A_230] {strides = array<i32>} : memref<2048xf32, #tpu.memory_space<vmem>>, vector<16xf32>,
      %swap3A_232 = vector.shape_cast %swap3A_231 : vector<16xf32> to vector<16xf32>
      %swap3A_233 = vector.shape_cast %max3A_218 : vector<16xf32> to vector<16xf32>
      tpu.vector_store %arg25[%swap3A_230], %swap3A_233 {strides = array<i32>} : memref<2048xf32, #tpu.memory_space<vmem>>, vector<16xf32>,
      %swap3A_234 = arith.index_cast %multiple_of3A : i32 to index
      %swap3A_235 = tpu.vector_load %arg26[%swap3A_234] {strides = array<i32>} : memref<2048xf32, #tpu.memory_space<vmem>>, vector<16xf32>,
      %swap3A_236 = vector.shape_cast %swap3A_235 : vector<16xf32> to vector<16xf32>
      %swap3A_237 = vector.shape_cast %add3A_219 : vector<16xf32> to vector<16xf32>
      tpu.vector_store %arg26[%swap3A_234], %swap3A_237 {strides = array<i32>} : memref<2048xf32, #tpu.memory_space<vmem>>, vector<16xf32>,
      %swap3A_238 = arith.index_cast %multiple_of3A : i32 to index
      %swap3A_239 = tpu.vector_load %arg27[%swap3A_238] {strides = array<i32>} : memref<2048xf32, #tpu.memory_space<vmem>>, vector<16xf32>,
      %swap3A_240 = vector.shape_cast %swap3A_239 : vector<16xf32> to vector<16xf32>
      %swap3A_241 = vector.shape_cast %add3A_221 : vector<16xf32> to vector<16xf32>
      tpu.vector_store %arg27[%swap3A_238], %swap3A_241 {strides = array<i32>} : memref<2048xf32, #tpu.memory_space<vmem>>, vector<16xf32>,
      %swap3A_242 = arith.index_cast %multiple_of3A : i32 to index
      %swap3A_243 = tpu.vector_load %arg28[%swap3A_242] {strides = array<i32>} : memref<2048xf32, #tpu.memory_space<vmem>>, vector<16xf32>,
      %swap3A_244 = vector.shape_cast %swap3A_243 : vector<16xf32> to vector<16xf32>
      %swap3A_245 = vector.shape_cast %select_n3A_208 : vector<16xf32> to vector<16xf32>
      tpu.vector_store %arg28[%swap3A_242], %swap3A_245 {strides = array<i32>} : memref<2048xf32, #tpu.memory_space<vmem>>, vector<16xf32>,
    }
    %scan3A_118 = arith.constant 16 : i32
    "tpu.region"() ({
      %run_scoped3A = tpu.sem_alloc : memref<!tpu.dma_semaphore, #tpu.memory_space<semaphore_mem>>
      %dma_start3A = arith.constant 0 : i32
      %dma_start3A_181 = tpu.memref_slice %arg4[%add3A_100, %dma_start3A] : memref<4096x1000xf32, #tpu.memory_space<hbm>> -> memref<16x1000xf32, #tpu.memory_space<hbm>>
      %dma_start3A_182 = arith.constant 0 : i32
      %dma_start3A_183 = tpu.memref_slice %arg4[%add3A_100, %dma_start3A_182] : memref<4096x1000xf32, #tpu.memory_space<hbm>> -> memref<16x1000xf32, #tpu.memory_space<hbm>>
      tpu.enqueue_dma source(%dma_start3A_183 : memref<16x1000xf32, #tpu.memory_space<hbm>>) target(%arg20 : memref<16x1000xf32, #tpu.memory_space<vmem>>) target_semaphore(%run_scoped3A : memref<!tpu.dma_semaphore, #tpu.memory_space<semaphore_mem>>)
      %dma_wait3A = arith.constant 0 : i32
      %dma_wait3A_184 = tpu.memref_slice %arg4[%add3A_100, %dma_wait3A] : memref<4096x1000xf32, #tpu.memory_space<hbm>> -> memref<16x1000xf32, #tpu.memory_space<hbm>>
      %dma_wait3A_185 = arith.constant 0 : i32
      %dma_wait3A_186 = tpu.memref_slice %arg4[%add3A_100, %dma_wait3A_185] : memref<4096x1000xf32, #tpu.memory_space<hbm>> -> memref<16x1000xf32, #tpu.memory_space<hbm>>
      tpu.wait_dma2 semaphore(%run_scoped3A : memref<!tpu.dma_semaphore, #tpu.memory_space<semaphore_mem>>) src(%dma_wait3A_186 : memref<16x1000xf32, #tpu.memory_space<hbm>>) dst(%arg20 : memref<16x1000xf32, #tpu.memory_space<vmem>>)
      tpu.yield
    }) : () -> ()
    %scan3A_119 = arith.constant 0 : i32
    %scan3A_120 = arith.constant 0 : i32
    %scan3A_121 = arith.constant 16 : i32
    %scan3A_122 = arith.addi %scan3A_120, %scan3A_121 : i32
    %scan3A_123 = arith.constant 1 : i32
    scf.for %scan3A_181 = %scan3A_120 to %scan3A_122 step %scan3A_123  : i32 {
      %get3A = arith.index_cast %scan3A_181 : i32 to index
      %get3A_182 = arith.constant 0 : index
      %get3A_183 = tpu.vector_load %arg23[%get3A, %get3A_182] {strides = array<i32>} : memref<16x16xi32, #tpu.memory_space<vmem>>, vector<1x16xi32>,
      %get3A_184 = vector.shape_cast %get3A_183 : vector<1x16xi32> to vector<16xi32>
      %shift_right_arithmetic3A = arith.constant 4 : i32
      %shift_right_arithmetic3A_185 = vector.broadcast %shift_right_arithmetic3A : i32 to vector<16xi32>
      %shift_right_arithmetic3A_186 = arith.shrsi %get3A_184, %shift_right_arithmetic3A_185 : vector<16xi32>
      %scan3A_187 = arith.constant 0 : i32
      %scan3A_188 = arith.constant 62 : i32
      %scan3A_189 = arith.addi %scan3A_187, %scan3A_188 : i32
      %scan3A_190 = arith.constant 1 : i32
      %scan3A_191:5 = scf.for %scan3A_246 = %scan3A_187 to %scan3A_189 step %scan3A_190 iter_args(%scan3A_247 = %broadcast_in_dim3A_5, %scan3A_248 = %broadcast_in_dim3A_5, %scan3A_249 = %broadcast_in_dim3A_3, %scan3A_250 = %broadcast_in_dim3A_3, %scan3A_251 = %broadcast_in_dim3A_3) -> (vector<16xf32>, vector<16xf32>, vector<16xf32>, vector<16xf32>, vector<16xf32>)  : i32 {
        %mul3A_252 = arith.constant 16 : i32
        %mul3A_253 = arith.muli %scan3A_246, %mul3A_252 : i32
        %multiple_of3A_254 = tpu.assume_multiple %mul3A_253, 16 : i32
        %get3A_255 = arith.index_cast %scan3A_181 : i32 to index
        %get3A_256 = arith.index_cast %multiple_of3A_254 : i32 to index
        %get3A_257 = tpu.vector_load %arg20[%get3A_255, %get3A_256] {strides = array<i32>} : memref<16x1000xf32, #tpu.memory_space<vmem>>, vector<1x16xf32>,
        %get3A_258 = vector.shape_cast %get3A_257 : vector<1x16xf32> to vector<16xf32>
        %get3A_259 = arith.index_cast %scan3A_181 : i32 to index
        %get3A_260 = arith.index_cast %multiple_of3A_254 : i32 to index
        %get3A_261 = tpu.vector_load %arg21[%get3A_259, %get3A_260] {strides = array<i32>} : memref<16x1000xf32, #tpu.memory_space<vmem>>, vector<1x16xf32>,
        %get3A_262 = vector.shape_cast %get3A_261 : vector<1x16xf32> to vector<16xf32>
        %add3A_263 = arith.addf %get3A_262, %get3A_258 : vector<16xf32>
        %swap3A_264 = arith.index_cast %scan3A_181 : i32 to index
        %swap3A_265 = arith.index_cast %multiple_of3A_254 : i32 to index
        %swap3A_266 = tpu.vector_load %arg21[%swap3A_264, %swap3A_265] {strides = array<i32>} : memref<16x1000xf32, #tpu.memory_space<vmem>>, vector<1x16xf32>,
        %swap3A_267 = vector.shape_cast %swap3A_266 : vector<1x16xf32> to vector<16xf32>
        %swap3A_268 = vector.shape_cast %add3A_263 : vector<16xf32> to vector<1x16xf32>
        tpu.vector_store %arg21[%swap3A_264, %swap3A_265], %swap3A_268 {strides = array<i32>} : memref<16x1000xf32, #tpu.memory_space<vmem>>, vector<1x16xf32>,
        %get3A_269 = arith.index_cast %scan3A_181 : i32 to index
        %get3A_270 = arith.index_cast %multiple_of3A_254 : i32 to index
        %get3A_271 = tpu.vector_load %arg22[%get3A_269, %get3A_270] {strides = array<i32>} : memref<16x1000xf32, #tpu.memory_space<vmem>>, vector<1x16xf32>,
        %get3A_272 = vector.shape_cast %get3A_271 : vector<1x16xf32> to vector<16xf32>
        %eq3A_273 = vector.broadcast %scan3A_246 : i32 to vector<16xi32>
        %eq3A_274 = arith.cmpi eq, %shift_right_arithmetic3A_186, %eq3A_273 : vector<16xi32>
        %select_n3A_275 = arith.select %eq3A_274, %get3A_258, %scan3A_251 : vector<16xi1>, vector<16xf32>
        %mul3A_276 = arith.constant 5.000000e-02 : f32
        %mul3A_277 = vector.broadcast %mul3A_276 : f32 to vector<16xf32>
        %mul3A_278 = arith.mulf %get3A_258, %mul3A_277 : vector<16xf32>
        %exp3A_279 = math.exp %mul3A_278 : vector<16xf32>
        %max3A_280 = arith.maximumf %scan3A_247, %get3A_258 : vector<16xf32>
        %min3A_281 = arith.minimumf %scan3A_247, %get3A_258 : vector<16xf32>
        %max3A_282 = arith.maximumf %scan3A_248, %min3A_281 : vector<16xf32>
        %add3A_283 = arith.addf %scan3A_249, %exp3A_279 : vector<16xf32>
        %mul3A_284 = arith.mulf %exp3A_279, %get3A_272 : vector<16xf32>
        %add3A_285 = arith.addf %scan3A_250, %mul3A_284 : vector<16xf32>
        scf.yield %max3A_280, %max3A_282, %add3A_283, %add3A_285, %select_n3A_275 : vector<16xf32>, vector<16xf32>, vector<16xf32>, vector<16xf32>, vector<16xf32>
      }
      %scan3A_192 = arith.constant 62 : i32
      %get3A_193 = arith.index_cast %scan3A_181 : i32 to index
      %get3A_194 = arith.constant 984 : index
      %get3A_195 = tpu.vector_load %arg20[%get3A_193, %get3A_194] {strides = array<i32>} : memref<16x1000xf32, #tpu.memory_space<vmem>>, vector<1x16xf32>,
      %get3A_196 = vector.shape_cast %get3A_195 : vector<1x16xf32> to vector<16xf32>
      %get3A_197 = arith.index_cast %scan3A_181 : i32 to index
      %get3A_198 = arith.constant 984 : index
      %get3A_199 = tpu.vector_load %arg21[%get3A_197, %get3A_198] {strides = array<i32>} : memref<16x1000xf32, #tpu.memory_space<vmem>>, vector<1x16xf32>,
      %get3A_200 = vector.shape_cast %get3A_199 : vector<1x16xf32> to vector<16xf32>
      %add3A_201 = arith.addf %get3A_200, %get3A_196 : vector<16xf32>
      %select_n3A = arith.select %ge3A_2, %add3A_201, %get3A_200 : vector<16xi1>, vector<16xf32>
      %swap3A = arith.index_cast %scan3A_181 : i32 to index
      %swap3A_202 = arith.constant 984 : index
      %swap3A_203 = tpu.vector_load %arg21[%swap3A, %swap3A_202] {strides = array<i32>} : memref<16x1000xf32, #tpu.memory_space<vmem>>, vector<1x16xf32>,
      %swap3A_204 = vector.shape_cast %swap3A_203 : vector<1x16xf32> to vector<16xf32>
      %swap3A_205 = vector.shape_cast %select_n3A : vector<16xf32> to vector<1x16xf32>
      tpu.vector_store %arg21[%swap3A, %swap3A_202], %swap3A_205 {strides = array<i32>} : memref<16x1000xf32, #tpu.memory_space<vmem>>, vector<1x16xf32>,
      %eq3A = arith.constant 62 : i32
      %eq3A_206 = vector.broadcast %eq3A : i32 to vector<16xi32>
      %eq3A_207 = arith.cmpi eq, %shift_right_arithmetic3A_186, %eq3A_206 : vector<16xi32>
      %select_n3A_208 = arith.select %eq3A_207, %get3A_196, %scan3A_191#4 : vector<16xi1>, vector<16xf32>
      %jit3A = arith.constant -1.000000e+30 : f32
      %broadcast_in_dim3A_209 = vector.broadcast %jit3A : f32 to vector<16xf32>
      %select_n3A_210 = arith.select %ge3A_2, %get3A_196, %broadcast_in_dim3A_209 : vector<16xi1>, vector<16xf32>
      %get3A_211 = arith.index_cast %scan3A_181 : i32 to index
      %get3A_212 = arith.constant 984 : index
      %get3A_213 = tpu.vector_load %arg22[%get3A_211, %get3A_212] {strides = array<i32>} : memref<16x1000xf32, #tpu.memory_space<vmem>>, vector<1x16xf32>,
      %get3A_214 = vector.shape_cast %get3A_213 : vector<1x16xf32> to vector<16xf32>
      %mul3A_215 = arith.constant 5.000000e-02 : f32
      %mul3A_216 = vector.broadcast %mul3A_215 : f32 to vector<16xf32>
      %mul3A_217 = arith.mulf %select_n3A_210, %mul3A_216 : vector<16xf32>
      %exp3A = math.exp %mul3A_217 : vector<16xf32>
      %max3A = arith.maximumf %scan3A_191#0, %select_n3A_210 : vector<16xf32>
      %min3A = arith.minimumf %scan3A_191#0, %select_n3A_210 : vector<16xf32>
      %max3A_218 = arith.maximumf %scan3A_191#1, %min3A : vector<16xf32>
      %add3A_219 = arith.addf %scan3A_191#2, %exp3A : vector<16xf32>
      %mul3A_220 = arith.mulf %exp3A, %get3A_214 : vector<16xf32>
      %add3A_221 = arith.addf %scan3A_191#3, %mul3A_220 : vector<16xf32>
      %add3A_222 = arith.constant 32 : i32
      %add3A_223 = arith.addi %add3A_222, %scan3A_181 : i32
      %mul3A_224 = arith.constant 16 : i32
      %mul3A_225 = arith.muli %add3A_223, %mul3A_224 : i32
      %multiple_of3A = tpu.assume_multiple %mul3A_225, 16 : i32
      %swap3A_226 = arith.index_cast %multiple_of3A : i32 to index
      %swap3A_227 = tpu.vector_load %arg24[%swap3A_226] {strides = array<i32>} : memref<2048xf32, #tpu.memory_space<vmem>>, vector<16xf32>,
      %swap3A_228 = vector.shape_cast %swap3A_227 : vector<16xf32> to vector<16xf32>
      %swap3A_229 = vector.shape_cast %max3A : vector<16xf32> to vector<16xf32>
      tpu.vector_store %arg24[%swap3A_226], %swap3A_229 {strides = array<i32>} : memref<2048xf32, #tpu.memory_space<vmem>>, vector<16xf32>,
      %swap3A_230 = arith.index_cast %multiple_of3A : i32 to index
      %swap3A_231 = tpu.vector_load %arg25[%swap3A_230] {strides = array<i32>} : memref<2048xf32, #tpu.memory_space<vmem>>, vector<16xf32>,
      %swap3A_232 = vector.shape_cast %swap3A_231 : vector<16xf32> to vector<16xf32>
      %swap3A_233 = vector.shape_cast %max3A_218 : vector<16xf32> to vector<16xf32>
      tpu.vector_store %arg25[%swap3A_230], %swap3A_233 {strides = array<i32>} : memref<2048xf32, #tpu.memory_space<vmem>>, vector<16xf32>,
      %swap3A_234 = arith.index_cast %multiple_of3A : i32 to index
      %swap3A_235 = tpu.vector_load %arg26[%swap3A_234] {strides = array<i32>} : memref<2048xf32, #tpu.memory_space<vmem>>, vector<16xf32>,
      %swap3A_236 = vector.shape_cast %swap3A_235 : vector<16xf32> to vector<16xf32>
      %swap3A_237 = vector.shape_cast %add3A_219 : vector<16xf32> to vector<16xf32>
      tpu.vector_store %arg26[%swap3A_234], %swap3A_237 {strides = array<i32>} : memref<2048xf32, #tpu.memory_space<vmem>>, vector<16xf32>,
      %swap3A_238 = arith.index_cast %multiple_of3A : i32 to index
      %swap3A_239 = tpu.vector_load %arg27[%swap3A_238] {strides = array<i32>} : memref<2048xf32, #tpu.memory_space<vmem>>, vector<16xf32>,
      %swap3A_240 = vector.shape_cast %swap3A_239 : vector<16xf32> to vector<16xf32>
      %swap3A_241 = vector.shape_cast %add3A_221 : vector<16xf32> to vector<16xf32>
      tpu.vector_store %arg27[%swap3A_238], %swap3A_241 {strides = array<i32>} : memref<2048xf32, #tpu.memory_space<vmem>>, vector<16xf32>,
      %swap3A_242 = arith.index_cast %multiple_of3A : i32 to index
      %swap3A_243 = tpu.vector_load %arg28[%swap3A_242] {strides = array<i32>} : memref<2048xf32, #tpu.memory_space<vmem>>, vector<16xf32>,
      %swap3A_244 = vector.shape_cast %swap3A_243 : vector<16xf32> to vector<16xf32>
      %swap3A_245 = vector.shape_cast %select_n3A_208 : vector<16xf32> to vector<16xf32>
      tpu.vector_store %arg28[%swap3A_242], %swap3A_245 {strides = array<i32>} : memref<2048xf32, #tpu.memory_space<vmem>>, vector<16xf32>,
    }
    %scan3A_124 = arith.constant 16 : i32
    "tpu.region"() ({
      %run_scoped3A = tpu.sem_alloc : memref<!tpu.dma_semaphore, #tpu.memory_space<semaphore_mem>>
      %dma_start3A = arith.constant 0 : i32
      %dma_start3A_181 = tpu.memref_slice %arg5[%add3A_100, %dma_start3A] : memref<4096x1000xf32, #tpu.memory_space<hbm>> -> memref<16x1000xf32, #tpu.memory_space<hbm>>
      %dma_start3A_182 = arith.constant 0 : i32
      %dma_start3A_183 = tpu.memref_slice %arg5[%add3A_100, %dma_start3A_182] : memref<4096x1000xf32, #tpu.memory_space<hbm>> -> memref<16x1000xf32, #tpu.memory_space<hbm>>
      tpu.enqueue_dma source(%dma_start3A_183 : memref<16x1000xf32, #tpu.memory_space<hbm>>) target(%arg20 : memref<16x1000xf32, #tpu.memory_space<vmem>>) target_semaphore(%run_scoped3A : memref<!tpu.dma_semaphore, #tpu.memory_space<semaphore_mem>>)
      %dma_wait3A = arith.constant 0 : i32
      %dma_wait3A_184 = tpu.memref_slice %arg5[%add3A_100, %dma_wait3A] : memref<4096x1000xf32, #tpu.memory_space<hbm>> -> memref<16x1000xf32, #tpu.memory_space<hbm>>
      %dma_wait3A_185 = arith.constant 0 : i32
      %dma_wait3A_186 = tpu.memref_slice %arg5[%add3A_100, %dma_wait3A_185] : memref<4096x1000xf32, #tpu.memory_space<hbm>> -> memref<16x1000xf32, #tpu.memory_space<hbm>>
      tpu.wait_dma2 semaphore(%run_scoped3A : memref<!tpu.dma_semaphore, #tpu.memory_space<semaphore_mem>>) src(%dma_wait3A_186 : memref<16x1000xf32, #tpu.memory_space<hbm>>) dst(%arg20 : memref<16x1000xf32, #tpu.memory_space<vmem>>)
      tpu.yield
    }) : () -> ()
    %scan3A_125 = arith.constant 0 : i32
    %scan3A_126 = arith.constant 0 : i32
    %scan3A_127 = arith.constant 16 : i32
    %scan3A_128 = arith.addi %scan3A_126, %scan3A_127 : i32
    %scan3A_129 = arith.constant 1 : i32
    scf.for %scan3A_181 = %scan3A_126 to %scan3A_128 step %scan3A_129  : i32 {
      %get3A = arith.index_cast %scan3A_181 : i32 to index
      %get3A_182 = arith.constant 0 : index
      %get3A_183 = tpu.vector_load %arg23[%get3A, %get3A_182] {strides = array<i32>} : memref<16x16xi32, #tpu.memory_space<vmem>>, vector<1x16xi32>,
      %get3A_184 = vector.shape_cast %get3A_183 : vector<1x16xi32> to vector<16xi32>
      %shift_right_arithmetic3A = arith.constant 4 : i32
      %shift_right_arithmetic3A_185 = vector.broadcast %shift_right_arithmetic3A : i32 to vector<16xi32>
      %shift_right_arithmetic3A_186 = arith.shrsi %get3A_184, %shift_right_arithmetic3A_185 : vector<16xi32>
      %scan3A_187 = arith.constant 0 : i32
      %scan3A_188 = arith.constant 62 : i32
      %scan3A_189 = arith.addi %scan3A_187, %scan3A_188 : i32
      %scan3A_190 = arith.constant 1 : i32
      %scan3A_191:5 = scf.for %scan3A_246 = %scan3A_187 to %scan3A_189 step %scan3A_190 iter_args(%scan3A_247 = %broadcast_in_dim3A_5, %scan3A_248 = %broadcast_in_dim3A_5, %scan3A_249 = %broadcast_in_dim3A_3, %scan3A_250 = %broadcast_in_dim3A_3, %scan3A_251 = %broadcast_in_dim3A_3) -> (vector<16xf32>, vector<16xf32>, vector<16xf32>, vector<16xf32>, vector<16xf32>)  : i32 {
        %mul3A_252 = arith.constant 16 : i32
        %mul3A_253 = arith.muli %scan3A_246, %mul3A_252 : i32
        %multiple_of3A_254 = tpu.assume_multiple %mul3A_253, 16 : i32
        %get3A_255 = arith.index_cast %scan3A_181 : i32 to index
        %get3A_256 = arith.index_cast %multiple_of3A_254 : i32 to index
        %get3A_257 = tpu.vector_load %arg20[%get3A_255, %get3A_256] {strides = array<i32>} : memref<16x1000xf32, #tpu.memory_space<vmem>>, vector<1x16xf32>,
        %get3A_258 = vector.shape_cast %get3A_257 : vector<1x16xf32> to vector<16xf32>
        %get3A_259 = arith.index_cast %scan3A_181 : i32 to index
        %get3A_260 = arith.index_cast %multiple_of3A_254 : i32 to index
        %get3A_261 = tpu.vector_load %arg21[%get3A_259, %get3A_260] {strides = array<i32>} : memref<16x1000xf32, #tpu.memory_space<vmem>>, vector<1x16xf32>,
        %get3A_262 = vector.shape_cast %get3A_261 : vector<1x16xf32> to vector<16xf32>
        %add3A_263 = arith.addf %get3A_262, %get3A_258 : vector<16xf32>
        %swap3A_264 = arith.index_cast %scan3A_181 : i32 to index
        %swap3A_265 = arith.index_cast %multiple_of3A_254 : i32 to index
        %swap3A_266 = tpu.vector_load %arg21[%swap3A_264, %swap3A_265] {strides = array<i32>} : memref<16x1000xf32, #tpu.memory_space<vmem>>, vector<1x16xf32>,
        %swap3A_267 = vector.shape_cast %swap3A_266 : vector<1x16xf32> to vector<16xf32>
        %swap3A_268 = vector.shape_cast %add3A_263 : vector<16xf32> to vector<1x16xf32>
        tpu.vector_store %arg21[%swap3A_264, %swap3A_265], %swap3A_268 {strides = array<i32>} : memref<16x1000xf32, #tpu.memory_space<vmem>>, vector<1x16xf32>,
        %get3A_269 = arith.index_cast %scan3A_181 : i32 to index
        %get3A_270 = arith.index_cast %multiple_of3A_254 : i32 to index
        %get3A_271 = tpu.vector_load %arg22[%get3A_269, %get3A_270] {strides = array<i32>} : memref<16x1000xf32, #tpu.memory_space<vmem>>, vector<1x16xf32>,
        %get3A_272 = vector.shape_cast %get3A_271 : vector<1x16xf32> to vector<16xf32>
        %eq3A_273 = vector.broadcast %scan3A_246 : i32 to vector<16xi32>
        %eq3A_274 = arith.cmpi eq, %shift_right_arithmetic3A_186, %eq3A_273 : vector<16xi32>
        %select_n3A_275 = arith.select %eq3A_274, %get3A_258, %scan3A_251 : vector<16xi1>, vector<16xf32>
        %mul3A_276 = arith.constant 5.000000e-02 : f32
        %mul3A_277 = vector.broadcast %mul3A_276 : f32 to vector<16xf32>
        %mul3A_278 = arith.mulf %get3A_258, %mul3A_277 : vector<16xf32>
        %exp3A_279 = math.exp %mul3A_278 : vector<16xf32>
        %max3A_280 = arith.maximumf %scan3A_247, %get3A_258 : vector<16xf32>
        %min3A_281 = arith.minimumf %scan3A_247, %get3A_258 : vector<16xf32>
        %max3A_282 = arith.maximumf %scan3A_248, %min3A_281 : vector<16xf32>
        %add3A_283 = arith.addf %scan3A_249, %exp3A_279 : vector<16xf32>
        %mul3A_284 = arith.mulf %exp3A_279, %get3A_272 : vector<16xf32>
        %add3A_285 = arith.addf %scan3A_250, %mul3A_284 : vector<16xf32>
        scf.yield %max3A_280, %max3A_282, %add3A_283, %add3A_285, %select_n3A_275 : vector<16xf32>, vector<16xf32>, vector<16xf32>, vector<16xf32>, vector<16xf32>
      }
      %scan3A_192 = arith.constant 62 : i32
      %get3A_193 = arith.index_cast %scan3A_181 : i32 to index
      %get3A_194 = arith.constant 984 : index
      %get3A_195 = tpu.vector_load %arg20[%get3A_193, %get3A_194] {strides = array<i32>} : memref<16x1000xf32, #tpu.memory_space<vmem>>, vector<1x16xf32>,
      %get3A_196 = vector.shape_cast %get3A_195 : vector<1x16xf32> to vector<16xf32>
      %get3A_197 = arith.index_cast %scan3A_181 : i32 to index
      %get3A_198 = arith.constant 984 : index
      %get3A_199 = tpu.vector_load %arg21[%get3A_197, %get3A_198] {strides = array<i32>} : memref<16x1000xf32, #tpu.memory_space<vmem>>, vector<1x16xf32>,
      %get3A_200 = vector.shape_cast %get3A_199 : vector<1x16xf32> to vector<16xf32>
      %add3A_201 = arith.addf %get3A_200, %get3A_196 : vector<16xf32>
      %select_n3A = arith.select %ge3A_2, %add3A_201, %get3A_200 : vector<16xi1>, vector<16xf32>
      %swap3A = arith.index_cast %scan3A_181 : i32 to index
      %swap3A_202 = arith.constant 984 : index
      %swap3A_203 = tpu.vector_load %arg21[%swap3A, %swap3A_202] {strides = array<i32>} : memref<16x1000xf32, #tpu.memory_space<vmem>>, vector<1x16xf32>,
      %swap3A_204 = vector.shape_cast %swap3A_203 : vector<1x16xf32> to vector<16xf32>
      %swap3A_205 = vector.shape_cast %select_n3A : vector<16xf32> to vector<1x16xf32>
      tpu.vector_store %arg21[%swap3A, %swap3A_202], %swap3A_205 {strides = array<i32>} : memref<16x1000xf32, #tpu.memory_space<vmem>>, vector<1x16xf32>,
      %eq3A = arith.constant 62 : i32
      %eq3A_206 = vector.broadcast %eq3A : i32 to vector<16xi32>
      %eq3A_207 = arith.cmpi eq, %shift_right_arithmetic3A_186, %eq3A_206 : vector<16xi32>
      %select_n3A_208 = arith.select %eq3A_207, %get3A_196, %scan3A_191#4 : vector<16xi1>, vector<16xf32>
      %jit3A = arith.constant -1.000000e+30 : f32
      %broadcast_in_dim3A_209 = vector.broadcast %jit3A : f32 to vector<16xf32>
      %select_n3A_210 = arith.select %ge3A_2, %get3A_196, %broadcast_in_dim3A_209 : vector<16xi1>, vector<16xf32>
      %get3A_211 = arith.index_cast %scan3A_181 : i32 to index
      %get3A_212 = arith.constant 984 : index
      %get3A_213 = tpu.vector_load %arg22[%get3A_211, %get3A_212] {strides = array<i32>} : memref<16x1000xf32, #tpu.memory_space<vmem>>, vector<1x16xf32>,
      %get3A_214 = vector.shape_cast %get3A_213 : vector<1x16xf32> to vector<16xf32>
      %mul3A_215 = arith.constant 5.000000e-02 : f32
      %mul3A_216 = vector.broadcast %mul3A_215 : f32 to vector<16xf32>
      %mul3A_217 = arith.mulf %select_n3A_210, %mul3A_216 : vector<16xf32>
      %exp3A = math.exp %mul3A_217 : vector<16xf32>
      %max3A = arith.maximumf %scan3A_191#0, %select_n3A_210 : vector<16xf32>
      %min3A = arith.minimumf %scan3A_191#0, %select_n3A_210 : vector<16xf32>
      %max3A_218 = arith.maximumf %scan3A_191#1, %min3A : vector<16xf32>
      %add3A_219 = arith.addf %scan3A_191#2, %exp3A : vector<16xf32>
      %mul3A_220 = arith.mulf %exp3A, %get3A_214 : vector<16xf32>
      %add3A_221 = arith.addf %scan3A_191#3, %mul3A_220 : vector<16xf32>
      %add3A_222 = arith.constant 48 : i32
      %add3A_223 = arith.addi %add3A_222, %scan3A_181 : i32
      %mul3A_224 = arith.constant 16 : i32
      %mul3A_225 = arith.muli %add3A_223, %mul3A_224 : i32
      %multiple_of3A = tpu.assume_multiple %mul3A_225, 16 : i32
      %swap3A_226 = arith.index_cast %multiple_of3A : i32 to index
      %swap3A_227 = tpu.vector_load %arg24[%swap3A_226] {strides = array<i32>} : memref<2048xf32, #tpu.memory_space<vmem>>, vector<16xf32>,
      %swap3A_228 = vector.shape_cast %swap3A_227 : vector<16xf32> to vector<16xf32>
      %swap3A_229 = vector.shape_cast %max3A : vector<16xf32> to vector<16xf32>
      tpu.vector_store %arg24[%swap3A_226], %swap3A_229 {strides = array<i32>} : memref<2048xf32, #tpu.memory_space<vmem>>, vector<16xf32>,
      %swap3A_230 = arith.index_cast %multiple_of3A : i32 to index
      %swap3A_231 = tpu.vector_load %arg25[%swap3A_230] {strides = array<i32>} : memref<2048xf32, #tpu.memory_space<vmem>>, vector<16xf32>,
      %swap3A_232 = vector.shape_cast %swap3A_231 : vector<16xf32> to vector<16xf32>
      %swap3A_233 = vector.shape_cast %max3A_218 : vector<16xf32> to vector<16xf32>
      tpu.vector_store %arg25[%swap3A_230], %swap3A_233 {strides = array<i32>} : memref<2048xf32, #tpu.memory_space<vmem>>, vector<16xf32>,
      %swap3A_234 = arith.index_cast %multiple_of3A : i32 to index
      %swap3A_235 = tpu.vector_load %arg26[%swap3A_234] {strides = array<i32>} : memref<2048xf32, #tpu.memory_space<vmem>>, vector<16xf32>,
      %swap3A_236 = vector.shape_cast %swap3A_235 : vector<16xf32> to vector<16xf32>
      %swap3A_237 = vector.shape_cast %add3A_219 : vector<16xf32> to vector<16xf32>
      tpu.vector_store %arg26[%swap3A_234], %swap3A_237 {strides = array<i32>} : memref<2048xf32, #tpu.memory_space<vmem>>, vector<16xf32>,
      %swap3A_238 = arith.index_cast %multiple_of3A : i32 to index
      %swap3A_239 = tpu.vector_load %arg27[%swap3A_238] {strides = array<i32>} : memref<2048xf32, #tpu.memory_space<vmem>>, vector<16xf32>,
      %swap3A_240 = vector.shape_cast %swap3A_239 : vector<16xf32> to vector<16xf32>
      %swap3A_241 = vector.shape_cast %add3A_221 : vector<16xf32> to vector<16xf32>
      tpu.vector_store %arg27[%swap3A_238], %swap3A_241 {strides = array<i32>} : memref<2048xf32, #tpu.memory_space<vmem>>, vector<16xf32>,
      %swap3A_242 = arith.index_cast %multiple_of3A : i32 to index
      %swap3A_243 = tpu.vector_load %arg28[%swap3A_242] {strides = array<i32>} : memref<2048xf32, #tpu.memory_space<vmem>>, vector<16xf32>,
      %swap3A_244 = vector.shape_cast %swap3A_243 : vector<16xf32> to vector<16xf32>
      %swap3A_245 = vector.shape_cast %select_n3A_208 : vector<16xf32> to vector<16xf32>
      tpu.vector_store %arg28[%swap3A_242], %swap3A_245 {strides = array<i32>} : memref<2048xf32, #tpu.memory_space<vmem>>, vector<16xf32>,
    }
    %scan3A_130 = arith.constant 16 : i32
    "tpu.region"() ({
      %run_scoped3A = tpu.sem_alloc : memref<!tpu.dma_semaphore, #tpu.memory_space<semaphore_mem>>
      %dma_start3A = arith.constant 0 : i32
      %dma_start3A_181 = tpu.memref_slice %arg6[%add3A_100, %dma_start3A] : memref<4096x1000xf32, #tpu.memory_space<hbm>> -> memref<16x1000xf32, #tpu.memory_space<hbm>>
      %dma_start3A_182 = arith.constant 0 : i32
      %dma_start3A_183 = tpu.memref_slice %arg6[%add3A_100, %dma_start3A_182] : memref<4096x1000xf32, #tpu.memory_space<hbm>> -> memref<16x1000xf32, #tpu.memory_space<hbm>>
      tpu.enqueue_dma source(%dma_start3A_183 : memref<16x1000xf32, #tpu.memory_space<hbm>>) target(%arg20 : memref<16x1000xf32, #tpu.memory_space<vmem>>) target_semaphore(%run_scoped3A : memref<!tpu.dma_semaphore, #tpu.memory_space<semaphore_mem>>)
      %dma_wait3A = arith.constant 0 : i32
      %dma_wait3A_184 = tpu.memref_slice %arg6[%add3A_100, %dma_wait3A] : memref<4096x1000xf32, #tpu.memory_space<hbm>> -> memref<16x1000xf32, #tpu.memory_space<hbm>>
      %dma_wait3A_185 = arith.constant 0 : i32
      %dma_wait3A_186 = tpu.memref_slice %arg6[%add3A_100, %dma_wait3A_185] : memref<4096x1000xf32, #tpu.memory_space<hbm>> -> memref<16x1000xf32, #tpu.memory_space<hbm>>
      tpu.wait_dma2 semaphore(%run_scoped3A : memref<!tpu.dma_semaphore, #tpu.memory_space<semaphore_mem>>) src(%dma_wait3A_186 : memref<16x1000xf32, #tpu.memory_space<hbm>>) dst(%arg20 : memref<16x1000xf32, #tpu.memory_space<vmem>>)
      tpu.yield
    }) : () -> ()
    %scan3A_131 = arith.constant 0 : i32
    %scan3A_132 = arith.constant 0 : i32
    %scan3A_133 = arith.constant 16 : i32
    %scan3A_134 = arith.addi %scan3A_132, %scan3A_133 : i32
    %scan3A_135 = arith.constant 1 : i32
    scf.for %scan3A_181 = %scan3A_132 to %scan3A_134 step %scan3A_135  : i32 {
      %get3A = arith.index_cast %scan3A_181 : i32 to index
      %get3A_182 = arith.constant 0 : index
      %get3A_183 = tpu.vector_load %arg23[%get3A, %get3A_182] {strides = array<i32>} : memref<16x16xi32, #tpu.memory_space<vmem>>, vector<1x16xi32>,
      %get3A_184 = vector.shape_cast %get3A_183 : vector<1x16xi32> to vector<16xi32>
      %shift_right_arithmetic3A = arith.constant 4 : i32
      %shift_right_arithmetic3A_185 = vector.broadcast %shift_right_arithmetic3A : i32 to vector<16xi32>
      %shift_right_arithmetic3A_186 = arith.shrsi %get3A_184, %shift_right_arithmetic3A_185 : vector<16xi32>
      %scan3A_187 = arith.constant 0 : i32
      %scan3A_188 = arith.constant 62 : i32
      %scan3A_189 = arith.addi %scan3A_187, %scan3A_188 : i32
      %scan3A_190 = arith.constant 1 : i32
      %scan3A_191:5 = scf.for %scan3A_246 = %scan3A_187 to %scan3A_189 step %scan3A_190 iter_args(%scan3A_247 = %broadcast_in_dim3A_5, %scan3A_248 = %broadcast_in_dim3A_5, %scan3A_249 = %broadcast_in_dim3A_3, %scan3A_250 = %broadcast_in_dim3A_3, %scan3A_251 = %broadcast_in_dim3A_3) -> (vector<16xf32>, vector<16xf32>, vector<16xf32>, vector<16xf32>, vector<16xf32>)  : i32 {
        %mul3A_252 = arith.constant 16 : i32
        %mul3A_253 = arith.muli %scan3A_246, %mul3A_252 : i32
        %multiple_of3A_254 = tpu.assume_multiple %mul3A_253, 16 : i32
        %get3A_255 = arith.index_cast %scan3A_181 : i32 to index
        %get3A_256 = arith.index_cast %multiple_of3A_254 : i32 to index
        %get3A_257 = tpu.vector_load %arg20[%get3A_255, %get3A_256] {strides = array<i32>} : memref<16x1000xf32, #tpu.memory_space<vmem>>, vector<1x16xf32>,
        %get3A_258 = vector.shape_cast %get3A_257 : vector<1x16xf32> to vector<16xf32>
        %get3A_259 = arith.index_cast %scan3A_181 : i32 to index
        %get3A_260 = arith.index_cast %multiple_of3A_254 : i32 to index
        %get3A_261 = tpu.vector_load %arg21[%get3A_259, %get3A_260] {strides = array<i32>} : memref<16x1000xf32, #tpu.memory_space<vmem>>, vector<1x16xf32>,
        %get3A_262 = vector.shape_cast %get3A_261 : vector<1x16xf32> to vector<16xf32>
        %add3A_263 = arith.addf %get3A_262, %get3A_258 : vector<16xf32>
        %swap3A_264 = arith.index_cast %scan3A_181 : i32 to index
        %swap3A_265 = arith.index_cast %multiple_of3A_254 : i32 to index
        %swap3A_266 = tpu.vector_load %arg21[%swap3A_264, %swap3A_265] {strides = array<i32>} : memref<16x1000xf32, #tpu.memory_space<vmem>>, vector<1x16xf32>,
        %swap3A_267 = vector.shape_cast %swap3A_266 : vector<1x16xf32> to vector<16xf32>
        %swap3A_268 = vector.shape_cast %add3A_263 : vector<16xf32> to vector<1x16xf32>
        tpu.vector_store %arg21[%swap3A_264, %swap3A_265], %swap3A_268 {strides = array<i32>} : memref<16x1000xf32, #tpu.memory_space<vmem>>, vector<1x16xf32>,
        %get3A_269 = arith.index_cast %scan3A_181 : i32 to index
        %get3A_270 = arith.index_cast %multiple_of3A_254 : i32 to index
        %get3A_271 = tpu.vector_load %arg22[%get3A_269, %get3A_270] {strides = array<i32>} : memref<16x1000xf32, #tpu.memory_space<vmem>>, vector<1x16xf32>,
        %get3A_272 = vector.shape_cast %get3A_271 : vector<1x16xf32> to vector<16xf32>
        %eq3A_273 = vector.broadcast %scan3A_246 : i32 to vector<16xi32>
        %eq3A_274 = arith.cmpi eq, %shift_right_arithmetic3A_186, %eq3A_273 : vector<16xi32>
        %select_n3A_275 = arith.select %eq3A_274, %get3A_258, %scan3A_251 : vector<16xi1>, vector<16xf32>
        %mul3A_276 = arith.constant 5.000000e-02 : f32
        %mul3A_277 = vector.broadcast %mul3A_276 : f32 to vector<16xf32>
        %mul3A_278 = arith.mulf %get3A_258, %mul3A_277 : vector<16xf32>
        %exp3A_279 = math.exp %mul3A_278 : vector<16xf32>
        %max3A_280 = arith.maximumf %scan3A_247, %get3A_258 : vector<16xf32>
        %min3A_281 = arith.minimumf %scan3A_247, %get3A_258 : vector<16xf32>
        %max3A_282 = arith.maximumf %scan3A_248, %min3A_281 : vector<16xf32>
        %add3A_283 = arith.addf %scan3A_249, %exp3A_279 : vector<16xf32>
        %mul3A_284 = arith.mulf %exp3A_279, %get3A_272 : vector<16xf32>
        %add3A_285 = arith.addf %scan3A_250, %mul3A_284 : vector<16xf32>
        scf.yield %max3A_280, %max3A_282, %add3A_283, %add3A_285, %select_n3A_275 : vector<16xf32>, vector<16xf32>, vector<16xf32>, vector<16xf32>, vector<16xf32>
      }
      %scan3A_192 = arith.constant 62 : i32
      %get3A_193 = arith.index_cast %scan3A_181 : i32 to index
      %get3A_194 = arith.constant 984 : index
      %get3A_195 = tpu.vector_load %arg20[%get3A_193, %get3A_194] {strides = array<i32>} : memref<16x1000xf32, #tpu.memory_space<vmem>>, vector<1x16xf32>,
      %get3A_196 = vector.shape_cast %get3A_195 : vector<1x16xf32> to vector<16xf32>
      %get3A_197 = arith.index_cast %scan3A_181 : i32 to index
      %get3A_198 = arith.constant 984 : index
      %get3A_199 = tpu.vector_load %arg21[%get3A_197, %get3A_198] {strides = array<i32>} : memref<16x1000xf32, #tpu.memory_space<vmem>>, vector<1x16xf32>,
      %get3A_200 = vector.shape_cast %get3A_199 : vector<1x16xf32> to vector<16xf32>
      %add3A_201 = arith.addf %get3A_200, %get3A_196 : vector<16xf32>
      %select_n3A = arith.select %ge3A_2, %add3A_201, %get3A_200 : vector<16xi1>, vector<16xf32>
      %swap3A = arith.index_cast %scan3A_181 : i32 to index
      %swap3A_202 = arith.constant 984 : index
      %swap3A_203 = tpu.vector_load %arg21[%swap3A, %swap3A_202] {strides = array<i32>} : memref<16x1000xf32, #tpu.memory_space<vmem>>, vector<1x16xf32>,
      %swap3A_204 = vector.shape_cast %swap3A_203 : vector<1x16xf32> to vector<16xf32>
      %swap3A_205 = vector.shape_cast %select_n3A : vector<16xf32> to vector<1x16xf32>
      tpu.vector_store %arg21[%swap3A, %swap3A_202], %swap3A_205 {strides = array<i32>} : memref<16x1000xf32, #tpu.memory_space<vmem>>, vector<1x16xf32>,
      %eq3A = arith.constant 62 : i32
      %eq3A_206 = vector.broadcast %eq3A : i32 to vector<16xi32>
      %eq3A_207 = arith.cmpi eq, %shift_right_arithmetic3A_186, %eq3A_206 : vector<16xi32>
      %select_n3A_208 = arith.select %eq3A_207, %get3A_196, %scan3A_191#4 : vector<16xi1>, vector<16xf32>
      %jit3A = arith.constant -1.000000e+30 : f32
      %broadcast_in_dim3A_209 = vector.broadcast %jit3A : f32 to vector<16xf32>
      %select_n3A_210 = arith.select %ge3A_2, %get3A_196, %broadcast_in_dim3A_209 : vector<16xi1>, vector<16xf32>
      %get3A_211 = arith.index_cast %scan3A_181 : i32 to index
      %get3A_212 = arith.constant 984 : index
      %get3A_213 = tpu.vector_load %arg22[%get3A_211, %get3A_212] {strides = array<i32>} : memref<16x1000xf32, #tpu.memory_space<vmem>>, vector<1x16xf32>,
      %get3A_214 = vector.shape_cast %get3A_213 : vector<1x16xf32> to vector<16xf32>
      %mul3A_215 = arith.constant 5.000000e-02 : f32
      %mul3A_216 = vector.broadcast %mul3A_215 : f32 to vector<16xf32>
      %mul3A_217 = arith.mulf %select_n3A_210, %mul3A_216 : vector<16xf32>
      %exp3A = math.exp %mul3A_217 : vector<16xf32>
      %max3A = arith.maximumf %scan3A_191#0, %select_n3A_210 : vector<16xf32>
      %min3A = arith.minimumf %scan3A_191#0, %select_n3A_210 : vector<16xf32>
      %max3A_218 = arith.maximumf %scan3A_191#1, %min3A : vector<16xf32>
      %add3A_219 = arith.addf %scan3A_191#2, %exp3A : vector<16xf32>
      %mul3A_220 = arith.mulf %exp3A, %get3A_214 : vector<16xf32>
      %add3A_221 = arith.addf %scan3A_191#3, %mul3A_220 : vector<16xf32>
      %add3A_222 = arith.constant 64 : i32
      %add3A_223 = arith.addi %add3A_222, %scan3A_181 : i32
      %mul3A_224 = arith.constant 16 : i32
      %mul3A_225 = arith.muli %add3A_223, %mul3A_224 : i32
      %multiple_of3A = tpu.assume_multiple %mul3A_225, 16 : i32
      %swap3A_226 = arith.index_cast %multiple_of3A : i32 to index
      %swap3A_227 = tpu.vector_load %arg24[%swap3A_226] {strides = array<i32>} : memref<2048xf32, #tpu.memory_space<vmem>>, vector<16xf32>,
      %swap3A_228 = vector.shape_cast %swap3A_227 : vector<16xf32> to vector<16xf32>
      %swap3A_229 = vector.shape_cast %max3A : vector<16xf32> to vector<16xf32>
      tpu.vector_store %arg24[%swap3A_226], %swap3A_229 {strides = array<i32>} : memref<2048xf32, #tpu.memory_space<vmem>>, vector<16xf32>,
      %swap3A_230 = arith.index_cast %multiple_of3A : i32 to index
      %swap3A_231 = tpu.vector_load %arg25[%swap3A_230] {strides = array<i32>} : memref<2048xf32, #tpu.memory_space<vmem>>, vector<16xf32>,
      %swap3A_232 = vector.shape_cast %swap3A_231 : vector<16xf32> to vector<16xf32>
      %swap3A_233 = vector.shape_cast %max3A_218 : vector<16xf32> to vector<16xf32>
      tpu.vector_store %arg25[%swap3A_230], %swap3A_233 {strides = array<i32>} : memref<2048xf32, #tpu.memory_space<vmem>>, vector<16xf32>,
      %swap3A_234 = arith.index_cast %multiple_of3A : i32 to index
      %swap3A_235 = tpu.vector_load %arg26[%swap3A_234] {strides = array<i32>} : memref<2048xf32, #tpu.memory_space<vmem>>, vector<16xf32>,
      %swap3A_236 = vector.shape_cast %swap3A_235 : vector<16xf32> to vector<16xf32>
      %swap3A_237 = vector.shape_cast %add3A_219 : vector<16xf32> to vector<16xf32>
      tpu.vector_store %arg26[%swap3A_234], %swap3A_237 {strides = array<i32>} : memref<2048xf32, #tpu.memory_space<vmem>>, vector<16xf32>,
      %swap3A_238 = arith.index_cast %multiple_of3A : i32 to index
      %swap3A_239 = tpu.vector_load %arg27[%swap3A_238] {strides = array<i32>} : memref<2048xf32, #tpu.memory_space<vmem>>, vector<16xf32>,
      %swap3A_240 = vector.shape_cast %swap3A_239 : vector<16xf32> to vector<16xf32>
      %swap3A_241 = vector.shape_cast %add3A_221 : vector<16xf32> to vector<16xf32>
      tpu.vector_store %arg27[%swap3A_238], %swap3A_241 {strides = array<i32>} : memref<2048xf32, #tpu.memory_space<vmem>>, vector<16xf32>,
      %swap3A_242 = arith.index_cast %multiple_of3A : i32 to index
      %swap3A_243 = tpu.vector_load %arg28[%swap3A_242] {strides = array<i32>} : memref<2048xf32, #tpu.memory_space<vmem>>, vector<16xf32>,
      %swap3A_244 = vector.shape_cast %swap3A_243 : vector<16xf32> to vector<16xf32>
      %swap3A_245 = vector.shape_cast %select_n3A_208 : vector<16xf32> to vector<16xf32>
      tpu.vector_store %arg28[%swap3A_242], %swap3A_245 {strides = array<i32>} : memref<2048xf32, #tpu.memory_space<vmem>>, vector<16xf32>,
    }
    %scan3A_136 = arith.constant 16 : i32
    "tpu.region"() ({
      %run_scoped3A = tpu.sem_alloc : memref<!tpu.dma_semaphore, #tpu.memory_space<semaphore_mem>>
      %dma_start3A = arith.constant 0 : i32
      %dma_start3A_181 = tpu.memref_slice %arg7[%add3A_100, %dma_start3A] : memref<4096x1000xf32, #tpu.memory_space<hbm>> -> memref<16x1000xf32, #tpu.memory_space<hbm>>
      %dma_start3A_182 = arith.constant 0 : i32
      %dma_start3A_183 = tpu.memref_slice %arg7[%add3A_100, %dma_start3A_182] : memref<4096x1000xf32, #tpu.memory_space<hbm>> -> memref<16x1000xf32, #tpu.memory_space<hbm>>
      tpu.enqueue_dma source(%dma_start3A_183 : memref<16x1000xf32, #tpu.memory_space<hbm>>) target(%arg20 : memref<16x1000xf32, #tpu.memory_space<vmem>>) target_semaphore(%run_scoped3A : memref<!tpu.dma_semaphore, #tpu.memory_space<semaphore_mem>>)
      %dma_wait3A = arith.constant 0 : i32
      %dma_wait3A_184 = tpu.memref_slice %arg7[%add3A_100, %dma_wait3A] : memref<4096x1000xf32, #tpu.memory_space<hbm>> -> memref<16x1000xf32, #tpu.memory_space<hbm>>
      %dma_wait3A_185 = arith.constant 0 : i32
      %dma_wait3A_186 = tpu.memref_slice %arg7[%add3A_100, %dma_wait3A_185] : memref<4096x1000xf32, #tpu.memory_space<hbm>> -> memref<16x1000xf32, #tpu.memory_space<hbm>>
      tpu.wait_dma2 semaphore(%run_scoped3A : memref<!tpu.dma_semaphore, #tpu.memory_space<semaphore_mem>>) src(%dma_wait3A_186 : memref<16x1000xf32, #tpu.memory_space<hbm>>) dst(%arg20 : memref<16x1000xf32, #tpu.memory_space<vmem>>)
      tpu.yield
    }) : () -> ()
    %scan3A_137 = arith.constant 0 : i32
    %scan3A_138 = arith.constant 0 : i32
    %scan3A_139 = arith.constant 16 : i32
    %scan3A_140 = arith.addi %scan3A_138, %scan3A_139 : i32
    %scan3A_141 = arith.constant 1 : i32
    scf.for %scan3A_181 = %scan3A_138 to %scan3A_140 step %scan3A_141  : i32 {
      %get3A = arith.index_cast %scan3A_181 : i32 to index
      %get3A_182 = arith.constant 0 : index
      %get3A_183 = tpu.vector_load %arg23[%get3A, %get3A_182] {strides = array<i32>} : memref<16x16xi32, #tpu.memory_space<vmem>>, vector<1x16xi32>,
      %get3A_184 = vector.shape_cast %get3A_183 : vector<1x16xi32> to vector<16xi32>
      %shift_right_arithmetic3A = arith.constant 4 : i32
      %shift_right_arithmetic3A_185 = vector.broadcast %shift_right_arithmetic3A : i32 to vector<16xi32>
      %shift_right_arithmetic3A_186 = arith.shrsi %get3A_184, %shift_right_arithmetic3A_185 : vector<16xi32>
      %scan3A_187 = arith.constant 0 : i32
      %scan3A_188 = arith.constant 62 : i32
      %scan3A_189 = arith.addi %scan3A_187, %scan3A_188 : i32
      %scan3A_190 = arith.constant 1 : i32
      %scan3A_191:5 = scf.for %scan3A_246 = %scan3A_187 to %scan3A_189 step %scan3A_190 iter_args(%scan3A_247 = %broadcast_in_dim3A_5, %scan3A_248 = %broadcast_in_dim3A_5, %scan3A_249 = %broadcast_in_dim3A_3, %scan3A_250 = %broadcast_in_dim3A_3, %scan3A_251 = %broadcast_in_dim3A_3) -> (vector<16xf32>, vector<16xf32>, vector<16xf32>, vector<16xf32>, vector<16xf32>)  : i32 {
        %mul3A_252 = arith.constant 16 : i32
        %mul3A_253 = arith.muli %scan3A_246, %mul3A_252 : i32
        %multiple_of3A_254 = tpu.assume_multiple %mul3A_253, 16 : i32
        %get3A_255 = arith.index_cast %scan3A_181 : i32 to index
        %get3A_256 = arith.index_cast %multiple_of3A_254 : i32 to index
        %get3A_257 = tpu.vector_load %arg20[%get3A_255, %get3A_256] {strides = array<i32>} : memref<16x1000xf32, #tpu.memory_space<vmem>>, vector<1x16xf32>,
        %get3A_258 = vector.shape_cast %get3A_257 : vector<1x16xf32> to vector<16xf32>
        %get3A_259 = arith.index_cast %scan3A_181 : i32 to index
        %get3A_260 = arith.index_cast %multiple_of3A_254 : i32 to index
        %get3A_261 = tpu.vector_load %arg21[%get3A_259, %get3A_260] {strides = array<i32>} : memref<16x1000xf32, #tpu.memory_space<vmem>>, vector<1x16xf32>,
        %get3A_262 = vector.shape_cast %get3A_261 : vector<1x16xf32> to vector<16xf32>
        %add3A_263 = arith.addf %get3A_262, %get3A_258 : vector<16xf32>
        %swap3A_264 = arith.index_cast %scan3A_181 : i32 to index
        %swap3A_265 = arith.index_cast %multiple_of3A_254 : i32 to index
        %swap3A_266 = tpu.vector_load %arg21[%swap3A_264, %swap3A_265] {strides = array<i32>} : memref<16x1000xf32, #tpu.memory_space<vmem>>, vector<1x16xf32>,
        %swap3A_267 = vector.shape_cast %swap3A_266 : vector<1x16xf32> to vector<16xf32>
        %swap3A_268 = vector.shape_cast %add3A_263 : vector<16xf32> to vector<1x16xf32>
        tpu.vector_store %arg21[%swap3A_264, %swap3A_265], %swap3A_268 {strides = array<i32>} : memref<16x1000xf32, #tpu.memory_space<vmem>>, vector<1x16xf32>,
        %get3A_269 = arith.index_cast %scan3A_181 : i32 to index
        %get3A_270 = arith.index_cast %multiple_of3A_254 : i32 to index
        %get3A_271 = tpu.vector_load %arg22[%get3A_269, %get3A_270] {strides = array<i32>} : memref<16x1000xf32, #tpu.memory_space<vmem>>, vector<1x16xf32>,
        %get3A_272 = vector.shape_cast %get3A_271 : vector<1x16xf32> to vector<16xf32>
        %eq3A_273 = vector.broadcast %scan3A_246 : i32 to vector<16xi32>
        %eq3A_274 = arith.cmpi eq, %shift_right_arithmetic3A_186, %eq3A_273 : vector<16xi32>
        %select_n3A_275 = arith.select %eq3A_274, %get3A_258, %scan3A_251 : vector<16xi1>, vector<16xf32>
        %mul3A_276 = arith.constant 5.000000e-02 : f32
        %mul3A_277 = vector.broadcast %mul3A_276 : f32 to vector<16xf32>
        %mul3A_278 = arith.mulf %get3A_258, %mul3A_277 : vector<16xf32>
        %exp3A_279 = math.exp %mul3A_278 : vector<16xf32>
        %max3A_280 = arith.maximumf %scan3A_247, %get3A_258 : vector<16xf32>
        %min3A_281 = arith.minimumf %scan3A_247, %get3A_258 : vector<16xf32>
        %max3A_282 = arith.maximumf %scan3A_248, %min3A_281 : vector<16xf32>
        %add3A_283 = arith.addf %scan3A_249, %exp3A_279 : vector<16xf32>
        %mul3A_284 = arith.mulf %exp3A_279, %get3A_272 : vector<16xf32>
        %add3A_285 = arith.addf %scan3A_250, %mul3A_284 : vector<16xf32>
        scf.yield %max3A_280, %max3A_282, %add3A_283, %add3A_285, %select_n3A_275 : vector<16xf32>, vector<16xf32>, vector<16xf32>, vector<16xf32>, vector<16xf32>
      }
      %scan3A_192 = arith.constant 62 : i32
      %get3A_193 = arith.index_cast %scan3A_181 : i32 to index
      %get3A_194 = arith.constant 984 : index
      %get3A_195 = tpu.vector_load %arg20[%get3A_193, %get3A_194] {strides = array<i32>} : memref<16x1000xf32, #tpu.memory_space<vmem>>, vector<1x16xf32>,
      %get3A_196 = vector.shape_cast %get3A_195 : vector<1x16xf32> to vector<16xf32>
      %get3A_197 = arith.index_cast %scan3A_181 : i32 to index
      %get3A_198 = arith.constant 984 : index
      %get3A_199 = tpu.vector_load %arg21[%get3A_197, %get3A_198] {strides = array<i32>} : memref<16x1000xf32, #tpu.memory_space<vmem>>, vector<1x16xf32>,
      %get3A_200 = vector.shape_cast %get3A_199 : vector<1x16xf32> to vector<16xf32>
      %add3A_201 = arith.addf %get3A_200, %get3A_196 : vector<16xf32>
      %select_n3A = arith.select %ge3A_2, %add3A_201, %get3A_200 : vector<16xi1>, vector<16xf32>
      %swap3A = arith.index_cast %scan3A_181 : i32 to index
      %swap3A_202 = arith.constant 984 : index
      %swap3A_203 = tpu.vector_load %arg21[%swap3A, %swap3A_202] {strides = array<i32>} : memref<16x1000xf32, #tpu.memory_space<vmem>>, vector<1x16xf32>,
      %swap3A_204 = vector.shape_cast %swap3A_203 : vector<1x16xf32> to vector<16xf32>
      %swap3A_205 = vector.shape_cast %select_n3A : vector<16xf32> to vector<1x16xf32>
      tpu.vector_store %arg21[%swap3A, %swap3A_202], %swap3A_205 {strides = array<i32>} : memref<16x1000xf32, #tpu.memory_space<vmem>>, vector<1x16xf32>,
      %eq3A = arith.constant 62 : i32
      %eq3A_206 = vector.broadcast %eq3A : i32 to vector<16xi32>
      %eq3A_207 = arith.cmpi eq, %shift_right_arithmetic3A_186, %eq3A_206 : vector<16xi32>
      %select_n3A_208 = arith.select %eq3A_207, %get3A_196, %scan3A_191#4 : vector<16xi1>, vector<16xf32>
      %jit3A = arith.constant -1.000000e+30 : f32
      %broadcast_in_dim3A_209 = vector.broadcast %jit3A : f32 to vector<16xf32>
      %select_n3A_210 = arith.select %ge3A_2, %get3A_196, %broadcast_in_dim3A_209 : vector<16xi1>, vector<16xf32>
      %get3A_211 = arith.index_cast %scan3A_181 : i32 to index
      %get3A_212 = arith.constant 984 : index
      %get3A_213 = tpu.vector_load %arg22[%get3A_211, %get3A_212] {strides = array<i32>} : memref<16x1000xf32, #tpu.memory_space<vmem>>, vector<1x16xf32>,
      %get3A_214 = vector.shape_cast %get3A_213 : vector<1x16xf32> to vector<16xf32>
      %mul3A_215 = arith.constant 5.000000e-02 : f32
      %mul3A_216 = vector.broadcast %mul3A_215 : f32 to vector<16xf32>
      %mul3A_217 = arith.mulf %select_n3A_210, %mul3A_216 : vector<16xf32>
      %exp3A = math.exp %mul3A_217 : vector<16xf32>
      %max3A = arith.maximumf %scan3A_191#0, %select_n3A_210 : vector<16xf32>
      %min3A = arith.minimumf %scan3A_191#0, %select_n3A_210 : vector<16xf32>
      %max3A_218 = arith.maximumf %scan3A_191#1, %min3A : vector<16xf32>
      %add3A_219 = arith.addf %scan3A_191#2, %exp3A : vector<16xf32>
      %mul3A_220 = arith.mulf %exp3A, %get3A_214 : vector<16xf32>
      %add3A_221 = arith.addf %scan3A_191#3, %mul3A_220 : vector<16xf32>
      %add3A_222 = arith.constant 80 : i32
      %add3A_223 = arith.addi %add3A_222, %scan3A_181 : i32
      %mul3A_224 = arith.constant 16 : i32
      %mul3A_225 = arith.muli %add3A_223, %mul3A_224 : i32
      %multiple_of3A = tpu.assume_multiple %mul3A_225, 16 : i32
      %swap3A_226 = arith.index_cast %multiple_of3A : i32 to index
      %swap3A_227 = tpu.vector_load %arg24[%swap3A_226] {strides = array<i32>} : memref<2048xf32, #tpu.memory_space<vmem>>, vector<16xf32>,
      %swap3A_228 = vector.shape_cast %swap3A_227 : vector<16xf32> to vector<16xf32>
      %swap3A_229 = vector.shape_cast %max3A : vector<16xf32> to vector<16xf32>
      tpu.vector_store %arg24[%swap3A_226], %swap3A_229 {strides = array<i32>} : memref<2048xf32, #tpu.memory_space<vmem>>, vector<16xf32>,
      %swap3A_230 = arith.index_cast %multiple_of3A : i32 to index
      %swap3A_231 = tpu.vector_load %arg25[%swap3A_230] {strides = array<i32>} : memref<2048xf32, #tpu.memory_space<vmem>>, vector<16xf32>,
      %swap3A_232 = vector.shape_cast %swap3A_231 : vector<16xf32> to vector<16xf32>
      %swap3A_233 = vector.shape_cast %max3A_218 : vector<16xf32> to vector<16xf32>
      tpu.vector_store %arg25[%swap3A_230], %swap3A_233 {strides = array<i32>} : memref<2048xf32, #tpu.memory_space<vmem>>, vector<16xf32>,
      %swap3A_234 = arith.index_cast %multiple_of3A : i32 to index
      %swap3A_235 = tpu.vector_load %arg26[%swap3A_234] {strides = array<i32>} : memref<2048xf32, #tpu.memory_space<vmem>>, vector<16xf32>,
      %swap3A_236 = vector.shape_cast %swap3A_235 : vector<16xf32> to vector<16xf32>
      %swap3A_237 = vector.shape_cast %add3A_219 : vector<16xf32> to vector<16xf32>
      tpu.vector_store %arg26[%swap3A_234], %swap3A_237 {strides = array<i32>} : memref<2048xf32, #tpu.memory_space<vmem>>, vector<16xf32>,
      %swap3A_238 = arith.index_cast %multiple_of3A : i32 to index
      %swap3A_239 = tpu.vector_load %arg27[%swap3A_238] {strides = array<i32>} : memref<2048xf32, #tpu.memory_space<vmem>>, vector<16xf32>,
      %swap3A_240 = vector.shape_cast %swap3A_239 : vector<16xf32> to vector<16xf32>
      %swap3A_241 = vector.shape_cast %add3A_221 : vector<16xf32> to vector<16xf32>
      tpu.vector_store %arg27[%swap3A_238], %swap3A_241 {strides = array<i32>} : memref<2048xf32, #tpu.memory_space<vmem>>, vector<16xf32>,
      %swap3A_242 = arith.index_cast %multiple_of3A : i32 to index
      %swap3A_243 = tpu.vector_load %arg28[%swap3A_242] {strides = array<i32>} : memref<2048xf32, #tpu.memory_space<vmem>>, vector<16xf32>,
      %swap3A_244 = vector.shape_cast %swap3A_243 : vector<16xf32> to vector<16xf32>
      %swap3A_245 = vector.shape_cast %select_n3A_208 : vector<16xf32> to vector<16xf32>
      tpu.vector_store %arg28[%swap3A_242], %swap3A_245 {strides = array<i32>} : memref<2048xf32, #tpu.memory_space<vmem>>, vector<16xf32>,
    }
    %scan3A_142 = arith.constant 16 : i32
    "tpu.region"() ({
      %run_scoped3A = tpu.sem_alloc : memref<!tpu.dma_semaphore, #tpu.memory_space<semaphore_mem>>
      %dma_start3A = arith.constant 0 : i32
      %dma_start3A_181 = tpu.memref_slice %arg8[%add3A_100, %dma_start3A] : memref<4096x1000xf32, #tpu.memory_space<hbm>> -> memref<16x1000xf32, #tpu.memory_space<hbm>>
      %dma_start3A_182 = arith.constant 0 : i32
      %dma_start3A_183 = tpu.memref_slice %arg8[%add3A_100, %dma_start3A_182] : memref<4096x1000xf32, #tpu.memory_space<hbm>> -> memref<16x1000xf32, #tpu.memory_space<hbm>>
      tpu.enqueue_dma source(%dma_start3A_183 : memref<16x1000xf32, #tpu.memory_space<hbm>>) target(%arg20 : memref<16x1000xf32, #tpu.memory_space<vmem>>) target_semaphore(%run_scoped3A : memref<!tpu.dma_semaphore, #tpu.memory_space<semaphore_mem>>)
      %dma_wait3A = arith.constant 0 : i32
      %dma_wait3A_184 = tpu.memref_slice %arg8[%add3A_100, %dma_wait3A] : memref<4096x1000xf32, #tpu.memory_space<hbm>> -> memref<16x1000xf32, #tpu.memory_space<hbm>>
      %dma_wait3A_185 = arith.constant 0 : i32
      %dma_wait3A_186 = tpu.memref_slice %arg8[%add3A_100, %dma_wait3A_185] : memref<4096x1000xf32, #tpu.memory_space<hbm>> -> memref<16x1000xf32, #tpu.memory_space<hbm>>
      tpu.wait_dma2 semaphore(%run_scoped3A : memref<!tpu.dma_semaphore, #tpu.memory_space<semaphore_mem>>) src(%dma_wait3A_186 : memref<16x1000xf32, #tpu.memory_space<hbm>>) dst(%arg20 : memref<16x1000xf32, #tpu.memory_space<vmem>>)
      tpu.yield
    }) : () -> ()
    %scan3A_143 = arith.constant 0 : i32
    %scan3A_144 = arith.constant 0 : i32
    %scan3A_145 = arith.constant 16 : i32
    %scan3A_146 = arith.addi %scan3A_144, %scan3A_145 : i32
    %scan3A_147 = arith.constant 1 : i32
    scf.for %scan3A_181 = %scan3A_144 to %scan3A_146 step %scan3A_147  : i32 {
      %get3A = arith.index_cast %scan3A_181 : i32 to index
      %get3A_182 = arith.constant 0 : index
      %get3A_183 = tpu.vector_load %arg23[%get3A, %get3A_182] {strides = array<i32>} : memref<16x16xi32, #tpu.memory_space<vmem>>, vector<1x16xi32>,
      %get3A_184 = vector.shape_cast %get3A_183 : vector<1x16xi32> to vector<16xi32>
      %shift_right_arithmetic3A = arith.constant 4 : i32
      %shift_right_arithmetic3A_185 = vector.broadcast %shift_right_arithmetic3A : i32 to vector<16xi32>
      %shift_right_arithmetic3A_186 = arith.shrsi %get3A_184, %shift_right_arithmetic3A_185 : vector<16xi32>
      %scan3A_187 = arith.constant 0 : i32
      %scan3A_188 = arith.constant 62 : i32
      %scan3A_189 = arith.addi %scan3A_187, %scan3A_188 : i32
      %scan3A_190 = arith.constant 1 : i32
      %scan3A_191:5 = scf.for %scan3A_246 = %scan3A_187 to %scan3A_189 step %scan3A_190 iter_args(%scan3A_247 = %broadcast_in_dim3A_5, %scan3A_248 = %broadcast_in_dim3A_5, %scan3A_249 = %broadcast_in_dim3A_3, %scan3A_250 = %broadcast_in_dim3A_3, %scan3A_251 = %broadcast_in_dim3A_3) -> (vector<16xf32>, vector<16xf32>, vector<16xf32>, vector<16xf32>, vector<16xf32>)  : i32 {
        %mul3A_252 = arith.constant 16 : i32
        %mul3A_253 = arith.muli %scan3A_246, %mul3A_252 : i32
        %multiple_of3A_254 = tpu.assume_multiple %mul3A_253, 16 : i32
        %get3A_255 = arith.index_cast %scan3A_181 : i32 to index
        %get3A_256 = arith.index_cast %multiple_of3A_254 : i32 to index
        %get3A_257 = tpu.vector_load %arg20[%get3A_255, %get3A_256] {strides = array<i32>} : memref<16x1000xf32, #tpu.memory_space<vmem>>, vector<1x16xf32>,
        %get3A_258 = vector.shape_cast %get3A_257 : vector<1x16xf32> to vector<16xf32>
        %get3A_259 = arith.index_cast %scan3A_181 : i32 to index
        %get3A_260 = arith.index_cast %multiple_of3A_254 : i32 to index
        %get3A_261 = tpu.vector_load %arg21[%get3A_259, %get3A_260] {strides = array<i32>} : memref<16x1000xf32, #tpu.memory_space<vmem>>, vector<1x16xf32>,
        %get3A_262 = vector.shape_cast %get3A_261 : vector<1x16xf32> to vector<16xf32>
        %add3A_263 = arith.addf %get3A_262, %get3A_258 : vector<16xf32>
        %swap3A_264 = arith.index_cast %scan3A_181 : i32 to index
        %swap3A_265 = arith.index_cast %multiple_of3A_254 : i32 to index
        %swap3A_266 = tpu.vector_load %arg21[%swap3A_264, %swap3A_265] {strides = array<i32>} : memref<16x1000xf32, #tpu.memory_space<vmem>>, vector<1x16xf32>,
        %swap3A_267 = vector.shape_cast %swap3A_266 : vector<1x16xf32> to vector<16xf32>
        %swap3A_268 = vector.shape_cast %add3A_263 : vector<16xf32> to vector<1x16xf32>
        tpu.vector_store %arg21[%swap3A_264, %swap3A_265], %swap3A_268 {strides = array<i32>} : memref<16x1000xf32, #tpu.memory_space<vmem>>, vector<1x16xf32>,
        %get3A_269 = arith.index_cast %scan3A_181 : i32 to index
        %get3A_270 = arith.index_cast %multiple_of3A_254 : i32 to index
        %get3A_271 = tpu.vector_load %arg22[%get3A_269, %get3A_270] {strides = array<i32>} : memref<16x1000xf32, #tpu.memory_space<vmem>>, vector<1x16xf32>,
        %get3A_272 = vector.shape_cast %get3A_271 : vector<1x16xf32> to vector<16xf32>
        %eq3A_273 = vector.broadcast %scan3A_246 : i32 to vector<16xi32>
        %eq3A_274 = arith.cmpi eq, %shift_right_arithmetic3A_186, %eq3A_273 : vector<16xi32>
        %select_n3A_275 = arith.select %eq3A_274, %get3A_258, %scan3A_251 : vector<16xi1>, vector<16xf32>
        %mul3A_276 = arith.constant 5.000000e-02 : f32
        %mul3A_277 = vector.broadcast %mul3A_276 : f32 to vector<16xf32>
        %mul3A_278 = arith.mulf %get3A_258, %mul3A_277 : vector<16xf32>
        %exp3A_279 = math.exp %mul3A_278 : vector<16xf32>
        %max3A_280 = arith.maximumf %scan3A_247, %get3A_258 : vector<16xf32>
        %min3A_281 = arith.minimumf %scan3A_247, %get3A_258 : vector<16xf32>
        %max3A_282 = arith.maximumf %scan3A_248, %min3A_281 : vector<16xf32>
        %add3A_283 = arith.addf %scan3A_249, %exp3A_279 : vector<16xf32>
        %mul3A_284 = arith.mulf %exp3A_279, %get3A_272 : vector<16xf32>
        %add3A_285 = arith.addf %scan3A_250, %mul3A_284 : vector<16xf32>
        scf.yield %max3A_280, %max3A_282, %add3A_283, %add3A_285, %select_n3A_275 : vector<16xf32>, vector<16xf32>, vector<16xf32>, vector<16xf32>, vector<16xf32>
      }
      %scan3A_192 = arith.constant 62 : i32
      %get3A_193 = arith.index_cast %scan3A_181 : i32 to index
      %get3A_194 = arith.constant 984 : index
      %get3A_195 = tpu.vector_load %arg20[%get3A_193, %get3A_194] {strides = array<i32>} : memref<16x1000xf32, #tpu.memory_space<vmem>>, vector<1x16xf32>,
      %get3A_196 = vector.shape_cast %get3A_195 : vector<1x16xf32> to vector<16xf32>
      %get3A_197 = arith.index_cast %scan3A_181 : i32 to index
      %get3A_198 = arith.constant 984 : index
      %get3A_199 = tpu.vector_load %arg21[%get3A_197, %get3A_198] {strides = array<i32>} : memref<16x1000xf32, #tpu.memory_space<vmem>>, vector<1x16xf32>,
      %get3A_200 = vector.shape_cast %get3A_199 : vector<1x16xf32> to vector<16xf32>
      %add3A_201 = arith.addf %get3A_200, %get3A_196 : vector<16xf32>
      %select_n3A = arith.select %ge3A_2, %add3A_201, %get3A_200 : vector<16xi1>, vector<16xf32>
      %swap3A = arith.index_cast %scan3A_181 : i32 to index
      %swap3A_202 = arith.constant 984 : index
      %swap3A_203 = tpu.vector_load %arg21[%swap3A, %swap3A_202] {strides = array<i32>} : memref<16x1000xf32, #tpu.memory_space<vmem>>, vector<1x16xf32>,
      %swap3A_204 = vector.shape_cast %swap3A_203 : vector<1x16xf32> to vector<16xf32>
      %swap3A_205 = vector.shape_cast %select_n3A : vector<16xf32> to vector<1x16xf32>
      tpu.vector_store %arg21[%swap3A, %swap3A_202], %swap3A_205 {strides = array<i32>} : memref<16x1000xf32, #tpu.memory_space<vmem>>, vector<1x16xf32>,
      %eq3A = arith.constant 62 : i32
      %eq3A_206 = vector.broadcast %eq3A : i32 to vector<16xi32>
      %eq3A_207 = arith.cmpi eq, %shift_right_arithmetic3A_186, %eq3A_206 : vector<16xi32>
      %select_n3A_208 = arith.select %eq3A_207, %get3A_196, %scan3A_191#4 : vector<16xi1>, vector<16xf32>
      %jit3A = arith.constant -1.000000e+30 : f32
      %broadcast_in_dim3A_209 = vector.broadcast %jit3A : f32 to vector<16xf32>
      %select_n3A_210 = arith.select %ge3A_2, %get3A_196, %broadcast_in_dim3A_209 : vector<16xi1>, vector<16xf32>
      %get3A_211 = arith.index_cast %scan3A_181 : i32 to index
      %get3A_212 = arith.constant 984 : index
      %get3A_213 = tpu.vector_load %arg22[%get3A_211, %get3A_212] {strides = array<i32>} : memref<16x1000xf32, #tpu.memory_space<vmem>>, vector<1x16xf32>,
      %get3A_214 = vector.shape_cast %get3A_213 : vector<1x16xf32> to vector<16xf32>
      %mul3A_215 = arith.constant 5.000000e-02 : f32
      %mul3A_216 = vector.broadcast %mul3A_215 : f32 to vector<16xf32>
      %mul3A_217 = arith.mulf %select_n3A_210, %mul3A_216 : vector<16xf32>
      %exp3A = math.exp %mul3A_217 : vector<16xf32>
      %max3A = arith.maximumf %scan3A_191#0, %select_n3A_210 : vector<16xf32>
      %min3A = arith.minimumf %scan3A_191#0, %select_n3A_210 : vector<16xf32>
      %max3A_218 = arith.maximumf %scan3A_191#1, %min3A : vector<16xf32>
      %add3A_219 = arith.addf %scan3A_191#2, %exp3A : vector<16xf32>
      %mul3A_220 = arith.mulf %exp3A, %get3A_214 : vector<16xf32>
      %add3A_221 = arith.addf %scan3A_191#3, %mul3A_220 : vector<16xf32>
      %add3A_222 = arith.constant 96 : i32
      %add3A_223 = arith.addi %add3A_222, %scan3A_181 : i32
      %mul3A_224 = arith.constant 16 : i32
      %mul3A_225 = arith.muli %add3A_223, %mul3A_224 : i32
      %multiple_of3A = tpu.assume_multiple %mul3A_225, 16 : i32
      %swap3A_226 = arith.index_cast %multiple_of3A : i32 to index
      %swap3A_227 = tpu.vector_load %arg24[%swap3A_226] {strides = array<i32>} : memref<2048xf32, #tpu.memory_space<vmem>>, vector<16xf32>,
      %swap3A_228 = vector.shape_cast %swap3A_227 : vector<16xf32> to vector<16xf32>
      %swap3A_229 = vector.shape_cast %max3A : vector<16xf32> to vector<16xf32>
      tpu.vector_store %arg24[%swap3A_226], %swap3A_229 {strides = array<i32>} : memref<2048xf32, #tpu.memory_space<vmem>>, vector<16xf32>,
      %swap3A_230 = arith.index_cast %multiple_of3A : i32 to index
      %swap3A_231 = tpu.vector_load %arg25[%swap3A_230] {strides = array<i32>} : memref<2048xf32, #tpu.memory_space<vmem>>, vector<16xf32>,
      %swap3A_232 = vector.shape_cast %swap3A_231 : vector<16xf32> to vector<16xf32>
      %swap3A_233 = vector.shape_cast %max3A_218 : vector<16xf32> to vector<16xf32>
      tpu.vector_store %arg25[%swap3A_230], %swap3A_233 {strides = array<i32>} : memref<2048xf32, #tpu.memory_space<vmem>>, vector<16xf32>,
      %swap3A_234 = arith.index_cast %multiple_of3A : i32 to index
      %swap3A_235 = tpu.vector_load %arg26[%swap3A_234] {strides = array<i32>} : memref<2048xf32, #tpu.memory_space<vmem>>, vector<16xf32>,
      %swap3A_236 = vector.shape_cast %swap3A_235 : vector<16xf32> to vector<16xf32>
      %swap3A_237 = vector.shape_cast %add3A_219 : vector<16xf32> to vector<16xf32>
      tpu.vector_store %arg26[%swap3A_234], %swap3A_237 {strides = array<i32>} : memref<2048xf32, #tpu.memory_space<vmem>>, vector<16xf32>,
      %swap3A_238 = arith.index_cast %multiple_of3A : i32 to index
      %swap3A_239 = tpu.vector_load %arg27[%swap3A_238] {strides = array<i32>} : memref<2048xf32, #tpu.memory_space<vmem>>, vector<16xf32>,
      %swap3A_240 = vector.shape_cast %swap3A_239 : vector<16xf32> to vector<16xf32>
      %swap3A_241 = vector.shape_cast %add3A_221 : vector<16xf32> to vector<16xf32>
      tpu.vector_store %arg27[%swap3A_238], %swap3A_241 {strides = array<i32>} : memref<2048xf32, #tpu.memory_space<vmem>>, vector<16xf32>,
      %swap3A_242 = arith.index_cast %multiple_of3A : i32 to index
      %swap3A_243 = tpu.vector_load %arg28[%swap3A_242] {strides = array<i32>} : memref<2048xf32, #tpu.memory_space<vmem>>, vector<16xf32>,
      %swap3A_244 = vector.shape_cast %swap3A_243 : vector<16xf32> to vector<16xf32>
      %swap3A_245 = vector.shape_cast %select_n3A_208 : vector<16xf32> to vector<16xf32>
      tpu.vector_store %arg28[%swap3A_242], %swap3A_245 {strides = array<i32>} : memref<2048xf32, #tpu.memory_space<vmem>>, vector<16xf32>,
    }
    %scan3A_148 = arith.constant 16 : i32
    %scan3A_149 = arith.constant 0 : i32
    %scan3A_150 = arith.constant 0 : i32
    %scan3A_151 = arith.constant 16 : i32
    %scan3A_152 = arith.addi %scan3A_150, %scan3A_151 : i32
    %scan3A_153 = arith.constant 1 : i32
    scf.for %scan3A_181 = %scan3A_150 to %scan3A_152 step %scan3A_153  : i32 {
      %get3A = arith.index_cast %scan3A_181 : i32 to index
      %get3A_182 = arith.constant 0 : index
      %get3A_183 = tpu.vector_load %arg23[%get3A, %get3A_182] {strides = array<i32>} : memref<16x16xi32, #tpu.memory_space<vmem>>, vector<1x16xi32>,
      %get3A_184 = vector.shape_cast %get3A_183 : vector<1x16xi32> to vector<16xi32>
      %shift_right_arithmetic3A = arith.constant 4 : i32
      %shift_right_arithmetic3A_185 = vector.broadcast %shift_right_arithmetic3A : i32 to vector<16xi32>
      %shift_right_arithmetic3A_186 = arith.shrsi %get3A_184, %shift_right_arithmetic3A_185 : vector<16xi32>
      %scan3A_187 = arith.constant 0 : i32
      %scan3A_188 = arith.constant 62 : i32
      %scan3A_189 = arith.addi %scan3A_187, %scan3A_188 : i32
      %scan3A_190 = arith.constant 1 : i32
      %scan3A_191:5 = scf.for %scan3A_238 = %scan3A_187 to %scan3A_189 step %scan3A_190 iter_args(%scan3A_239 = %broadcast_in_dim3A_5, %scan3A_240 = %broadcast_in_dim3A_5, %scan3A_241 = %broadcast_in_dim3A_3, %scan3A_242 = %broadcast_in_dim3A_3, %scan3A_243 = %broadcast_in_dim3A_3) -> (vector<16xf32>, vector<16xf32>, vector<16xf32>, vector<16xf32>, vector<16xf32>)  : i32 {
        %mul3A_244 = arith.constant 16 : i32
        %mul3A_245 = arith.muli %scan3A_238, %mul3A_244 : i32
        %multiple_of3A_246 = tpu.assume_multiple %mul3A_245, 16 : i32
        %get3A_247 = arith.index_cast %scan3A_181 : i32 to index
        %get3A_248 = arith.index_cast %multiple_of3A_246 : i32 to index
        %get3A_249 = tpu.vector_load %arg21[%get3A_247, %get3A_248] {strides = array<i32>} : memref<16x1000xf32, #tpu.memory_space<vmem>>, vector<1x16xf32>,
        %get3A_250 = vector.shape_cast %get3A_249 : vector<1x16xf32> to vector<16xf32>
        %mul3A_251 = arith.constant 0.142857149 : f32
        %mul3A_252 = vector.broadcast %mul3A_251 : f32 to vector<16xf32>
        %mul3A_253 = arith.mulf %get3A_250, %mul3A_252 : vector<16xf32>
        %get3A_254 = arith.index_cast %scan3A_181 : i32 to index
        %get3A_255 = arith.index_cast %multiple_of3A_246 : i32 to index
        %get3A_256 = tpu.vector_load %arg22[%get3A_254, %get3A_255] {strides = array<i32>} : memref<16x1000xf32, #tpu.memory_space<vmem>>, vector<1x16xf32>,
        %get3A_257 = vector.shape_cast %get3A_256 : vector<1x16xf32> to vector<16xf32>
        %eq3A_258 = vector.broadcast %scan3A_238 : i32 to vector<16xi32>
        %eq3A_259 = arith.cmpi eq, %shift_right_arithmetic3A_186, %eq3A_258 : vector<16xi32>
        %select_n3A_260 = arith.select %eq3A_259, %mul3A_253, %scan3A_243 : vector<16xi1>, vector<16xf32>
        %mul3A_261 = arith.constant 5.000000e-02 : f32
        %mul3A_262 = vector.broadcast %mul3A_261 : f32 to vector<16xf32>
        %mul3A_263 = arith.mulf %mul3A_253, %mul3A_262 : vector<16xf32>
        %exp3A_264 = math.exp %mul3A_263 : vector<16xf32>
        %max3A_265 = arith.maximumf %scan3A_239, %mul3A_253 : vector<16xf32>
        %min3A_266 = arith.minimumf %scan3A_239, %mul3A_253 : vector<16xf32>
        %max3A_267 = arith.maximumf %scan3A_240, %min3A_266 : vector<16xf32>
        %add3A_268 = arith.addf %scan3A_241, %exp3A_264 : vector<16xf32>
        %mul3A_269 = arith.mulf %exp3A_264, %get3A_257 : vector<16xf32>
        %add3A_270 = arith.addf %scan3A_242, %mul3A_269 : vector<16xf32>
        scf.yield %max3A_265, %max3A_267, %add3A_268, %add3A_270, %select_n3A_260 : vector<16xf32>, vector<16xf32>, vector<16xf32>, vector<16xf32>, vector<16xf32>
      }
      %scan3A_192 = arith.constant 62 : i32
      %get3A_193 = arith.index_cast %scan3A_181 : i32 to index
      %get3A_194 = arith.constant 984 : index
      %get3A_195 = tpu.vector_load %arg21[%get3A_193, %get3A_194] {strides = array<i32>} : memref<16x1000xf32, #tpu.memory_space<vmem>>, vector<1x16xf32>,
      %get3A_196 = vector.shape_cast %get3A_195 : vector<1x16xf32> to vector<16xf32>
      %mul3A_197 = arith.constant 0.142857149 : f32
      %mul3A_198 = vector.broadcast %mul3A_197 : f32 to vector<16xf32>
      %mul3A_199 = arith.mulf %get3A_196, %mul3A_198 : vector<16xf32>
      %eq3A = arith.constant 62 : i32
      %eq3A_200 = vector.broadcast %eq3A : i32 to vector<16xi32>
      %eq3A_201 = arith.cmpi eq, %shift_right_arithmetic3A_186, %eq3A_200 : vector<16xi32>
      %select_n3A = arith.select %eq3A_201, %mul3A_199, %scan3A_191#4 : vector<16xi1>, vector<16xf32>
      %jit3A = arith.constant -1.000000e+30 : f32
      %broadcast_in_dim3A_202 = vector.broadcast %jit3A : f32 to vector<16xf32>
      %select_n3A_203 = arith.select %ge3A_2, %mul3A_199, %broadcast_in_dim3A_202 : vector<16xi1>, vector<16xf32>
      %get3A_204 = arith.index_cast %scan3A_181 : i32 to index
      %get3A_205 = arith.constant 984 : index
      %get3A_206 = tpu.vector_load %arg22[%get3A_204, %get3A_205] {strides = array<i32>} : memref<16x1000xf32, #tpu.memory_space<vmem>>, vector<1x16xf32>,
      %get3A_207 = vector.shape_cast %get3A_206 : vector<1x16xf32> to vector<16xf32>
      %mul3A_208 = arith.constant 5.000000e-02 : f32
      %mul3A_209 = vector.broadcast %mul3A_208 : f32 to vector<16xf32>
      %mul3A_210 = arith.mulf %select_n3A_203, %mul3A_209 : vector<16xf32>
      %exp3A = math.exp %mul3A_210 : vector<16xf32>
      %max3A = arith.maximumf %scan3A_191#0, %select_n3A_203 : vector<16xf32>
      %min3A = arith.minimumf %scan3A_191#0, %select_n3A_203 : vector<16xf32>
      %max3A_211 = arith.maximumf %scan3A_191#1, %min3A : vector<16xf32>
      %add3A_212 = arith.addf %scan3A_191#2, %exp3A : vector<16xf32>
      %mul3A_213 = arith.mulf %exp3A, %get3A_207 : vector<16xf32>
      %add3A_214 = arith.addf %scan3A_191#3, %mul3A_213 : vector<16xf32>
      %add3A_215 = arith.constant 112 : i32
      %add3A_216 = arith.addi %add3A_215, %scan3A_181 : i32
      %mul3A_217 = arith.constant 16 : i32
      %mul3A_218 = arith.muli %add3A_216, %mul3A_217 : i32
      %multiple_of3A = tpu.assume_multiple %mul3A_218, 16 : i32
      %swap3A = arith.index_cast %multiple_of3A : i32 to index
      %swap3A_219 = tpu.vector_load %arg24[%swap3A] {strides = array<i32>} : memref<2048xf32, #tpu.memory_space<vmem>>, vector<16xf32>,
      %swap3A_220 = vector.shape_cast %swap3A_219 : vector<16xf32> to vector<16xf32>
      %swap3A_221 = vector.shape_cast %max3A : vector<16xf32> to vector<16xf32>
      tpu.vector_store %arg24[%swap3A], %swap3A_221 {strides = array<i32>} : memref<2048xf32, #tpu.memory_space<vmem>>, vector<16xf32>,
      %swap3A_222 = arith.index_cast %multiple_of3A : i32 to index
      %swap3A_223 = tpu.vector_load %arg25[%swap3A_222] {strides = array<i32>} : memref<2048xf32, #tpu.memory_space<vmem>>, vector<16xf32>,
      %swap3A_224 = vector.shape_cast %swap3A_223 : vector<16xf32> to vector<16xf32>
      %swap3A_225 = vector.shape_cast %max3A_211 : vector<16xf32> to vector<16xf32>
      tpu.vector_store %arg25[%swap3A_222], %swap3A_225 {strides = array<i32>} : memref<2048xf32, #tpu.memory_space<vmem>>, vector<16xf32>,
      %swap3A_226 = arith.index_cast %multiple_of3A : i32 to index
      %swap3A_227 = tpu.vector_load %arg26[%swap3A_226] {strides = array<i32>} : memref<2048xf32, #tpu.memory_space<vmem>>, vector<16xf32>,
      %swap3A_228 = vector.shape_cast %swap3A_227 : vector<16xf32> to vector<16xf32>
      %swap3A_229 = vector.shape_cast %add3A_212 : vector<16xf32> to vector<16xf32>
      tpu.vector_store %arg26[%swap3A_226], %swap3A_229 {strides = array<i32>} : memref<2048xf32, #tpu.memory_space<vmem>>, vector<16xf32>,
      %swap3A_230 = arith.index_cast %multiple_of3A : i32 to index
      %swap3A_231 = tpu.vector_load %arg27[%swap3A_230] {strides = array<i32>} : memref<2048xf32, #tpu.memory_space<vmem>>, vector<16xf32>,
      %swap3A_232 = vector.shape_cast %swap3A_231 : vector<16xf32> to vector<16xf32>
      %swap3A_233 = vector.shape_cast %add3A_214 : vector<16xf32> to vector<16xf32>
      tpu.vector_store %arg27[%swap3A_230], %swap3A_233 {strides = array<i32>} : memref<2048xf32, #tpu.memory_space<vmem>>, vector<16xf32>,
      %swap3A_234 = arith.index_cast %multiple_of3A : i32 to index
      %swap3A_235 = tpu.vector_load %arg28[%swap3A_234] {strides = array<i32>} : memref<2048xf32, #tpu.memory_space<vmem>>, vector<16xf32>,
      %swap3A_236 = vector.shape_cast %swap3A_235 : vector<16xf32> to vector<16xf32>
      %swap3A_237 = vector.shape_cast %select_n3A : vector<16xf32> to vector<16xf32>
      tpu.vector_store %arg28[%swap3A_234], %swap3A_237 {strides = array<i32>} : memref<2048xf32, #tpu.memory_space<vmem>>, vector<16xf32>,
    }
    %scan3A_154 = arith.constant 16 : i32
    %mul3A_155 = arith.constant 8 : i32
    %mul3A_156 = arith.muli %mul3A_98, %mul3A_155 : i32
    %mul3A_157 = arith.constant 16 : i32
    %mul3A_158 = arith.muli %mul3A_156, %mul3A_157 : i32
    "tpu.region"() ({
      %run_scoped3A = tpu.sem_alloc : memref<!tpu.dma_semaphore, #tpu.memory_space<semaphore_mem>>
      %dma_start3A = tpu.memref_slice %arg11[%mul3A_158] : memref<131072xf32, #tpu.memory_space<hbm>> -> memref<2048xf32, #tpu.memory_space<hbm>>
      %dma_start3A_181 = tpu.memref_slice %arg11[%mul3A_158] : memref<131072xf32, #tpu.memory_space<hbm>> -> memref<2048xf32, #tpu.memory_space<hbm>>
      tpu.enqueue_dma source(%arg24 : memref<2048xf32, #tpu.memory_space<vmem>>) target(%dma_start3A_181 : memref<2048xf32, #tpu.memory_space<hbm>>) target_semaphore(%run_scoped3A : memref<!tpu.dma_semaphore, #tpu.memory_space<semaphore_mem>>)
      %dma_wait3A = tpu.memref_slice %arg11[%mul3A_158] : memref<131072xf32, #tpu.memory_space<hbm>> -> memref<2048xf32, #tpu.memory_space<hbm>>
      %dma_wait3A_182 = tpu.memref_slice %arg11[%mul3A_158] : memref<131072xf32, #tpu.memory_space<hbm>> -> memref<2048xf32, #tpu.memory_space<hbm>>
      tpu.wait_dma2 semaphore(%run_scoped3A : memref<!tpu.dma_semaphore, #tpu.memory_space<semaphore_mem>>) src(%arg24 : memref<2048xf32, #tpu.memory_space<vmem>>) dst(%dma_wait3A_182 : memref<2048xf32, #tpu.memory_space<hbm>>)
      tpu.yield
    }) : () -> ()
    %mul3A_159 = arith.constant 8 : i32
    %mul3A_160 = arith.muli %mul3A_98, %mul3A_159 : i32
    %mul3A_161 = arith.constant 16 : i32
    %mul3A_162 = arith.muli %mul3A_160, %mul3A_161 : i32
    "tpu.region"() ({
      %run_scoped3A = tpu.sem_alloc : memref<!tpu.dma_semaphore, #tpu.memory_space<semaphore_mem>>
      %dma_start3A = tpu.memref_slice %arg12[%mul3A_162] : memref<131072xf32, #tpu.memory_space<hbm>> -> memref<2048xf32, #tpu.memory_space<hbm>>
      %dma_start3A_181 = tpu.memref_slice %arg12[%mul3A_162] : memref<131072xf32, #tpu.memory_space<hbm>> -> memref<2048xf32, #tpu.memory_space<hbm>>
      tpu.enqueue_dma source(%arg25 : memref<2048xf32, #tpu.memory_space<vmem>>) target(%dma_start3A_181 : memref<2048xf32, #tpu.memory_space<hbm>>) target_semaphore(%run_scoped3A : memref<!tpu.dma_semaphore, #tpu.memory_space<semaphore_mem>>)
      %dma_wait3A = tpu.memref_slice %arg12[%mul3A_162] : memref<131072xf32, #tpu.memory_space<hbm>> -> memref<2048xf32, #tpu.memory_space<hbm>>
      %dma_wait3A_182 = tpu.memref_slice %arg12[%mul3A_162] : memref<131072xf32, #tpu.memory_space<hbm>> -> memref<2048xf32, #tpu.memory_space<hbm>>
      tpu.wait_dma2 semaphore(%run_scoped3A : memref<!tpu.dma_semaphore, #tpu.memory_space<semaphore_mem>>) src(%arg25 : memref<2048xf32, #tpu.memory_space<vmem>>) dst(%dma_wait3A_182 : memref<2048xf32, #tpu.memory_space<hbm>>)
      tpu.yield
    }) : () -> ()
    %mul3A_163 = arith.constant 8 : i32
    %mul3A_164 = arith.muli %mul3A_98, %mul3A_163 : i32
    %mul3A_165 = arith.constant 16 : i32
    %mul3A_166 = arith.muli %mul3A_164, %mul3A_165 : i32
    "tpu.region"() ({
      %run_scoped3A = tpu.sem_alloc : memref<!tpu.dma_semaphore, #tpu.memory_space<semaphore_mem>>
      %dma_start3A = tpu.memref_slice %arg13[%mul3A_166] : memref<131072xf32, #tpu.memory_space<hbm>> -> memref<2048xf32, #tpu.memory_space<hbm>>
      %dma_start3A_181 = tpu.memref_slice %arg13[%mul3A_166] : memref<131072xf32, #tpu.memory_space<hbm>> -> memref<2048xf32, #tpu.memory_space<hbm>>
      tpu.enqueue_dma source(%arg26 : memref<2048xf32, #tpu.memory_space<vmem>>) target(%dma_start3A_181 : memref<2048xf32, #tpu.memory_space<hbm>>) target_semaphore(%run_scoped3A : memref<!tpu.dma_semaphore, #tpu.memory_space<semaphore_mem>>)
      %dma_wait3A = tpu.memref_slice %arg13[%mul3A_166] : memref<131072xf32, #tpu.memory_space<hbm>> -> memref<2048xf32, #tpu.memory_space<hbm>>
      %dma_wait3A_182 = tpu.memref_slice %arg13[%mul3A_166] : memref<131072xf32, #tpu.memory_space<hbm>> -> memref<2048xf32, #tpu.memory_space<hbm>>
      tpu.wait_dma2 semaphore(%run_scoped3A : memref<!tpu.dma_semaphore, #tpu.memory_space<semaphore_mem>>) src(%arg26 : memref<2048xf32, #tpu.memory_space<vmem>>) dst(%dma_wait3A_182 : memref<2048xf32, #tpu.memory_space<hbm>>)
      tpu.yield
    }) : () -> ()
    %mul3A_167 = arith.constant 8 : i32
    %mul3A_168 = arith.muli %mul3A_98, %mul3A_167 : i32
    %mul3A_169 = arith.constant 16 : i32
    %mul3A_170 = arith.muli %mul3A_168, %mul3A_169 : i32
    "tpu.region"() ({
      %run_scoped3A = tpu.sem_alloc : memref<!tpu.dma_semaphore, #tpu.memory_space<semaphore_mem>>
      %dma_start3A = tpu.memref_slice %arg14[%mul3A_170] : memref<131072xf32, #tpu.memory_space<hbm>> -> memref<2048xf32, #tpu.memory_space<hbm>>
      %dma_start3A_181 = tpu.memref_slice %arg14[%mul3A_170] : memref<131072xf32, #tpu.memory_space<hbm>> -> memref<2048xf32, #tpu.memory_space<hbm>>
      tpu.enqueue_dma source(%arg27 : memref<2048xf32, #tpu.memory_space<vmem>>) target(%dma_start3A_181 : memref<2048xf32, #tpu.memory_space<hbm>>) target_semaphore(%run_scoped3A : memref<!tpu.dma_semaphore, #tpu.memory_space<semaphore_mem>>)
      %dma_wait3A = tpu.memref_slice %arg14[%mul3A_170] : memref<131072xf32, #tpu.memory_space<hbm>> -> memref<2048xf32, #tpu.memory_space<hbm>>
      %dma_wait3A_182 = tpu.memref_slice %arg14[%mul3A_170] : memref<131072xf32, #tpu.memory_space<hbm>> -> memref<2048xf32, #tpu.memory_space<hbm>>
      tpu.wait_dma2 semaphore(%run_scoped3A : memref<!tpu.dma_semaphore, #tpu.memory_space<semaphore_mem>>) src(%arg27 : memref<2048xf32, #tpu.memory_space<vmem>>) dst(%dma_wait3A_182 : memref<2048xf32, #tpu.memory_space<hbm>>)
      tpu.yield
    }) : () -> ()
    %mul3A_171 = arith.constant 8 : i32
    %mul3A_172 = arith.muli %mul3A_98, %mul3A_171 : i32
    %mul3A_173 = arith.constant 16 : i32
    %mul3A_174 = arith.muli %mul3A_172, %mul3A_173 : i32
    "tpu.region"() ({
      %run_scoped3A = tpu.sem_alloc : memref<!tpu.dma_semaphore, #tpu.memory_space<semaphore_mem>>
      %dma_start3A = tpu.memref_slice %arg15[%mul3A_174] : memref<131072xf32, #tpu.memory_space<hbm>> -> memref<2048xf32, #tpu.memory_space<hbm>>
      %dma_start3A_181 = tpu.memref_slice %arg15[%mul3A_174] : memref<131072xf32, #tpu.memory_space<hbm>> -> memref<2048xf32, #tpu.memory_space<hbm>>
      tpu.enqueue_dma source(%arg28 : memref<2048xf32, #tpu.memory_space<vmem>>) target(%dma_start3A_181 : memref<2048xf32, #tpu.memory_space<hbm>>) target_semaphore(%run_scoped3A : memref<!tpu.dma_semaphore, #tpu.memory_space<semaphore_mem>>)
      %dma_wait3A = tpu.memref_slice %arg15[%mul3A_174] : memref<131072xf32, #tpu.memory_space<hbm>> -> memref<2048xf32, #tpu.memory_space<hbm>>
      %dma_wait3A_182 = tpu.memref_slice %arg15[%mul3A_174] : memref<131072xf32, #tpu.memory_space<hbm>> -> memref<2048xf32, #tpu.memory_space<hbm>>
      tpu.wait_dma2 semaphore(%run_scoped3A : memref<!tpu.dma_semaphore, #tpu.memory_space<semaphore_mem>>) src(%arg28 : memref<2048xf32, #tpu.memory_space<vmem>>) dst(%dma_wait3A_182 : memref<2048xf32, #tpu.memory_space<hbm>>)
      tpu.yield
    }) : () -> ()
    %mul3A_175 = arith.constant 16 : i32
    %mul3A_176 = arith.muli %mul3A_98, %mul3A_175 : i32
    "tpu.region"() ({
      %run_scoped3A = tpu.sem_alloc : memref<!tpu.dma_semaphore, #tpu.memory_space<semaphore_mem>>
      %dma_start3A = tpu.memref_slice %arg16[%mul3A_176] : memref<16384xf32, #tpu.memory_space<hbm>> -> memref<256xf32, #tpu.memory_space<hbm>>
      %dma_start3A_181 = tpu.memref_slice %arg16[%mul3A_176] : memref<16384xf32, #tpu.memory_space<hbm>> -> memref<256xf32, #tpu.memory_space<hbm>>
      tpu.enqueue_dma source(%arg29 : memref<256xf32, #tpu.memory_space<vmem>>) target(%dma_start3A_181 : memref<256xf32, #tpu.memory_space<hbm>>) target_semaphore(%run_scoped3A : memref<!tpu.dma_semaphore, #tpu.memory_space<semaphore_mem>>)
      %dma_wait3A = tpu.memref_slice %arg16[%mul3A_176] : memref<16384xf32, #tpu.memory_space<hbm>> -> memref<256xf32, #tpu.memory_space<hbm>>
      %dma_wait3A_182 = tpu.memref_slice %arg16[%mul3A_176] : memref<16384xf32, #tpu.memory_space<hbm>> -> memref<256xf32, #tpu.memory_space<hbm>>
      tpu.wait_dma2 semaphore(%run_scoped3A : memref<!tpu.dma_semaphore, #tpu.memory_space<semaphore_mem>>) src(%arg29 : memref<256xf32, #tpu.memory_space<vmem>>) dst(%dma_wait3A_182 : memref<256xf32, #tpu.memory_space<hbm>>)
      tpu.yield
    }) : () -> ()
    %mul3A_177 = arith.constant 16 : i32
    %mul3A_178 = arith.muli %mul3A_98, %mul3A_177 : i32
    "tpu.region"() ({
      %run_scoped3A = tpu.sem_alloc : memref<!tpu.dma_semaphore, #tpu.memory_space<semaphore_mem>>
      %dma_start3A = tpu.memref_slice %arg17[%mul3A_178] : memref<16384xf32, #tpu.memory_space<hbm>> -> memref<256xf32, #tpu.memory_space<hbm>>
      %dma_start3A_181 = tpu.memref_slice %arg17[%mul3A_178] : memref<16384xf32, #tpu.memory_space<hbm>> -> memref<256xf32, #tpu.memory_space<hbm>>
      tpu.enqueue_dma source(%arg30 : memref<256xf32, #tpu.memory_space<vmem>>) target(%dma_start3A_181 : memref<256xf32, #tpu.memory_space<hbm>>) target_semaphore(%run_scoped3A : memref<!tpu.dma_semaphore, #tpu.memory_space<semaphore_mem>>)
      %dma_wait3A = tpu.memref_slice %arg17[%mul3A_178] : memref<16384xf32, #tpu.memory_space<hbm>> -> memref<256xf32, #tpu.memory_space<hbm>>
      %dma_wait3A_182 = tpu.memref_slice %arg17[%mul3A_178] : memref<16384xf32, #tpu.memory_space<hbm>> -> memref<256xf32, #tpu.memory_space<hbm>>
      tpu.wait_dma2 semaphore(%run_scoped3A : memref<!tpu.dma_semaphore, #tpu.memory_space<semaphore_mem>>) src(%arg30 : memref<256xf32, #tpu.memory_space<vmem>>) dst(%dma_wait3A_182 : memref<256xf32, #tpu.memory_space<hbm>>)
      tpu.yield
    }) : () -> ()
    %mul3A_179 = arith.constant 16 : i32
    %mul3A_180 = arith.muli %mul3A_98, %mul3A_179 : i32
    "tpu.region"() ({
      %run_scoped3A = tpu.sem_alloc : memref<!tpu.dma_semaphore, #tpu.memory_space<semaphore_mem>>
      %dma_start3A = tpu.memref_slice %arg18[%mul3A_180] : memref<16384xf32, #tpu.memory_space<hbm>> -> memref<256xf32, #tpu.memory_space<hbm>>
      %dma_start3A_181 = tpu.memref_slice %arg18[%mul3A_180] : memref<16384xf32, #tpu.memory_space<hbm>> -> memref<256xf32, #tpu.memory_space<hbm>>
      tpu.enqueue_dma source(%arg31 : memref<256xf32, #tpu.memory_space<vmem>>) target(%dma_start3A_181 : memref<256xf32, #tpu.memory_space<hbm>>) target_semaphore(%run_scoped3A : memref<!tpu.dma_semaphore, #tpu.memory_space<semaphore_mem>>)
      %dma_wait3A = tpu.memref_slice %arg18[%mul3A_180] : memref<16384xf32, #tpu.memory_space<hbm>> -> memref<256xf32, #tpu.memory_space<hbm>>
      %dma_wait3A_182 = tpu.memref_slice %arg18[%mul3A_180] : memref<16384xf32, #tpu.memory_space<hbm>> -> memref<256xf32, #tpu.memory_space<hbm>>
      tpu.wait_dma2 semaphore(%run_scoped3A : memref<!tpu.dma_semaphore, #tpu.memory_space<semaphore_mem>>) src(%arg31 : memref<256xf32, #tpu.memory_space<vmem>>) dst(%dma_wait3A_182 : memref<256xf32, #tpu.memory_space<hbm>>)
      tpu.yield
    }) : () -> ()
    return
  }
}

module attributes {stable_mosaic.version = 14 : i64} {
  func.func @_stage1_body(%arg0: i32, %arg1: memref<256x1000xf32, #tpu.memory_space<vmem>>, %arg2: memref<256x1000xf32, #tpu.memory_space<vmem>>, %arg3: memref<256x1000xf32, #tpu.memory_space<vmem>>, %arg4: memref<256x1000xf32, #tpu.memory_space<vmem>>, %arg5: memref<256x1000xf32, #tpu.memory_space<vmem>>, %arg6: memref<256x1000xf32, #tpu.memory_space<vmem>>, %arg7: memref<256x1000xf32, #tpu.memory_space<vmem>>, %arg8: memref<256x1000xf32, #tpu.memory_space<vmem>>, %arg9: memref<256x1xi32, #tpu.memory_space<vmem>>, %arg10: memref<256x8xf32, #tpu.memory_space<vmem>>, %arg11: memref<256x8xf32, #tpu.memory_space<vmem>>, %arg12: memref<256x8xf32, #tpu.memory_space<vmem>>, %arg13: memref<256x8xf32, #tpu.memory_space<vmem>>, %arg14: memref<256x1xf32, #tpu.memory_space<vmem>>, %arg15: memref<256x1xf32, #tpu.memory_space<vmem>>, %arg16: memref<256x1xf32, #tpu.memory_space<vmem>>) attributes {dimension_semantics = [#tpu.dimension_semantics<arbitrary>], iteration_bounds = array<i64: 12>, scalar_prefetch = 0 : i64, scratch_operands = 0 : i64, tpu.core_type = #tpu.core_type<tc>, window_params = [{transform_indices = @transform_0, window_bounds = array<i64: 256, 1000>}, {transform_indices = @transform_1, window_bounds = array<i64: 256, 1000>}, {transform_indices = @transform_2, window_bounds = array<i64: 256, 1000>}, {transform_indices = @transform_3, window_bounds = array<i64: 256, 1000>}, {transform_indices = @transform_4, window_bounds = array<i64: 256, 1000>}, {transform_indices = @transform_5, window_bounds = array<i64: 256, 1000>}, {transform_indices = @transform_6, window_bounds = array<i64: 256, 1000>}, {transform_indices = @transform_7, window_bounds = array<i64: 256, 1000>}, {transform_indices = @transform_8, window_bounds = array<i64: 256, 1>}, {transform_indices = @transform_9, window_bounds = array<i64: 256, 8>}, {transform_indices = @transform_10, window_bounds = array<i64: 256, 8>}, {transform_indices = @transform_11, window_bounds = array<i64: 256, 8>}, {transform_indices = @transform_12, window_bounds = array<i64: 256, 8>}, {transform_indices = @transform_13, window_bounds = array<i64: 256, 1>}, {transform_indices = @transform_14, window_bounds = array<i64: 256, 1>}, {transform_indices = @transform_15, window_bounds = array<i64: 256, 1>}]} {
    %iota3A = tpu.iota {dimensions = array<i32: 1>} : vector<256x1000xi32>
    %get3A = arith.constant 0 : index
    %get3A_0 = arith.constant 0 : index
    %get3A_1 = vector.load %arg9[%get3A, %get3A_0] : memref<256x1xi32, #tpu.memory_space<vmem>>, vector<256x1xi32>
    %get3A_2 = arith.constant 0 : index
    %get3A_3 = arith.constant 0 : index
    %get3A_4 = vector.load %arg8[%get3A_2, %get3A_3] : memref<256x1000xf32, #tpu.memory_space<vmem>>, vector<256x1000xf32>
    %mul3A = arith.constant 5.000000e-02 : f32
    %mul3A_5 = vector.broadcast %mul3A : f32 to vector<256x1000xf32>
    %mul3A_6 = arith.mulf %get3A_4, %mul3A_5 : vector<256x1000xf32>
    %mul3A_7 = arith.constant 1.44269502 : f32
    %mul3A_8 = vector.broadcast %mul3A_7 : f32 to vector<256x1000xf32>
    %mul3A_9 = arith.mulf %get3A_4, %mul3A_8 : vector<256x1000xf32>
    %exp23A = math.exp2 %mul3A_9 : vector<256x1000xf32>
    %reduce_sum3A = arith.constant dense<0.000000e+00> : vector<256xf32>
    %reduce_sum3A_10 = vector.multi_reduction <add>, %exp23A, %reduce_sum3A [1] : vector<256x1000xf32> to vector<256xf32>
    %broadcast_in_dim3A = vector.shape_cast %reduce_sum3A_10 : vector<256xf32> to vector<256x1xf32>
    %swap3A = arith.constant 0 : index
    %swap3A_11 = arith.constant 0 : index
    %swap3A_12 = vector.load %arg14[%swap3A, %swap3A_11] : memref<256x1xf32, #tpu.memory_space<vmem>>, vector<256x1xf32>
    tpu.vector_store %arg14[%swap3A, %swap3A_11], %broadcast_in_dim3A {strides = array<i32>} : memref<256x1xf32, #tpu.memory_space<vmem>>, vector<256x1xf32>,
    %mul3A_13 = arith.constant 1.44269502 : f32
    %mul3A_14 = vector.broadcast %mul3A_13 : f32 to vector<256x1000xf32>
    %mul3A_15 = arith.mulf %mul3A_6, %mul3A_14 : vector<256x1000xf32>
    %exp23A_16 = math.exp2 %mul3A_15 : vector<256x1000xf32>
    %reduce_sum3A_17 = arith.constant dense<0.000000e+00> : vector<256xf32>
    %reduce_sum3A_18 = vector.multi_reduction <add>, %exp23A_16, %reduce_sum3A_17 [1] : vector<256x1000xf32> to vector<256xf32>
    %broadcast_in_dim3A_19 = vector.shape_cast %reduce_sum3A_18 : vector<256xf32> to vector<256x1xf32>
    %swap3A_20 = arith.constant 0 : index
    %swap3A_21 = arith.constant 0 : index
    %swap3A_22 = vector.load %arg15[%swap3A_20, %swap3A_21] : memref<256x1xf32, #tpu.memory_space<vmem>>, vector<256x1xf32>
    tpu.vector_store %arg15[%swap3A_20, %swap3A_21], %broadcast_in_dim3A_19 {strides = array<i32>} : memref<256x1xf32, #tpu.memory_space<vmem>>, vector<256x1xf32>,
    %eq3A = vector.broadcast %get3A_1 : vector<256x1xi32> to vector<256x1000xi32>
    %eq3A_23 = arith.cmpi eq, %iota3A, %eq3A : vector<256x1000xi32>
    %jit3A = arith.constant 0.000000e+00 : f32
    %broadcast_in_dim3A_24 = vector.broadcast %jit3A : f32 to vector<256x1000xf32>
    %select_n3A = arith.select %eq3A_23, %get3A_4, %broadcast_in_dim3A_24 : vector<256x1000xi1>, vector<256x1000xf32>
    %reduce_sum3A_25 = arith.constant dense<0.000000e+00> : vector<256xf32>
    %reduce_sum3A_26 = vector.multi_reduction <add>, %select_n3A, %reduce_sum3A_25 [1] : vector<256x1000xf32> to vector<256xf32>
    %broadcast_in_dim3A_27 = vector.shape_cast %reduce_sum3A_26 : vector<256xf32> to vector<256x1xf32>
    %swap3A_28 = arith.constant 0 : index
    %swap3A_29 = arith.constant 0 : index
    %swap3A_30 = vector.load %arg16[%swap3A_28, %swap3A_29] : memref<256x1xf32, #tpu.memory_space<vmem>>, vector<256x1xf32>
    tpu.vector_store %arg16[%swap3A_28, %swap3A_29], %broadcast_in_dim3A_27 {strides = array<i32>} : memref<256x1xf32, #tpu.memory_space<vmem>>, vector<256x1xf32>,
    %get3A_31 = arith.constant 0 : index
    %get3A_32 = arith.constant 0 : index
    %get3A_33 = vector.load %arg1[%get3A_31, %get3A_32] : memref<256x1000xf32, #tpu.memory_space<vmem>>, vector<256x1000xf32>
    %reduce_max3A = arith.constant dense<0xFF800000> : vector<256xf32>
    %reduce_max3A_34 = vector.multi_reduction <maximumf>, %get3A_33, %reduce_max3A [1] : vector<256x1000xf32> to vector<256xf32>
    %broadcast_in_dim3A_35 = vector.shape_cast %reduce_max3A_34 : vector<256xf32> to vector<256x1xf32>
    %eq3A_36 = vector.broadcast %broadcast_in_dim3A_35 : vector<256x1xf32> to vector<256x1000xf32>
    %eq3A_37 = arith.cmpf oeq, %get3A_33, %eq3A_36 : vector<256x1000xf32>
    %convert_element_type3A = arith.extui %eq3A_37 : vector<256x1000xi1> to vector<256x1000xi32>
    %convert_element_type3A_38 = arith.sitofp %convert_element_type3A : vector<256x1000xi32> to vector<256x1000xf32>
    %reduce_sum3A_39 = arith.constant dense<0.000000e+00> : vector<256xf32>
    %reduce_sum3A_40 = vector.multi_reduction <add>, %convert_element_type3A_38, %reduce_sum3A_39 [1] : vector<256x1000xf32> to vector<256xf32>
    %broadcast_in_dim3A_41 = vector.shape_cast %reduce_sum3A_40 : vector<256xf32> to vector<256x1xf32>
    %jit3A_42 = arith.constant 0xFF800000 : f32
    %broadcast_in_dim3A_43 = vector.broadcast %jit3A_42 : f32 to vector<256x1000xf32>
    %select_n3A_44 = arith.select %eq3A_37, %broadcast_in_dim3A_43, %get3A_33 : vector<256x1000xi1>, vector<256x1000xf32>
    %reduce_max3A_45 = arith.constant dense<0xFF800000> : vector<256xf32>
    %reduce_max3A_46 = vector.multi_reduction <maximumf>, %select_n3A_44, %reduce_max3A_45 [1] : vector<256x1000xf32> to vector<256xf32>
    %broadcast_in_dim3A_47 = vector.shape_cast %reduce_max3A_46 : vector<256xf32> to vector<256x1xf32>
    %gt3A = arith.constant 1.000000e+00 : f32
    %gt3A_48 = vector.broadcast %gt3A : f32 to vector<256x1xf32>
    %gt3A_49 = arith.cmpf ogt, %broadcast_in_dim3A_41, %gt3A_48 : vector<256x1xf32>
    %select_n3A_50 = arith.select %gt3A_49, %broadcast_in_dim3A_35, %broadcast_in_dim3A_47 : vector<256x1xi1>, vector<256x1xf32>
    %mul3A_51 = arith.constant 0.0721347556 : f32
    %mul3A_52 = vector.broadcast %mul3A_51 : f32 to vector<256x1000xf32>
    %mul3A_53 = arith.mulf %get3A_33, %mul3A_52 : vector<256x1000xf32>
    %exp23A_54 = math.exp2 %mul3A_53 : vector<256x1000xf32>
    %reduce_sum3A_55 = arith.constant dense<0.000000e+00> : vector<256xf32>
    %reduce_sum3A_56 = vector.multi_reduction <add>, %exp23A_54, %reduce_sum3A_55 [1] : vector<256x1000xf32> to vector<256xf32>
    %broadcast_in_dim3A_57 = vector.shape_cast %reduce_sum3A_56 : vector<256xf32> to vector<256x1xf32>
    %mul3A_58 = arith.mulf %exp23A_54, %mul3A_6 : vector<256x1000xf32>
    %reduce_sum3A_59 = arith.constant dense<0.000000e+00> : vector<256xf32>
    %reduce_sum3A_60 = vector.multi_reduction <add>, %mul3A_58, %reduce_sum3A_59 [1] : vector<256x1000xf32> to vector<256xf32>
    %broadcast_in_dim3A_61 = vector.shape_cast %reduce_sum3A_60 : vector<256xf32> to vector<256x1xf32>
    %eq3A_62 = vector.broadcast %get3A_1 : vector<256x1xi32> to vector<256x1000xi32>
    %eq3A_63 = arith.cmpi eq, %iota3A, %eq3A_62 : vector<256x1000xi32>
    %jit3A_64 = arith.constant 0.000000e+00 : f32
    %broadcast_in_dim3A_65 = vector.broadcast %jit3A_64 : f32 to vector<256x1000xf32>
    %select_n3A_66 = arith.select %eq3A_63, %get3A_33, %broadcast_in_dim3A_65 : vector<256x1000xi1>, vector<256x1000xf32>
    %reduce_sum3A_67 = arith.constant dense<0.000000e+00> : vector<256xf32>
    %reduce_sum3A_68 = vector.multi_reduction <add>, %select_n3A_66, %reduce_sum3A_67 [1] : vector<256x1000xf32> to vector<256xf32>
    %broadcast_in_dim3A_69 = vector.shape_cast %reduce_sum3A_68 : vector<256xf32> to vector<256x1xf32>
    %div3A = arith.divf %broadcast_in_dim3A_61, %broadcast_in_dim3A_57 : vector<256x1xf32>
    %get3A_70 = arith.constant 0 : index
    %get3A_71 = arith.constant 0 : index
    %get3A_72 = vector.load %arg2[%get3A_70, %get3A_71] : memref<256x1000xf32, #tpu.memory_space<vmem>>, vector<256x1000xf32>
    %add3A = arith.addf %get3A_33, %get3A_72 : vector<256x1000xf32>
    %reduce_max3A_73 = arith.constant dense<0xFF800000> : vector<256xf32>
    %reduce_max3A_74 = vector.multi_reduction <maximumf>, %get3A_72, %reduce_max3A_73 [1] : vector<256x1000xf32> to vector<256xf32>
    %broadcast_in_dim3A_75 = vector.shape_cast %reduce_max3A_74 : vector<256xf32> to vector<256x1xf32>
    %eq3A_76 = vector.broadcast %broadcast_in_dim3A_75 : vector<256x1xf32> to vector<256x1000xf32>
    %eq3A_77 = arith.cmpf oeq, %get3A_72, %eq3A_76 : vector<256x1000xf32>
    %convert_element_type3A_78 = arith.extui %eq3A_77 : vector<256x1000xi1> to vector<256x1000xi32>
    %convert_element_type3A_79 = arith.sitofp %convert_element_type3A_78 : vector<256x1000xi32> to vector<256x1000xf32>
    %reduce_sum3A_80 = arith.constant dense<0.000000e+00> : vector<256xf32>
    %reduce_sum3A_81 = vector.multi_reduction <add>, %convert_element_type3A_79, %reduce_sum3A_80 [1] : vector<256x1000xf32> to vector<256xf32>
    %broadcast_in_dim3A_82 = vector.shape_cast %reduce_sum3A_81 : vector<256xf32> to vector<256x1xf32>
    %jit3A_83 = arith.constant 0xFF800000 : f32
    %broadcast_in_dim3A_84 = vector.broadcast %jit3A_83 : f32 to vector<256x1000xf32>
    %select_n3A_85 = arith.select %eq3A_77, %broadcast_in_dim3A_84, %get3A_72 : vector<256x1000xi1>, vector<256x1000xf32>
    %reduce_max3A_86 = arith.constant dense<0xFF800000> : vector<256xf32>
    %reduce_max3A_87 = vector.multi_reduction <maximumf>, %select_n3A_85, %reduce_max3A_86 [1] : vector<256x1000xf32> to vector<256xf32>
    %broadcast_in_dim3A_88 = vector.shape_cast %reduce_max3A_87 : vector<256xf32> to vector<256x1xf32>
    %gt3A_89 = arith.constant 1.000000e+00 : f32
    %gt3A_90 = vector.broadcast %gt3A_89 : f32 to vector<256x1xf32>
    %gt3A_91 = arith.cmpf ogt, %broadcast_in_dim3A_82, %gt3A_90 : vector<256x1xf32>
    %select_n3A_92 = arith.select %gt3A_91, %broadcast_in_dim3A_75, %broadcast_in_dim3A_88 : vector<256x1xi1>, vector<256x1xf32>
    %mul3A_93 = arith.constant 0.0721347556 : f32
    %mul3A_94 = vector.broadcast %mul3A_93 : f32 to vector<256x1000xf32>
    %mul3A_95 = arith.mulf %get3A_72, %mul3A_94 : vector<256x1000xf32>
    %exp23A_96 = math.exp2 %mul3A_95 : vector<256x1000xf32>
    %reduce_sum3A_97 = arith.constant dense<0.000000e+00> : vector<256xf32>
    %reduce_sum3A_98 = vector.multi_reduction <add>, %exp23A_96, %reduce_sum3A_97 [1] : vector<256x1000xf32> to vector<256xf32>
    %broadcast_in_dim3A_99 = vector.shape_cast %reduce_sum3A_98 : vector<256xf32> to vector<256x1xf32>
    %mul3A_100 = arith.mulf %exp23A_96, %mul3A_6 : vector<256x1000xf32>
    %reduce_sum3A_101 = arith.constant dense<0.000000e+00> : vector<256xf32>
    %reduce_sum3A_102 = vector.multi_reduction <add>, %mul3A_100, %reduce_sum3A_101 [1] : vector<256x1000xf32> to vector<256xf32>
    %broadcast_in_dim3A_103 = vector.shape_cast %reduce_sum3A_102 : vector<256xf32> to vector<256x1xf32>
    %eq3A_104 = vector.broadcast %get3A_1 : vector<256x1xi32> to vector<256x1000xi32>
    %eq3A_105 = arith.cmpi eq, %iota3A, %eq3A_104 : vector<256x1000xi32>
    %jit3A_106 = arith.constant 0.000000e+00 : f32
    %broadcast_in_dim3A_107 = vector.broadcast %jit3A_106 : f32 to vector<256x1000xf32>
    %select_n3A_108 = arith.select %eq3A_105, %get3A_72, %broadcast_in_dim3A_107 : vector<256x1000xi1>, vector<256x1000xf32>
    %reduce_sum3A_109 = arith.constant dense<0.000000e+00> : vector<256xf32>
    %reduce_sum3A_110 = vector.multi_reduction <add>, %select_n3A_108, %reduce_sum3A_109 [1] : vector<256x1000xf32> to vector<256xf32>
    %broadcast_in_dim3A_111 = vector.shape_cast %reduce_sum3A_110 : vector<256xf32> to vector<256x1xf32>
    %div3A_112 = arith.divf %broadcast_in_dim3A_103, %broadcast_in_dim3A_99 : vector<256x1xf32>
    %get3A_113 = arith.constant 0 : index
    %get3A_114 = arith.constant 0 : index
    %get3A_115 = vector.load %arg3[%get3A_113, %get3A_114] : memref<256x1000xf32, #tpu.memory_space<vmem>>, vector<256x1000xf32>
    %add3A_116 = arith.addf %add3A, %get3A_115 : vector<256x1000xf32>
    %reduce_max3A_117 = arith.constant dense<0xFF800000> : vector<256xf32>
    %reduce_max3A_118 = vector.multi_reduction <maximumf>, %get3A_115, %reduce_max3A_117 [1] : vector<256x1000xf32> to vector<256xf32>
    %broadcast_in_dim3A_119 = vector.shape_cast %reduce_max3A_118 : vector<256xf32> to vector<256x1xf32>
    %eq3A_120 = vector.broadcast %broadcast_in_dim3A_119 : vector<256x1xf32> to vector<256x1000xf32>
    %eq3A_121 = arith.cmpf oeq, %get3A_115, %eq3A_120 : vector<256x1000xf32>
    %convert_element_type3A_122 = arith.extui %eq3A_121 : vector<256x1000xi1> to vector<256x1000xi32>
    %convert_element_type3A_123 = arith.sitofp %convert_element_type3A_122 : vector<256x1000xi32> to vector<256x1000xf32>
    %reduce_sum3A_124 = arith.constant dense<0.000000e+00> : vector<256xf32>
    %reduce_sum3A_125 = vector.multi_reduction <add>, %convert_element_type3A_123, %reduce_sum3A_124 [1] : vector<256x1000xf32> to vector<256xf32>
    %broadcast_in_dim3A_126 = vector.shape_cast %reduce_sum3A_125 : vector<256xf32> to vector<256x1xf32>
    %jit3A_127 = arith.constant 0xFF800000 : f32
    %broadcast_in_dim3A_128 = vector.broadcast %jit3A_127 : f32 to vector<256x1000xf32>
    %select_n3A_129 = arith.select %eq3A_121, %broadcast_in_dim3A_128, %get3A_115 : vector<256x1000xi1>, vector<256x1000xf32>
    %reduce_max3A_130 = arith.constant dense<0xFF800000> : vector<256xf32>
    %reduce_max3A_131 = vector.multi_reduction <maximumf>, %select_n3A_129, %reduce_max3A_130 [1] : vector<256x1000xf32> to vector<256xf32>
    %broadcast_in_dim3A_132 = vector.shape_cast %reduce_max3A_131 : vector<256xf32> to vector<256x1xf32>
    %gt3A_133 = arith.constant 1.000000e+00 : f32
    %gt3A_134 = vector.broadcast %gt3A_133 : f32 to vector<256x1xf32>
    %gt3A_135 = arith.cmpf ogt, %broadcast_in_dim3A_126, %gt3A_134 : vector<256x1xf32>
    %select_n3A_136 = arith.select %gt3A_135, %broadcast_in_dim3A_119, %broadcast_in_dim3A_132 : vector<256x1xi1>, vector<256x1xf32>
    %mul3A_137 = arith.constant 0.0721347556 : f32
    %mul3A_138 = vector.broadcast %mul3A_137 : f32 to vector<256x1000xf32>
    %mul3A_139 = arith.mulf %get3A_115, %mul3A_138 : vector<256x1000xf32>
    %exp23A_140 = math.exp2 %mul3A_139 : vector<256x1000xf32>
    %reduce_sum3A_141 = arith.constant dense<0.000000e+00> : vector<256xf32>
    %reduce_sum3A_142 = vector.multi_reduction <add>, %exp23A_140, %reduce_sum3A_141 [1] : vector<256x1000xf32> to vector<256xf32>
    %broadcast_in_dim3A_143 = vector.shape_cast %reduce_sum3A_142 : vector<256xf32> to vector<256x1xf32>
    %mul3A_144 = arith.mulf %exp23A_140, %mul3A_6 : vector<256x1000xf32>
    %reduce_sum3A_145 = arith.constant dense<0.000000e+00> : vector<256xf32>
    %reduce_sum3A_146 = vector.multi_reduction <add>, %mul3A_144, %reduce_sum3A_145 [1] : vector<256x1000xf32> to vector<256xf32>
    %broadcast_in_dim3A_147 = vector.shape_cast %reduce_sum3A_146 : vector<256xf32> to vector<256x1xf32>
    %eq3A_148 = vector.broadcast %get3A_1 : vector<256x1xi32> to vector<256x1000xi32>
    %eq3A_149 = arith.cmpi eq, %iota3A, %eq3A_148 : vector<256x1000xi32>
    %jit3A_150 = arith.constant 0.000000e+00 : f32
    %broadcast_in_dim3A_151 = vector.broadcast %jit3A_150 : f32 to vector<256x1000xf32>
    %select_n3A_152 = arith.select %eq3A_149, %get3A_115, %broadcast_in_dim3A_151 : vector<256x1000xi1>, vector<256x1000xf32>
    %reduce_sum3A_153 = arith.constant dense<0.000000e+00> : vector<256xf32>
    %reduce_sum3A_154 = vector.multi_reduction <add>, %select_n3A_152, %reduce_sum3A_153 [1] : vector<256x1000xf32> to vector<256xf32>
    %broadcast_in_dim3A_155 = vector.shape_cast %reduce_sum3A_154 : vector<256xf32> to vector<256x1xf32>
    %div3A_156 = arith.divf %broadcast_in_dim3A_147, %broadcast_in_dim3A_143 : vector<256x1xf32>
    %get3A_157 = arith.constant 0 : index
    %get3A_158 = arith.constant 0 : index
    %get3A_159 = vector.load %arg4[%get3A_157, %get3A_158] : memref<256x1000xf32, #tpu.memory_space<vmem>>, vector<256x1000xf32>
    %add3A_160 = arith.addf %add3A_116, %get3A_159 : vector<256x1000xf32>
    %reduce_max3A_161 = arith.constant dense<0xFF800000> : vector<256xf32>
    %reduce_max3A_162 = vector.multi_reduction <maximumf>, %get3A_159, %reduce_max3A_161 [1] : vector<256x1000xf32> to vector<256xf32>
    %broadcast_in_dim3A_163 = vector.shape_cast %reduce_max3A_162 : vector<256xf32> to vector<256x1xf32>
    %eq3A_164 = vector.broadcast %broadcast_in_dim3A_163 : vector<256x1xf32> to vector<256x1000xf32>
    %eq3A_165 = arith.cmpf oeq, %get3A_159, %eq3A_164 : vector<256x1000xf32>
    %convert_element_type3A_166 = arith.extui %eq3A_165 : vector<256x1000xi1> to vector<256x1000xi32>
    %convert_element_type3A_167 = arith.sitofp %convert_element_type3A_166 : vector<256x1000xi32> to vector<256x1000xf32>
    %reduce_sum3A_168 = arith.constant dense<0.000000e+00> : vector<256xf32>
    %reduce_sum3A_169 = vector.multi_reduction <add>, %convert_element_type3A_167, %reduce_sum3A_168 [1] : vector<256x1000xf32> to vector<256xf32>
    %broadcast_in_dim3A_170 = vector.shape_cast %reduce_sum3A_169 : vector<256xf32> to vector<256x1xf32>
    %jit3A_171 = arith.constant 0xFF800000 : f32
    %broadcast_in_dim3A_172 = vector.broadcast %jit3A_171 : f32 to vector<256x1000xf32>
    %select_n3A_173 = arith.select %eq3A_165, %broadcast_in_dim3A_172, %get3A_159 : vector<256x1000xi1>, vector<256x1000xf32>
    %reduce_max3A_174 = arith.constant dense<0xFF800000> : vector<256xf32>
    %reduce_max3A_175 = vector.multi_reduction <maximumf>, %select_n3A_173, %reduce_max3A_174 [1] : vector<256x1000xf32> to vector<256xf32>
    %broadcast_in_dim3A_176 = vector.shape_cast %reduce_max3A_175 : vector<256xf32> to vector<256x1xf32>
    %gt3A_177 = arith.constant 1.000000e+00 : f32
    %gt3A_178 = vector.broadcast %gt3A_177 : f32 to vector<256x1xf32>
    %gt3A_179 = arith.cmpf ogt, %broadcast_in_dim3A_170, %gt3A_178 : vector<256x1xf32>
    %select_n3A_180 = arith.select %gt3A_179, %broadcast_in_dim3A_163, %broadcast_in_dim3A_176 : vector<256x1xi1>, vector<256x1xf32>
    %mul3A_181 = arith.constant 0.0721347556 : f32
    %mul3A_182 = vector.broadcast %mul3A_181 : f32 to vector<256x1000xf32>
    %mul3A_183 = arith.mulf %get3A_159, %mul3A_182 : vector<256x1000xf32>
    %exp23A_184 = math.exp2 %mul3A_183 : vector<256x1000xf32>
    %reduce_sum3A_185 = arith.constant dense<0.000000e+00> : vector<256xf32>
    %reduce_sum3A_186 = vector.multi_reduction <add>, %exp23A_184, %reduce_sum3A_185 [1] : vector<256x1000xf32> to vector<256xf32>
    %broadcast_in_dim3A_187 = vector.shape_cast %reduce_sum3A_186 : vector<256xf32> to vector<256x1xf32>
    %mul3A_188 = arith.mulf %exp23A_184, %mul3A_6 : vector<256x1000xf32>
    %reduce_sum3A_189 = arith.constant dense<0.000000e+00> : vector<256xf32>
    %reduce_sum3A_190 = vector.multi_reduction <add>, %mul3A_188, %reduce_sum3A_189 [1] : vector<256x1000xf32> to vector<256xf32>
    %broadcast_in_dim3A_191 = vector.shape_cast %reduce_sum3A_190 : vector<256xf32> to vector<256x1xf32>
    %eq3A_192 = vector.broadcast %get3A_1 : vector<256x1xi32> to vector<256x1000xi32>
    %eq3A_193 = arith.cmpi eq, %iota3A, %eq3A_192 : vector<256x1000xi32>
    %jit3A_194 = arith.constant 0.000000e+00 : f32
    %broadcast_in_dim3A_195 = vector.broadcast %jit3A_194 : f32 to vector<256x1000xf32>
    %select_n3A_196 = arith.select %eq3A_193, %get3A_159, %broadcast_in_dim3A_195 : vector<256x1000xi1>, vector<256x1000xf32>
    %reduce_sum3A_197 = arith.constant dense<0.000000e+00> : vector<256xf32>
    %reduce_sum3A_198 = vector.multi_reduction <add>, %select_n3A_196, %reduce_sum3A_197 [1] : vector<256x1000xf32> to vector<256xf32>
    %broadcast_in_dim3A_199 = vector.shape_cast %reduce_sum3A_198 : vector<256xf32> to vector<256x1xf32>
    %div3A_200 = arith.divf %broadcast_in_dim3A_191, %broadcast_in_dim3A_187 : vector<256x1xf32>
    %get3A_201 = arith.constant 0 : index
    %get3A_202 = arith.constant 0 : index
    %get3A_203 = vector.load %arg5[%get3A_201, %get3A_202] : memref<256x1000xf32, #tpu.memory_space<vmem>>, vector<256x1000xf32>
    %add3A_204 = arith.addf %add3A_160, %get3A_203 : vector<256x1000xf32>
    %reduce_max3A_205 = arith.constant dense<0xFF800000> : vector<256xf32>
    %reduce_max3A_206 = vector.multi_reduction <maximumf>, %get3A_203, %reduce_max3A_205 [1] : vector<256x1000xf32> to vector<256xf32>
    %broadcast_in_dim3A_207 = vector.shape_cast %reduce_max3A_206 : vector<256xf32> to vector<256x1xf32>
    %eq3A_208 = vector.broadcast %broadcast_in_dim3A_207 : vector<256x1xf32> to vector<256x1000xf32>
    %eq3A_209 = arith.cmpf oeq, %get3A_203, %eq3A_208 : vector<256x1000xf32>
    %convert_element_type3A_210 = arith.extui %eq3A_209 : vector<256x1000xi1> to vector<256x1000xi32>
    %convert_element_type3A_211 = arith.sitofp %convert_element_type3A_210 : vector<256x1000xi32> to vector<256x1000xf32>
    %reduce_sum3A_212 = arith.constant dense<0.000000e+00> : vector<256xf32>
    %reduce_sum3A_213 = vector.multi_reduction <add>, %convert_element_type3A_211, %reduce_sum3A_212 [1] : vector<256x1000xf32> to vector<256xf32>
    %broadcast_in_dim3A_214 = vector.shape_cast %reduce_sum3A_213 : vector<256xf32> to vector<256x1xf32>
    %jit3A_215 = arith.constant 0xFF800000 : f32
    %broadcast_in_dim3A_216 = vector.broadcast %jit3A_215 : f32 to vector<256x1000xf32>
    %select_n3A_217 = arith.select %eq3A_209, %broadcast_in_dim3A_216, %get3A_203 : vector<256x1000xi1>, vector<256x1000xf32>
    %reduce_max3A_218 = arith.constant dense<0xFF800000> : vector<256xf32>
    %reduce_max3A_219 = vector.multi_reduction <maximumf>, %select_n3A_217, %reduce_max3A_218 [1] : vector<256x1000xf32> to vector<256xf32>
    %broadcast_in_dim3A_220 = vector.shape_cast %reduce_max3A_219 : vector<256xf32> to vector<256x1xf32>
    %gt3A_221 = arith.constant 1.000000e+00 : f32
    %gt3A_222 = vector.broadcast %gt3A_221 : f32 to vector<256x1xf32>
    %gt3A_223 = arith.cmpf ogt, %broadcast_in_dim3A_214, %gt3A_222 : vector<256x1xf32>
    %select_n3A_224 = arith.select %gt3A_223, %broadcast_in_dim3A_207, %broadcast_in_dim3A_220 : vector<256x1xi1>, vector<256x1xf32>
    %mul3A_225 = arith.constant 0.0721347556 : f32
    %mul3A_226 = vector.broadcast %mul3A_225 : f32 to vector<256x1000xf32>
    %mul3A_227 = arith.mulf %get3A_203, %mul3A_226 : vector<256x1000xf32>
    %exp23A_228 = math.exp2 %mul3A_227 : vector<256x1000xf32>
    %reduce_sum3A_229 = arith.constant dense<0.000000e+00> : vector<256xf32>
    %reduce_sum3A_230 = vector.multi_reduction <add>, %exp23A_228, %reduce_sum3A_229 [1] : vector<256x1000xf32> to vector<256xf32>
    %broadcast_in_dim3A_231 = vector.shape_cast %reduce_sum3A_230 : vector<256xf32> to vector<256x1xf32>
    %mul3A_232 = arith.mulf %exp23A_228, %mul3A_6 : vector<256x1000xf32>
    %reduce_sum3A_233 = arith.constant dense<0.000000e+00> : vector<256xf32>
    %reduce_sum3A_234 = vector.multi_reduction <add>, %mul3A_232, %reduce_sum3A_233 [1] : vector<256x1000xf32> to vector<256xf32>
    %broadcast_in_dim3A_235 = vector.shape_cast %reduce_sum3A_234 : vector<256xf32> to vector<256x1xf32>
    %eq3A_236 = vector.broadcast %get3A_1 : vector<256x1xi32> to vector<256x1000xi32>
    %eq3A_237 = arith.cmpi eq, %iota3A, %eq3A_236 : vector<256x1000xi32>
    %jit3A_238 = arith.constant 0.000000e+00 : f32
    %broadcast_in_dim3A_239 = vector.broadcast %jit3A_238 : f32 to vector<256x1000xf32>
    %select_n3A_240 = arith.select %eq3A_237, %get3A_203, %broadcast_in_dim3A_239 : vector<256x1000xi1>, vector<256x1000xf32>
    %reduce_sum3A_241 = arith.constant dense<0.000000e+00> : vector<256xf32>
    %reduce_sum3A_242 = vector.multi_reduction <add>, %select_n3A_240, %reduce_sum3A_241 [1] : vector<256x1000xf32> to vector<256xf32>
    %broadcast_in_dim3A_243 = vector.shape_cast %reduce_sum3A_242 : vector<256xf32> to vector<256x1xf32>
    %div3A_244 = arith.divf %broadcast_in_dim3A_235, %broadcast_in_dim3A_231 : vector<256x1xf32>
    %get3A_245 = arith.constant 0 : index
    %get3A_246 = arith.constant 0 : index
    %get3A_247 = vector.load %arg6[%get3A_245, %get3A_246] : memref<256x1000xf32, #tpu.memory_space<vmem>>, vector<256x1000xf32>
    %add3A_248 = arith.addf %add3A_204, %get3A_247 : vector<256x1000xf32>
    %reduce_max3A_249 = arith.constant dense<0xFF800000> : vector<256xf32>
    %reduce_max3A_250 = vector.multi_reduction <maximumf>, %get3A_247, %reduce_max3A_249 [1] : vector<256x1000xf32> to vector<256xf32>
    %broadcast_in_dim3A_251 = vector.shape_cast %reduce_max3A_250 : vector<256xf32> to vector<256x1xf32>
    %eq3A_252 = vector.broadcast %broadcast_in_dim3A_251 : vector<256x1xf32> to vector<256x1000xf32>
    %eq3A_253 = arith.cmpf oeq, %get3A_247, %eq3A_252 : vector<256x1000xf32>
    %convert_element_type3A_254 = arith.extui %eq3A_253 : vector<256x1000xi1> to vector<256x1000xi32>
    %convert_element_type3A_255 = arith.sitofp %convert_element_type3A_254 : vector<256x1000xi32> to vector<256x1000xf32>
    %reduce_sum3A_256 = arith.constant dense<0.000000e+00> : vector<256xf32>
    %reduce_sum3A_257 = vector.multi_reduction <add>, %convert_element_type3A_255, %reduce_sum3A_256 [1] : vector<256x1000xf32> to vector<256xf32>
    %broadcast_in_dim3A_258 = vector.shape_cast %reduce_sum3A_257 : vector<256xf32> to vector<256x1xf32>
    %jit3A_259 = arith.constant 0xFF800000 : f32
    %broadcast_in_dim3A_260 = vector.broadcast %jit3A_259 : f32 to vector<256x1000xf32>
    %select_n3A_261 = arith.select %eq3A_253, %broadcast_in_dim3A_260, %get3A_247 : vector<256x1000xi1>, vector<256x1000xf32>
    %reduce_max3A_262 = arith.constant dense<0xFF800000> : vector<256xf32>
    %reduce_max3A_263 = vector.multi_reduction <maximumf>, %select_n3A_261, %reduce_max3A_262 [1] : vector<256x1000xf32> to vector<256xf32>
    %broadcast_in_dim3A_264 = vector.shape_cast %reduce_max3A_263 : vector<256xf32> to vector<256x1xf32>
    %gt3A_265 = arith.constant 1.000000e+00 : f32
    %gt3A_266 = vector.broadcast %gt3A_265 : f32 to vector<256x1xf32>
    %gt3A_267 = arith.cmpf ogt, %broadcast_in_dim3A_258, %gt3A_266 : vector<256x1xf32>
    %select_n3A_268 = arith.select %gt3A_267, %broadcast_in_dim3A_251, %broadcast_in_dim3A_264 : vector<256x1xi1>, vector<256x1xf32>
    %mul3A_269 = arith.constant 0.0721347556 : f32
    %mul3A_270 = vector.broadcast %mul3A_269 : f32 to vector<256x1000xf32>
    %mul3A_271 = arith.mulf %get3A_247, %mul3A_270 : vector<256x1000xf32>
    %exp23A_272 = math.exp2 %mul3A_271 : vector<256x1000xf32>
    %reduce_sum3A_273 = arith.constant dense<0.000000e+00> : vector<256xf32>
    %reduce_sum3A_274 = vector.multi_reduction <add>, %exp23A_272, %reduce_sum3A_273 [1] : vector<256x1000xf32> to vector<256xf32>
    %broadcast_in_dim3A_275 = vector.shape_cast %reduce_sum3A_274 : vector<256xf32> to vector<256x1xf32>
    %mul3A_276 = arith.mulf %exp23A_272, %mul3A_6 : vector<256x1000xf32>
    %reduce_sum3A_277 = arith.constant dense<0.000000e+00> : vector<256xf32>
    %reduce_sum3A_278 = vector.multi_reduction <add>, %mul3A_276, %reduce_sum3A_277 [1] : vector<256x1000xf32> to vector<256xf32>
    %broadcast_in_dim3A_279 = vector.shape_cast %reduce_sum3A_278 : vector<256xf32> to vector<256x1xf32>
    %eq3A_280 = vector.broadcast %get3A_1 : vector<256x1xi32> to vector<256x1000xi32>
    %eq3A_281 = arith.cmpi eq, %iota3A, %eq3A_280 : vector<256x1000xi32>
    %jit3A_282 = arith.constant 0.000000e+00 : f32
    %broadcast_in_dim3A_283 = vector.broadcast %jit3A_282 : f32 to vector<256x1000xf32>
    %select_n3A_284 = arith.select %eq3A_281, %get3A_247, %broadcast_in_dim3A_283 : vector<256x1000xi1>, vector<256x1000xf32>
    %reduce_sum3A_285 = arith.constant dense<0.000000e+00> : vector<256xf32>
    %reduce_sum3A_286 = vector.multi_reduction <add>, %select_n3A_284, %reduce_sum3A_285 [1] : vector<256x1000xf32> to vector<256xf32>
    %broadcast_in_dim3A_287 = vector.shape_cast %reduce_sum3A_286 : vector<256xf32> to vector<256x1xf32>
    %div3A_288 = arith.divf %broadcast_in_dim3A_279, %broadcast_in_dim3A_275 : vector<256x1xf32>
    %get3A_289 = arith.constant 0 : index
    %get3A_290 = arith.constant 0 : index
    %get3A_291 = vector.load %arg7[%get3A_289, %get3A_290] : memref<256x1000xf32, #tpu.memory_space<vmem>>, vector<256x1000xf32>
    %add3A_292 = arith.addf %add3A_248, %get3A_291 : vector<256x1000xf32>
    %reduce_max3A_293 = arith.constant dense<0xFF800000> : vector<256xf32>
    %reduce_max3A_294 = vector.multi_reduction <maximumf>, %get3A_291, %reduce_max3A_293 [1] : vector<256x1000xf32> to vector<256xf32>
    %broadcast_in_dim3A_295 = vector.shape_cast %reduce_max3A_294 : vector<256xf32> to vector<256x1xf32>
    %eq3A_296 = vector.broadcast %broadcast_in_dim3A_295 : vector<256x1xf32> to vector<256x1000xf32>
    %eq3A_297 = arith.cmpf oeq, %get3A_291, %eq3A_296 : vector<256x1000xf32>
    %convert_element_type3A_298 = arith.extui %eq3A_297 : vector<256x1000xi1> to vector<256x1000xi32>
    %convert_element_type3A_299 = arith.sitofp %convert_element_type3A_298 : vector<256x1000xi32> to vector<256x1000xf32>
    %reduce_sum3A_300 = arith.constant dense<0.000000e+00> : vector<256xf32>
    %reduce_sum3A_301 = vector.multi_reduction <add>, %convert_element_type3A_299, %reduce_sum3A_300 [1] : vector<256x1000xf32> to vector<256xf32>
    %broadcast_in_dim3A_302 = vector.shape_cast %reduce_sum3A_301 : vector<256xf32> to vector<256x1xf32>
    %jit3A_303 = arith.constant 0xFF800000 : f32
    %broadcast_in_dim3A_304 = vector.broadcast %jit3A_303 : f32 to vector<256x1000xf32>
    %select_n3A_305 = arith.select %eq3A_297, %broadcast_in_dim3A_304, %get3A_291 : vector<256x1000xi1>, vector<256x1000xf32>
    %reduce_max3A_306 = arith.constant dense<0xFF800000> : vector<256xf32>
    %reduce_max3A_307 = vector.multi_reduction <maximumf>, %select_n3A_305, %reduce_max3A_306 [1] : vector<256x1000xf32> to vector<256xf32>
    %broadcast_in_dim3A_308 = vector.shape_cast %reduce_max3A_307 : vector<256xf32> to vector<256x1xf32>
    %gt3A_309 = arith.constant 1.000000e+00 : f32
    %gt3A_310 = vector.broadcast %gt3A_309 : f32 to vector<256x1xf32>
    %gt3A_311 = arith.cmpf ogt, %broadcast_in_dim3A_302, %gt3A_310 : vector<256x1xf32>
    %select_n3A_312 = arith.select %gt3A_311, %broadcast_in_dim3A_295, %broadcast_in_dim3A_308 : vector<256x1xi1>, vector<256x1xf32>
    %mul3A_313 = arith.constant 0.0721347556 : f32
    %mul3A_314 = vector.broadcast %mul3A_313 : f32 to vector<256x1000xf32>
    %mul3A_315 = arith.mulf %get3A_291, %mul3A_314 : vector<256x1000xf32>
    %exp23A_316 = math.exp2 %mul3A_315 : vector<256x1000xf32>
    %reduce_sum3A_317 = arith.constant dense<0.000000e+00> : vector<256xf32>
    %reduce_sum3A_318 = vector.multi_reduction <add>, %exp23A_316, %reduce_sum3A_317 [1] : vector<256x1000xf32> to vector<256xf32>
    %broadcast_in_dim3A_319 = vector.shape_cast %reduce_sum3A_318 : vector<256xf32> to vector<256x1xf32>
    %mul3A_320 = arith.mulf %exp23A_316, %mul3A_6 : vector<256x1000xf32>
    %reduce_sum3A_321 = arith.constant dense<0.000000e+00> : vector<256xf32>
    %reduce_sum3A_322 = vector.multi_reduction <add>, %mul3A_320, %reduce_sum3A_321 [1] : vector<256x1000xf32> to vector<256xf32>
    %broadcast_in_dim3A_323 = vector.shape_cast %reduce_sum3A_322 : vector<256xf32> to vector<256x1xf32>
    %eq3A_324 = vector.broadcast %get3A_1 : vector<256x1xi32> to vector<256x1000xi32>
    %eq3A_325 = arith.cmpi eq, %iota3A, %eq3A_324 : vector<256x1000xi32>
    %jit3A_326 = arith.constant 0.000000e+00 : f32
    %broadcast_in_dim3A_327 = vector.broadcast %jit3A_326 : f32 to vector<256x1000xf32>
    %select_n3A_328 = arith.select %eq3A_325, %get3A_291, %broadcast_in_dim3A_327 : vector<256x1000xi1>, vector<256x1000xf32>
    %reduce_sum3A_329 = arith.constant dense<0.000000e+00> : vector<256xf32>
    %reduce_sum3A_330 = vector.multi_reduction <add>, %select_n3A_328, %reduce_sum3A_329 [1] : vector<256x1000xf32> to vector<256xf32>
    %broadcast_in_dim3A_331 = vector.shape_cast %reduce_sum3A_330 : vector<256xf32> to vector<256x1xf32>
    %div3A_332 = arith.divf %broadcast_in_dim3A_323, %broadcast_in_dim3A_319 : vector<256x1xf32>
    %mul3A_333 = arith.constant 0.142857149 : f32
    %mul3A_334 = vector.broadcast %mul3A_333 : f32 to vector<256x1000xf32>
    %mul3A_335 = arith.mulf %add3A_292, %mul3A_334 : vector<256x1000xf32>
    %reduce_max3A_336 = arith.constant dense<0xFF800000> : vector<256xf32>
    %reduce_max3A_337 = vector.multi_reduction <maximumf>, %mul3A_335, %reduce_max3A_336 [1] : vector<256x1000xf32> to vector<256xf32>
    %broadcast_in_dim3A_338 = vector.shape_cast %reduce_max3A_337 : vector<256xf32> to vector<256x1xf32>
    %eq3A_339 = vector.broadcast %broadcast_in_dim3A_338 : vector<256x1xf32> to vector<256x1000xf32>
    %eq3A_340 = arith.cmpf oeq, %mul3A_335, %eq3A_339 : vector<256x1000xf32>
    %convert_element_type3A_341 = arith.extui %eq3A_340 : vector<256x1000xi1> to vector<256x1000xi32>
    %convert_element_type3A_342 = arith.sitofp %convert_element_type3A_341 : vector<256x1000xi32> to vector<256x1000xf32>
    %reduce_sum3A_343 = arith.constant dense<0.000000e+00> : vector<256xf32>
    %reduce_sum3A_344 = vector.multi_reduction <add>, %convert_element_type3A_342, %reduce_sum3A_343 [1] : vector<256x1000xf32> to vector<256xf32>
    %broadcast_in_dim3A_345 = vector.shape_cast %reduce_sum3A_344 : vector<256xf32> to vector<256x1xf32>
    %jit3A_346 = arith.constant 0xFF800000 : f32
    %broadcast_in_dim3A_347 = vector.broadcast %jit3A_346 : f32 to vector<256x1000xf32>
    %select_n3A_348 = arith.select %eq3A_340, %broadcast_in_dim3A_347, %mul3A_335 : vector<256x1000xi1>, vector<256x1000xf32>
    %reduce_max3A_349 = arith.constant dense<0xFF800000> : vector<256xf32>
    %reduce_max3A_350 = vector.multi_reduction <maximumf>, %select_n3A_348, %reduce_max3A_349 [1] : vector<256x1000xf32> to vector<256xf32>
    %broadcast_in_dim3A_351 = vector.shape_cast %reduce_max3A_350 : vector<256xf32> to vector<256x1xf32>
    %gt3A_352 = arith.constant 1.000000e+00 : f32
    %gt3A_353 = vector.broadcast %gt3A_352 : f32 to vector<256x1xf32>
    %gt3A_354 = arith.cmpf ogt, %broadcast_in_dim3A_345, %gt3A_353 : vector<256x1xf32>
    %select_n3A_355 = arith.select %gt3A_354, %broadcast_in_dim3A_338, %broadcast_in_dim3A_351 : vector<256x1xi1>, vector<256x1xf32>
    %mul3A_356 = arith.constant 0.0721347556 : f32
    %mul3A_357 = vector.broadcast %mul3A_356 : f32 to vector<256x1000xf32>
    %mul3A_358 = arith.mulf %mul3A_335, %mul3A_357 : vector<256x1000xf32>
    %exp23A_359 = math.exp2 %mul3A_358 : vector<256x1000xf32>
    %reduce_sum3A_360 = arith.constant dense<0.000000e+00> : vector<256xf32>
    %reduce_sum3A_361 = vector.multi_reduction <add>, %exp23A_359, %reduce_sum3A_360 [1] : vector<256x1000xf32> to vector<256xf32>
    %broadcast_in_dim3A_362 = vector.shape_cast %reduce_sum3A_361 : vector<256xf32> to vector<256x1xf32>
    %mul3A_363 = arith.mulf %exp23A_359, %mul3A_6 : vector<256x1000xf32>
    %reduce_sum3A_364 = arith.constant dense<0.000000e+00> : vector<256xf32>
    %reduce_sum3A_365 = vector.multi_reduction <add>, %mul3A_363, %reduce_sum3A_364 [1] : vector<256x1000xf32> to vector<256xf32>
    %broadcast_in_dim3A_366 = vector.shape_cast %reduce_sum3A_365 : vector<256xf32> to vector<256x1xf32>
    %eq3A_367 = vector.broadcast %get3A_1 : vector<256x1xi32> to vector<256x1000xi32>
    %eq3A_368 = arith.cmpi eq, %iota3A, %eq3A_367 : vector<256x1000xi32>
    %jit3A_369 = arith.constant 0.000000e+00 : f32
    %broadcast_in_dim3A_370 = vector.broadcast %jit3A_369 : f32 to vector<256x1000xf32>
    %select_n3A_371 = arith.select %eq3A_368, %mul3A_335, %broadcast_in_dim3A_370 : vector<256x1000xi1>, vector<256x1000xf32>
    %reduce_sum3A_372 = arith.constant dense<0.000000e+00> : vector<256xf32>
    %reduce_sum3A_373 = vector.multi_reduction <add>, %select_n3A_371, %reduce_sum3A_372 [1] : vector<256x1000xf32> to vector<256xf32>
    %broadcast_in_dim3A_374 = vector.shape_cast %reduce_sum3A_373 : vector<256xf32> to vector<256x1xf32>
    %div3A_375 = arith.divf %broadcast_in_dim3A_366, %broadcast_in_dim3A_362 : vector<256x1xf32>
    %concatenate3A = tpu.concatenate %broadcast_in_dim3A_35, %broadcast_in_dim3A_75, %broadcast_in_dim3A_119, %broadcast_in_dim3A_163, %broadcast_in_dim3A_207, %broadcast_in_dim3A_251, %broadcast_in_dim3A_295, %broadcast_in_dim3A_338 in 1 : vector<256x1xf32>, vector<256x1xf32>, vector<256x1xf32>, vector<256x1xf32>, vector<256x1xf32>, vector<256x1xf32>, vector<256x1xf32>, vector<256x1xf32> -> vector<256x8xf32>
    %swap3A_376 = arith.constant 0 : index
    %swap3A_377 = arith.constant 0 : index
    %swap3A_378 = vector.load %arg10[%swap3A_376, %swap3A_377] : memref<256x8xf32, #tpu.memory_space<vmem>>, vector<256x8xf32>
    tpu.vector_store %arg10[%swap3A_376, %swap3A_377], %concatenate3A {strides = array<i32>} : memref<256x8xf32, #tpu.memory_space<vmem>>, vector<256x8xf32>,
    %concatenate3A_379 = tpu.concatenate %select_n3A_50, %select_n3A_92, %select_n3A_136, %select_n3A_180, %select_n3A_224, %select_n3A_268, %select_n3A_312, %select_n3A_355 in 1 : vector<256x1xf32>, vector<256x1xf32>, vector<256x1xf32>, vector<256x1xf32>, vector<256x1xf32>, vector<256x1xf32>, vector<256x1xf32>, vector<256x1xf32> -> vector<256x8xf32>
    %swap3A_380 = arith.constant 0 : index
    %swap3A_381 = arith.constant 0 : index
    %swap3A_382 = vector.load %arg11[%swap3A_380, %swap3A_381] : memref<256x8xf32, #tpu.memory_space<vmem>>, vector<256x8xf32>
    tpu.vector_store %arg11[%swap3A_380, %swap3A_381], %concatenate3A_379 {strides = array<i32>} : memref<256x8xf32, #tpu.memory_space<vmem>>, vector<256x8xf32>,
    %concatenate3A_383 = tpu.concatenate %div3A, %div3A_112, %div3A_156, %div3A_200, %div3A_244, %div3A_288, %div3A_332, %div3A_375 in 1 : vector<256x1xf32>, vector<256x1xf32>, vector<256x1xf32>, vector<256x1xf32>, vector<256x1xf32>, vector<256x1xf32>, vector<256x1xf32>, vector<256x1xf32> -> vector<256x8xf32>
    %swap3A_384 = arith.constant 0 : index
    %swap3A_385 = arith.constant 0 : index
    %swap3A_386 = vector.load %arg12[%swap3A_384, %swap3A_385] : memref<256x8xf32, #tpu.memory_space<vmem>>, vector<256x8xf32>
    tpu.vector_store %arg12[%swap3A_384, %swap3A_385], %concatenate3A_383 {strides = array<i32>} : memref<256x8xf32, #tpu.memory_space<vmem>>, vector<256x8xf32>,
    %concatenate3A_387 = tpu.concatenate %broadcast_in_dim3A_69, %broadcast_in_dim3A_111, %broadcast_in_dim3A_155, %broadcast_in_dim3A_199, %broadcast_in_dim3A_243, %broadcast_in_dim3A_287, %broadcast_in_dim3A_331, %broadcast_in_dim3A_374 in 1 : vector<256x1xf32>, vector<256x1xf32>, vector<256x1xf32>, vector<256x1xf32>, vector<256x1xf32>, vector<256x1xf32>, vector<256x1xf32>, vector<256x1xf32> -> vector<256x8xf32>
    %swap3A_388 = arith.constant 0 : index
    %swap3A_389 = arith.constant 0 : index
    %swap3A_390 = vector.load %arg13[%swap3A_388, %swap3A_389] : memref<256x8xf32, #tpu.memory_space<vmem>>, vector<256x8xf32>
    tpu.vector_store %arg13[%swap3A_388, %swap3A_389], %concatenate3A_387 {strides = array<i32>} : memref<256x8xf32, #tpu.memory_space<vmem>>, vector<256x8xf32>,
    return
  }
  func.func @transform_0(%arg0: i32) -> (i32, i32) {
    %c0_i32 = arith.constant 0 : i32
    %c0_i32_0 = arith.constant 0 : i32
    return %arg0, %c0_i32 : i32, i32
  }
  func.func @transform_1(%arg0: i32) -> (i32, i32) {
    %c0_i32 = arith.constant 0 : i32
    %c0_i32_0 = arith.constant 0 : i32
    return %arg0, %c0_i32 : i32, i32
  }
  func.func @transform_2(%arg0: i32) -> (i32, i32) {
    %c0_i32 = arith.constant 0 : i32
    %c0_i32_0 = arith.constant 0 : i32
    return %arg0, %c0_i32 : i32, i32
  }
  func.func @transform_3(%arg0: i32) -> (i32, i32) {
    %c0_i32 = arith.constant 0 : i32
    %c0_i32_0 = arith.constant 0 : i32
    return %arg0, %c0_i32 : i32, i32
  }
  func.func @transform_4(%arg0: i32) -> (i32, i32) {
    %c0_i32 = arith.constant 0 : i32
    %c0_i32_0 = arith.constant 0 : i32
    return %arg0, %c0_i32 : i32, i32
  }
  func.func @transform_5(%arg0: i32) -> (i32, i32) {
    %c0_i32 = arith.constant 0 : i32
    %c0_i32_0 = arith.constant 0 : i32
    return %arg0, %c0_i32 : i32, i32
  }
  func.func @transform_6(%arg0: i32) -> (i32, i32) {
    %c0_i32 = arith.constant 0 : i32
    %c0_i32_0 = arith.constant 0 : i32
    return %arg0, %c0_i32 : i32, i32
  }
  func.func @transform_7(%arg0: i32) -> (i32, i32) {
    %c0_i32 = arith.constant 0 : i32
    %c0_i32_0 = arith.constant 0 : i32
    return %arg0, %c0_i32 : i32, i32
  }
  func.func @transform_8(%arg0: i32) -> (i32, i32) {
    %c0_i32 = arith.constant 0 : i32
    %c0_i32_0 = arith.constant 0 : i32
    return %arg0, %c0_i32 : i32, i32
  }
  func.func @transform_9(%arg0: i32) -> (i32, i32) {
    %c0_i32 = arith.constant 0 : i32
    %c0_i32_0 = arith.constant 0 : i32
    return %arg0, %c0_i32 : i32, i32
  }
  func.func @transform_10(%arg0: i32) -> (i32, i32) {
    %c0_i32 = arith.constant 0 : i32
    %c0_i32_0 = arith.constant 0 : i32
    return %arg0, %c0_i32 : i32, i32
  }
  func.func @transform_11(%arg0: i32) -> (i32, i32) {
    %c0_i32 = arith.constant 0 : i32
    %c0_i32_0 = arith.constant 0 : i32
    return %arg0, %c0_i32 : i32, i32
  }
  func.func @transform_12(%arg0: i32) -> (i32, i32) {
    %c0_i32 = arith.constant 0 : i32
    %c0_i32_0 = arith.constant 0 : i32
    return %arg0, %c0_i32 : i32, i32
  }
  func.func @transform_13(%arg0: i32) -> (i32, i32) {
    %c0_i32 = arith.constant 0 : i32
    %c0_i32_0 = arith.constant 0 : i32
    return %arg0, %c0_i32 : i32, i32
  }
  func.func @transform_14(%arg0: i32) -> (i32, i32) {
    %c0_i32 = arith.constant 0 : i32
    %c0_i32_0 = arith.constant 0 : i32
    return %arg0, %c0_i32 : i32, i32
  }
  func.func @transform_15(%arg0: i32) -> (i32, i32) {
    %c0_i32 = arith.constant 0 : i32
    %c0_i32_0 = arith.constant 0 : i32
    return %arg0, %c0_i32 : i32, i32
  }
}

module attributes {stable_mosaic.version = 14 : i64} {
  func.func @_sc_merge_body(%arg0: memref<1024x128xf32, #tpu.memory_space<vmem>>, %arg1: memref<1024x128xf32, #tpu.memory_space<vmem>>, %arg2: memref<1024x128xf32, #tpu.memory_space<vmem>>, %arg3: memref<1024x128xf32, #tpu.memory_space<vmem>>, %arg4: memref<1024x128xf32, #tpu.memory_space<vmem>>, %arg5: memref<1024x16xf32, #tpu.memory_space<vmem>>, %arg6: memref<1024x16xf32, #tpu.memory_space<vmem>>, %arg7: memref<1024x16xf32, #tpu.memory_space<vmem>>, %arg8: memref<1024x1xi32, #tpu.memory_space<vmem>>, %arg9: memref<1024x8xf32, #tpu.memory_space<vmem>>, %arg10: memref<1024x8xf32, #tpu.memory_space<vmem>>, %arg11: memref<1024x8xf32, #tpu.memory_space<vmem>>, %arg12: memref<1024x8xf32, #tpu.memory_space<vmem>>, %arg13: memref<1024x1xf32, #tpu.memory_space<vmem>>, %arg14: memref<1024x1xf32, #tpu.memory_space<vmem>>, %arg15: memref<1024x1xf32, #tpu.memory_space<vmem>>) attributes {dimension_semantics = [], scalar_prefetch = 0 : i64, scratch_operands = 0 : i64, tpu.core_type = #tpu.core_type<tc>} {
    %get3A = arith.constant 0 : index
    %get3A_0 = arith.constant 0 : index
    %get3A_1 = vector.load %arg8[%get3A, %get3A_0] : memref<1024x1xi32, #tpu.memory_space<vmem>>, vector<1024x1xi32>
    %iota3A = tpu.iota {dimensions = array<i32: 1>} : vector<1024x128xi32>
    %and3A = arith.constant 15 : i32
    %and3A_2 = vector.broadcast %and3A : i32 to vector<1024x128xi32>
    %and3A_3 = arith.andi %iota3A, %and3A_2 : vector<1024x128xi32>
    %get3A_4 = arith.constant 0 : index
    %get3A_5 = arith.constant 0 : index
    %get3A_6 = vector.load %arg0[%get3A_4, %get3A_5] : memref<1024x128xf32, #tpu.memory_space<vmem>>, vector<1024x128xf32>
    %get3A_7 = arith.constant 0 : index
    %get3A_8 = arith.constant 0 : index
    %get3A_9 = vector.load %arg1[%get3A_7, %get3A_8] : memref<1024x128xf32, #tpu.memory_space<vmem>>, vector<1024x128xf32>
    %get3A_10 = arith.constant 0 : index
    %get3A_11 = arith.constant 0 : index
    %get3A_12 = vector.load %arg2[%get3A_10, %get3A_11] : memref<1024x128xf32, #tpu.memory_space<vmem>>, vector<1024x128xf32>
    %get3A_13 = arith.constant 0 : index
    %get3A_14 = arith.constant 0 : index
    %get3A_15 = vector.load %arg3[%get3A_13, %get3A_14] : memref<1024x128xf32, #tpu.memory_space<vmem>>, vector<1024x128xf32>
    %eq3A = vector.broadcast %get3A_1 : vector<1024x1xi32> to vector<1024x128xi32>
    %eq3A_16 = arith.cmpi eq, %and3A_3, %eq3A : vector<1024x128xi32>
    %get3A_17 = arith.constant 0 : index
    %get3A_18 = arith.constant 0 : index
    %get3A_19 = vector.load %arg4[%get3A_17, %get3A_18] : memref<1024x128xf32, #tpu.memory_space<vmem>>, vector<1024x128xf32>
    %jit3A = arith.constant 0.000000e+00 : f32
    %broadcast_in_dim3A = vector.broadcast %jit3A : f32 to vector<1024x128xf32>
    %select_n3A = arith.select %eq3A_16, %get3A_19, %broadcast_in_dim3A : vector<1024x128xi1>, vector<1024x128xf32>
    %slice3A = vector.extract_strided_slice %get3A_6 {offsets = [0, 0], sizes = [1024, 16], strides = [1, 1]} : vector<1024x128xf32> to vector<1024x16xf32>
    %reduce_max3A = arith.constant dense<0xFF800000> : vector<1024xf32>
    %reduce_max3A_20 = vector.multi_reduction <maximumf>, %slice3A, %reduce_max3A [1] : vector<1024x16xf32> to vector<1024xf32>
    %broadcast_in_dim3A_21 = vector.shape_cast %reduce_max3A_20 : vector<1024xf32> to vector<1024x1xf32>
    %eq3A_22 = vector.broadcast %broadcast_in_dim3A_21 : vector<1024x1xf32> to vector<1024x16xf32>
    %eq3A_23 = arith.cmpf oeq, %slice3A, %eq3A_22 : vector<1024x16xf32>
    %convert_element_type3A = arith.extui %eq3A_23 : vector<1024x16xi1> to vector<1024x16xi32>
    %convert_element_type3A_24 = arith.sitofp %convert_element_type3A : vector<1024x16xi32> to vector<1024x16xf32>
    %reduce_sum3A = arith.constant dense<0.000000e+00> : vector<1024xf32>
    %reduce_sum3A_25 = vector.multi_reduction <add>, %convert_element_type3A_24, %reduce_sum3A [1] : vector<1024x16xf32> to vector<1024xf32>
    %broadcast_in_dim3A_26 = vector.shape_cast %reduce_sum3A_25 : vector<1024xf32> to vector<1024x1xf32>
    %slice3A_27 = vector.extract_strided_slice %get3A_9 {offsets = [0, 0], sizes = [1024, 16], strides = [1, 1]} : vector<1024x128xf32> to vector<1024x16xf32>
    %jit3A_28 = arith.constant 0xFF800000 : f32
    %broadcast_in_dim3A_29 = vector.broadcast %jit3A_28 : f32 to vector<1024x16xf32>
    %select_n3A_30 = arith.select %eq3A_23, %slice3A_27, %broadcast_in_dim3A_29 : vector<1024x16xi1>, vector<1024x16xf32>
    %reduce_max3A_31 = arith.constant dense<0xFF800000> : vector<1024xf32>
    %reduce_max3A_32 = vector.multi_reduction <maximumf>, %select_n3A_30, %reduce_max3A_31 [1] : vector<1024x16xf32> to vector<1024xf32>
    %broadcast_in_dim3A_33 = vector.shape_cast %reduce_max3A_32 : vector<1024xf32> to vector<1024x1xf32>
    %jit3A_34 = arith.constant 0xFF800000 : f32
    %broadcast_in_dim3A_35 = vector.broadcast %jit3A_34 : f32 to vector<1024x16xf32>
    %select_n3A_36 = arith.select %eq3A_23, %broadcast_in_dim3A_35, %slice3A : vector<1024x16xi1>, vector<1024x16xf32>
    %reduce_max3A_37 = arith.constant dense<0xFF800000> : vector<1024xf32>
    %reduce_max3A_38 = vector.multi_reduction <maximumf>, %select_n3A_36, %reduce_max3A_37 [1] : vector<1024x16xf32> to vector<1024xf32>
    %broadcast_in_dim3A_39 = vector.shape_cast %reduce_max3A_38 : vector<1024xf32> to vector<1024x1xf32>
    %gt3A = arith.constant 1.000000e+00 : f32
    %gt3A_40 = vector.broadcast %gt3A : f32 to vector<1024x1xf32>
    %gt3A_41 = arith.cmpf ogt, %broadcast_in_dim3A_26, %gt3A_40 : vector<1024x1xf32>
    %max3A = arith.maximumf %broadcast_in_dim3A_33, %broadcast_in_dim3A_39 : vector<1024x1xf32>
    %select_n3A_42 = arith.select %gt3A_41, %broadcast_in_dim3A_21, %max3A : vector<1024x1xi1>, vector<1024x1xf32>
    %slice3A_43 = vector.extract_strided_slice %get3A_15 {offsets = [0, 0], sizes = [1024, 16], strides = [1, 1]} : vector<1024x128xf32> to vector<1024x16xf32>
    %reduce_sum3A_44 = arith.constant dense<0.000000e+00> : vector<1024xf32>
    %reduce_sum3A_45 = vector.multi_reduction <add>, %slice3A_43, %reduce_sum3A_44 [1] : vector<1024x16xf32> to vector<1024xf32>
    %broadcast_in_dim3A_46 = vector.shape_cast %reduce_sum3A_45 : vector<1024xf32> to vector<1024x1xf32>
    %slice3A_47 = vector.extract_strided_slice %get3A_12 {offsets = [0, 0], sizes = [1024, 16], strides = [1, 1]} : vector<1024x128xf32> to vector<1024x16xf32>
    %reduce_sum3A_48 = arith.constant dense<0.000000e+00> : vector<1024xf32>
    %reduce_sum3A_49 = vector.multi_reduction <add>, %slice3A_47, %reduce_sum3A_48 [1] : vector<1024x16xf32> to vector<1024xf32>
    %broadcast_in_dim3A_50 = vector.shape_cast %reduce_sum3A_49 : vector<1024xf32> to vector<1024x1xf32>
    %div3A = arith.divf %broadcast_in_dim3A_46, %broadcast_in_dim3A_50 : vector<1024x1xf32>
    %slice3A_51 = vector.extract_strided_slice %select_n3A {offsets = [0, 0], sizes = [1024, 16], strides = [1, 1]} : vector<1024x128xf32> to vector<1024x16xf32>
    %reduce_sum3A_52 = arith.constant dense<0.000000e+00> : vector<1024xf32>
    %reduce_sum3A_53 = vector.multi_reduction <add>, %slice3A_51, %reduce_sum3A_52 [1] : vector<1024x16xf32> to vector<1024xf32>
    %broadcast_in_dim3A_54 = vector.shape_cast %reduce_sum3A_53 : vector<1024xf32> to vector<1024x1xf32>
    %slice3A_55 = vector.extract_strided_slice %get3A_6 {offsets = [0, 16], sizes = [1024, 16], strides = [1, 1]} : vector<1024x128xf32> to vector<1024x16xf32>
    %reduce_max3A_56 = arith.constant dense<0xFF800000> : vector<1024xf32>
    %reduce_max3A_57 = vector.multi_reduction <maximumf>, %slice3A_55, %reduce_max3A_56 [1] : vector<1024x16xf32> to vector<1024xf32>
    %broadcast_in_dim3A_58 = vector.shape_cast %reduce_max3A_57 : vector<1024xf32> to vector<1024x1xf32>
    %eq3A_59 = vector.broadcast %broadcast_in_dim3A_58 : vector<1024x1xf32> to vector<1024x16xf32>
    %eq3A_60 = arith.cmpf oeq, %slice3A_55, %eq3A_59 : vector<1024x16xf32>
    %convert_element_type3A_61 = arith.extui %eq3A_60 : vector<1024x16xi1> to vector<1024x16xi32>
    %convert_element_type3A_62 = arith.sitofp %convert_element_type3A_61 : vector<1024x16xi32> to vector<1024x16xf32>
    %reduce_sum3A_63 = arith.constant dense<0.000000e+00> : vector<1024xf32>
    %reduce_sum3A_64 = vector.multi_reduction <add>, %convert_element_type3A_62, %reduce_sum3A_63 [1] : vector<1024x16xf32> to vector<1024xf32>
    %broadcast_in_dim3A_65 = vector.shape_cast %reduce_sum3A_64 : vector<1024xf32> to vector<1024x1xf32>
    %slice3A_66 = vector.extract_strided_slice %get3A_9 {offsets = [0, 16], sizes = [1024, 16], strides = [1, 1]} : vector<1024x128xf32> to vector<1024x16xf32>
    %jit3A_67 = arith.constant 0xFF800000 : f32
    %broadcast_in_dim3A_68 = vector.broadcast %jit3A_67 : f32 to vector<1024x16xf32>
    %select_n3A_69 = arith.select %eq3A_60, %slice3A_66, %broadcast_in_dim3A_68 : vector<1024x16xi1>, vector<1024x16xf32>
    %reduce_max3A_70 = arith.constant dense<0xFF800000> : vector<1024xf32>
    %reduce_max3A_71 = vector.multi_reduction <maximumf>, %select_n3A_69, %reduce_max3A_70 [1] : vector<1024x16xf32> to vector<1024xf32>
    %broadcast_in_dim3A_72 = vector.shape_cast %reduce_max3A_71 : vector<1024xf32> to vector<1024x1xf32>
    %jit3A_73 = arith.constant 0xFF800000 : f32
    %broadcast_in_dim3A_74 = vector.broadcast %jit3A_73 : f32 to vector<1024x16xf32>
    %select_n3A_75 = arith.select %eq3A_60, %broadcast_in_dim3A_74, %slice3A_55 : vector<1024x16xi1>, vector<1024x16xf32>
    %reduce_max3A_76 = arith.constant dense<0xFF800000> : vector<1024xf32>
    %reduce_max3A_77 = vector.multi_reduction <maximumf>, %select_n3A_75, %reduce_max3A_76 [1] : vector<1024x16xf32> to vector<1024xf32>
    %broadcast_in_dim3A_78 = vector.shape_cast %reduce_max3A_77 : vector<1024xf32> to vector<1024x1xf32>
    %gt3A_79 = arith.constant 1.000000e+00 : f32
    %gt3A_80 = vector.broadcast %gt3A_79 : f32 to vector<1024x1xf32>
    %gt3A_81 = arith.cmpf ogt, %broadcast_in_dim3A_65, %gt3A_80 : vector<1024x1xf32>
    %max3A_82 = arith.maximumf %broadcast_in_dim3A_72, %broadcast_in_dim3A_78 : vector<1024x1xf32>
    %select_n3A_83 = arith.select %gt3A_81, %broadcast_in_dim3A_58, %max3A_82 : vector<1024x1xi1>, vector<1024x1xf32>
    %slice3A_84 = vector.extract_strided_slice %get3A_15 {offsets = [0, 16], sizes = [1024, 16], strides = [1, 1]} : vector<1024x128xf32> to vector<1024x16xf32>
    %reduce_sum3A_85 = arith.constant dense<0.000000e+00> : vector<1024xf32>
    %reduce_sum3A_86 = vector.multi_reduction <add>, %slice3A_84, %reduce_sum3A_85 [1] : vector<1024x16xf32> to vector<1024xf32>
    %broadcast_in_dim3A_87 = vector.shape_cast %reduce_sum3A_86 : vector<1024xf32> to vector<1024x1xf32>
    %slice3A_88 = vector.extract_strided_slice %get3A_12 {offsets = [0, 16], sizes = [1024, 16], strides = [1, 1]} : vector<1024x128xf32> to vector<1024x16xf32>
    %reduce_sum3A_89 = arith.constant dense<0.000000e+00> : vector<1024xf32>
    %reduce_sum3A_90 = vector.multi_reduction <add>, %slice3A_88, %reduce_sum3A_89 [1] : vector<1024x16xf32> to vector<1024xf32>
    %broadcast_in_dim3A_91 = vector.shape_cast %reduce_sum3A_90 : vector<1024xf32> to vector<1024x1xf32>
    %div3A_92 = arith.divf %broadcast_in_dim3A_87, %broadcast_in_dim3A_91 : vector<1024x1xf32>
    %slice3A_93 = vector.extract_strided_slice %select_n3A {offsets = [0, 16], sizes = [1024, 16], strides = [1, 1]} : vector<1024x128xf32> to vector<1024x16xf32>
    %reduce_sum3A_94 = arith.constant dense<0.000000e+00> : vector<1024xf32>
    %reduce_sum3A_95 = vector.multi_reduction <add>, %slice3A_93, %reduce_sum3A_94 [1] : vector<1024x16xf32> to vector<1024xf32>
    %broadcast_in_dim3A_96 = vector.shape_cast %reduce_sum3A_95 : vector<1024xf32> to vector<1024x1xf32>
    %slice3A_97 = vector.extract_strided_slice %get3A_6 {offsets = [0, 32], sizes = [1024, 16], strides = [1, 1]} : vector<1024x128xf32> to vector<1024x16xf32>
    %reduce_max3A_98 = arith.constant dense<0xFF800000> : vector<1024xf32>
    %reduce_max3A_99 = vector.multi_reduction <maximumf>, %slice3A_97, %reduce_max3A_98 [1] : vector<1024x16xf32> to vector<1024xf32>
    %broadcast_in_dim3A_100 = vector.shape_cast %reduce_max3A_99 : vector<1024xf32> to vector<1024x1xf32>
    %eq3A_101 = vector.broadcast %broadcast_in_dim3A_100 : vector<1024x1xf32> to vector<1024x16xf32>
    %eq3A_102 = arith.cmpf oeq, %slice3A_97, %eq3A_101 : vector<1024x16xf32>
    %convert_element_type3A_103 = arith.extui %eq3A_102 : vector<1024x16xi1> to vector<1024x16xi32>
    %convert_element_type3A_104 = arith.sitofp %convert_element_type3A_103 : vector<1024x16xi32> to vector<1024x16xf32>
    %reduce_sum3A_105 = arith.constant dense<0.000000e+00> : vector<1024xf32>
    %reduce_sum3A_106 = vector.multi_reduction <add>, %convert_element_type3A_104, %reduce_sum3A_105 [1] : vector<1024x16xf32> to vector<1024xf32>
    %broadcast_in_dim3A_107 = vector.shape_cast %reduce_sum3A_106 : vector<1024xf32> to vector<1024x1xf32>
    %slice3A_108 = vector.extract_strided_slice %get3A_9 {offsets = [0, 32], sizes = [1024, 16], strides = [1, 1]} : vector<1024x128xf32> to vector<1024x16xf32>
    %jit3A_109 = arith.constant 0xFF800000 : f32
    %broadcast_in_dim3A_110 = vector.broadcast %jit3A_109 : f32 to vector<1024x16xf32>
    %select_n3A_111 = arith.select %eq3A_102, %slice3A_108, %broadcast_in_dim3A_110 : vector<1024x16xi1>, vector<1024x16xf32>
    %reduce_max3A_112 = arith.constant dense<0xFF800000> : vector<1024xf32>
    %reduce_max3A_113 = vector.multi_reduction <maximumf>, %select_n3A_111, %reduce_max3A_112 [1] : vector<1024x16xf32> to vector<1024xf32>
    %broadcast_in_dim3A_114 = vector.shape_cast %reduce_max3A_113 : vector<1024xf32> to vector<1024x1xf32>
    %jit3A_115 = arith.constant 0xFF800000 : f32
    %broadcast_in_dim3A_116 = vector.broadcast %jit3A_115 : f32 to vector<1024x16xf32>
    %select_n3A_117 = arith.select %eq3A_102, %broadcast_in_dim3A_116, %slice3A_97 : vector<1024x16xi1>, vector<1024x16xf32>
    %reduce_max3A_118 = arith.constant dense<0xFF800000> : vector<1024xf32>
    %reduce_max3A_119 = vector.multi_reduction <maximumf>, %select_n3A_117, %reduce_max3A_118 [1] : vector<1024x16xf32> to vector<1024xf32>
    %broadcast_in_dim3A_120 = vector.shape_cast %reduce_max3A_119 : vector<1024xf32> to vector<1024x1xf32>
    %gt3A_121 = arith.constant 1.000000e+00 : f32
    %gt3A_122 = vector.broadcast %gt3A_121 : f32 to vector<1024x1xf32>
    %gt3A_123 = arith.cmpf ogt, %broadcast_in_dim3A_107, %gt3A_122 : vector<1024x1xf32>
    %max3A_124 = arith.maximumf %broadcast_in_dim3A_114, %broadcast_in_dim3A_120 : vector<1024x1xf32>
    %select_n3A_125 = arith.select %gt3A_123, %broadcast_in_dim3A_100, %max3A_124 : vector<1024x1xi1>, vector<1024x1xf32>
    %slice3A_126 = vector.extract_strided_slice %get3A_15 {offsets = [0, 32], sizes = [1024, 16], strides = [1, 1]} : vector<1024x128xf32> to vector<1024x16xf32>
    %reduce_sum3A_127 = arith.constant dense<0.000000e+00> : vector<1024xf32>
    %reduce_sum3A_128 = vector.multi_reduction <add>, %slice3A_126, %reduce_sum3A_127 [1] : vector<1024x16xf32> to vector<1024xf32>
    %broadcast_in_dim3A_129 = vector.shape_cast %reduce_sum3A_128 : vector<1024xf32> to vector<1024x1xf32>
    %slice3A_130 = vector.extract_strided_slice %get3A_12 {offsets = [0, 32], sizes = [1024, 16], strides = [1, 1]} : vector<1024x128xf32> to vector<1024x16xf32>
    %reduce_sum3A_131 = arith.constant dense<0.000000e+00> : vector<1024xf32>
    %reduce_sum3A_132 = vector.multi_reduction <add>, %slice3A_130, %reduce_sum3A_131 [1] : vector<1024x16xf32> to vector<1024xf32>
    %broadcast_in_dim3A_133 = vector.shape_cast %reduce_sum3A_132 : vector<1024xf32> to vector<1024x1xf32>
    %div3A_134 = arith.divf %broadcast_in_dim3A_129, %broadcast_in_dim3A_133 : vector<1024x1xf32>
    %slice3A_135 = vector.extract_strided_slice %select_n3A {offsets = [0, 32], sizes = [1024, 16], strides = [1, 1]} : vector<1024x128xf32> to vector<1024x16xf32>
    %reduce_sum3A_136 = arith.constant dense<0.000000e+00> : vector<1024xf32>
    %reduce_sum3A_137 = vector.multi_reduction <add>, %slice3A_135, %reduce_sum3A_136 [1] : vector<1024x16xf32> to vector<1024xf32>
    %broadcast_in_dim3A_138 = vector.shape_cast %reduce_sum3A_137 : vector<1024xf32> to vector<1024x1xf32>
    %slice3A_139 = vector.extract_strided_slice %get3A_6 {offsets = [0, 48], sizes = [1024, 16], strides = [1, 1]} : vector<1024x128xf32> to vector<1024x16xf32>
    %reduce_max3A_140 = arith.constant dense<0xFF800000> : vector<1024xf32>
    %reduce_max3A_141 = vector.multi_reduction <maximumf>, %slice3A_139, %reduce_max3A_140 [1] : vector<1024x16xf32> to vector<1024xf32>
    %broadcast_in_dim3A_142 = vector.shape_cast %reduce_max3A_141 : vector<1024xf32> to vector<1024x1xf32>
    %eq3A_143 = vector.broadcast %broadcast_in_dim3A_142 : vector<1024x1xf32> to vector<1024x16xf32>
    %eq3A_144 = arith.cmpf oeq, %slice3A_139, %eq3A_143 : vector<1024x16xf32>
    %convert_element_type3A_145 = arith.extui %eq3A_144 : vector<1024x16xi1> to vector<1024x16xi32>
    %convert_element_type3A_146 = arith.sitofp %convert_element_type3A_145 : vector<1024x16xi32> to vector<1024x16xf32>
    %reduce_sum3A_147 = arith.constant dense<0.000000e+00> : vector<1024xf32>
    %reduce_sum3A_148 = vector.multi_reduction <add>, %convert_element_type3A_146, %reduce_sum3A_147 [1] : vector<1024x16xf32> to vector<1024xf32>
    %broadcast_in_dim3A_149 = vector.shape_cast %reduce_sum3A_148 : vector<1024xf32> to vector<1024x1xf32>
    %slice3A_150 = vector.extract_strided_slice %get3A_9 {offsets = [0, 48], sizes = [1024, 16], strides = [1, 1]} : vector<1024x128xf32> to vector<1024x16xf32>
    %jit3A_151 = arith.constant 0xFF800000 : f32
    %broadcast_in_dim3A_152 = vector.broadcast %jit3A_151 : f32 to vector<1024x16xf32>
    %select_n3A_153 = arith.select %eq3A_144, %slice3A_150, %broadcast_in_dim3A_152 : vector<1024x16xi1>, vector<1024x16xf32>
    %reduce_max3A_154 = arith.constant dense<0xFF800000> : vector<1024xf32>
    %reduce_max3A_155 = vector.multi_reduction <maximumf>, %select_n3A_153, %reduce_max3A_154 [1] : vector<1024x16xf32> to vector<1024xf32>
    %broadcast_in_dim3A_156 = vector.shape_cast %reduce_max3A_155 : vector<1024xf32> to vector<1024x1xf32>
    %jit3A_157 = arith.constant 0xFF800000 : f32
    %broadcast_in_dim3A_158 = vector.broadcast %jit3A_157 : f32 to vector<1024x16xf32>
    %select_n3A_159 = arith.select %eq3A_144, %broadcast_in_dim3A_158, %slice3A_139 : vector<1024x16xi1>, vector<1024x16xf32>
    %reduce_max3A_160 = arith.constant dense<0xFF800000> : vector<1024xf32>
    %reduce_max3A_161 = vector.multi_reduction <maximumf>, %select_n3A_159, %reduce_max3A_160 [1] : vector<1024x16xf32> to vector<1024xf32>
    %broadcast_in_dim3A_162 = vector.shape_cast %reduce_max3A_161 : vector<1024xf32> to vector<1024x1xf32>
    %gt3A_163 = arith.constant 1.000000e+00 : f32
    %gt3A_164 = vector.broadcast %gt3A_163 : f32 to vector<1024x1xf32>
    %gt3A_165 = arith.cmpf ogt, %broadcast_in_dim3A_149, %gt3A_164 : vector<1024x1xf32>
    %max3A_166 = arith.maximumf %broadcast_in_dim3A_156, %broadcast_in_dim3A_162 : vector<1024x1xf32>
    %select_n3A_167 = arith.select %gt3A_165, %broadcast_in_dim3A_142, %max3A_166 : vector<1024x1xi1>, vector<1024x1xf32>
    %slice3A_168 = vector.extract_strided_slice %get3A_15 {offsets = [0, 48], sizes = [1024, 16], strides = [1, 1]} : vector<1024x128xf32> to vector<1024x16xf32>
    %reduce_sum3A_169 = arith.constant dense<0.000000e+00> : vector<1024xf32>
    %reduce_sum3A_170 = vector.multi_reduction <add>, %slice3A_168, %reduce_sum3A_169 [1] : vector<1024x16xf32> to vector<1024xf32>
    %broadcast_in_dim3A_171 = vector.shape_cast %reduce_sum3A_170 : vector<1024xf32> to vector<1024x1xf32>
    %slice3A_172 = vector.extract_strided_slice %get3A_12 {offsets = [0, 48], sizes = [1024, 16], strides = [1, 1]} : vector<1024x128xf32> to vector<1024x16xf32>
    %reduce_sum3A_173 = arith.constant dense<0.000000e+00> : vector<1024xf32>
    %reduce_sum3A_174 = vector.multi_reduction <add>, %slice3A_172, %reduce_sum3A_173 [1] : vector<1024x16xf32> to vector<1024xf32>
    %broadcast_in_dim3A_175 = vector.shape_cast %reduce_sum3A_174 : vector<1024xf32> to vector<1024x1xf32>
    %div3A_176 = arith.divf %broadcast_in_dim3A_171, %broadcast_in_dim3A_175 : vector<1024x1xf32>
    %slice3A_177 = vector.extract_strided_slice %select_n3A {offsets = [0, 48], sizes = [1024, 16], strides = [1, 1]} : vector<1024x128xf32> to vector<1024x16xf32>
    %reduce_sum3A_178 = arith.constant dense<0.000000e+00> : vector<1024xf32>
    %reduce_sum3A_179 = vector.multi_reduction <add>, %slice3A_177, %reduce_sum3A_178 [1] : vector<1024x16xf32> to vector<1024xf32>
    %broadcast_in_dim3A_180 = vector.shape_cast %reduce_sum3A_179 : vector<1024xf32> to vector<1024x1xf32>
    %slice3A_181 = vector.extract_strided_slice %get3A_6 {offsets = [0, 64], sizes = [1024, 16], strides = [1, 1]} : vector<1024x128xf32> to vector<1024x16xf32>
    %reduce_max3A_182 = arith.constant dense<0xFF800000> : vector<1024xf32>
    %reduce_max3A_183 = vector.multi_reduction <maximumf>, %slice3A_181, %reduce_max3A_182 [1] : vector<1024x16xf32> to vector<1024xf32>
    %broadcast_in_dim3A_184 = vector.shape_cast %reduce_max3A_183 : vector<1024xf32> to vector<1024x1xf32>
    %eq3A_185 = vector.broadcast %broadcast_in_dim3A_184 : vector<1024x1xf32> to vector<1024x16xf32>
    %eq3A_186 = arith.cmpf oeq, %slice3A_181, %eq3A_185 : vector<1024x16xf32>
    %convert_element_type3A_187 = arith.extui %eq3A_186 : vector<1024x16xi1> to vector<1024x16xi32>
    %convert_element_type3A_188 = arith.sitofp %convert_element_type3A_187 : vector<1024x16xi32> to vector<1024x16xf32>
    %reduce_sum3A_189 = arith.constant dense<0.000000e+00> : vector<1024xf32>
    %reduce_sum3A_190 = vector.multi_reduction <add>, %convert_element_type3A_188, %reduce_sum3A_189 [1] : vector<1024x16xf32> to vector<1024xf32>
    %broadcast_in_dim3A_191 = vector.shape_cast %reduce_sum3A_190 : vector<1024xf32> to vector<1024x1xf32>
    %slice3A_192 = vector.extract_strided_slice %get3A_9 {offsets = [0, 64], sizes = [1024, 16], strides = [1, 1]} : vector<1024x128xf32> to vector<1024x16xf32>
    %jit3A_193 = arith.constant 0xFF800000 : f32
    %broadcast_in_dim3A_194 = vector.broadcast %jit3A_193 : f32 to vector<1024x16xf32>
    %select_n3A_195 = arith.select %eq3A_186, %slice3A_192, %broadcast_in_dim3A_194 : vector<1024x16xi1>, vector<1024x16xf32>
    %reduce_max3A_196 = arith.constant dense<0xFF800000> : vector<1024xf32>
    %reduce_max3A_197 = vector.multi_reduction <maximumf>, %select_n3A_195, %reduce_max3A_196 [1] : vector<1024x16xf32> to vector<1024xf32>
    %broadcast_in_dim3A_198 = vector.shape_cast %reduce_max3A_197 : vector<1024xf32> to vector<1024x1xf32>
    %jit3A_199 = arith.constant 0xFF800000 : f32
    %broadcast_in_dim3A_200 = vector.broadcast %jit3A_199 : f32 to vector<1024x16xf32>
    %select_n3A_201 = arith.select %eq3A_186, %broadcast_in_dim3A_200, %slice3A_181 : vector<1024x16xi1>, vector<1024x16xf32>
    %reduce_max3A_202 = arith.constant dense<0xFF800000> : vector<1024xf32>
    %reduce_max3A_203 = vector.multi_reduction <maximumf>, %select_n3A_201, %reduce_max3A_202 [1] : vector<1024x16xf32> to vector<1024xf32>
    %broadcast_in_dim3A_204 = vector.shape_cast %reduce_max3A_203 : vector<1024xf32> to vector<1024x1xf32>
    %gt3A_205 = arith.constant 1.000000e+00 : f32
    %gt3A_206 = vector.broadcast %gt3A_205 : f32 to vector<1024x1xf32>
    %gt3A_207 = arith.cmpf ogt, %broadcast_in_dim3A_191, %gt3A_206 : vector<1024x1xf32>
    %max3A_208 = arith.maximumf %broadcast_in_dim3A_198, %broadcast_in_dim3A_204 : vector<1024x1xf32>
    %select_n3A_209 = arith.select %gt3A_207, %broadcast_in_dim3A_184, %max3A_208 : vector<1024x1xi1>, vector<1024x1xf32>
    %slice3A_210 = vector.extract_strided_slice %get3A_15 {offsets = [0, 64], sizes = [1024, 16], strides = [1, 1]} : vector<1024x128xf32> to vector<1024x16xf32>
    %reduce_sum3A_211 = arith.constant dense<0.000000e+00> : vector<1024xf32>
    %reduce_sum3A_212 = vector.multi_reduction <add>, %slice3A_210, %reduce_sum3A_211 [1] : vector<1024x16xf32> to vector<1024xf32>
    %broadcast_in_dim3A_213 = vector.shape_cast %reduce_sum3A_212 : vector<1024xf32> to vector<1024x1xf32>
    %slice3A_214 = vector.extract_strided_slice %get3A_12 {offsets = [0, 64], sizes = [1024, 16], strides = [1, 1]} : vector<1024x128xf32> to vector<1024x16xf32>
    %reduce_sum3A_215 = arith.constant dense<0.000000e+00> : vector<1024xf32>
    %reduce_sum3A_216 = vector.multi_reduction <add>, %slice3A_214, %reduce_sum3A_215 [1] : vector<1024x16xf32> to vector<1024xf32>
    %broadcast_in_dim3A_217 = vector.shape_cast %reduce_sum3A_216 : vector<1024xf32> to vector<1024x1xf32>
    %div3A_218 = arith.divf %broadcast_in_dim3A_213, %broadcast_in_dim3A_217 : vector<1024x1xf32>
    %slice3A_219 = vector.extract_strided_slice %select_n3A {offsets = [0, 64], sizes = [1024, 16], strides = [1, 1]} : vector<1024x128xf32> to vector<1024x16xf32>
    %reduce_sum3A_220 = arith.constant dense<0.000000e+00> : vector<1024xf32>
    %reduce_sum3A_221 = vector.multi_reduction <add>, %slice3A_219, %reduce_sum3A_220 [1] : vector<1024x16xf32> to vector<1024xf32>
    %broadcast_in_dim3A_222 = vector.shape_cast %reduce_sum3A_221 : vector<1024xf32> to vector<1024x1xf32>
    %slice3A_223 = vector.extract_strided_slice %get3A_6 {offsets = [0, 80], sizes = [1024, 16], strides = [1, 1]} : vector<1024x128xf32> to vector<1024x16xf32>
    %reduce_max3A_224 = arith.constant dense<0xFF800000> : vector<1024xf32>
    %reduce_max3A_225 = vector.multi_reduction <maximumf>, %slice3A_223, %reduce_max3A_224 [1] : vector<1024x16xf32> to vector<1024xf32>
    %broadcast_in_dim3A_226 = vector.shape_cast %reduce_max3A_225 : vector<1024xf32> to vector<1024x1xf32>
    %eq3A_227 = vector.broadcast %broadcast_in_dim3A_226 : vector<1024x1xf32> to vector<1024x16xf32>
    %eq3A_228 = arith.cmpf oeq, %slice3A_223, %eq3A_227 : vector<1024x16xf32>
    %convert_element_type3A_229 = arith.extui %eq3A_228 : vector<1024x16xi1> to vector<1024x16xi32>
    %convert_element_type3A_230 = arith.sitofp %convert_element_type3A_229 : vector<1024x16xi32> to vector<1024x16xf32>
    %reduce_sum3A_231 = arith.constant dense<0.000000e+00> : vector<1024xf32>
    %reduce_sum3A_232 = vector.multi_reduction <add>, %convert_element_type3A_230, %reduce_sum3A_231 [1] : vector<1024x16xf32> to vector<1024xf32>
    %broadcast_in_dim3A_233 = vector.shape_cast %reduce_sum3A_232 : vector<1024xf32> to vector<1024x1xf32>
    %slice3A_234 = vector.extract_strided_slice %get3A_9 {offsets = [0, 80], sizes = [1024, 16], strides = [1, 1]} : vector<1024x128xf32> to vector<1024x16xf32>
    %jit3A_235 = arith.constant 0xFF800000 : f32
    %broadcast_in_dim3A_236 = vector.broadcast %jit3A_235 : f32 to vector<1024x16xf32>
    %select_n3A_237 = arith.select %eq3A_228, %slice3A_234, %broadcast_in_dim3A_236 : vector<1024x16xi1>, vector<1024x16xf32>
    %reduce_max3A_238 = arith.constant dense<0xFF800000> : vector<1024xf32>
    %reduce_max3A_239 = vector.multi_reduction <maximumf>, %select_n3A_237, %reduce_max3A_238 [1] : vector<1024x16xf32> to vector<1024xf32>
    %broadcast_in_dim3A_240 = vector.shape_cast %reduce_max3A_239 : vector<1024xf32> to vector<1024x1xf32>
    %jit3A_241 = arith.constant 0xFF800000 : f32
    %broadcast_in_dim3A_242 = vector.broadcast %jit3A_241 : f32 to vector<1024x16xf32>
    %select_n3A_243 = arith.select %eq3A_228, %broadcast_in_dim3A_242, %slice3A_223 : vector<1024x16xi1>, vector<1024x16xf32>
    %reduce_max3A_244 = arith.constant dense<0xFF800000> : vector<1024xf32>
    %reduce_max3A_245 = vector.multi_reduction <maximumf>, %select_n3A_243, %reduce_max3A_244 [1] : vector<1024x16xf32> to vector<1024xf32>
    %broadcast_in_dim3A_246 = vector.shape_cast %reduce_max3A_245 : vector<1024xf32> to vector<1024x1xf32>
    %gt3A_247 = arith.constant 1.000000e+00 : f32
    %gt3A_248 = vector.broadcast %gt3A_247 : f32 to vector<1024x1xf32>
    %gt3A_249 = arith.cmpf ogt, %broadcast_in_dim3A_233, %gt3A_248 : vector<1024x1xf32>
    %max3A_250 = arith.maximumf %broadcast_in_dim3A_240, %broadcast_in_dim3A_246 : vector<1024x1xf32>
    %select_n3A_251 = arith.select %gt3A_249, %broadcast_in_dim3A_226, %max3A_250 : vector<1024x1xi1>, vector<1024x1xf32>
    %slice3A_252 = vector.extract_strided_slice %get3A_15 {offsets = [0, 80], sizes = [1024, 16], strides = [1, 1]} : vector<1024x128xf32> to vector<1024x16xf32>
    %reduce_sum3A_253 = arith.constant dense<0.000000e+00> : vector<1024xf32>
    %reduce_sum3A_254 = vector.multi_reduction <add>, %slice3A_252, %reduce_sum3A_253 [1] : vector<1024x16xf32> to vector<1024xf32>
    %broadcast_in_dim3A_255 = vector.shape_cast %reduce_sum3A_254 : vector<1024xf32> to vector<1024x1xf32>
    %slice3A_256 = vector.extract_strided_slice %get3A_12 {offsets = [0, 80], sizes = [1024, 16], strides = [1, 1]} : vector<1024x128xf32> to vector<1024x16xf32>
    %reduce_sum3A_257 = arith.constant dense<0.000000e+00> : vector<1024xf32>
    %reduce_sum3A_258 = vector.multi_reduction <add>, %slice3A_256, %reduce_sum3A_257 [1] : vector<1024x16xf32> to vector<1024xf32>
    %broadcast_in_dim3A_259 = vector.shape_cast %reduce_sum3A_258 : vector<1024xf32> to vector<1024x1xf32>
    %div3A_260 = arith.divf %broadcast_in_dim3A_255, %broadcast_in_dim3A_259 : vector<1024x1xf32>
    %slice3A_261 = vector.extract_strided_slice %select_n3A {offsets = [0, 80], sizes = [1024, 16], strides = [1, 1]} : vector<1024x128xf32> to vector<1024x16xf32>
    %reduce_sum3A_262 = arith.constant dense<0.000000e+00> : vector<1024xf32>
    %reduce_sum3A_263 = vector.multi_reduction <add>, %slice3A_261, %reduce_sum3A_262 [1] : vector<1024x16xf32> to vector<1024xf32>
    %broadcast_in_dim3A_264 = vector.shape_cast %reduce_sum3A_263 : vector<1024xf32> to vector<1024x1xf32>
    %slice3A_265 = vector.extract_strided_slice %get3A_6 {offsets = [0, 96], sizes = [1024, 16], strides = [1, 1]} : vector<1024x128xf32> to vector<1024x16xf32>
    %reduce_max3A_266 = arith.constant dense<0xFF800000> : vector<1024xf32>
    %reduce_max3A_267 = vector.multi_reduction <maximumf>, %slice3A_265, %reduce_max3A_266 [1] : vector<1024x16xf32> to vector<1024xf32>
    %broadcast_in_dim3A_268 = vector.shape_cast %reduce_max3A_267 : vector<1024xf32> to vector<1024x1xf32>
    %eq3A_269 = vector.broadcast %broadcast_in_dim3A_268 : vector<1024x1xf32> to vector<1024x16xf32>
    %eq3A_270 = arith.cmpf oeq, %slice3A_265, %eq3A_269 : vector<1024x16xf32>
    %convert_element_type3A_271 = arith.extui %eq3A_270 : vector<1024x16xi1> to vector<1024x16xi32>
    %convert_element_type3A_272 = arith.sitofp %convert_element_type3A_271 : vector<1024x16xi32> to vector<1024x16xf32>
    %reduce_sum3A_273 = arith.constant dense<0.000000e+00> : vector<1024xf32>
    %reduce_sum3A_274 = vector.multi_reduction <add>, %convert_element_type3A_272, %reduce_sum3A_273 [1] : vector<1024x16xf32> to vector<1024xf32>
    %broadcast_in_dim3A_275 = vector.shape_cast %reduce_sum3A_274 : vector<1024xf32> to vector<1024x1xf32>
    %slice3A_276 = vector.extract_strided_slice %get3A_9 {offsets = [0, 96], sizes = [1024, 16], strides = [1, 1]} : vector<1024x128xf32> to vector<1024x16xf32>
    %jit3A_277 = arith.constant 0xFF800000 : f32
    %broadcast_in_dim3A_278 = vector.broadcast %jit3A_277 : f32 to vector<1024x16xf32>
    %select_n3A_279 = arith.select %eq3A_270, %slice3A_276, %broadcast_in_dim3A_278 : vector<1024x16xi1>, vector<1024x16xf32>
    %reduce_max3A_280 = arith.constant dense<0xFF800000> : vector<1024xf32>
    %reduce_max3A_281 = vector.multi_reduction <maximumf>, %select_n3A_279, %reduce_max3A_280 [1] : vector<1024x16xf32> to vector<1024xf32>
    %broadcast_in_dim3A_282 = vector.shape_cast %reduce_max3A_281 : vector<1024xf32> to vector<1024x1xf32>
    %jit3A_283 = arith.constant 0xFF800000 : f32
    %broadcast_in_dim3A_284 = vector.broadcast %jit3A_283 : f32 to vector<1024x16xf32>
    %select_n3A_285 = arith.select %eq3A_270, %broadcast_in_dim3A_284, %slice3A_265 : vector<1024x16xi1>, vector<1024x16xf32>
    %reduce_max3A_286 = arith.constant dense<0xFF800000> : vector<1024xf32>
    %reduce_max3A_287 = vector.multi_reduction <maximumf>, %select_n3A_285, %reduce_max3A_286 [1] : vector<1024x16xf32> to vector<1024xf32>
    %broadcast_in_dim3A_288 = vector.shape_cast %reduce_max3A_287 : vector<1024xf32> to vector<1024x1xf32>
    %gt3A_289 = arith.constant 1.000000e+00 : f32
    %gt3A_290 = vector.broadcast %gt3A_289 : f32 to vector<1024x1xf32>
    %gt3A_291 = arith.cmpf ogt, %broadcast_in_dim3A_275, %gt3A_290 : vector<1024x1xf32>
    %max3A_292 = arith.maximumf %broadcast_in_dim3A_282, %broadcast_in_dim3A_288 : vector<1024x1xf32>
    %select_n3A_293 = arith.select %gt3A_291, %broadcast_in_dim3A_268, %max3A_292 : vector<1024x1xi1>, vector<1024x1xf32>
    %slice3A_294 = vector.extract_strided_slice %get3A_15 {offsets = [0, 96], sizes = [1024, 16], strides = [1, 1]} : vector<1024x128xf32> to vector<1024x16xf32>
    %reduce_sum3A_295 = arith.constant dense<0.000000e+00> : vector<1024xf32>
    %reduce_sum3A_296 = vector.multi_reduction <add>, %slice3A_294, %reduce_sum3A_295 [1] : vector<1024x16xf32> to vector<1024xf32>
    %broadcast_in_dim3A_297 = vector.shape_cast %reduce_sum3A_296 : vector<1024xf32> to vector<1024x1xf32>
    %slice3A_298 = vector.extract_strided_slice %get3A_12 {offsets = [0, 96], sizes = [1024, 16], strides = [1, 1]} : vector<1024x128xf32> to vector<1024x16xf32>
    %reduce_sum3A_299 = arith.constant dense<0.000000e+00> : vector<1024xf32>
    %reduce_sum3A_300 = vector.multi_reduction <add>, %slice3A_298, %reduce_sum3A_299 [1] : vector<1024x16xf32> to vector<1024xf32>
    %broadcast_in_dim3A_301 = vector.shape_cast %reduce_sum3A_300 : vector<1024xf32> to vector<1024x1xf32>
    %div3A_302 = arith.divf %broadcast_in_dim3A_297, %broadcast_in_dim3A_301 : vector<1024x1xf32>
    %slice3A_303 = vector.extract_strided_slice %select_n3A {offsets = [0, 96], sizes = [1024, 16], strides = [1, 1]} : vector<1024x128xf32> to vector<1024x16xf32>
    %reduce_sum3A_304 = arith.constant dense<0.000000e+00> : vector<1024xf32>
    %reduce_sum3A_305 = vector.multi_reduction <add>, %slice3A_303, %reduce_sum3A_304 [1] : vector<1024x16xf32> to vector<1024xf32>
    %broadcast_in_dim3A_306 = vector.shape_cast %reduce_sum3A_305 : vector<1024xf32> to vector<1024x1xf32>
    %slice3A_307 = vector.extract_strided_slice %get3A_6 {offsets = [0, 112], sizes = [1024, 16], strides = [1, 1]} : vector<1024x128xf32> to vector<1024x16xf32>
    %reduce_max3A_308 = arith.constant dense<0xFF800000> : vector<1024xf32>
    %reduce_max3A_309 = vector.multi_reduction <maximumf>, %slice3A_307, %reduce_max3A_308 [1] : vector<1024x16xf32> to vector<1024xf32>
    %broadcast_in_dim3A_310 = vector.shape_cast %reduce_max3A_309 : vector<1024xf32> to vector<1024x1xf32>
    %eq3A_311 = vector.broadcast %broadcast_in_dim3A_310 : vector<1024x1xf32> to vector<1024x16xf32>
    %eq3A_312 = arith.cmpf oeq, %slice3A_307, %eq3A_311 : vector<1024x16xf32>
    %convert_element_type3A_313 = arith.extui %eq3A_312 : vector<1024x16xi1> to vector<1024x16xi32>
    %convert_element_type3A_314 = arith.sitofp %convert_element_type3A_313 : vector<1024x16xi32> to vector<1024x16xf32>
    %reduce_sum3A_315 = arith.constant dense<0.000000e+00> : vector<1024xf32>
    %reduce_sum3A_316 = vector.multi_reduction <add>, %convert_element_type3A_314, %reduce_sum3A_315 [1] : vector<1024x16xf32> to vector<1024xf32>
    %broadcast_in_dim3A_317 = vector.shape_cast %reduce_sum3A_316 : vector<1024xf32> to vector<1024x1xf32>
    %slice3A_318 = vector.extract_strided_slice %get3A_9 {offsets = [0, 112], sizes = [1024, 16], strides = [1, 1]} : vector<1024x128xf32> to vector<1024x16xf32>
    %jit3A_319 = arith.constant 0xFF800000 : f32
    %broadcast_in_dim3A_320 = vector.broadcast %jit3A_319 : f32 to vector<1024x16xf32>
    %select_n3A_321 = arith.select %eq3A_312, %slice3A_318, %broadcast_in_dim3A_320 : vector<1024x16xi1>, vector<1024x16xf32>
    %reduce_max3A_322 = arith.constant dense<0xFF800000> : vector<1024xf32>
    %reduce_max3A_323 = vector.multi_reduction <maximumf>, %select_n3A_321, %reduce_max3A_322 [1] : vector<1024x16xf32> to vector<1024xf32>
    %broadcast_in_dim3A_324 = vector.shape_cast %reduce_max3A_323 : vector<1024xf32> to vector<1024x1xf32>
    %jit3A_325 = arith.constant 0xFF800000 : f32
    %broadcast_in_dim3A_326 = vector.broadcast %jit3A_325 : f32 to vector<1024x16xf32>
    %select_n3A_327 = arith.select %eq3A_312, %broadcast_in_dim3A_326, %slice3A_307 : vector<1024x16xi1>, vector<1024x16xf32>
    %reduce_max3A_328 = arith.constant dense<0xFF800000> : vector<1024xf32>
    %reduce_max3A_329 = vector.multi_reduction <maximumf>, %select_n3A_327, %reduce_max3A_328 [1] : vector<1024x16xf32> to vector<1024xf32>
    %broadcast_in_dim3A_330 = vector.shape_cast %reduce_max3A_329 : vector<1024xf32> to vector<1024x1xf32>
    %gt3A_331 = arith.constant 1.000000e+00 : f32
    %gt3A_332 = vector.broadcast %gt3A_331 : f32 to vector<1024x1xf32>
    %gt3A_333 = arith.cmpf ogt, %broadcast_in_dim3A_317, %gt3A_332 : vector<1024x1xf32>
    %max3A_334 = arith.maximumf %broadcast_in_dim3A_324, %broadcast_in_dim3A_330 : vector<1024x1xf32>
    %select_n3A_335 = arith.select %gt3A_333, %broadcast_in_dim3A_310, %max3A_334 : vector<1024x1xi1>, vector<1024x1xf32>
    %slice3A_336 = vector.extract_strided_slice %get3A_15 {offsets = [0, 112], sizes = [1024, 16], strides = [1, 1]} : vector<1024x128xf32> to vector<1024x16xf32>
    %reduce_sum3A_337 = arith.constant dense<0.000000e+00> : vector<1024xf32>
    %reduce_sum3A_338 = vector.multi_reduction <add>, %slice3A_336, %reduce_sum3A_337 [1] : vector<1024x16xf32> to vector<1024xf32>
    %broadcast_in_dim3A_339 = vector.shape_cast %reduce_sum3A_338 : vector<1024xf32> to vector<1024x1xf32>
    %slice3A_340 = vector.extract_strided_slice %get3A_12 {offsets = [0, 112], sizes = [1024, 16], strides = [1, 1]} : vector<1024x128xf32> to vector<1024x16xf32>
    %reduce_sum3A_341 = arith.constant dense<0.000000e+00> : vector<1024xf32>
    %reduce_sum3A_342 = vector.multi_reduction <add>, %slice3A_340, %reduce_sum3A_341 [1] : vector<1024x16xf32> to vector<1024xf32>
    %broadcast_in_dim3A_343 = vector.shape_cast %reduce_sum3A_342 : vector<1024xf32> to vector<1024x1xf32>
    %div3A_344 = arith.divf %broadcast_in_dim3A_339, %broadcast_in_dim3A_343 : vector<1024x1xf32>
    %slice3A_345 = vector.extract_strided_slice %select_n3A {offsets = [0, 112], sizes = [1024, 16], strides = [1, 1]} : vector<1024x128xf32> to vector<1024x16xf32>
    %reduce_sum3A_346 = arith.constant dense<0.000000e+00> : vector<1024xf32>
    %reduce_sum3A_347 = vector.multi_reduction <add>, %slice3A_345, %reduce_sum3A_346 [1] : vector<1024x16xf32> to vector<1024xf32>
    %broadcast_in_dim3A_348 = vector.shape_cast %reduce_sum3A_347 : vector<1024xf32> to vector<1024x1xf32>
    %concatenate3A = tpu.concatenate %broadcast_in_dim3A_21, %broadcast_in_dim3A_58, %broadcast_in_dim3A_100, %broadcast_in_dim3A_142, %broadcast_in_dim3A_184, %broadcast_in_dim3A_226, %broadcast_in_dim3A_268, %broadcast_in_dim3A_310 in 1 : vector<1024x1xf32>, vector<1024x1xf32>, vector<1024x1xf32>, vector<1024x1xf32>, vector<1024x1xf32>, vector<1024x1xf32>, vector<1024x1xf32>, vector<1024x1xf32> -> vector<1024x8xf32>
    %swap3A = arith.constant 0 : index
    %swap3A_349 = arith.constant 0 : index
    %swap3A_350 = vector.load %arg9[%swap3A, %swap3A_349] : memref<1024x8xf32, #tpu.memory_space<vmem>>, vector<1024x8xf32>
    tpu.vector_store %arg9[%swap3A, %swap3A_349], %concatenate3A {strides = array<i32>} : memref<1024x8xf32, #tpu.memory_space<vmem>>, vector<1024x8xf32>,
    %concatenate3A_351 = tpu.concatenate %select_n3A_42, %select_n3A_83, %select_n3A_125, %select_n3A_167, %select_n3A_209, %select_n3A_251, %select_n3A_293, %select_n3A_335 in 1 : vector<1024x1xf32>, vector<1024x1xf32>, vector<1024x1xf32>, vector<1024x1xf32>, vector<1024x1xf32>, vector<1024x1xf32>, vector<1024x1xf32>, vector<1024x1xf32> -> vector<1024x8xf32>
    %swap3A_352 = arith.constant 0 : index
    %swap3A_353 = arith.constant 0 : index
    %swap3A_354 = vector.load %arg10[%swap3A_352, %swap3A_353] : memref<1024x8xf32, #tpu.memory_space<vmem>>, vector<1024x8xf32>
    tpu.vector_store %arg10[%swap3A_352, %swap3A_353], %concatenate3A_351 {strides = array<i32>} : memref<1024x8xf32, #tpu.memory_space<vmem>>, vector<1024x8xf32>,
    %concatenate3A_355 = tpu.concatenate %div3A, %div3A_92, %div3A_134, %div3A_176, %div3A_218, %div3A_260, %div3A_302, %div3A_344 in 1 : vector<1024x1xf32>, vector<1024x1xf32>, vector<1024x1xf32>, vector<1024x1xf32>, vector<1024x1xf32>, vector<1024x1xf32>, vector<1024x1xf32>, vector<1024x1xf32> -> vector<1024x8xf32>
    %swap3A_356 = arith.constant 0 : index
    %swap3A_357 = arith.constant 0 : index
    %swap3A_358 = vector.load %arg11[%swap3A_356, %swap3A_357] : memref<1024x8xf32, #tpu.memory_space<vmem>>, vector<1024x8xf32>
    tpu.vector_store %arg11[%swap3A_356, %swap3A_357], %concatenate3A_355 {strides = array<i32>} : memref<1024x8xf32, #tpu.memory_space<vmem>>, vector<1024x8xf32>,
    %concatenate3A_359 = tpu.concatenate %broadcast_in_dim3A_54, %broadcast_in_dim3A_96, %broadcast_in_dim3A_138, %broadcast_in_dim3A_180, %broadcast_in_dim3A_222, %broadcast_in_dim3A_264, %broadcast_in_dim3A_306, %broadcast_in_dim3A_348 in 1 : vector<1024x1xf32>, vector<1024x1xf32>, vector<1024x1xf32>, vector<1024x1xf32>, vector<1024x1xf32>, vector<1024x1xf32>, vector<1024x1xf32>, vector<1024x1xf32> -> vector<1024x8xf32>
    %swap3A_360 = arith.constant 0 : index
    %swap3A_361 = arith.constant 0 : index
    %swap3A_362 = vector.load %arg12[%swap3A_360, %swap3A_361] : memref<1024x8xf32, #tpu.memory_space<vmem>>, vector<1024x8xf32>
    tpu.vector_store %arg12[%swap3A_360, %swap3A_361], %concatenate3A_359 {strides = array<i32>} : memref<1024x8xf32, #tpu.memory_space<vmem>>, vector<1024x8xf32>,
    %iota3A_363 = tpu.iota {dimensions = array<i32: 1>} : vector<1024x16xi32>
    %eq3A_364 = vector.broadcast %get3A_1 : vector<1024x1xi32> to vector<1024x16xi32>
    %eq3A_365 = arith.cmpi eq, %iota3A_363, %eq3A_364 : vector<1024x16xi32>
    %get3A_366 = arith.constant 0 : index
    %get3A_367 = arith.constant 0 : index
    %get3A_368 = vector.load %arg6[%get3A_366, %get3A_367] : memref<1024x16xf32, #tpu.memory_space<vmem>>, vector<1024x16xf32>
    %reduce_sum3A_369 = arith.constant dense<0.000000e+00> : vector<1024xf32>
    %reduce_sum3A_370 = vector.multi_reduction <add>, %get3A_368, %reduce_sum3A_369 [1] : vector<1024x16xf32> to vector<1024xf32>
    %broadcast_in_dim3A_371 = vector.shape_cast %reduce_sum3A_370 : vector<1024xf32> to vector<1024x1xf32>
    %swap3A_372 = arith.constant 0 : index
    %swap3A_373 = arith.constant 0 : index
    %swap3A_374 = vector.load %arg13[%swap3A_372, %swap3A_373] : memref<1024x1xf32, #tpu.memory_space<vmem>>, vector<1024x1xf32>
    tpu.vector_store %arg13[%swap3A_372, %swap3A_373], %broadcast_in_dim3A_371 {strides = array<i32>} : memref<1024x1xf32, #tpu.memory_space<vmem>>, vector<1024x1xf32>,
    %get3A_375 = arith.constant 0 : index
    %get3A_376 = arith.constant 0 : index
    %get3A_377 = vector.load %arg7[%get3A_375, %get3A_376] : memref<1024x16xf32, #tpu.memory_space<vmem>>, vector<1024x16xf32>
    %reduce_sum3A_378 = arith.constant dense<0.000000e+00> : vector<1024xf32>
    %reduce_sum3A_379 = vector.multi_reduction <add>, %get3A_377, %reduce_sum3A_378 [1] : vector<1024x16xf32> to vector<1024xf32>
    %broadcast_in_dim3A_380 = vector.shape_cast %reduce_sum3A_379 : vector<1024xf32> to vector<1024x1xf32>
    %swap3A_381 = arith.constant 0 : index
    %swap3A_382 = arith.constant 0 : index
    %swap3A_383 = vector.load %arg14[%swap3A_381, %swap3A_382] : memref<1024x1xf32, #tpu.memory_space<vmem>>, vector<1024x1xf32>
    tpu.vector_store %arg14[%swap3A_381, %swap3A_382], %broadcast_in_dim3A_380 {strides = array<i32>} : memref<1024x1xf32, #tpu.memory_space<vmem>>, vector<1024x1xf32>,
    %get3A_384 = arith.constant 0 : index
    %get3A_385 = arith.constant 0 : index
    %get3A_386 = vector.load %arg5[%get3A_384, %get3A_385] : memref<1024x16xf32, #tpu.memory_space<vmem>>, vector<1024x16xf32>
    %jit3A_387 = arith.constant 0.000000e+00 : f32
    %broadcast_in_dim3A_388 = vector.broadcast %jit3A_387 : f32 to vector<1024x16xf32>
    %select_n3A_389 = arith.select %eq3A_365, %get3A_386, %broadcast_in_dim3A_388 : vector<1024x16xi1>, vector<1024x16xf32>
    %reduce_sum3A_390 = arith.constant dense<0.000000e+00> : vector<1024xf32>
    %reduce_sum3A_391 = vector.multi_reduction <add>, %select_n3A_389, %reduce_sum3A_390 [1] : vector<1024x16xf32> to vector<1024xf32>
    %broadcast_in_dim3A_392 = vector.shape_cast %reduce_sum3A_391 : vector<1024xf32> to vector<1024x1xf32>
    %swap3A_393 = arith.constant 0 : index
    %swap3A_394 = arith.constant 0 : index
    %swap3A_395 = vector.load %arg15[%swap3A_393, %swap3A_394] : memref<1024x1xf32, #tpu.memory_space<vmem>>, vector<1024x1xf32>
    tpu.vector_store %arg15[%swap3A_393, %swap3A_394], %broadcast_in_dim3A_392 {strides = array<i32>} : memref<1024x1xf32, #tpu.memory_space<vmem>>, vector<1024x1xf32>,
    return
  }
}

module attributes {stable_mosaic.version = 14 : i64} {
  func.func @_stage2_body(%arg0: memref<4096x8xf32, #tpu.memory_space<vmem>>, %arg1: memref<4096x8xf32, #tpu.memory_space<vmem>>, %arg2: memref<4096x8xf32, #tpu.memory_space<vmem>>, %arg3: memref<4096x8xf32, #tpu.memory_space<vmem>>, %arg4: memref<4096x1xf32, #tpu.memory_space<vmem>>, %arg5: memref<4096x1xf32, #tpu.memory_space<vmem>>, %arg6: memref<4096x1xf32, #tpu.memory_space<vmem>>, %arg7: memref<1x1xf32, #tpu.memory_space<vmem>>) attributes {dimension_semantics = [], scalar_prefetch = 0 : i64, scratch_operands = 0 : i64, tpu.core_type = #tpu.core_type<tc>} {
    %get3A = arith.constant 0 : index
    %get3A_0 = arith.constant 0 : index
    %get3A_1 = vector.load %arg0[%get3A, %get3A_0] : memref<4096x8xf32, #tpu.memory_space<vmem>>, vector<4096x8xf32>
    %get3A_2 = arith.constant 0 : index
    %get3A_3 = arith.constant 0 : index
    %get3A_4 = vector.load %arg1[%get3A_2, %get3A_3] : memref<4096x8xf32, #tpu.memory_space<vmem>>, vector<4096x8xf32>
    %get3A_5 = arith.constant 0 : index
    %get3A_6 = arith.constant 0 : index
    %get3A_7 = vector.load %arg3[%get3A_5, %get3A_6] : memref<4096x8xf32, #tpu.memory_space<vmem>>, vector<4096x8xf32>
    %get3A_8 = arith.constant 0 : index
    %get3A_9 = arith.constant 0 : index
    %get3A_10 = vector.load %arg5[%get3A_8, %get3A_9] : memref<4096x1xf32, #tpu.memory_space<vmem>>, vector<4096x1xf32>
    %log3A = math.log %get3A_10 : vector<4096x1xf32>
    %get3A_11 = arith.constant 0 : index
    %get3A_12 = arith.constant 0 : index
    %get3A_13 = vector.load %arg2[%get3A_11, %get3A_12] : memref<4096x8xf32, #tpu.memory_space<vmem>>, vector<4096x8xf32>
    %sub3A = vector.broadcast %log3A : vector<4096x1xf32> to vector<4096x8xf32>
    %sub3A_14 = arith.subf %sub3A, %get3A_13 : vector<4096x8xf32>
    %mul3A = arith.constant 4.000000e+02 : f32
    %mul3A_15 = vector.broadcast %mul3A : f32 to vector<4096x8xf32>
    %mul3A_16 = arith.mulf %sub3A_14, %mul3A_15 : vector<4096x8xf32>
    %get3A_17 = arith.constant 0 : index
    %get3A_18 = arith.constant 0 : index
    %get3A_19 = vector.load %arg4[%get3A_17, %get3A_18] : memref<4096x1xf32, #tpu.memory_space<vmem>>, vector<4096x1xf32>
    %log3A_20 = math.log %get3A_19 : vector<4096x1xf32>
    %get3A_21 = arith.constant 0 : index
    %get3A_22 = arith.constant 0 : index
    %get3A_23 = vector.load %arg6[%get3A_21, %get3A_22] : memref<4096x1xf32, #tpu.memory_space<vmem>>, vector<4096x1xf32>
    %sub3A_24 = arith.subf %log3A_20, %get3A_23 : vector<4096x1xf32>
    %slice3A = vector.extract_strided_slice %get3A_1 {offsets = [0, 0], sizes = [4096, 7], strides = [1, 1]} : vector<4096x8xf32> to vector<4096x7xf32>
    %reduce_max3A = vector.shape_cast %slice3A : vector<4096x7xf32> to vector<1x4096x7xf32>
    %reduce_max3A_25 = arith.constant dense<0xFF800000> : vector<1xf32>
    %reduce_max3A_26 = vector.multi_reduction <maximumf>, %reduce_max3A, %reduce_max3A_25 [1, 2] : vector<1x4096x7xf32> to vector<1xf32>
    %reduce_max3A_27 = vector.shape_cast %reduce_max3A_26 : vector<1xf32> to vector<1x1x1xf32>
    %reduce_max3A_28 = vector.extract %reduce_max3A_27[0, 0, 0] : f32 from vector<1x1x1xf32>
    %eq3A = arith.cmpf oeq, %get3A_7, %get3A_1 : vector<4096x8xf32>
    %sub3A_29 = arith.subf %get3A_1, %get3A_4 : vector<4096x8xf32>
    %jit3A = arith.constant 0.000000e+00 : f32
    %broadcast_in_dim3A = vector.broadcast %jit3A : f32 to vector<4096x8xf32>
    %select_n3A = arith.select %eq3A, %sub3A_29, %broadcast_in_dim3A : vector<4096x8xi1>, vector<4096x8xf32>
    %reduce_max3A_30 = arith.constant dense<0xFF800000> : vector<4096xf32>
    %reduce_max3A_31 = vector.multi_reduction <maximumf>, %select_n3A, %reduce_max3A_30 [1] : vector<4096x8xf32> to vector<4096xf32>
    %broadcast_in_dim3A_32 = vector.shape_cast %reduce_max3A_31 : vector<4096xf32> to vector<4096x1xf32>
    %sub3A_33 = vector.broadcast %broadcast_in_dim3A_32 : vector<4096x1xf32> to vector<4096x8xf32>
    %sub3A_34 = arith.subf %select_n3A, %sub3A_33 : vector<4096x8xf32>
    %mul3A_35 = arith.constant 5.000000e-01 : f32
    %mul3A_36 = vector.broadcast %mul3A_35 : f32 to vector<4096x8xf32>
    %mul3A_37 = arith.mulf %sub3A_34, %mul3A_36 : vector<4096x8xf32>
    %exp3A = math.exp %mul3A_37 : vector<4096x8xf32>
    %reduce_sum3A = arith.constant dense<0.000000e+00> : vector<4096xf32>
    %reduce_sum3A_38 = vector.multi_reduction <add>, %exp3A, %reduce_sum3A [1] : vector<4096x8xf32> to vector<4096xf32>
    %broadcast_in_dim3A_39 = vector.shape_cast %reduce_sum3A_38 : vector<4096xf32> to vector<4096x1xf32>
    %div3A = vector.broadcast %broadcast_in_dim3A_39 : vector<4096x1xf32> to vector<4096x8xf32>
    %div3A_40 = arith.divf %exp3A, %div3A : vector<4096x8xf32>
    %div3A_41 = arith.constant 8.000000e-01 : f32
    %div3A_42 = arith.divf %div3A_41, %reduce_max3A_28 : f32
    %mul3A_43 = vector.broadcast %div3A_42 : f32 to vector<4096x8xf32>
    %mul3A_44 = arith.mulf %get3A_7, %mul3A_43 : vector<4096x8xf32>
    %sub3A_45 = arith.constant 1.000000e+00 : f32
    %sub3A_46 = vector.broadcast %sub3A_45 : f32 to vector<4096x8xf32>
    %sub3A_47 = arith.subf %sub3A_46, %mul3A_44 : vector<4096x8xf32>
    %mul3A_48 = vector.broadcast %sub3A_24 : vector<4096x1xf32> to vector<4096x8xf32>
    %mul3A_49 = arith.mulf %sub3A_47, %mul3A_48 : vector<4096x8xf32>
    %mul3A_50 = arith.mulf %mul3A_44, %mul3A_16 : vector<4096x8xf32>
    %add3A = arith.addf %mul3A_49, %mul3A_50 : vector<4096x8xf32>
    %mul3A_51 = arith.mulf %div3A_40, %add3A : vector<4096x8xf32>
    %reduce_sum3A_52 = vector.shape_cast %mul3A_51 : vector<4096x8xf32> to vector<1x4096x8xf32>
    %reduce_sum3A_53 = arith.constant dense<0.000000e+00> : vector<1xf32>
    %reduce_sum3A_54 = vector.multi_reduction <add>, %reduce_sum3A_52, %reduce_sum3A_53 [1, 2] : vector<1x4096x8xf32> to vector<1xf32>
    %reduce_sum3A_55 = vector.shape_cast %reduce_sum3A_54 : vector<1xf32> to vector<1x1x1xf32>
    %reduce_sum3A_56 = vector.extract %reduce_sum3A_55[0, 0, 0] : f32 from vector<1x1x1xf32>
    %broadcast_in_dim3A_57 = vector.broadcast %reduce_sum3A_56 : f32 to vector<1x1xf32>
    %mul3A_58 = arith.constant 2.44140625E-4 : f32
    %mul3A_59 = vector.broadcast %mul3A_58 : f32 to vector<1x1xf32>
    %mul3A_60 = arith.mulf %broadcast_in_dim3A_57, %mul3A_59 : vector<1x1xf32>
    %swap3A = arith.constant 0 : index
    %swap3A_61 = arith.constant 0 : index
    %swap3A_62 = vector.load %arg7[%swap3A, %swap3A_61] : memref<1x1xf32, #tpu.memory_space<vmem>>, vector<1x1xf32>
    tpu.vector_store %arg7[%swap3A, %swap3A_61], %mul3A_60 {strides = array<i32>} : memref<1x1xf32, #tpu.memory_space<vmem>>, vector<1x1xf32>,
    return
  }
}

</mosaic_0001>

<sc_bundles>
// kernel: kernel.6.cloned.1.call-start
scs
__scs_entry_jumppad:
0x0: {  	(pc) =	sbr.rel $0x88, $3  }
0x1: {  	(tag) =	ssettag $0x0;
	lr =	simm.s32 $0x1  }
0x2: {  	[smem:$0x3F98] =	sst lr;
	_ =	strace $0xD0000000  }
0x3: {  	_ = 	snop  }
0x4: {  	_ = 	snop  }
0x5: {  	_ = 	snop  }
0x6: {  	_ = 	snop  }
0x7: {  	_ = 	snop  }
__scs_overlays_trampoline_lowered:
0x8: {  	[smem:$0x3FA7] =	sst s0  }
0x9: {  	[smem:$0x3FA8] =	sst s1  }
0xa: {  	[smem:$0x3FA9] =	sst s2  }
0xb: {  	[smem:$0x3FAA] =	sst s3  }
0xc: {  	[smem:$0x3FAB] =	sst s4  }
0xd: {  	[smem:$0x3FAC] =	sst s5  }
0xe: {  	[smem:$0x3FAD] =	sst s6  }
0xf: {  	[smem:$0x3FAE] =	sst s7  }
0x10: {  	[smem:$0x3FAF] =	sst s8  }
0x11: {  	[smem:$0x3FB0] =	sst s9;
	s0 =	simm.s32 @!p0 $0x0  }
0x12: {  	s1 =	sld [smem:$0x3F96];
	s0 =	simm.s32 @p0 $0x1  }
0x13: {  	[smem:$0x3FB1] =	sst s0;
	s0 =	simm.s32 @!p1 $0x0  }
0x14: {  	s2 =	sld [smem:$0x3F95];
	s0 =	simm.s32 @p1 $0x1  }
0x15: {  	[smem:$0x3FB2] =	sst s0;
	s0 =	simm.s32 @!p2 $0x0  }
0x16: {  	s3 =	sld [smem:$0x3FDB];
	s0 =	simm.s32 @p2 $0x1  }
0x17: {  	s4 =	simm.s32 $0x1BF5;
	[smem:$0x3FB4] =	sst s0  }
0x18: {  	s0 =	sld [smem:$0x3F97];
	_ =	swait.ge [sflag:s4], $0x0  }
0x19: {  	s7 =	sld [smem:$0x3F98]  }
0x1a: {  	s8 =	sadd.s32 $0xFFFFE003, lr  }
0x1b: {  	s9 =	sadd.s32 $0xFFFFFEF7, lr;
	s5 =	simm.s32 $0xFFFFFFFF;
	p2 =	slt.u32 s8, $0xFFFFF086  }
0x1c: {  	p1 =	slt.u32 s9, $0xF7A;
	s5 =	simm.s32 @!p2 $0x0  }
0x1d: {  	s5 =	simm.s32 @p1 $0x1;
	p0 =	seq.s32 s7, s2  }
0x1e: {  	s7 =	smul.u32 @!p0 $0xF7A, s2;
	p2 =	seq.s32 @!p0 s5, $0x0  }
0x1f: {  	s9 =	smul.u32 $0xF7A, s1;
	s8 =	simm.s32 @!p0 $0x1BF5;
	p2 =	por !p2, p0  }
0x20: {  	[sflag:s8] =	ssyncset.s32 @!p0 $0xFFFFF086;
	s6 =	sadd.s32 @!p0 s3, s7;
	s7 =	simm.s32 @!p0 $0x108  }
0x21: {  	s3 =	sadd.s32 s3, s9;
	s6 =	sadd.s32 @!p0 $0x88, s6;
	s7 =	simm.s32 @p2 $0x1082  }
0x22: {  	[simem:s7], [sflag:s8] =	dma.local @!p0 [hbm:s6], $0xF7A  }
0x23: {  	s9 =	sor.u32 $0xD0000000, s2;
	s6 =	simm.s32 $0x108;
	_ =	swait.ge @!p0 [sflag:s8], $0x0  }
0x24: {  	s3 =	sadd.s32 $0x88, s3;
	s6 =	simm.s32 @!p1 $0x1082;
	[sflag:s4] =	ssyncset.s32 $0xFFFFF086  }
0x25: {  	[simem:s6], [sflag:s4] =	dma.local [hbm:s3], $0xF7A  }
0x26: {  	[smem:$0x3F98] =	sst s1;
	(tag) =	ssettag s2;
	_ =	strace s9  }
0x27: {  	s1 =	sld [smem:$0x3FA8]  }
0x28: {  	s2 =	sld [smem:$0x3FA9]  }
0x29: {  	s4 =	sld [smem:$0x3FAB]  }
0x2a: {  	p0 =	seq.s32 s5, $0x0;
	s5 =	sld [smem:$0x3FAC]  }
0x2b: {  	s6 =	sld [smem:$0x3FAD]  }
0x2c: {  	s7 =	sld [smem:$0x3FAE]  }
0x2d: {  	s3 =	simm.s32 $0x108;
	s8 =	sld [smem:$0x3FAF]  }
0x2e: {  	s3 =	simm.s32 @!p0 $0x1082;
	s9 =	sld [smem:$0x3FB0]  }
0x2f: {  	lr =	sadd.s32 s0, s3;
	s0 =	sld [smem:$0x3FA7]  }
0x30: {  	s3 =	sld [smem:$0x3FAA]  }
0x31: {  	[smem:$0x3FB3] =	sst s10  }
0x32: {  	s10 =	sld [smem:$0x3FB1];
	_ =	sdelay $0x3  }
0x33: {  	p0 =	seq.s32 s10, $0x1;
	s10 =	sld [smem:$0x3FB3];
	_ =	sdelay $0x3  }
0x34: {  	[smem:$0x3FB3] =	sst s10  }
0x35: {  	s10 =	sld [smem:$0x3FB2];
	_ =	sdelay $0x3  }
0x36: {  	p1 =	seq.s32 s10, $0x1;
	s10 =	sld [smem:$0x3FB3];
	_ =	sdelay $0x3  }
0x37: {  	[smem:$0x3FB3] =	sst s10  }
0x38: {  	s10 =	sld [smem:$0x3FB4]  }
0x39: {  	_ = 	snop;
	(pc) =	sbr.ind lr, $3  }
0x3a: {  	_ = 	snop  }
0x3b: {  	_ = 	snop  }
0x3c: {  	p2 =	seq.s32 s10, $0x1;
	s10 =	sld [smem:$0x3FB3]  }
0x3d: {  	_ =	shalt  }
0x3e: {  	_ =	shalt  }
0x3f: {  	_ =	shalt  }
0x40: {  	_ =	shalt  }
0x41: {  	_ =	shalt  }
0x42: {  	_ =	shalt  }
0x43: {  	_ =	shalt  }
0x44: {  	_ =	shalt  }
0x45: {  	_ =	shalt  }
0x46: {  	_ =	shalt  }
0x47: {  	_ =	shalt  }
0x48: {  	_ =	shalt  }
0x49: {  	_ =	shalt  }
0x4a: {  	_ =	shalt  }
0x4b: {  	_ =	shalt  }
0x4c: {  	_ =	shalt  }
0x4d: {  	_ =	shalt  }
0x4e: {  	_ =	shalt  }
0x4f: {  	_ =	shalt  }
0x50: {  	_ =	shalt  }
0x51: {  	_ =	shalt  }
0x52: {  	_ =	shalt  }
0x53: {  	_ =	shalt  }
0x54: {  	_ =	shalt  }
0x55: {  	_ =	shalt  }
0x56: {  	_ =	shalt  }
0x57: {  	_ =	shalt  }
0x58: {  	_ =	shalt  }
0x59: {  	_ =	shalt  }
0x5a: {  	_ =	shalt  }
0x5b: {  	_ =	shalt  }
0x5c: {  	_ =	shalt  }
0x5d: {  	_ =	shalt  }
0x5e: {  	_ =	shalt  }
0x5f: {  	_ =	shalt  }
0x60: {  	_ =	shalt  }
0x61: {  	_ =	shalt  }
0x62: {  	_ =	shalt  }
0x63: {  	_ =	shalt  }
0x64: {  	_ =	shalt  }
0x65: {  	_ =	shalt  }
0x66: {  	_ =	shalt  }
0x67: {  	_ =	shalt  }
0x68: {  	_ =	shalt  }
0x69: {  	_ =	shalt  }
0x6a: {  	_ =	shalt  }
0x6b: {  	_ =	shalt  }
0x6c: {  	_ =	shalt  }
0x6d: {  	_ =	shalt  }
0x6e: {  	_ =	shalt  }
0x6f: {  	_ =	shalt  }
0x70: {  	_ =	shalt  }
0x71: {  	_ =	shalt  }
0x72: {  	_ =	shalt  }
0x73: {  	_ =	shalt  }
0x74: {  	_ =	shalt  }
0x75: {  	_ =	shalt  }
0x76: {  	_ =	shalt  }
0x77: {  	_ =	shalt  }
0x78: {  	_ =	shalt  }
0x79: {  	_ =	shalt  }
0x7a: {  	_ =	shalt  }
0x7b: {  	_ =	shalt  }
0x7c: {  	_ =	shalt  }
0x7d: {  	_ =	shalt  }
0x7e: {  	_ =	shalt  }
0x7f: {  	_ =	shalt  }
0x80: {  	_ =	shalt  }
0x81: {  	_ =	shalt  }
0x82: {  	_ =	shalt  }
0x83: {  	_ =	shalt  }
0x84: {  	_ =	shalt  }
0x85: {  	_ =	shalt  }
0x86: {  	_ =	shalt  }
0x87: {  	_ =	shalt  }
.Lfunc_end0:
.L_simem_size_0:
called_computation_lowered:
.L_overlay_start_0:
0x88: {  	s2 =	sld [smem:$0x3FD9]  }
0x89: {  	s3 =	sld [smem:$0x3FFE];
	_ =	sdelay $0x1  }
0x8a: {  	s1 =	srdreg.scid  }
0x8b: {  	s0 =	sand.u32 $0x1, s1  }
0x8c: {  	s16 =	sshll.u32 s0, $0xA;
	s2 =	sadd.s32 s3, s2  }
0x8d: {  	s2 =	sadd.s32 s2, s16  }
0x8e: {  	[smem:$0x3FBF] =	sst s2  }
0x8f: {  	_ = 	snop  }
0x90: {  	(tm) =	ssettm $0x1  }
0x91: {  	s17 =	sld [smem:$0x3FFB];
	_ =	sdelay $0x3  }
0x92: {  	_ =	strace s17  }
0x93: {  	s2 =	sld [smem:$0x3FFC];
	_ =	sdelay $0x3  }
0x94: {  	_ =	strace s2  }
0x95: {  	s2 =	sld [smem:$0x3FFD];
	_ =	sdelay $0x3  }
0x96: {  	_ =	strace s2  }
0x97: {  	_ =	strace $0x8FFFFFFF  }
0x98: {  	s18 =	sld [smem:$0x3FDB];
	_ =	sdelay $0x1  }
0x99: {  	s19 =	simm.s32 $_scs_section_size  }
0x9a: {  	s4 =	simm.s32 $_size__tile_overlayer_lowered;
	s5 =	simm.s32 $_tile_overlayer_lowered  }
0x9b: {  	s22 =	simm.s32 $0x1BFF;
	s21 =	sshll.u32 s5, $0x1;
	s2 =	sadd.s32 s19, s18  }
0x9c: {  	s6 =	simm.s32 $0x0;
	s20 =	sshll.u32 s4, $0x1;
	s4 =	sadd.s32 s21, s2  }
0x9d: {  	[timem:s6], [sflag:s22] =	dma.local [hbm:s4], s20  }
0x9e: {  	_ =	swait.ge [sflag:s22], s20  }
0x9f: {  	s3 =	ssub.s32 $0x0, s20;
	[sflag:s22] =	ssyncset.done $0x0  }
0xa0: {  	[sflag:s22] =	ssyncadd.s32 s3;
	_ =	sdelay $0x1  }
0xa1: {  	s23 =	simm.s32 $0x1B8B  }
0xa2: {  	_ =	swait.ge [sflag:s23], $0x1  }
0xa3: {  	[sflag:s23] =	ssyncset.done $0x0  }
0xa4: {  	s25 =	simm.s32 $0x1B8E;
	s24 =	sld [smem:$0x3FFE];
	[sflag:s23] =	ssyncadd.s32 $0xFFFFFFFF  }
0xa5: {  	s26 =	simm.s32 $execute0_lowered;
	[smem:$0x3FD2] =	sst s25  }
0xa6: {  	s4 =	sshll.u32 s26, $0x1;
	_ =	strace $0x80000046;
	[dreg:$0x1] =	wrdreg $0xFFFFFFFF  }
0xa7: {  	s28 =	simm.s32 $_size_execute0_lowered;
	s2 =	sadd.s32 s2, s4;
	[dreg:$0x0] =	wrdreg $0x0  }
0xa8: {  	s4 =	sshll.u32 s28, $0x1;
	[dreg:$0x2] =	wrdreg s2  }
0xa9: {  	[dreg:$0x3] =	wrdreg s4  }
0xaa: {  	[dreg:$0x4] =	wrdreg $0xC0  }
0xab: {  	_ =	task [dreg:s6], $0x5FFFF  }
0xac: {  	[dreg:$0x1] =	wrdreg $0xFFFFFFFF  }
0xad: {  	[dreg:$0x0] =	wrdreg $0x60  }
0xae: {  	[dreg:$0x2] =	wrdreg s24  }
0xaf: {  	[dreg:$0x3] =	wrdreg $0x9  }
0xb0: {  	_ =	task.clear_ibuf [dreg:s6], $0x4FFFF;
	_ =	strace $0x90000046  }
0xb1: {  	s29 =	simm.s32 $0x9;
	_ =	strace $0x80000048  }
0xb2: {  	_ =	swait.ge [sflag:s29], $0x1  }
0xb3: {  	[sflag:s29] =	ssyncadd.s32 $0xFFFFFFFF  }
0xb4: {  	_ =	strace $0x90000048  }
0xb5: {  	_ =	sfence  }
0xb6: {  	s30 =	sld [smem:$0x0];
	_ =	sdelay $0x2  }
0xb7: {  	s31 =	sshll.u32 s1, $0xD;
	s1 =	sshrl.u32 s1, $0x2  }
0xb8: {  	s3 =	sand.u32 $0x4000, s31;
	s1 =	sadd.s32 s1, s30  }
0xb9: {  	s0 =	sor.u32 s3, s0;
	s1 =	sshll.u32 s1, $0x11  }
0xba: {  	s0 =	sor.u32 s1, s0  }
0xbb: {  	s0 =	sadd.s32 $0x8F2B, s0  }
0xbc: {  	[sflag:s0] =	ssyncadd.remote.s32 $0x1  }
0xbd: {  	_ =	sfence.sel $0xFFFF  }
0xbe: {  	[dreg:$0x0] =	wrdreg $0xFFFFFFFF;
	(pc) =	sbr.abs _section_cstart, $3  }
0xbf: {  	[dreg:$0x1] =	wrdreg $0xFFFFFFFF  }
0xc0: {  	_ =	task.clear_ibuf [dreg:s6], $0x2FFFF;
	_ =	strace $0x9FFFFFFF  }
0xc1: {  	(tm) =	ssettm $0x7FFFFFFF  }
tec
execute0_lowered:
.L_overlay_start_1:
0x0: {  	(tag) =	ssettag $0x1  }
0x1: {  	s0 =	rddreg [dreg:$0x0]  }
0x2: {  	s9 =	srdreg.scid;
	s11 =	stileid.u32  }
0x3: {  	s2 =	sadd.s32 $0x104E00, s0;
	s9 =	sand.u32 $0x1, s9;
	s11 =	sshll.u32 s11, $0x1  }
0x4: {  	s3 =	sadd.s32 $0x184E00, s0;
	s13 =	ssub.s32 $0x2, s9;
	s9 =	sor.u32 s9, s11  }
0x5: {  	s30 =	simm.s32 $0x0;
	s4 =	sadd.s32 $0x204E00, s0;
	s15 =	sshll.u32 s9, $0xC  }
0x6: {  	s1 =	sadd.s32 $0x84E00, s0;
	s8 =	sadd.s32 $0x384E00, s0;
	s21 =	sor.u32 $0x60000, s15  }
0x7: {  	s5 =	sadd.s32 $0x4E00, s0;
	[smem:$0x7FF] =	sst s30;
	s15 =	sadd.s32 s8, s21  }
0x8: {  	s6 =	sadd.s32 $0x284E00, s0;
	s22 =	sadd.s32 s5, s21;
	[dreg:$0x2] =	wrdreg s15  }
0x9: {  	s7 =	sadd.s32 $0x304E00, s0;
	s17 =	sadd.s32 s1, s21;
	[dreg:$0x3] =	wrdreg s22  }
0xa: {  	s14 =	sshrl.u32 s13, $0x1;
	s23 =	sadd.s32 s2, s21;
	[dreg:$0x4] =	wrdreg s17  }
0xb: {  	s13 =	ssub.s32 s13, s14;
	s18 =	sadd.s32 s3, s21;
	[dreg:$0x5] =	wrdreg s23  }
0xc: {  	s25 =	sadd.s32 s4, s21;
	s15 =	sshllo.u32 s9, $0x1;
	[dreg:$0x6] =	wrdreg s18  }
0xd: {  	s26 =	sadd.s32 s6, s21;
	[dreg:$0x7] =	wrdreg s25;
	s24 =	sshll.u32 s15, $0xB  }
0xe: {  	s14 =	sadd.s32 s7, s21;
	[dreg:$0x8] =	wrdreg s26;
	s17 =	sor.u32 $0x60000, s24  }
0xf: {  	s10 =	sadd.s32 $0x404E00, s0;
	[dreg:$0x9] =	wrdreg s14;
	s8 =	sadd.s32 s8, s17  }
0x10: {  	s12 =	sadd.s32 $0x40A600, s0;
	s5 =	sadd.s32 s5, s17;
	[dreg:$0xa] =	wrdreg s8  }
0x11: {  	s16 =	sadd.s32 $0x412600, s0;
	s1 =	sadd.s32 s1, s17;
	[dreg:$0xb] =	wrdreg s5  }
0x12: {  	s11 =	sadd.s32 $0x40E600, s0;
	s14 =	sadd.s32 s3, s17;
	[dreg:$0xc] =	wrdreg s1  }
0x13: {  	s21 =	sadd.s32 $0x416600, s0;
	s18 =	sadd.s32 s4, s17;
	[dreg:$0xe] =	wrdreg s14  }
0x14: {  	s22 =	sshll.u32 s9, $0x9;
	s19 =	sadd.s32 s6, s17;
	[dreg:$0xf] =	wrdreg s18  }
0x15: {  	s23 =	sadd.s32 $0x41A600, s0;
	s20 =	sadd.s32 s7, s17;
	[dreg:$0x10] =	wrdreg s19  }
0x16: {  	s6 =	sadd.s32 s12, s22;
	s7 =	sadd.s32 s11, s22;
	[dreg:$0x11] =	wrdreg s20  }
0x17: {  	s8 =	sadd.s32 s2, s17;
	s5 =	sadd.s32 s10, s22;
	[dreg:$0x13] =	wrdreg s6  }
0x18: {  	[dreg:$0x14] =	wrdreg s7;
	s14 =	sshll.u32 s15, $0x8;
	s17 =	sadd.s32 s21, s22  }
0x19: {  	s2 =	sadd.s32 s23, s22;
	s19 =	sshll.u32 s9, $0x6;
	[dreg:$0xd] =	wrdreg s8  }
0x1a: {  	s20 =	sadd.s32 $0x408E00, s0;
	s6 =	simm.s32 $0x1;
	[dreg:$0x12] =	wrdreg s5  }
0x1b: {  	s7 =	simm.s32 $0x4000;
	s8 =	sadd.s32 s16, s22;
	[dreg:$0x16] =	wrdreg s17  }
0x1c: {  	v0 =	vimm.s32 $0xFEDCBA98;
	[dreg:$0x17] =	wrdreg s2;
	s18 =	sadd.s32 s10, s14;
	s24 =	sadd.s32 s12, s14  }
0x1d: {  	v1 =	vimm.s32 $0x76543210;
	v0 =	vunpack.c.l.s4.s8 v0;
	s25 =	sadd.s32 s11, s14;
	s26 =	sadd.s32 s16, s14;
	s28 =	sadd.s32 s21, s14  }
0x1e: {  	v1 =	vunpack.c.l.s4.s8 v1;
	s29 =	sadd.s32 s23, s14;
	s21 =	sadd.s32 $0x409600, s0;
	s22 =	sadd.s32 $0x409E00, s0  }
0x1f: {  	v0 =	vunpack.c.0.s8.s32 v0;
	s31 =	sadd.s32 s20, s19;
	s23 =	sshll.u32 s15, $0x5;
	[dreg:$0x15] =	wrdreg s8  }
0x20: {  	v1 =	vunpack.c.0.s8.s32 v1;
	s5 =	smax.u32 s13, $0x1;
	[dreg:$0x18] =	wrdreg s18;
	s0 =	sadd.s32 s21, s19  }
0x21: {  	v0 =	vand.u32 $0xF, v0;
	s1 =	sadd.s32 s22, s19;
	s2 =	sadd.s32 s20, s23;
	s3 =	sadd.s32 s21, s23  }
0x22: {  	vm0 =	vmmov $0xff;
	v0 =	vcombine.low v0, v1;
	s4 =	sadd.s32 s22, s23;
	s8 =	simm.s32 $0x0;
	_ =	strace $0x80000047  }
.LBB2_1:
0x23: {  	s9 =	rddreg [dreg:$0x2]  }
0x24: {  	[tilespmem:s30], [sflag:$0x1] =	stream.linear.gather [hbm4b:s9+s30], $0x4000, $0x38;
	[tilespmem:$0x13300] =	vst v63  }
0x25: {  	_ =	swait.ge [sflag:s6], $0x4000  }
0x26: {  	[sflag:s6] =	ssyncset.done $0x0  }
0x27: {  	s10 =	simm.s32 $0x10000;
	s23 =	rddreg [dreg:$0x12];
	[sflag:s6] =	ssyncadd.s32 $0xFFFFC000  }
0x28: {  	[tilespmem:s10], [sflag:$0x1] =	stream.linear.gather [hbm4b:s23+s30], $0x800, $0x38;
	[tilespmem:$0x13300] =	vst v63  }
0x29: {  	_ =	swait.ge [sflag:s6], $0x800  }
0x2a: {  	[sflag:s6] =	ssyncset.done $0x0  }
0x2b: {  	s9 =	simm.s32 $0x0;
	[sflag:s6] =	ssyncadd.s32 $0xFFFFF800  }
.LBB2_2:
0x2c: {  	s10 =	sshll.u32 s9, $0xA;
	s11 =	simm.s32 $0x0  }
0x2d: {  	s13 =	sshll.u32 s9, $0x7;
	s12 =	sand.u32 $0x2000, s10;
	s14 =	sand.u32 $0x1C00, s11  }
0x2e: {  	s18 =	simm.s32 $0x80;
	s16 =	sand.u32 $0x70, s11;
	s14 =	sor.u32 s14, s12  }
0x2f: {  	s15 =	sand.u32 $0x3FFFFF80, s13;
	s13 =	sand.u32 $0x380, s13;
	s14 =	sor.u32 s16, s14  }
0x30: {  	s19 =	simm.s32 $0x10;
	v1 =	vld [tilespmem:s15+$0x10000];
	s16 =	sand.u32 $0x1C00, s18;
	s14 =	sor.u32 s13, s14  }
0x31: {  	s15 =	sand.u32 $0x70, s19;
	s16 =	sor.u32 s16, s12;
	v2 =	vld [tilespmem:s14+$0x0]  }
0x32: {  	s15 =	sor.u32 s15, s16  }
0x33: {  	s18 =	sor.u32 s13, s15  }
0x34: {  	v3 =	vld [tilespmem:s18+$0x0];
	_ =	sdelay $0x1  }
0x35: {  	v1 =	vshra.s32 v1, $0x4;
	v5 =	vmul.f32 $5.000000070e-02, v2;
	v6 =	vmul.f32 $1.442695020e+00, v2  }
0x36: {  	v4 =	vimm.f32 $0.0e+00;
	vm1 =	veq.s32 v1, s11  }
0x37: {  	s20 =	simm.s32 $0x100;
	v7 =	vsel vm1, v2, v4;
	v2 =	vmul.f32 $1.442695020e+00, v5;
	(erf) = vpow2.f32 v6  }
0x38: {  	s21 =	simm.s32 $0x20;
	s15 =	sand.u32 $0x1C00, s20;
	v8 =	vmul.f32 $1.442695020e+00, v3  }
0x39: {  	s22 =	sand.u32 $0x70, s21;
	s15 =	sor.u32 s15, s12;
	(erf) = vpow2.f32 v2  }
0x3a: {  	s23 =	simm.s32 $0x1;
	s11 =	sor.u32 s22, s15;
	[tilespmem:s14+$0xC000] =	vst v5;
	v5 =	vmul.f32 $5.000000070e-02, v3;
	(erf) = vpow2.f32 v8  }
0x3b: {  	s17 =	simm.s32 $0x30;
	vm1 =	veq.s32 v1, s23;
	s14 =	sor.u32 s13, s11  }
0x3c: {  	s16 =	simm.s32 $0x180;
	s15 =	simm.s32 $0x3;
	s11 =	simm.s32 $0x2;
	v3 =	vsel vm1, v3, v7;
	v2 =	vld [tilespmem:s14+$0x0];
	[tilespmem:s18+$0xC000] =	vst v5;
	v6 =	vmul.f32 $1.442695020e+00, v5;
	v5 =	vimm.f32 $0.0e+00  }
.LBB2_3:
0x3d: {  	s18 =	sand.u32 $0x1C00, s16  }
0x3e: {  	p0 =	sne.s32 s15, $0x3D;
	s19 =	smov.u32 s15;
	s15 =	sadd.s32 $0x1, s15  }
.Ltmp0:
0x3f: {  	s20 =	sand.u32 $0x70, s17;
	s18 =	sor.u32 s18, s12;
	(erf) = vpow2.f32 v6;
	(pc) =	sbr.rel @p0 .LBB2_3-.Ltmp0, $4  }
0x40: {  	vm1 =	veq.s32 v1, s11;
	s11 =	smov.u32 s19;
	s18 =	sor.u32 s20, s18;
	v6 =	vpop (erf)  }
0x41: {  	s18 =	sor.u32 s13, s18;
	v7 =	vmul.f32 $5.000000070e-02, v2;
	v8 =	vmul.f32 $1.442695020e+00, v2;
	v4 =	vadd.f32 v6, v4  }
0x42: {  	v3 =	vsel vm1, v2, v3;
	v2 =	vld [tilespmem:s18+$0x0];
	v9 =	vpop (erf)  }
0x43: {  	s16 =	sadd.s32 $0x80, s16;
	s17 =	sadd.s32 $0x10, s17;
	[tilespmem:s14+$0xC000] =	vst v7;
	v6 =	vmul.f32 $1.442695020e+00, v7;
	(erf) = vpow2.f32 v8;
	v5 =	vadd.f32 v9, v5;
	s14 =	smov.u32 s18  }
0x44: {  	_ =	sdelay $0x2  }
0x45: {  	v7 =	vmul.f32 $5.000000070e-02, v2  }
0x46: {  	s10 =	sor.u32 s10, s13  }
0x47: {  	s12 =	sor.u32 $0x1C60, s10;
	[tilespmem:s14+$0xC000] =	vst v7  }
0x48: {  	v8 =	vld.msk [tilespmem:s12+$0x0], $0xff;
	_ =	sdelay $0x3  }
0x49: {  	(erf) = vpow2.f32 v6;
	v9 =	vmul.f32 $1.442695020e+00, v2  }
0x4a: {  	v53 =	vmul.f32 $1.442695020e+00, v7;
	v54 =	vmul.f32 $5.000000070e-02, v8  }
0x4b: {  	(erf) = vpow2.f32 v9;
	v55 =	vmul.f32 $1.442695020e+00, v8  }
0x4c: {  	(erf) = vpow2.f32 v53;
	v56 =	vmul.f32 $1.442695020e+00, v54  }
0x4d: {  	(erf) = vpow2.f32 v55  }
0x4e: {  	(erf) = vpow2.f32 v56;
	_ =	sdelay $0x1  }
0x4f: {  	v57 =	vpop (erf);
	s10 =	sor.u32 $0x1C50, s10  }
0x50: {  	v58 =	vpop (erf);
	v12 =	vld [tilespmem:s10+$0x0]  }
0x51: {  	v10 =	vpop (erf)  }
0x52: {  	v11 =	vpop (erf)  }
0x53: {  	vm1 =	veq.s32 v1, s11;
	v4 =	vadd.f32 v57, v4;
	v59 =	vpop (erf)  }
0x54: {  	v2 =	vsel vm1, v2, v3;
	v5 =	vadd.f32 v58, v5;
	v13 =	vpop (erf)  }
0x55: {  	v4 =	vadd.f32 v10, v4;
	v62 =	vmul.f32 $5.000000070e-02, v12;
	v63 =	vperm.xlane v12, v0;
	v60 =	vpop (erf)  }
0x56: {  	s23 =	sshll.u32 s9, $0x4;
	s9 =	sadd.s32 $0x1, s9;
	v5 =	vadd.f32 v11, v5;
	v8 =	vperm.xlane v8, v0;
	v9 =	vperm.xlane v60, v0;
	v61 =	vpop (erf)  }
0x57: {  	p0 =	sne.s32 s9, $0x10;
	vm1 =	veq.s32 v1, $0x3E;
	v4 =	vadd.f32 v59, v4;
	v6 =	vperm.xlane v61, v0  }
.Ltmp1:
0x58: {  	[tilespmem:s10+$0xC000] =	vst v62;
	v3 =	vsel vm0, v63, v8;
	v5 =	vadd.f32 v13, v5;
	v9 =	vsel vm0, $0x0, v9;
	(pc) =	sbr.rel @p0 .LBB2_2-.Ltmp1, $4  }
0x59: {  	[tilespmem:s12+$0xC000] =	vst.msk $0xff, v54;
	v1 =	vsel vm1, v3, v2;
	v4 =	vadd.f32 v9, v4;
	v6 =	vsel vm0, $0x0, v6  }
0x5a: {  	[tilespmem:s23+$0x13000] =	vst v1;
	v5 =	vadd.f32 v6, v5  }
0x5b: {  	[tilespmem:s23+$0x13100] =	vst v4  }
0x5c: {  	[tilespmem:s23+$0x13200] =	vst v5  }
0x5d: {  	s9 =	simm.s32 $0x0;
	s10 =	rddreg [dreg:$0x3]  }
0x5e: {  	[tilespmem:s7], [sflag:$0x1] =	stream.linear.gather [hbm4b:s10+s9], $0x4000, $0x38;
	[tilespmem:$0x13300] =	vst v63  }
0x5f: {  	_ =	swait.ge [sflag:s6], $0x4000  }
0x60: {  	[sflag:s6] =	ssyncset.done $0x0  }
0x61: {  	s10 =	simm.s32 $0x0;
	[sflag:s6] =	ssyncadd.s32 $0xFFFFC000  }
.LBB2_6:
0x62: {  	s11 =	sshll.u32 s10, $0xA  }
0x63: {  	s13 =	sand.u32 $0x1C00, s9;
	s12 =	sand.u32 $0x2000, s11  }
0x64: {  	s14 =	sshll.u32 s10, $0x7;
	s15 =	sand.u32 $0x70, s9;
	s16 =	sor.u32 s13, s12  }
0x65: {  	s13 =	sand.u32 $0x380, s14;
	s15 =	sor.u32 s15, s16  }
0x66: {  	s17 =	sor.u32 s13, s15  }
0x67: {  	v3 =	vld [tilespmem:s17+$0x4000]  }
0x68: {  	s22 =	simm.s32 $0x80  }
0x69: {  	s23 =	simm.s32 $0x10;
	s15 =	sand.u32 $0x1C00, s22  }
0x6a: {  	s16 =	sand.u32 $0x70, s23;
	s15 =	sor.u32 s15, s12  }
0x6b: {  	s14 =	sand.u32 $0x3FFFFF80, s14;
	s16 =	sor.u32 s16, s15  }
0x6c: {  	v1 =	vld [tilespmem:s14+$0x10000];
	s16 =	sor.u32 s13, s16;
	[tilespmem:s17+$0x8000] =	vst v3;
	v2 =	vmul.f32 $5.000000070e-02, v3  }
0x6d: {  	v4 =	vld [tilespmem:s16+$0x4000]  }
0x6e: {  	s18 =	simm.s32 $0x100;
	v2 =	vmul.f32 $1.442695020e+00, v2  }
0x6f: {  	s19 =	simm.s32 $0x20;
	s14 =	sand.u32 $0x1C00, s18  }
0x70: {  	s14 =	sor.u32 s14, s12;
	s15 =	sand.u32 $0x70, s19;
	(erf) = vpow2.f32 v2  }
0x71: {  	s14 =	sor.u32 s15, s14  }
0x72: {  	v1 =	vshra.s32 v1, $0x4;
	s15 =	sor.u32 s13, s14;
	[tilespmem:s16+$0x8000] =	vst v4  }
0x73: {  	v5 =	vimm.f32 $-Inf;
	vm1 =	veq.s32 v1, s9;
	v6 =	vmul.f32 $5.000000070e-02, v4;
	v7 =	vld [tilespmem:s15+$0x4000]  }
0x74: {  	v8 =	vmax.f32 v5, v3;
	v9 =	vmin.f32 v5, v3;
	v2 =	vimm.f32 $0.0e+00  }
0x75: {  	s20 =	simm.s32 $0x1;
	s18 =	simm.s32 $0x180;
	v5 =	vmax.f32 v5, v9;
	v3 =	vsel vm1, v3, v2;
	v10 =	vld [tilespmem:s17+$0xC000];
	v6 =	vmul.f32 $1.442695020e+00, v6  }
0x76: {  	s21 =	simm.s32 $0x30;
	s23 =	simm.s32 $0x2;
	s22 =	sand.u32 $0x1C00, s18;
	vm1 =	veq.s32 v1, s20;
	v9 =	vmax.f32 v8, v4;
	v8 =	vmin.f32 v8, v4  }
0x77: {  	s14 =	sand.u32 $0x70, s21;
	v3 =	vsel vm1, v4, v3;
	vm1 =	veq.s32 v1, s23;
	s17 =	sor.u32 s22, s12;
	(erf) = vpow2.f32 v6  }
0x78: {  	v4 =	vmax.f32 v5, v8;
	s17 =	sor.u32 s14, s17;
	v8 =	vmul.f32 $5.000000070e-02, v7;
	v6 =	vmin.f32 v9, v7  }
0x79: {  	s18 =	simm.s32 $0x4;
	s17 =	sor.u32 s13, s17;
	[tilespmem:s15+$0x8000] =	vst v7;
	v5 =	vmax.f32 v9, v7;
	v3 =	vsel vm1, v7, v3;
	v6 =	vmax.f32 v4, v6;
	v11 =	vpop (erf)  }
0x7a: {  	s19 =	simm.s32 $0x200;
	s20 =	simm.s32 $0x40;
	s14 =	simm.s32 $0x3;
	v4 =	vld [tilespmem:s17+$0x4000];
	v9 =	vmul.f32 $1.442695020e+00, v8;
	v7 =	vadd.f32 v11, v2;
	v8 =	vmul.f32 v11, v10  }
.LBB2_7:
0x7b: {  	s21 =	sand.u32 $0x1C00, s19;
	p0 =	sne.s32 s18, $0x3D;
	s22 =	smov.u32 s18  }
0x7c: {  	v10 =	vld [tilespmem:s16+$0xC000];
	s18 =	sadd.s32 $0x1, s18;
	s16 =	smov.u32 s15;
	s15 =	smov.u32 s17  }
.Ltmp2:
0x7d: {  	s17 =	sand.u32 $0x70, s20;
	s21 =	sor.u32 s21, s12;
	(erf) = vpow2.f32 v9;
	v2 =	vadd.f32 v8, v2;
	(pc) =	sbr.rel @p0 .LBB2_7-.Ltmp2, $4  }
0x7e: {  	vm1 =	veq.s32 v1, s14;
	s14 =	smov.u32 s22;
	s17 =	sor.u32 s17, s21  }
0x7f: {  	s17 =	sor.u32 s13, s17;
	[tilespmem:s15+$0x8000] =	vst v4;
	v8 =	vmul.f32 $5.000000070e-02, v4;
	v9 =	vmin.f32 v5, v4;
	v5 =	vmax.f32 v5, v4  }
0x80: {  	v3 =	vsel vm1, v4, v3;
	v4 =	vld [tilespmem:s17+$0x4000];
	v6 =	vmax.f32 v6, v9;
	v11 =	vpop (erf)  }
0x81: {  	s19 =	sadd.s32 $0x80, s19;
	s20 =	sadd.s32 $0x10, s20;
	v9 =	vmul.f32 $1.442695020e+00, v8;
	v7 =	vadd.f32 v11, v7;
	v8 =	vmul.f32 v11, v10  }
0x82: {  	_ =	sdelay $0x1  }
0x83: {  	s11 =	sor.u32 s11, s13  }
0x84: {  	v10 =	vld [tilespmem:s16+$0xC000];
	s12 =	sor.u32 $0x1C50, s11;
	[tilespmem:s17+$0x8000] =	vst v4  }
0x85: {  	s11 =	sor.u32 $0x1C60, s11;
	v11 =	vld [tilespmem:s12+$0x4000]  }
0x86: {  	v12 =	vld.msk [tilespmem:s11+$0x4000], $0xff;
	_ =	sdelay $0x4  }
0x87: {  	v14 =	vperm.xlane v11, v0;
	v15 =	vperm.xlane v12, v0;
	_ =	sdelay $0x1  }
0x88: {  	v13 =	vmul.f32 $5.000000070e-02, v4;
	v47 =	vsel vm0, v14, v15  }
0x89: {  	(erf) = vpow2.f32 v9;
	v14 =	vsel vm0, $0xF149F2CA, v47  }
0x8a: {  	v46 =	vmul.f32 $1.442695020e+00, v13;
	v48 =	vmul.f32 $5.000000070e-02, v14;
	_ =	sdelay $0x1  }
0x8b: {  	(erf) = vpow2.f32 v46;
	v9 =	vmul.f32 $1.442695020e+00, v48  }
0x8c: {  	v16 =	vld [tilespmem:s17+$0xC000]  }
0x8d: {  	v49 =	vld [tilespmem:s15+$0xC000];
	[tilespmem:s12+$0x8000] =	vst v11;
	(erf) = vpow2.f32 v9  }
0x8e: {  	[tilespmem:s11+$0x8000] =	vst.msk $0xff, v12;
	v53 =	vld.msk [tilespmem:s11+$0xC000], $0xff  }
0x8f: {  	v51 =	vld [tilespmem:s12+$0xC000]  }
0x90: {  	vm1 =	veq.s32 v1, s14;
	v2 =	vadd.f32 v8, v2;
	v50 =	vpop (erf)  }
0x91: {  	v58 =	vmin.f32 v5, v4;
	v59 =	vmax.f32 v5, v4;
	v52 =	vmul.f32 v50, v10  }
0x92: {  	v3 =	vsel vm1, v4, v3;
	vm1 =	veq.s32 v1, $0x3E;
	v7 =	vadd.f32 v50, v7;
	v54 =	vpop (erf)  }
0x93: {  	v6 =	vmax.f32 v6, v58;
	v2 =	vadd.f32 v52, v2;
	v55 =	vmul.f32 v54, v49  }
0x94: {  	v7 =	vadd.f32 v54, v7;
	v10 =	vperm.xlane v53, v0;
	v56 =	vpop (erf);
	v11 =	vperm.xlane v51, v0  }
0x95: {  	s23 =	sshll.u32 s10, $0x4;
	s10 =	sadd.s32 $0x1, s10;
	v1 =	vsel vm1, v47, v3;
	v2 =	vadd.f32 v55, v2;
	v57 =	vmul.f32 v56, v16  }
0x96: {  	p0 =	sne.s32 s10, $0x10;
	v62 =	vmax.f32 v59, v14;
	v7 =	vadd.f32 v56, v7;
	v60 =	vsel vm0, v11, v10;
	v61 =	vpop (erf)  }
.Ltmp3:
0x97: {  	v5 =	vmin.f32 v59, v14;
	[tilespmem:s23+$0x12800] =	vst v1;
	v2 =	vadd.f32 v57, v2;
	v8 =	vmul.f32 v60, v61;
	(pc) =	sbr.rel @p0 .LBB2_6-.Ltmp3, $4  }
0x98: {  	v5 =	vmax.f32 v6, v5;
	[tilespmem:s23+$0x10800] =	vst v62;
	v63 =	vadd.f32 v61, v7  }
0x99: {  	[tilespmem:s23+$0x11000] =	vst v5;
	v2 =	vadd.f32 v8, v2  }
0x9a: {  	[tilespmem:s23+$0x11800] =	vst v63  }
0x9b: {  	[tilespmem:s23+$0x12000] =	vst v2  }
0x9c: {  	s9 =	simm.s32 $0x0;
	s10 =	rddreg [dreg:$0x4]  }
0x9d: {  	[tilespmem:s7], [sflag:$0x1] =	stream.linear.gather [hbm4b:s10+s9], $0x4000, $0x38;
	[tilespmem:$0x13300] =	vst v63  }
0x9e: {  	_ =	swait.ge [sflag:s6], $0x4000  }
0x9f: {  	[sflag:s6] =	ssyncset.done $0x0  }
0xa0: {  	s10 =	simm.s32 $0x0;
	[sflag:s6] =	ssyncadd.s32 $0xFFFFC000  }
.LBB2_10:
0xa1: {  	s14 =	sshll.u32 s10, $0xA  }
0xa2: {  	s11 =	sand.u32 $0x1C00, s9;
	s16 =	sand.u32 $0x2000, s14  }
0xa3: {  	s12 =	sshll.u32 s10, $0x7;
	s13 =	sand.u32 $0x70, s9;
	s11 =	sor.u32 s11, s16  }
0xa4: {  	s15 =	sand.u32 $0x380, s12;
	s11 =	sor.u32 s13, s11  }
0xa5: {  	s20 =	sor.u32 s15, s11  }
0xa6: {  	v2 =	vld [tilespmem:s20+$0x4000]  }
0xa7: {  	v1 =	vld [tilespmem:s20+$0x8000]  }
0xa8: {  	s18 =	simm.s32 $0x80  }
0xa9: {  	s19 =	simm.s32 $0x10;
	s11 =	sand.u32 $0x1C00, s18  }
0xaa: {  	s21 =	sand.u32 $0x70, s19;
	s11 =	sor.u32 s11, s16  }
0xab: {  	s12 =	sand.u32 $0x3FFFFF80, s12;
	s11 =	sor.u32 s21, s11;
	v4 =	vmul.f32 $5.000000070e-02, v2  }
0xac: {  	v3 =	vld [tilespmem:s12+$0x10000];
	s17 =	sor.u32 s15, s11;
	v1 =	vadd.f32 v1, v2  }
0xad: {  	v7 =	vld [tilespmem:s17+$0x4000];
	v4 =	vmul.f32 $1.442695020e+00, v4  }
0xae: {  	[tilespmem:s20+$0x8000] =	vst v1  }
0xaf: {  	v6 =	vimm.f32 $-Inf;
	v5 =	vld [tilespmem:s17+$0x8000];
	(erf) = vpow2.f32 v4  }
0xb0: {  	v9 =	vmin.f32 v6, v2  }
0xb1: {  	s18 =	simm.s32 $0x100;
	v8 =	vmax.f32 v6, v2;
	v9 =	vmax.f32 v6, v9;
	v1 =	vshra.s32 v3, $0x4  }
0xb2: {  	s22 =	simm.s32 $0x1;
	s19 =	simm.s32 $0x20;
	s23 =	sand.u32 $0x1C00, s18;
	v3 =	vimm.f32 $0.0e+00;
	vm1 =	veq.s32 v1, s9;
	v11 =	vmul.f32 $5.000000070e-02, v7  }
0xb3: {  	s21 =	sand.u32 $0x70, s19;
	s12 =	sor.u32 s23, s16;
	v6 =	vld [tilespmem:s20+$0xC000];
	v12 =	vmin.f32 v8, v7;
	v2 =	vsel vm1, v2, v3;
	vm1 =	veq.s32 v1, s22  }
0xb4: {  	s13 =	simm.s32 $0x2;
	s11 =	simm.s32 $0x3;
	s21 =	sor.u32 s21, s12;
	v4 =	vmax.f32 v8, v7;
	v8 =	vld [tilespmem:s17+$0xC000];
	v2 =	vsel vm1, v7, v2;
	v10 =	vadd.f32 v5, v7  }
0xb5: {  	s12 =	simm.s32 $0x4;
	s21 =	sor.u32 s15, s21;
	s20 =	simm.s32 $0x5;
	v5 =	vmax.f32 v9, v12;
	v9 =	vmul.f32 $1.442695020e+00, v11;
	v7 =	vimm.f32 $0.0e+00  }
.LBB2_11:
0xb6: {  	p0 =	sne.s32 s20, $0x3D;
	v11 =	vld [tilespmem:s21+$0x4000];
	[tilespmem:s17+$0x8000] =	vst v10;
	s17 =	smov.u32 s21  }
0xb7: {  	v10 =	vld [tilespmem:s17+$0x8000];
	(erf) = vpow2.f32 v9  }
0xb8: {  	v12 =	vld [tilespmem:s17+$0xC000];
	v9 =	vpop (erf)  }
.Ltmp4:
0xb9: {  	s18 =	sadd.s32 $0x80, s18;
	v3 =	vadd.f32 v9, v3;
	v9 =	vmul.f32 v6, v9;
	v6 =	vmov v8;
	(pc) =	sbr.rel @p0 .LBB2_11-.Ltmp4, $4  }
0xba: {  	vm1 =	veq.s32 v1, s13;
	s19 =	sadd.s32 $0x10, s19;
	s13 =	smov.u32 s11;
	s21 =	sand.u32 $0x1C00, s18  }
0xbb: {  	s11 =	smov.u32 s12;
	s22 =	sand.u32 $0x70, s19;
	s21 =	sor.u32 s21, s16;
	v14 =	vmul.f32 $5.000000070e-02, v11;
	v13 =	vmin.f32 v4, v11;
	v4 =	vmax.f32 v4, v11  }
0xbc: {  	s12 =	smov.u32 s20;
	s21 =	sor.u32 s22, s21;
	v7 =	vadd.f32 v9, v7;
	v10 =	vadd.f32 v10, v11;
	v5 =	vmax.f32 v5, v13  }
0xbd: {  	s20 =	sadd.s32 $0x1, s20;
	s21 =	sor.u32 s15, s21;
	v2 =	vsel vm1, v11, v2;
	v9 =	vmul.f32 $1.442695020e+00, v14;
	v8 =	vmov v12  }
0xbe: {  	v11 =	vld [tilespmem:s21+$0x4000];
	[tilespmem:s17+$0x8000] =	vst v10  }
0xbf: {  	v10 =	vld [tilespmem:s21+$0x8000];
	_ =	sdelay $0x1  }
0xc0: {  	s23 =	sadd.s32 $0x80, s18  }
0xc1: {  	s19 =	sadd.s32 $0x10, s19;
	s18 =	sand.u32 $0x1C00, s23  }
0xc2: {  	s20 =	sand.u32 $0x70, s19;
	s18 =	sor.u32 s18, s16  }
0xc3: {  	s18 =	sor.u32 s20, s18;
	v10 =	vadd.f32 v10, v11  }
0xc4: {  	s18 =	sor.u32 s15, s18  }
0xc5: {  	v13 =	vld [tilespmem:s18+$0x4000];
	[tilespmem:s21+$0x8000] =	vst v10  }
0xc6: {  	v10 =	vld [tilespmem:s18+$0x8000];
	_ =	sdelay $0x1  }
0xc7: {  	s17 =	sadd.s32 $0x80, s23  }
0xc8: {  	s19 =	sadd.s32 $0x10, s19;
	s17 =	sand.u32 $0x1C00, s17  }
0xc9: {  	s19 =	sand.u32 $0x70, s19;
	s22 =	sor.u32 s17, s16  }
0xca: {  	s16 =	sor.u32 s19, s22;
	v10 =	vadd.f32 v10, v13  }
0xcb: {  	v12 =	vld [tilespmem:s21+$0xC000];
	s16 =	sor.u32 s15, s16  }
0xcc: {  	v14 =	vld [tilespmem:s16+$0x4000];
	[tilespmem:s18+$0x8000] =	vst v10  }
0xcd: {  	v10 =	vld [tilespmem:s16+$0x8000];
	_ =	sdelay $0x4  }
0xce: {  	v10 =	vadd.f32 v10, v14  }
0xcf: {  	s14 =	sor.u32 s14, s15  }
0xd0: {  	s15 =	sor.u32 $0x1C60, s14;
	v15 =	vld [tilespmem:s18+$0xC000];
	[tilespmem:s16+$0x8000] =	vst v10  }
0xd1: {  	s14 =	sor.u32 $0x1C50, s14;
	v10 =	vld.msk [tilespmem:s15+$0x4000], $0xff  }
0xd2: {  	v17 =	vld [tilespmem:s14+$0x4000]  }
0xd3: {  	v18 =	vld.msk [tilespmem:s15+$0x8000], $0xff  }
0xd4: {  	v16 =	vmul.f32 $5.000000070e-02, v11;
	_ =	sdelay $0x1  }
0xd5: {  	(erf) = vpow2.f32 v9;
	v16 =	vmul.f32 $1.442695020e+00, v16;
	v19 =	vld [tilespmem:s14+$0x8000]  }
0xd6: {  	v37 =	vmul.f32 $5.000000070e-02, v13;
	v38 =	vmul.f32 $5.000000070e-02, v14  }
0xd7: {  	v17 =	vperm.xlane v17, v0;
	v18 =	vadd.f32 v18, v10;
	v10 =	vperm.xlane v10, v0  }
0xd8: {  	(erf) = vpow2.f32 v16  }
0xd9: {  	v9 =	vmul.f32 $1.442695020e+00, v37;
	v39 =	vmul.f32 $1.442695020e+00, v38;
	v10 =	vsel vm0, v17, v10  }
0xda: {  	v40 =	vperm.xlane v19, v0;
	v41 =	vperm.xlane v18, v0;
	v42 =	vsel vm0, $0xF149F2CA, v10  }
0xdb: {  	vm1 =	veq.s32 v1, s13;
	v45 =	vpop (erf);
	(erf) = vpow2.f32 v9;
	v44 =	vmul.f32 $5.000000070e-02, v42  }
0xdc: {  	v6 =	vmul.f32 v6, v45;
	(erf) = vpow2.f32 v39;
	v43 =	vsel vm0, v40, v41  }
0xdd: {  	v3 =	vadd.f32 v45, v3;
	v9 =	vperm.xlane v43, v0;
	v16 =	vmul.f32 $1.442695020e+00, v44  }
0xde: {  	v6 =	vadd.f32 v6, v7;
	v50 =	vmin.f32 v4, v11;
	v54 =	vmax.f32 v4, v11  }
0xdf: {  	v2 =	vsel vm1, v11, v2;
	vm1 =	veq.s32 v1, s11;
	v47 =	vpop (erf);
	v46 =	vld [tilespmem:s16+$0xC000];
	[tilespmem:s14+$0x8000] =	vst v9;
	(erf) = vpow2.f32 v16  }
0xe0: {  	v5 =	vmax.f32 v5, v50;
	v55 =	vmin.f32 v54, v13;
	v48 =	vmul.f32 v8, v47;
	[tilespmem:s15+$0x8000] =	vst.msk $0xff, v9;
	v52 =	vld.msk [tilespmem:s15+$0xC000], $0xff  }
0xe1: {  	v4 =	vmax.f32 v54, v13;
	v2 =	vsel vm1, v13, v2;
	v3 =	vadd.f32 v47, v3;
	v9 =	vld [tilespmem:s14+$0xC000]  }
0xe2: {  	vm1 =	veq.s32 v1, s12;
	v5 =	vmax.f32 v5, v55;
	v6 =	vadd.f32 v48, v6;
	v49 =	vpop (erf)  }
0xe3: {  	v59 =	vmin.f32 v4, v14;
	v51 =	vmul.f32 v12, v49;
	v3 =	vadd.f32 v49, v3  }
0xe4: {  	v4 =	vmax.f32 v4, v14;
	v2 =	vsel vm1, v14, v2;
	vm1 =	veq.s32 v1, $0x3E;
	v53 =	vpop (erf)  }
0xe5: {  	v6 =	vadd.f32 v51, v6;
	v56 =	vmul.f32 v15, v53;
	v3 =	vadd.f32 v53, v3  }
0xe6: {  	v5 =	vmax.f32 v5, v59;
	v57 =	vpop (erf);
	v12 =	vperm.xlane v52, v0;
	v9 =	vperm.xlane v9, v0  }
0xe7: {  	s23 =	sshll.u32 s10, $0x4;
	s10 =	sadd.s32 $0x1, s10;
	v6 =	vadd.f32 v56, v6;
	v58 =	vmul.f32 v46, v57;
	v3 =	vadd.f32 v57, v3  }
0xe8: {  	p0 =	sne.s32 s10, $0x10;
	v62 =	vmax.f32 v4, v42;
	v4 =	vmin.f32 v4, v42;
	v60 =	vsel vm0, v9, v12;
	v61 =	vpop (erf)  }
.Ltmp5:
0xe9: {  	v6 =	vadd.f32 v58, v6;
	v4 =	vmax.f32 v5, v4;
	[tilespmem:s23+$0x10900] =	vst v62;
	v7 =	vmul.f32 v60, v61;
	(pc) =	sbr.rel @p0 .LBB2_10-.Ltmp5, $4  }
0xea: {  	v1 =	vsel vm1, v10, v2;
	[tilespmem:s23+$0x11100] =	vst v4;
	v3 =	vadd.f32 v61, v3  }
0xeb: {  	[tilespmem:s23+$0x12900] =	vst v1;
	v63 =	vadd.f32 v7, v6  }
0xec: {  	[tilespmem:s23+$0x11900] =	vst v3  }
0xed: {  	[tilespmem:s23+$0x12100] =	vst v63  }
0xee: {  	s9 =	simm.s32 $0x0;
	s10 =	rddreg [dreg:$0x5]  }
0xef: {  	[tilespmem:s7], [sflag:$0x1] =	stream.linear.gather [hbm4b:s10+s9], $0x4000, $0x38;
	[tilespmem:$0x13300] =	vst v63  }
0xf0: {  	_ =	swait.ge [sflag:s6], $0x4000  }
0xf1: {  	[sflag:s6] =	ssyncset.done $0x0  }
0xf2: {  	s10 =	simm.s32 $0x0;
	[sflag:s6] =	ssyncadd.s32 $0xFFFFC000  }
.LBB2_14:
0xf3: {  	s14 =	sshll.u32 s10, $0xA  }
0xf4: {  	s11 =	sand.u32 $0x1C00, s9;
	s16 =	sand.u32 $0x2000, s14  }
0xf5: {  	s12 =	sshll.u32 s10, $0x7;
	s13 =	sand.u32 $0x70, s9;
	s11 =	sor.u32 s11, s16  }
0xf6: {  	s15 =	sand.u32 $0x380, s12;
	s11 =	sor.u32 s13, s11  }
0xf7: {  	s20 =	sor.u32 s15, s11  }
0xf8: {  	v2 =	vld [tilespmem:s20+$0x4000]  }
0xf9: {  	v1 =	vld [tilespmem:s20+$0x8000]  }
0xfa: {  	s18 =	simm.s32 $0x80  }
0xfb: {  	s19 =	simm.s32 $0x10;
	s11 =	sand.u32 $0x1C00, s18  }
0xfc: {  	s21 =	sand.u32 $0x70, s19;
	s11 =	sor.u32 s11, s16  }
0xfd: {  	s12 =	sand.u32 $0x3FFFFF80, s12;
	s11 =	sor.u32 s21, s11;
	v4 =	vmul.f32 $5.000000070e-02, v2  }
0xfe: {  	v3 =	vld [tilespmem:s12+$0x10000];
	s17 =	sor.u32 s15, s11;
	v1 =	vadd.f32 v1, v2  }
0xff: {  	v7 =	vld [tilespmem:s17+$0x4000];
	v4 =	vmul.f32 $1.442695020e+00, v4  }
0x100: {  	[tilespmem:s20+$0x8000] =	vst v1  }
0x101: {  	v6 =	vimm.f32 $-Inf;
	v5 =	vld [tilespmem:s17+$0x8000];
	(erf) = vpow2.f32 v4  }
0x102: {  	v9 =	vmin.f32 v6, v2  }
0x103: {  	s18 =	simm.s32 $0x100;
	v8 =	vmax.f32 v6, v2;
	v9 =	vmax.f32 v6, v9;
	v1 =	vshra.s32 v3, $0x4  }
0x104: {  	s22 =	simm.s32 $0x1;
	s19 =	simm.s32 $0x20;
	s23 =	sand.u32 $0x1C00, s18;
	v3 =	vimm.f32 $0.0e+00;
	vm1 =	veq.s32 v1, s9;
	v11 =	vmul.f32 $5.000000070e-02, v7  }
0x105: {  	s21 =	sand.u32 $0x70, s19;
	s12 =	sor.u32 s23, s16;
	v6 =	vld [tilespmem:s20+$0xC000];
	v12 =	vmin.f32 v8, v7;
	v2 =	vsel vm1, v2, v3;
	vm1 =	veq.s32 v1, s22  }
0x106: {  	s13 =	simm.s32 $0x2;
	s11 =	simm.s32 $0x3;
	s21 =	sor.u32 s21, s12;
	v4 =	vmax.f32 v8, v7;
	v8 =	vld [tilespmem:s17+$0xC000];
	v2 =	vsel vm1, v7, v2;
	v10 =	vadd.f32 v5, v7  }
0x107: {  	s12 =	simm.s32 $0x4;
	s21 =	sor.u32 s15, s21;
	s20 =	simm.s32 $0x5;
	v5 =	vmax.f32 v9, v12;
	v9 =	vmul.f32 $1.442695020e+00, v11;
	v7 =	vimm.f32 $0.0e+00  }
.LBB2_15:
0x108: {  	p0 =	sne.s32 s20, $0x3D;
	v11 =	vld [tilespmem:s21+$0x4000];
	[tilespmem:s17+$0x8000] =	vst v10;
	s17 =	smov.u32 s21  }
0x109: {  	v10 =	vld [tilespmem:s17+$0x8000];
	(erf) = vpow2.f32 v9  }
0x10a: {  	v12 =	vld [tilespmem:s17+$0xC000];
	v9 =	vpop (erf)  }
.Ltmp6:
0x10b: {  	s18 =	sadd.s32 $0x80, s18;
	v3 =	vadd.f32 v9, v3;
	v9 =	vmul.f32 v6, v9;
	v6 =	vmov v8;
	(pc) =	sbr.rel @p0 .LBB2_15-.Ltmp6, $4  }
0x10c: {  	vm1 =	veq.s32 v1, s13;
	s19 =	sadd.s32 $0x10, s19;
	s13 =	smov.u32 s11;
	s21 =	sand.u32 $0x1C00, s18  }
0x10d: {  	s11 =	smov.u32 s12;
	s22 =	sand.u32 $0x70, s19;
	s21 =	sor.u32 s21, s16;
	v14 =	vmul.f32 $5.000000070e-02, v11;
	v13 =	vmin.f32 v4, v11;
	v4 =	vmax.f32 v4, v11  }
0x10e: {  	s12 =	smov.u32 s20;
	s21 =	sor.u32 s22, s21;
	v7 =	vadd.f32 v9, v7;
	v10 =	vadd.f32 v10, v11;
	v5 =	vmax.f32 v5, v13  }
0x10f: {  	s20 =	sadd.s32 $0x1, s20;
	s21 =	sor.u32 s15, s21;
	v2 =	vsel vm1, v11, v2;
	v9 =	vmul.f32 $1.442695020e+00, v14;
	v8 =	vmov v12  }
0x110: {  	v11 =	vld [tilespmem:s21+$0x4000];
	[tilespmem:s17+$0x8000] =	vst v10  }
0x111: {  	v10 =	vld [tilespmem:s21+$0x8000];
	_ =	sdelay $0x1  }
0x112: {  	s23 =	sadd.s32 $0x80, s18  }
0x113: {  	s19 =	sadd.s32 $0x10, s19;
	s18 =	sand.u32 $0x1C00, s23  }
0x114: {  	s20 =	sand.u32 $0x70, s19;
	s18 =	sor.u32 s18, s16  }
0x115: {  	s18 =	sor.u32 s20, s18;
	v10 =	vadd.f32 v10, v11  }
0x116: {  	s18 =	sor.u32 s15, s18  }
0x117: {  	v13 =	vld [tilespmem:s18+$0x4000];
	[tilespmem:s21+$0x8000] =	vst v10  }
0x118: {  	v10 =	vld [tilespmem:s18+$0x8000];
	_ =	sdelay $0x1  }
0x119: {  	s17 =	sadd.s32 $0x80, s23  }
0x11a: {  	s19 =	sadd.s32 $0x10, s19;
	s17 =	sand.u32 $0x1C00, s17  }
0x11b: {  	s19 =	sand.u32 $0x70, s19;
	s22 =	sor.u32 s17, s16  }
0x11c: {  	s16 =	sor.u32 s19, s22;
	v10 =	vadd.f32 v10, v13  }
0x11d: {  	v12 =	vld [tilespmem:s21+$0xC000];
	s16 =	sor.u32 s15, s16  }
0x11e: {  	v14 =	vld [tilespmem:s16+$0x4000];
	[tilespmem:s18+$0x8000] =	vst v10  }
0x11f: {  	v10 =	vld [tilespmem:s16+$0x8000];
	_ =	sdelay $0x4  }
0x120: {  	v10 =	vadd.f32 v10, v14  }
0x121: {  	s14 =	sor.u32 s14, s15  }
0x122: {  	s15 =	sor.u32 $0x1C60, s14;
	v15 =	vld [tilespmem:s18+$0xC000];
	[tilespmem:s16+$0x8000] =	vst v10  }
0x123: {  	s14 =	sor.u32 $0x1C50, s14;
	v10 =	vld.msk [tilespmem:s15+$0x4000], $0xff  }
0x124: {  	v17 =	vld [tilespmem:s14+$0x4000]  }
0x125: {  	v18 =	vld.msk [tilespmem:s15+$0x8000], $0xff  }
0x126: {  	v16 =	vmul.f32 $5.000000070e-02, v11;
	_ =	sdelay $0x1  }
0x127: {  	(erf) = vpow2.f32 v9;
	v16 =	vmul.f32 $1.442695020e+00, v16;
	v19 =	vld [tilespmem:s14+$0x8000]  }
0x128: {  	v37 =	vmul.f32 $5.000000070e-02, v13;
	v38 =	vmul.f32 $5.000000070e-02, v14  }
0x129: {  	v17 =	vperm.xlane v17, v0;
	v18 =	vadd.f32 v18, v10;
	v10 =	vperm.xlane v10, v0  }
0x12a: {  	(erf) = vpow2.f32 v16  }
0x12b: {  	v9 =	vmul.f32 $1.442695020e+00, v37;
	v39 =	vmul.f32 $1.442695020e+00, v38;
	v10 =	vsel vm0, v17, v10  }
0x12c: {  	v40 =	vperm.xlane v19, v0;
	v41 =	vperm.xlane v18, v0;
	v42 =	vsel vm0, $0xF149F2CA, v10  }
0x12d: {  	vm1 =	veq.s32 v1, s13;
	v45 =	vpop (erf);
	(erf) = vpow2.f32 v9;
	v44 =	vmul.f32 $5.000000070e-02, v42  }
0x12e: {  	v6 =	vmul.f32 v6, v45;
	(erf) = vpow2.f32 v39;
	v43 =	vsel vm0, v40, v41  }
0x12f: {  	v3 =	vadd.f32 v45, v3;
	v9 =	vperm.xlane v43, v0;
	v16 =	vmul.f32 $1.442695020e+00, v44  }
0x130: {  	v6 =	vadd.f32 v6, v7;
	v50 =	vmin.f32 v4, v11;
	v54 =	vmax.f32 v4, v11  }
0x131: {  	v2 =	vsel vm1, v11, v2;
	vm1 =	veq.s32 v1, s11;
	v47 =	vpop (erf);
	v46 =	vld [tilespmem:s16+$0xC000];
	[tilespmem:s14+$0x8000] =	vst v9;
	(erf) = vpow2.f32 v16  }
0x132: {  	v5 =	vmax.f32 v5, v50;
	v55 =	vmin.f32 v54, v13;
	v48 =	vmul.f32 v8, v47;
	[tilespmem:s15+$0x8000] =	vst.msk $0xff, v9;
	v52 =	vld.msk [tilespmem:s15+$0xC000], $0xff  }
0x133: {  	v4 =	vmax.f32 v54, v13;
	v2 =	vsel vm1, v13, v2;
	v3 =	vadd.f32 v47, v3;
	v9 =	vld [tilespmem:s14+$0xC000]  }
0x134: {  	vm1 =	veq.s32 v1, s12;
	v5 =	vmax.f32 v5, v55;
	v6 =	vadd.f32 v48, v6;
	v49 =	vpop (erf)  }
0x135: {  	v59 =	vmin.f32 v4, v14;
	v51 =	vmul.f32 v12, v49;
	v3 =	vadd.f32 v49, v3  }
0x136: {  	v4 =	vmax.f32 v4, v14;
	v2 =	vsel vm1, v14, v2;
	vm1 =	veq.s32 v1, $0x3E;
	v53 =	vpop (erf)  }
0x137: {  	v6 =	vadd.f32 v51, v6;
	v56 =	vmul.f32 v15, v53;
	v3 =	vadd.f32 v53, v3  }
0x138: {  	v5 =	vmax.f32 v5, v59;
	v57 =	vpop (erf);
	v12 =	vperm.xlane v52, v0;
	v9 =	vperm.xlane v9, v0  }
0x139: {  	s23 =	sshll.u32 s10, $0x4;
	s10 =	sadd.s32 $0x1, s10;
	v6 =	vadd.f32 v56, v6;
	v58 =	vmul.f32 v46, v57;
	v3 =	vadd.f32 v57, v3  }
0x13a: {  	p0 =	sne.s32 s10, $0x10;
	v62 =	vmax.f32 v4, v42;
	v4 =	vmin.f32 v4, v42;
	v60 =	vsel vm0, v9, v12;
	v61 =	vpop (erf)  }
.Ltmp7:
0x13b: {  	v6 =	vadd.f32 v58, v6;
	v4 =	vmax.f32 v5, v4;
	[tilespmem:s23+$0x10A00] =	vst v62;
	v7 =	vmul.f32 v60, v61;
	(pc) =	sbr.rel @p0 .LBB2_14-.Ltmp7, $4  }
0x13c: {  	v1 =	vsel vm1, v10, v2;
	[tilespmem:s23+$0x11200] =	vst v4;
	v3 =	vadd.f32 v61, v3  }
0x13d: {  	[tilespmem:s23+$0x12A00] =	vst v1;
	v63 =	vadd.f32 v7, v6  }
0x13e: {  	[tilespmem:s23+$0x11A00] =	vst v3  }
0x13f: {  	[tilespmem:s23+$0x12200] =	vst v63  }
0x140: {  	s9 =	simm.s32 $0x0;
	s10 =	rddreg [dreg:$0x6]  }
0x141: {  	[tilespmem:s7], [sflag:$0x1] =	stream.linear.gather [hbm4b:s10+s9], $0x4000, $0x38;
	[tilespmem:$0x13300] =	vst v63  }
0x142: {  	_ =	swait.ge [sflag:s6], $0x4000  }
0x143: {  	[sflag:s6] =	ssyncset.done $0x0  }
0x144: {  	s10 =	simm.s32 $0x0;
	[sflag:s6] =	ssyncadd.s32 $0xFFFFC000  }
.LBB2_18:
0x145: {  	s14 =	sshll.u32 s10, $0xA  }
0x146: {  	s11 =	sand.u32 $0x1C00, s9;
	s16 =	sand.u32 $0x2000, s14  }
0x147: {  	s12 =	sshll.u32 s10, $0x7;
	s13 =	sand.u32 $0x70, s9;
	s11 =	sor.u32 s11, s16  }
0x148: {  	s15 =	sand.u32 $0x380, s12;
	s11 =	sor.u32 s13, s11  }
0x149: {  	s20 =	sor.u32 s15, s11  }
0x14a: {  	v2 =	vld [tilespmem:s20+$0x4000]  }
0x14b: {  	v1 =	vld [tilespmem:s20+$0x8000]  }
0x14c: {  	s18 =	simm.s32 $0x80  }
0x14d: {  	s19 =	simm.s32 $0x10;
	s11 =	sand.u32 $0x1C00, s18  }
0x14e: {  	s21 =	sand.u32 $0x70, s19;
	s11 =	sor.u32 s11, s16  }
0x14f: {  	s12 =	sand.u32 $0x3FFFFF80, s12;
	s11 =	sor.u32 s21, s11;
	v4 =	vmul.f32 $5.000000070e-02, v2  }
0x150: {  	v3 =	vld [tilespmem:s12+$0x10000];
	s17 =	sor.u32 s15, s11;
	v1 =	vadd.f32 v1, v2  }
0x151: {  	v7 =	vld [tilespmem:s17+$0x4000];
	v4 =	vmul.f32 $1.442695020e+00, v4  }
0x152: {  	[tilespmem:s20+$0x8000] =	vst v1  }
0x153: {  	v6 =	vimm.f32 $-Inf;
	v5 =	vld [tilespmem:s17+$0x8000];
	(erf) = vpow2.f32 v4  }
0x154: {  	v9 =	vmin.f32 v6, v2  }
0x155: {  	s18 =	simm.s32 $0x100;
	v8 =	vmax.f32 v6, v2;
	v9 =	vmax.f32 v6, v9;
	v1 =	vshra.s32 v3, $0x4  }
0x156: {  	s22 =	simm.s32 $0x1;
	s19 =	simm.s32 $0x20;
	s23 =	sand.u32 $0x1C00, s18;
	v3 =	vimm.f32 $0.0e+00;
	vm1 =	veq.s32 v1, s9;
	v11 =	vmul.f32 $5.000000070e-02, v7  }
0x157: {  	s21 =	sand.u32 $0x70, s19;
	s12 =	sor.u32 s23, s16;
	v6 =	vld [tilespmem:s20+$0xC000];
	v12 =	vmin.f32 v8, v7;
	v2 =	vsel vm1, v2, v3;
	vm1 =	veq.s32 v1, s22  }
0x158: {  	s13 =	simm.s32 $0x2;
	s11 =	simm.s32 $0x3;
	s21 =	sor.u32 s21, s12;
	v4 =	vmax.f32 v8, v7;
	v8 =	vld [tilespmem:s17+$0xC000];
	v2 =	vsel vm1, v7, v2;
	v10 =	vadd.f32 v5, v7  }
0x159: {  	s12 =	simm.s32 $0x4;
	s21 =	sor.u32 s15, s21;
	s20 =	simm.s32 $0x5;
	v5 =	vmax.f32 v9, v12;
	v9 =	vmul.f32 $1.442695020e+00, v11;
	v7 =	vimm.f32 $0.0e+00  }
.LBB2_19:
0x15a: {  	p0 =	sne.s32 s20, $0x3D;
	v11 =	vld [tilespmem:s21+$0x4000];
	[tilespmem:s17+$0x8000] =	vst v10;
	s17 =	smov.u32 s21  }
0x15b: {  	v10 =	vld [tilespmem:s17+$0x8000];
	(erf) = vpow2.f32 v9  }
0x15c: {  	v12 =	vld [tilespmem:s17+$0xC000];
	v9 =	vpop (erf)  }
.Ltmp8:
0x15d: {  	s18 =	sadd.s32 $0x80, s18;
	v3 =	vadd.f32 v9, v3;
	v9 =	vmul.f32 v6, v9;
	v6 =	vmov v8;
	(pc) =	sbr.rel @p0 .LBB2_19-.Ltmp8, $4  }
0x15e: {  	vm1 =	veq.s32 v1, s13;
	s19 =	sadd.s32 $0x10, s19;
	s13 =	smov.u32 s11;
	s21 =	sand.u32 $0x1C00, s18  }
0x15f: {  	s11 =	smov.u32 s12;
	s22 =	sand.u32 $0x70, s19;
	s21 =	sor.u32 s21, s16;
	v14 =	vmul.f32 $5.000000070e-02, v11;
	v13 =	vmin.f32 v4, v11;
	v4 =	vmax.f32 v4, v11  }
0x160: {  	s12 =	smov.u32 s20;
	s21 =	sor.u32 s22, s21;
	v7 =	vadd.f32 v9, v7;
	v10 =	vadd.f32 v10, v11;
	v5 =	vmax.f32 v5, v13  }
0x161: {  	s20 =	sadd.s32 $0x1, s20;
	s21 =	sor.u32 s15, s21;
	v2 =	vsel vm1, v11, v2;
	v9 =	vmul.f32 $1.442695020e+00, v14;
	v8 =	vmov v12  }
0x162: {  	v11 =	vld [tilespmem:s21+$0x4000];
	[tilespmem:s17+$0x8000] =	vst v10  }
0x163: {  	v10 =	vld [tilespmem:s21+$0x8000];
	_ =	sdelay $0x1  }
0x164: {  	s23 =	sadd.s32 $0x80, s18  }
0x165: {  	s19 =	sadd.s32 $0x10, s19;
	s18 =	sand.u32 $0x1C00, s23  }
0x166: {  	s20 =	sand.u32 $0x70, s19;
	s18 =	sor.u32 s18, s16  }
0x167: {  	s18 =	sor.u32 s20, s18;
	v10 =	vadd.f32 v10, v11  }
0x168: {  	s18 =	sor.u32 s15, s18  }
0x169: {  	v13 =	vld [tilespmem:s18+$0x4000];
	[tilespmem:s21+$0x8000] =	vst v10  }
0x16a: {  	v10 =	vld [tilespmem:s18+$0x8000];
	_ =	sdelay $0x1  }
0x16b: {  	s17 =	sadd.s32 $0x80, s23  }
0x16c: {  	s19 =	sadd.s32 $0x10, s19;
	s17 =	sand.u32 $0x1C00, s17  }
0x16d: {  	s19 =	sand.u32 $0x70, s19;
	s22 =	sor.u32 s17, s16  }
0x16e: {  	s16 =	sor.u32 s19, s22;
	v10 =	vadd.f32 v10, v13  }
0x16f: {  	v12 =	vld [tilespmem:s21+$0xC000];
	s16 =	sor.u32 s15, s16  }
0x170: {  	v14 =	vld [tilespmem:s16+$0x4000];
	[tilespmem:s18+$0x8000] =	vst v10  }
0x171: {  	v10 =	vld [tilespmem:s16+$0x8000];
	_ =	sdelay $0x4  }
0x172: {  	v10 =	vadd.f32 v10, v14  }
0x173: {  	s14 =	sor.u32 s14, s15  }
0x174: {  	s15 =	sor.u32 $0x1C60, s14;
	v15 =	vld [tilespmem:s18+$0xC000];
	[tilespmem:s16+$0x8000] =	vst v10  }
0x175: {  	s14 =	sor.u32 $0x1C50, s14;
	v10 =	vld.msk [tilespmem:s15+$0x4000], $0xff  }
0x176: {  	v17 =	vld [tilespmem:s14+$0x4000]  }
0x177: {  	v18 =	vld.msk [tilespmem:s15+$0x8000], $0xff  }
0x178: {  	v16 =	vmul.f32 $5.000000070e-02, v11;
	_ =	sdelay $0x1  }
0x179: {  	(erf) = vpow2.f32 v9;
	v16 =	vmul.f32 $1.442695020e+00, v16;
	v19 =	vld [tilespmem:s14+$0x8000]  }
0x17a: {  	v37 =	vmul.f32 $5.000000070e-02, v13;
	v38 =	vmul.f32 $5.000000070e-02, v14  }
0x17b: {  	v17 =	vperm.xlane v17, v0;
	v18 =	vadd.f32 v18, v10;
	v10 =	vperm.xlane v10, v0  }
0x17c: {  	(erf) = vpow2.f32 v16  }
0x17d: {  	v9 =	vmul.f32 $1.442695020e+00, v37;
	v39 =	vmul.f32 $1.442695020e+00, v38;
	v10 =	vsel vm0, v17, v10  }
0x17e: {  	v40 =	vperm.xlane v19, v0;
	v41 =	vperm.xlane v18, v0;
	v42 =	vsel vm0, $0xF149F2CA, v10  }
0x17f: {  	vm1 =	veq.s32 v1, s13;
	v45 =	vpop (erf);
	(erf) = vpow2.f32 v9;
	v44 =	vmul.f32 $5.000000070e-02, v42  }
0x180: {  	v6 =	vmul.f32 v6, v45;
	(erf) = vpow2.f32 v39;
	v43 =	vsel vm0, v40, v41  }
0x181: {  	v3 =	vadd.f32 v45, v3;
	v9 =	vperm.xlane v43, v0;
	v16 =	vmul.f32 $1.442695020e+00, v44  }
0x182: {  	v6 =	vadd.f32 v6, v7;
	v50 =	vmin.f32 v4, v11;
	v54 =	vmax.f32 v4, v11  }
0x183: {  	v2 =	vsel vm1, v11, v2;
	vm1 =	veq.s32 v1, s11;
	v47 =	vpop (erf);
	v46 =	vld [tilespmem:s16+$0xC000];
	[tilespmem:s14+$0x8000] =	vst v9;
	(erf) = vpow2.f32 v16  }
0x184: {  	v5 =	vmax.f32 v5, v50;
	v55 =	vmin.f32 v54, v13;
	v48 =	vmul.f32 v8, v47;
	[tilespmem:s15+$0x8000] =	vst.msk $0xff, v9;
	v52 =	vld.msk [tilespmem:s15+$0xC000], $0xff  }
0x185: {  	v4 =	vmax.f32 v54, v13;
	v2 =	vsel vm1, v13, v2;
	v3 =	vadd.f32 v47, v3;
	v9 =	vld [tilespmem:s14+$0xC000]  }
0x186: {  	vm1 =	veq.s32 v1, s12;
	v5 =	vmax.f32 v5, v55;
	v6 =	vadd.f32 v48, v6;
	v49 =	vpop (erf)  }
0x187: {  	v59 =	vmin.f32 v4, v14;
	v51 =	vmul.f32 v12, v49;
	v3 =	vadd.f32 v49, v3  }
0x188: {  	v4 =	vmax.f32 v4, v14;
	v2 =	vsel vm1, v14, v2;
	vm1 =	veq.s32 v1, $0x3E;
	v53 =	vpop (erf)  }
0x189: {  	v6 =	vadd.f32 v51, v6;
	v56 =	vmul.f32 v15, v53;
	v3 =	vadd.f32 v53, v3  }
0x18a: {  	v5 =	vmax.f32 v5, v59;
	v57 =	vpop (erf);
	v12 =	vperm.xlane v52, v0;
	v9 =	vperm.xlane v9, v0  }
0x18b: {  	s23 =	sshll.u32 s10, $0x4;
	s10 =	sadd.s32 $0x1, s10;
	v6 =	vadd.f32 v56, v6;
	v58 =	vmul.f32 v46, v57;
	v3 =	vadd.f32 v57, v3  }
0x18c: {  	p0 =	sne.s32 s10, $0x10;
	v62 =	vmax.f32 v4, v42;
	v4 =	vmin.f32 v4, v42;
	v60 =	vsel vm0, v9, v12;
	v61 =	vpop (erf)  }
.Ltmp9:
0x18d: {  	v6 =	vadd.f32 v58, v6;
	v4 =	vmax.f32 v5, v4;
	[tilespmem:s23+$0x10B00] =	vst v62;
	v7 =	vmul.f32 v60, v61;
	(pc) =	sbr.rel @p0 .LBB2_18-.Ltmp9, $4  }
0x18e: {  	v1 =	vsel vm1, v10, v2;
	[tilespmem:s23+$0x11300] =	vst v4;
	v3 =	vadd.f32 v61, v3  }
0x18f: {  	[tilespmem:s23+$0x12B00] =	vst v1;
	v63 =	vadd.f32 v7, v6  }
0x190: {  	[tilespmem:s23+$0x11B00] =	vst v3  }
0x191: {  	[tilespmem:s23+$0x12300] =	vst v63  }
0x192: {  	s9 =	simm.s32 $0x0;
	s10 =	rddreg [dreg:$0x7]  }
0x193: {  	[tilespmem:s7], [sflag:$0x1] =	stream.linear.gather [hbm4b:s10+s9], $0x4000, $0x38;
	[tilespmem:$0x13300] =	vst v63  }
0x194: {  	_ =	swait.ge [sflag:s6], $0x4000  }
0x195: {  	[sflag:s6] =	ssyncset.done $0x0  }
0x196: {  	s10 =	simm.s32 $0x0;
	[sflag:s6] =	ssyncadd.s32 $0xFFFFC000  }
.LBB2_22:
0x197: {  	s14 =	sshll.u32 s10, $0xA  }
0x198: {  	s11 =	sand.u32 $0x1C00, s9;
	s16 =	sand.u32 $0x2000, s14  }
0x199: {  	s12 =	sshll.u32 s10, $0x7;
	s13 =	sand.u32 $0x70, s9;
	s11 =	sor.u32 s11, s16  }
0x19a: {  	s15 =	sand.u32 $0x380, s12;
	s11 =	sor.u32 s13, s11  }
0x19b: {  	s20 =	sor.u32 s15, s11  }
0x19c: {  	v2 =	vld [tilespmem:s20+$0x4000]  }
0x19d: {  	v1 =	vld [tilespmem:s20+$0x8000]  }
0x19e: {  	s18 =	simm.s32 $0x80  }
0x19f: {  	s19 =	simm.s32 $0x10;
	s11 =	sand.u32 $0x1C00, s18  }
0x1a0: {  	s21 =	sand.u32 $0x70, s19;
	s11 =	sor.u32 s11, s16  }
0x1a1: {  	s12 =	sand.u32 $0x3FFFFF80, s12;
	s11 =	sor.u32 s21, s11;
	v4 =	vmul.f32 $5.000000070e-02, v2  }
0x1a2: {  	v3 =	vld [tilespmem:s12+$0x10000];
	s17 =	sor.u32 s15, s11;
	v1 =	vadd.f32 v1, v2  }
0x1a3: {  	v7 =	vld [tilespmem:s17+$0x4000];
	v4 =	vmul.f32 $1.442695020e+00, v4  }
0x1a4: {  	[tilespmem:s20+$0x8000] =	vst v1  }
0x1a5: {  	v6 =	vimm.f32 $-Inf;
	v5 =	vld [tilespmem:s17+$0x8000];
	(erf) = vpow2.f32 v4  }
0x1a6: {  	v9 =	vmin.f32 v6, v2  }
0x1a7: {  	s18 =	simm.s32 $0x100;
	v8 =	vmax.f32 v6, v2;
	v9 =	vmax.f32 v6, v9;
	v1 =	vshra.s32 v3, $0x4  }
0x1a8: {  	s22 =	simm.s32 $0x1;
	s19 =	simm.s32 $0x20;
	s23 =	sand.u32 $0x1C00, s18;
	v3 =	vimm.f32 $0.0e+00;
	vm1 =	veq.s32 v1, s9;
	v11 =	vmul.f32 $5.000000070e-02, v7  }
0x1a9: {  	s21 =	sand.u32 $0x70, s19;
	s12 =	sor.u32 s23, s16;
	v6 =	vld [tilespmem:s20+$0xC000];
	v12 =	vmin.f32 v8, v7;
	v2 =	vsel vm1, v2, v3;
	vm1 =	veq.s32 v1, s22  }
0x1aa: {  	s13 =	simm.s32 $0x2;
	s11 =	simm.s32 $0x3;
	s21 =	sor.u32 s21, s12;
	v4 =	vmax.f32 v8, v7;
	v8 =	vld [tilespmem:s17+$0xC000];
	v2 =	vsel vm1, v7, v2;
	v10 =	vadd.f32 v5, v7  }
0x1ab: {  	s12 =	simm.s32 $0x4;
	s21 =	sor.u32 s15, s21;
	s20 =	simm.s32 $0x5;
	v5 =	vmax.f32 v9, v12;
	v9 =	vmul.f32 $1.442695020e+00, v11;
	v7 =	vimm.f32 $0.0e+00  }
.LBB2_23:
0x1ac: {  	p0 =	sne.s32 s20, $0x3D;
	v11 =	vld [tilespmem:s21+$0x4000];
	[tilespmem:s17+$0x8000] =	vst v10;
	s17 =	smov.u32 s21  }
0x1ad: {  	v10 =	vld [tilespmem:s17+$0x8000];
	(erf) = vpow2.f32 v9  }
0x1ae: {  	v12 =	vld [tilespmem:s17+$0xC000];
	v9 =	vpop (erf)  }
.Ltmp10:
0x1af: {  	s18 =	sadd.s32 $0x80, s18;
	v3 =	vadd.f32 v9, v3;
	v9 =	vmul.f32 v6, v9;
	v6 =	vmov v8;
	(pc) =	sbr.rel @p0 .LBB2_23-.Ltmp10, $4  }
0x1b0: {  	vm1 =	veq.s32 v1, s13;
	s19 =	sadd.s32 $0x10, s19;
	s13 =	smov.u32 s11;
	s21 =	sand.u32 $0x1C00, s18  }
0x1b1: {  	s11 =	smov.u32 s12;
	s22 =	sand.u32 $0x70, s19;
	s21 =	sor.u32 s21, s16;
	v14 =	vmul.f32 $5.000000070e-02, v11;
	v13 =	vmin.f32 v4, v11;
	v4 =	vmax.f32 v4, v11  }
0x1b2: {  	s12 =	smov.u32 s20;
	s21 =	sor.u32 s22, s21;
	v7 =	vadd.f32 v9, v7;
	v10 =	vadd.f32 v10, v11;
	v5 =	vmax.f32 v5, v13  }
0x1b3: {  	s20 =	sadd.s32 $0x1, s20;
	s21 =	sor.u32 s15, s21;
	v2 =	vsel vm1, v11, v2;
	v9 =	vmul.f32 $1.442695020e+00, v14;
	v8 =	vmov v12  }
0x1b4: {  	v11 =	vld [tilespmem:s21+$0x4000];
	[tilespmem:s17+$0x8000] =	vst v10  }
0x1b5: {  	v10 =	vld [tilespmem:s21+$0x8000];
	_ =	sdelay $0x1  }
0x1b6: {  	s23 =	sadd.s32 $0x80, s18  }
0x1b7: {  	s19 =	sadd.s32 $0x10, s19;
	s18 =	sand.u32 $0x1C00, s23  }
0x1b8: {  	s20 =	sand.u32 $0x70, s19;
	s18 =	sor.u32 s18, s16  }
0x1b9: {  	s18 =	sor.u32 s20, s18;
	v10 =	vadd.f32 v10, v11  }
0x1ba: {  	s18 =	sor.u32 s15, s18  }
0x1bb: {  	v13 =	vld [tilespmem:s18+$0x4000];
	[tilespmem:s21+$0x8000] =	vst v10  }
0x1bc: {  	v10 =	vld [tilespmem:s18+$0x8000];
	_ =	sdelay $0x1  }
0x1bd: {  	s17 =	sadd.s32 $0x80, s23  }
0x1be: {  	s19 =	sadd.s32 $0x10, s19;
	s17 =	sand.u32 $0x1C00, s17  }
0x1bf: {  	s19 =	sand.u32 $0x70, s19;
	s22 =	sor.u32 s17, s16  }
0x1c0: {  	s16 =	sor.u32 s19, s22;
	v10 =	vadd.f32 v10, v13  }
0x1c1: {  	v12 =	vld [tilespmem:s21+$0xC000];
	s16 =	sor.u32 s15, s16  }
0x1c2: {  	v14 =	vld [tilespmem:s16+$0x4000];
	[tilespmem:s18+$0x8000] =	vst v10  }
0x1c3: {  	v10 =	vld [tilespmem:s16+$0x8000];
	_ =	sdelay $0x4  }
0x1c4: {  	v10 =	vadd.f32 v10, v14  }
0x1c5: {  	s14 =	sor.u32 s14, s15  }
0x1c6: {  	s15 =	sor.u32 $0x1C60, s14;
	v15 =	vld [tilespmem:s18+$0xC000];
	[tilespmem:s16+$0x8000] =	vst v10  }
0x1c7: {  	s14 =	sor.u32 $0x1C50, s14;
	v10 =	vld.msk [tilespmem:s15+$0x4000], $0xff  }
0x1c8: {  	v17 =	vld [tilespmem:s14+$0x4000]  }
0x1c9: {  	v18 =	vld.msk [tilespmem:s15+$0x8000], $0xff  }
0x1ca: {  	v16 =	vmul.f32 $5.000000070e-02, v11;
	_ =	sdelay $0x1  }
0x1cb: {  	(erf) = vpow2.f32 v9;
	v16 =	vmul.f32 $1.442695020e+00, v16;
	v19 =	vld [tilespmem:s14+$0x8000]  }
0x1cc: {  	v37 =	vmul.f32 $5.000000070e-02, v13;
	v38 =	vmul.f32 $5.000000070e-02, v14  }
0x1cd: {  	v17 =	vperm.xlane v17, v0;
	v18 =	vadd.f32 v18, v10;
	v10 =	vperm.xlane v10, v0  }
0x1ce: {  	(erf) = vpow2.f32 v16  }
0x1cf: {  	v9 =	vmul.f32 $1.442695020e+00, v37;
	v39 =	vmul.f32 $1.442695020e+00, v38;
	v10 =	vsel vm0, v17, v10  }
0x1d0: {  	v40 =	vperm.xlane v19, v0;
	v41 =	vperm.xlane v18, v0;
	v42 =	vsel vm0, $0xF149F2CA, v10  }
0x1d1: {  	vm1 =	veq.s32 v1, s13;
	v45 =	vpop (erf);
	(erf) = vpow2.f32 v9;
	v44 =	vmul.f32 $5.000000070e-02, v42  }
0x1d2: {  	v6 =	vmul.f32 v6, v45;
	(erf) = vpow2.f32 v39;
	v43 =	vsel vm0, v40, v41  }
0x1d3: {  	v3 =	vadd.f32 v45, v3;
	v9 =	vperm.xlane v43, v0;
	v16 =	vmul.f32 $1.442695020e+00, v44  }
0x1d4: {  	v6 =	vadd.f32 v6, v7;
	v50 =	vmin.f32 v4, v11;
	v54 =	vmax.f32 v4, v11  }
0x1d5: {  	v2 =	vsel vm1, v11, v2;
	vm1 =	veq.s32 v1, s11;
	v47 =	vpop (erf);
	v46 =	vld [tilespmem:s16+$0xC000];
	[tilespmem:s14+$0x8000] =	vst v9;
	(erf) = vpow2.f32 v16  }
0x1d6: {  	v5 =	vmax.f32 v5, v50;
	v55 =	vmin.f32 v54, v13;
	v48 =	vmul.f32 v8, v47;
	[tilespmem:s15+$0x8000] =	vst.msk $0xff, v9;
	v52 =	vld.msk [tilespmem:s15+$0xC000], $0xff  }
0x1d7: {  	v4 =	vmax.f32 v54, v13;
	v2 =	vsel vm1, v13, v2;
	v3 =	vadd.f32 v47, v3;
	v9 =	vld [tilespmem:s14+$0xC000]  }
0x1d8: {  	vm1 =	veq.s32 v1, s12;
	v5 =	vmax.f32 v5, v55;
	v6 =	vadd.f32 v48, v6;
	v49 =	vpop (erf)  }
0x1d9: {  	v59 =	vmin.f32 v4, v14;
	v51 =	vmul.f32 v12, v49;
	v3 =	vadd.f32 v49, v3  }
0x1da: {  	v4 =	vmax.f32 v4, v14;
	v2 =	vsel vm1, v14, v2;
	vm1 =	veq.s32 v1, $0x3E;
	v53 =	vpop (erf)  }
0x1db: {  	v6 =	vadd.f32 v51, v6;
	v56 =	vmul.f32 v15, v53;
	v3 =	vadd.f32 v53, v3  }
0x1dc: {  	v5 =	vmax.f32 v5, v59;
	v57 =	vpop (erf);
	v12 =	vperm.xlane v52, v0;
	v9 =	vperm.xlane v9, v0  }
0x1dd: {  	s23 =	sshll.u32 s10, $0x4;
	s10 =	sadd.s32 $0x1, s10;
	v6 =	vadd.f32 v56, v6;
	v58 =	vmul.f32 v46, v57;
	v3 =	vadd.f32 v57, v3  }
0x1de: {  	p0 =	sne.s32 s10, $0x10;
	v62 =	vmax.f32 v4, v42;
	v4 =	vmin.f32 v4, v42;
	v60 =	vsel vm0, v9, v12;
	v61 =	vpop (erf)  }
.Ltmp11:
0x1df: {  	v6 =	vadd.f32 v58, v6;
	v4 =	vmax.f32 v5, v4;
	[tilespmem:s23+$0x10C00] =	vst v62;
	v7 =	vmul.f32 v60, v61;
	(pc) =	sbr.rel @p0 .LBB2_22-.Ltmp11, $4  }
0x1e0: {  	v1 =	vsel vm1, v10, v2;
	[tilespmem:s23+$0x11400] =	vst v4;
	v3 =	vadd.f32 v61, v3  }
0x1e1: {  	[tilespmem:s23+$0x12C00] =	vst v1;
	v63 =	vadd.f32 v7, v6  }
0x1e2: {  	[tilespmem:s23+$0x11C00] =	vst v3  }
0x1e3: {  	[tilespmem:s23+$0x12400] =	vst v63  }
0x1e4: {  	s9 =	simm.s32 $0x0;
	s10 =	rddreg [dreg:$0x8]  }
0x1e5: {  	[tilespmem:s7], [sflag:$0x1] =	stream.linear.gather [hbm4b:s10+s9], $0x4000, $0x38;
	[tilespmem:$0x13300] =	vst v63  }
0x1e6: {  	_ =	swait.ge [sflag:s6], $0x4000  }
0x1e7: {  	[sflag:s6] =	ssyncset.done $0x0  }
0x1e8: {  	s10 =	simm.s32 $0x0;
	[sflag:s6] =	ssyncadd.s32 $0xFFFFC000  }
.LBB2_26:
0x1e9: {  	s14 =	sshll.u32 s10, $0xA  }
0x1ea: {  	s11 =	sand.u32 $0x1C00, s9;
	s16 =	sand.u32 $0x2000, s14  }
0x1eb: {  	s12 =	sshll.u32 s10, $0x7;
	s13 =	sand.u32 $0x70, s9;
	s11 =	sor.u32 s11, s16  }
0x1ec: {  	s15 =	sand.u32 $0x380, s12;
	s11 =	sor.u32 s13, s11  }
0x1ed: {  	s20 =	sor.u32 s15, s11  }
0x1ee: {  	v2 =	vld [tilespmem:s20+$0x4000]  }
0x1ef: {  	v1 =	vld [tilespmem:s20+$0x8000]  }
0x1f0: {  	s18 =	simm.s32 $0x80  }
0x1f1: {  	s19 =	simm.s32 $0x10;
	s11 =	sand.u32 $0x1C00, s18  }
0x1f2: {  	s21 =	sand.u32 $0x70, s19;
	s11 =	sor.u32 s11, s16  }
0x1f3: {  	s12 =	sand.u32 $0x3FFFFF80, s12;
	s11 =	sor.u32 s21, s11;
	v4 =	vmul.f32 $5.000000070e-02, v2  }
0x1f4: {  	v3 =	vld [tilespmem:s12+$0x10000];
	s17 =	sor.u32 s15, s11;
	v1 =	vadd.f32 v1, v2  }
0x1f5: {  	v7 =	vld [tilespmem:s17+$0x4000];
	v4 =	vmul.f32 $1.442695020e+00, v4  }
0x1f6: {  	[tilespmem:s20+$0x8000] =	vst v1  }
0x1f7: {  	v6 =	vimm.f32 $-Inf;
	v5 =	vld [tilespmem:s17+$0x8000];
	(erf) = vpow2.f32 v4  }
0x1f8: {  	v9 =	vmin.f32 v6, v2  }
0x1f9: {  	s18 =	simm.s32 $0x100;
	v8 =	vmax.f32 v6, v2;
	v9 =	vmax.f32 v6, v9;
	v1 =	vshra.s32 v3, $0x4  }
0x1fa: {  	s22 =	simm.s32 $0x1;
	s19 =	simm.s32 $0x20;
	s23 =	sand.u32 $0x1C00, s18;
	v3 =	vimm.f32 $0.0e+00;
	vm1 =	veq.s32 v1, s9;
	v11 =	vmul.f32 $5.000000070e-02, v7  }
0x1fb: {  	s21 =	sand.u32 $0x70, s19;
	s12 =	sor.u32 s23, s16;
	v6 =	vld [tilespmem:s20+$0xC000];
	v12 =	vmin.f32 v8, v7;
	v2 =	vsel vm1, v2, v3;
	vm1 =	veq.s32 v1, s22  }
0x1fc: {  	s13 =	simm.s32 $0x2;
	s11 =	simm.s32 $0x3;
	s21 =	sor.u32 s21, s12;
	v4 =	vmax.f32 v8, v7;
	v8 =	vld [tilespmem:s17+$0xC000];
	v2 =	vsel vm1, v7, v2;
	v10 =	vadd.f32 v5, v7  }
0x1fd: {  	s12 =	simm.s32 $0x4;
	s21 =	sor.u32 s15, s21;
	s20 =	simm.s32 $0x5;
	v5 =	vmax.f32 v9, v12;
	v9 =	vmul.f32 $1.442695020e+00, v11;
	v7 =	vimm.f32 $0.0e+00  }
.LBB2_27:
0x1fe: {  	p0 =	sne.s32 s20, $0x3D;
	v11 =	vld [tilespmem:s21+$0x4000];
	[tilespmem:s17+$0x8000] =	vst v10;
	s17 =	smov.u32 s21  }
0x1ff: {  	v10 =	vld [tilespmem:s17+$0x8000];
	(erf) = vpow2.f32 v9  }
0x200: {  	v12 =	vld [tilespmem:s17+$0xC000];
	v9 =	vpop (erf)  }
.Ltmp12:
0x201: {  	s18 =	sadd.s32 $0x80, s18;
	v3 =	vadd.f32 v9, v3;
	v9 =	vmul.f32 v6, v9;
	v6 =	vmov v8;
	(pc) =	sbr.rel @p0 .LBB2_27-.Ltmp12, $4  }
0x202: {  	vm1 =	veq.s32 v1, s13;
	s19 =	sadd.s32 $0x10, s19;
	s13 =	smov.u32 s11;
	s21 =	sand.u32 $0x1C00, s18  }
0x203: {  	s11 =	smov.u32 s12;
	s22 =	sand.u32 $0x70, s19;
	s21 =	sor.u32 s21, s16;
	v14 =	vmul.f32 $5.000000070e-02, v11;
	v13 =	vmin.f32 v4, v11;
	v4 =	vmax.f32 v4, v11  }
0x204: {  	s12 =	smov.u32 s20;
	s21 =	sor.u32 s22, s21;
	v7 =	vadd.f32 v9, v7;
	v10 =	vadd.f32 v10, v11;
	v5 =	vmax.f32 v5, v13  }
0x205: {  	s20 =	sadd.s32 $0x1, s20;
	s21 =	sor.u32 s15, s21;
	v2 =	vsel vm1, v11, v2;
	v9 =	vmul.f32 $1.442695020e+00, v14;
	v8 =	vmov v12  }
0x206: {  	v11 =	vld [tilespmem:s21+$0x4000];
	[tilespmem:s17+$0x8000] =	vst v10  }
0x207: {  	v10 =	vld [tilespmem:s21+$0x8000];
	_ =	sdelay $0x1  }
0x208: {  	s23 =	sadd.s32 $0x80, s18  }
0x209: {  	s19 =	sadd.s32 $0x10, s19;
	s18 =	sand.u32 $0x1C00, s23  }
0x20a: {  	s20 =	sand.u32 $0x70, s19;
	s18 =	sor.u32 s18, s16  }
0x20b: {  	s18 =	sor.u32 s20, s18;
	v10 =	vadd.f32 v10, v11  }
0x20c: {  	s18 =	sor.u32 s15, s18  }
0x20d: {  	v13 =	vld [tilespmem:s18+$0x4000];
	[tilespmem:s21+$0x8000] =	vst v10  }
0x20e: {  	v10 =	vld [tilespmem:s18+$0x8000];
	_ =	sdelay $0x1  }
0x20f: {  	s17 =	sadd.s32 $0x80, s23  }
0x210: {  	s19 =	sadd.s32 $0x10, s19;
	s17 =	sand.u32 $0x1C00, s17  }
0x211: {  	s19 =	sand.u32 $0x70, s19;
	s22 =	sor.u32 s17, s16  }
0x212: {  	s16 =	sor.u32 s19, s22;
	v10 =	vadd.f32 v10, v13  }
0x213: {  	v12 =	vld [tilespmem:s21+$0xC000];
	s16 =	sor.u32 s15, s16  }
0x214: {  	v14 =	vld [tilespmem:s16+$0x4000];
	[tilespmem:s18+$0x8000] =	vst v10  }
0x215: {  	v10 =	vld [tilespmem:s16+$0x8000];
	_ =	sdelay $0x4  }
0x216: {  	v10 =	vadd.f32 v10, v14  }
0x217: {  	s14 =	sor.u32 s14, s15  }
0x218: {  	s15 =	sor.u32 $0x1C60, s14;
	v15 =	vld [tilespmem:s18+$0xC000];
	[tilespmem:s16+$0x8000] =	vst v10  }
0x219: {  	s14 =	sor.u32 $0x1C50, s14;
	v10 =	vld.msk [tilespmem:s15+$0x4000], $0xff  }
0x21a: {  	v17 =	vld [tilespmem:s14+$0x4000]  }
0x21b: {  	v18 =	vld.msk [tilespmem:s15+$0x8000], $0xff  }
0x21c: {  	v16 =	vmul.f32 $5.000000070e-02, v11;
	_ =	sdelay $0x1  }
0x21d: {  	(erf) = vpow2.f32 v9;
	v16 =	vmul.f32 $1.442695020e+00, v16;
	v19 =	vld [tilespmem:s14+$0x8000]  }
0x21e: {  	v37 =	vmul.f32 $5.000000070e-02, v13;
	v38 =	vmul.f32 $5.000000070e-02, v14  }
0x21f: {  	v17 =	vperm.xlane v17, v0;
	v18 =	vadd.f32 v18, v10;
	v10 =	vperm.xlane v10, v0  }
0x220: {  	(erf) = vpow2.f32 v16  }
0x221: {  	v9 =	vmul.f32 $1.442695020e+00, v37;
	v39 =	vmul.f32 $1.442695020e+00, v38;
	v10 =	vsel vm0, v17, v10  }
0x222: {  	v40 =	vperm.xlane v19, v0;
	v41 =	vperm.xlane v18, v0;
	v42 =	vsel vm0, $0xF149F2CA, v10  }
0x223: {  	vm1 =	veq.s32 v1, s13;
	v45 =	vpop (erf);
	(erf) = vpow2.f32 v9;
	v44 =	vmul.f32 $5.000000070e-02, v42  }
0x224: {  	v6 =	vmul.f32 v6, v45;
	(erf) = vpow2.f32 v39;
	v43 =	vsel vm0, v40, v41  }
0x225: {  	v3 =	vadd.f32 v45, v3;
	v9 =	vperm.xlane v43, v0;
	v16 =	vmul.f32 $1.442695020e+00, v44  }
0x226: {  	v6 =	vadd.f32 v6, v7;
	v50 =	vmin.f32 v4, v11;
	v54 =	vmax.f32 v4, v11  }
0x227: {  	v2 =	vsel vm1, v11, v2;
	vm1 =	veq.s32 v1, s11;
	v47 =	vpop (erf);
	v46 =	vld [tilespmem:s16+$0xC000];
	[tilespmem:s14+$0x8000] =	vst v9;
	(erf) = vpow2.f32 v16  }
0x228: {  	v5 =	vmax.f32 v5, v50;
	v55 =	vmin.f32 v54, v13;
	v48 =	vmul.f32 v8, v47;
	[tilespmem:s15+$0x8000] =	vst.msk $0xff, v9;
	v52 =	vld.msk [tilespmem:s15+$0xC000], $0xff  }
0x229: {  	v4 =	vmax.f32 v54, v13;
	v2 =	vsel vm1, v13, v2;
	v3 =	vadd.f32 v47, v3;
	v9 =	vld [tilespmem:s14+$0xC000]  }
0x22a: {  	vm1 =	veq.s32 v1, s12;
	v5 =	vmax.f32 v5, v55;
	v6 =	vadd.f32 v48, v6;
	v49 =	vpop (erf)  }
0x22b: {  	v59 =	vmin.f32 v4, v14;
	v51 =	vmul.f32 v12, v49;
	v3 =	vadd.f32 v49, v3  }
0x22c: {  	v4 =	vmax.f32 v4, v14;
	v2 =	vsel vm1, v14, v2;
	vm1 =	veq.s32 v1, $0x3E;
	v53 =	vpop (erf)  }
0x22d: {  	v6 =	vadd.f32 v51, v6;
	v56 =	vmul.f32 v15, v53;
	v3 =	vadd.f32 v53, v3  }
0x22e: {  	v5 =	vmax.f32 v5, v59;
	v57 =	vpop (erf);
	v12 =	vperm.xlane v52, v0;
	v9 =	vperm.xlane v9, v0  }
0x22f: {  	s23 =	sshll.u32 s10, $0x4;
	s10 =	sadd.s32 $0x1, s10;
	v6 =	vadd.f32 v56, v6;
	v58 =	vmul.f32 v46, v57;
	v3 =	vadd.f32 v57, v3  }
0x230: {  	p0 =	sne.s32 s10, $0x10;
	v62 =	vmax.f32 v4, v42;
	v4 =	vmin.f32 v4, v42;
	v60 =	vsel vm0, v9, v12;
	v61 =	vpop (erf)  }
.Ltmp13:
0x231: {  	v6 =	vadd.f32 v58, v6;
	v4 =	vmax.f32 v5, v4;
	[tilespmem:s23+$0x10D00] =	vst v62;
	v7 =	vmul.f32 v60, v61;
	(pc) =	sbr.rel @p0 .LBB2_26-.Ltmp13, $4  }
0x232: {  	v1 =	vsel vm1, v10, v2;
	[tilespmem:s23+$0x11500] =	vst v4;
	v3 =	vadd.f32 v61, v3  }
0x233: {  	[tilespmem:s23+$0x12D00] =	vst v1;
	v63 =	vadd.f32 v7, v6  }
0x234: {  	[tilespmem:s23+$0x11D00] =	vst v3  }
0x235: {  	[tilespmem:s23+$0x12500] =	vst v63  }
0x236: {  	s9 =	simm.s32 $0x0;
	s10 =	rddreg [dreg:$0x9]  }
0x237: {  	[tilespmem:s7], [sflag:$0x1] =	stream.linear.gather [hbm4b:s10+s9], $0x4000, $0x38;
	[tilespmem:$0x13300] =	vst v63  }
0x238: {  	_ =	swait.ge [sflag:s6], $0x4000  }
0x239: {  	[sflag:s6] =	ssyncset.done $0x0  }
0x23a: {  	s10 =	simm.s32 $0x0;
	[sflag:s6] =	ssyncadd.s32 $0xFFFFC000  }
.LBB2_30:
0x23b: {  	s14 =	sshll.u32 s10, $0xA  }
0x23c: {  	s11 =	sand.u32 $0x1C00, s9;
	s16 =	sand.u32 $0x2000, s14  }
0x23d: {  	s12 =	sshll.u32 s10, $0x7;
	s13 =	sand.u32 $0x70, s9;
	s11 =	sor.u32 s11, s16  }
0x23e: {  	s15 =	sand.u32 $0x380, s12;
	s11 =	sor.u32 s13, s11  }
0x23f: {  	s20 =	sor.u32 s15, s11  }
0x240: {  	v2 =	vld [tilespmem:s20+$0x4000]  }
0x241: {  	v1 =	vld [tilespmem:s20+$0x8000]  }
0x242: {  	s18 =	simm.s32 $0x80  }
0x243: {  	s19 =	simm.s32 $0x10;
	s11 =	sand.u32 $0x1C00, s18  }
0x244: {  	s21 =	sand.u32 $0x70, s19;
	s11 =	sor.u32 s11, s16  }
0x245: {  	s12 =	sand.u32 $0x3FFFFF80, s12;
	s11 =	sor.u32 s21, s11;
	v4 =	vmul.f32 $5.000000070e-02, v2  }
0x246: {  	v3 =	vld [tilespmem:s12+$0x10000];
	s17 =	sor.u32 s15, s11;
	v1 =	vadd.f32 v1, v2  }
0x247: {  	v7 =	vld [tilespmem:s17+$0x4000];
	v4 =	vmul.f32 $1.442695020e+00, v4  }
0x248: {  	[tilespmem:s20+$0x8000] =	vst v1  }
0x249: {  	v6 =	vimm.f32 $-Inf;
	v5 =	vld [tilespmem:s17+$0x8000];
	(erf) = vpow2.f32 v4  }
0x24a: {  	v9 =	vmin.f32 v6, v2  }
0x24b: {  	s18 =	simm.s32 $0x100;
	v8 =	vmax.f32 v6, v2;
	v9 =	vmax.f32 v6, v9;
	v1 =	vshra.s32 v3, $0x4  }
0x24c: {  	s22 =	simm.s32 $0x1;
	s19 =	simm.s32 $0x20;
	s23 =	sand.u32 $0x1C00, s18;
	v3 =	vimm.f32 $0.0e+00;
	vm1 =	veq.s32 v1, s9;
	v11 =	vmul.f32 $5.000000070e-02, v7  }
0x24d: {  	s21 =	sand.u32 $0x70, s19;
	s12 =	sor.u32 s23, s16;
	v6 =	vld [tilespmem:s20+$0xC000];
	v12 =	vmin.f32 v8, v7;
	v2 =	vsel vm1, v2, v3;
	vm1 =	veq.s32 v1, s22  }
0x24e: {  	s13 =	simm.s32 $0x2;
	s11 =	simm.s32 $0x3;
	s21 =	sor.u32 s21, s12;
	v4 =	vmax.f32 v8, v7;
	v8 =	vld [tilespmem:s17+$0xC000];
	v2 =	vsel vm1, v7, v2;
	v10 =	vadd.f32 v5, v7  }
0x24f: {  	s12 =	simm.s32 $0x4;
	s21 =	sor.u32 s15, s21;
	s20 =	simm.s32 $0x5;
	v5 =	vmax.f32 v9, v12;
	v9 =	vmul.f32 $1.442695020e+00, v11;
	v7 =	vimm.f32 $0.0e+00  }
.LBB2_31:
0x250: {  	p0 =	sne.s32 s20, $0x3D;
	v11 =	vld [tilespmem:s21+$0x4000];
	[tilespmem:s17+$0x8000] =	vst v10;
	s17 =	smov.u32 s21  }
0x251: {  	v10 =	vld [tilespmem:s17+$0x8000];
	(erf) = vpow2.f32 v9  }
0x252: {  	v12 =	vld [tilespmem:s17+$0xC000];
	v9 =	vpop (erf)  }
.Ltmp14:
0x253: {  	s18 =	sadd.s32 $0x80, s18;
	v3 =	vadd.f32 v9, v3;
	v9 =	vmul.f32 v6, v9;
	v6 =	vmov v8;
	(pc) =	sbr.rel @p0 .LBB2_31-.Ltmp14, $4  }
0x254: {  	vm1 =	veq.s32 v1, s13;
	s19 =	sadd.s32 $0x10, s19;
	s13 =	smov.u32 s11;
	s21 =	sand.u32 $0x1C00, s18  }
0x255: {  	s11 =	smov.u32 s12;
	s22 =	sand.u32 $0x70, s19;
	s21 =	sor.u32 s21, s16;
	v14 =	vmul.f32 $5.000000070e-02, v11;
	v13 =	vmin.f32 v4, v11;
	v4 =	vmax.f32 v4, v11  }
0x256: {  	s12 =	smov.u32 s20;
	s21 =	sor.u32 s22, s21;
	v7 =	vadd.f32 v9, v7;
	v10 =	vadd.f32 v10, v11;
	v5 =	vmax.f32 v5, v13  }
0x257: {  	s20 =	sadd.s32 $0x1, s20;
	s21 =	sor.u32 s15, s21;
	v2 =	vsel vm1, v11, v2;
	v9 =	vmul.f32 $1.442695020e+00, v14;
	v8 =	vmov v12  }
0x258: {  	v11 =	vld [tilespmem:s21+$0x4000];
	[tilespmem:s17+$0x8000] =	vst v10  }
0x259: {  	v10 =	vld [tilespmem:s21+$0x8000];
	_ =	sdelay $0x1  }
0x25a: {  	s23 =	sadd.s32 $0x80, s18  }
0x25b: {  	s19 =	sadd.s32 $0x10, s19;
	s18 =	sand.u32 $0x1C00, s23  }
0x25c: {  	s20 =	sand.u32 $0x70, s19;
	s18 =	sor.u32 s18, s16  }
0x25d: {  	s18 =	sor.u32 s20, s18;
	v10 =	vadd.f32 v10, v11  }
0x25e: {  	s18 =	sor.u32 s15, s18  }
0x25f: {  	v13 =	vld [tilespmem:s18+$0x4000];
	[tilespmem:s21+$0x8000] =	vst v10  }
0x260: {  	v10 =	vld [tilespmem:s18+$0x8000];
	_ =	sdelay $0x1  }
0x261: {  	s17 =	sadd.s32 $0x80, s23  }
0x262: {  	s19 =	sadd.s32 $0x10, s19;
	s17 =	sand.u32 $0x1C00, s17  }
0x263: {  	s19 =	sand.u32 $0x70, s19;
	s22 =	sor.u32 s17, s16  }
0x264: {  	s16 =	sor.u32 s19, s22;
	v10 =	vadd.f32 v10, v13  }
0x265: {  	v12 =	vld [tilespmem:s21+$0xC000];
	s16 =	sor.u32 s15, s16  }
0x266: {  	v14 =	vld [tilespmem:s16+$0x4000];
	[tilespmem:s18+$0x8000] =	vst v10  }
0x267: {  	v10 =	vld [tilespmem:s16+$0x8000];
	_ =	sdelay $0x4  }
0x268: {  	v10 =	vadd.f32 v10, v14  }
0x269: {  	s14 =	sor.u32 s14, s15  }
0x26a: {  	s15 =	sor.u32 $0x1C60, s14;
	v15 =	vld [tilespmem:s18+$0xC000];
	[tilespmem:s16+$0x8000] =	vst v10  }
0x26b: {  	s14 =	sor.u32 $0x1C50, s14;
	v10 =	vld.msk [tilespmem:s15+$0x4000], $0xff  }
0x26c: {  	v17 =	vld [tilespmem:s14+$0x4000]  }
0x26d: {  	v18 =	vld.msk [tilespmem:s15+$0x8000], $0xff  }
0x26e: {  	v16 =	vmul.f32 $5.000000070e-02, v11;
	_ =	sdelay $0x1  }
0x26f: {  	(erf) = vpow2.f32 v9;
	v16 =	vmul.f32 $1.442695020e+00, v16;
	v19 =	vld [tilespmem:s14+$0x8000]  }
0x270: {  	v37 =	vmul.f32 $5.000000070e-02, v13;
	v38 =	vmul.f32 $5.000000070e-02, v14  }
0x271: {  	v17 =	vperm.xlane v17, v0;
	v18 =	vadd.f32 v18, v10;
	v10 =	vperm.xlane v10, v0  }
0x272: {  	(erf) = vpow2.f32 v16  }
0x273: {  	v9 =	vmul.f32 $1.442695020e+00, v37;
	v39 =	vmul.f32 $1.442695020e+00, v38;
	v10 =	vsel vm0, v17, v10  }
0x274: {  	v40 =	vperm.xlane v19, v0;
	v41 =	vperm.xlane v18, v0;
	v42 =	vsel vm0, $0xF149F2CA, v10  }
0x275: {  	vm1 =	veq.s32 v1, s13;
	v45 =	vpop (erf);
	(erf) = vpow2.f32 v9;
	v44 =	vmul.f32 $5.000000070e-02, v42  }
0x276: {  	v6 =	vmul.f32 v6, v45;
	(erf) = vpow2.f32 v39;
	v43 =	vsel vm0, v40, v41  }
0x277: {  	v3 =	vadd.f32 v45, v3;
	v9 =	vperm.xlane v43, v0;
	v16 =	vmul.f32 $1.442695020e+00, v44  }
0x278: {  	v6 =	vadd.f32 v6, v7;
	v50 =	vmin.f32 v4, v11;
	v54 =	vmax.f32 v4, v11  }
0x279: {  	v2 =	vsel vm1, v11, v2;
	vm1 =	veq.s32 v1, s11;
	v47 =	vpop (erf);
	v46 =	vld [tilespmem:s16+$0xC000];
	[tilespmem:s14+$0x8000] =	vst v9;
	(erf) = vpow2.f32 v16  }
0x27a: {  	v5 =	vmax.f32 v5, v50;
	v55 =	vmin.f32 v54, v13;
	v48 =	vmul.f32 v8, v47;
	[tilespmem:s15+$0x8000] =	vst.msk $0xff, v9;
	v52 =	vld.msk [tilespmem:s15+$0xC000], $0xff  }
0x27b: {  	v4 =	vmax.f32 v54, v13;
	v2 =	vsel vm1, v13, v2;
	v3 =	vadd.f32 v47, v3;
	v9 =	vld [tilespmem:s14+$0xC000]  }
0x27c: {  	vm1 =	veq.s32 v1, s12;
	v5 =	vmax.f32 v5, v55;
	v6 =	vadd.f32 v48, v6;
	v49 =	vpop (erf)  }
0x27d: {  	v59 =	vmin.f32 v4, v14;
	v51 =	vmul.f32 v12, v49;
	v3 =	vadd.f32 v49, v3  }
0x27e: {  	v4 =	vmax.f32 v4, v14;
	v2 =	vsel vm1, v14, v2;
	vm1 =	veq.s32 v1, $0x3E;
	v53 =	vpop (erf)  }
0x27f: {  	v6 =	vadd.f32 v51, v6;
	v56 =	vmul.f32 v15, v53;
	v3 =	vadd.f32 v53, v3  }
0x280: {  	v5 =	vmax.f32 v5, v59;
	v57 =	vpop (erf);
	v12 =	vperm.xlane v52, v0;
	v9 =	vperm.xlane v9, v0  }
0x281: {  	s23 =	sshll.u32 s10, $0x4;
	s10 =	sadd.s32 $0x1, s10;
	v6 =	vadd.f32 v56, v6;
	v58 =	vmul.f32 v46, v57;
	v3 =	vadd.f32 v57, v3  }
0x282: {  	p0 =	sne.s32 s10, $0x10;
	v62 =	vmax.f32 v4, v42;
	v4 =	vmin.f32 v4, v42;
	v60 =	vsel vm0, v9, v12;
	v61 =	vpop (erf)  }
.Ltmp15:
0x283: {  	v6 =	vadd.f32 v58, v6;
	v4 =	vmax.f32 v5, v4;
	[tilespmem:s23+$0x10E00] =	vst v62;
	v7 =	vmul.f32 v60, v61;
	(pc) =	sbr.rel @p0 .LBB2_30-.Ltmp15, $4  }
0x284: {  	v1 =	vsel vm1, v10, v2;
	[tilespmem:s23+$0x11600] =	vst v4;
	v3 =	vadd.f32 v61, v3  }
0x285: {  	[tilespmem:s23+$0x12E00] =	vst v1;
	v63 =	vadd.f32 v7, v6  }
0x286: {  	[tilespmem:s23+$0x11E00] =	vst v3  }
0x287: {  	s11 =	simm.s32 $0x0;
	[tilespmem:s23+$0x12600] =	vst v63  }
0x288: {  	s9 =	simm.s32 $0x0  }
.LBB2_34:
0x289: {  	s10 =	sshll.u32 s9, $0xA  }
0x28a: {  	s12 =	sand.u32 $0x1C00, s11;
	s14 =	sand.u32 $0x2000, s10  }
0x28b: {  	s13 =	sshll.u32 s9, $0x7;
	s16 =	sand.u32 $0x70, s11;
	s12 =	sor.u32 s12, s14  }
0x28c: {  	s15 =	sand.u32 $0x380, s13;
	s12 =	sor.u32 s16, s12  }
0x28d: {  	s17 =	sor.u32 s15, s12  }
0x28e: {  	s18 =	simm.s32 $0x80;
	v1 =	vld [tilespmem:s17+$0x8000]  }
0x28f: {  	s19 =	simm.s32 $0x10;
	s13 =	sand.u32 $0x3FFFFF80, s13;
	s16 =	sand.u32 $0x1C00, s18  }
0x290: {  	v2 =	vld [tilespmem:s13+$0x10000];
	s12 =	sand.u32 $0x70, s19;
	s16 =	sor.u32 s16, s14  }
0x291: {  	s12 =	sor.u32 s12, s16  }
0x292: {  	s12 =	sor.u32 s15, s12  }
0x293: {  	s20 =	simm.s32 $0x100;
	v4 =	vld [tilespmem:s12+$0x8000];
	v5 =	vmul.f32 $1.428571490e-01, v1  }
0x294: {  	s21 =	simm.s32 $0x20;
	s13 =	sand.u32 $0x1C00, s20  }
0x295: {  	s13 =	sor.u32 s13, s14;
	s16 =	sand.u32 $0x70, s21;
	v1 =	vshra.s32 v2, $0x4;
	v2 =	vmul.f32 $5.000000070e-02, v5  }
0x296: {  	s13 =	sor.u32 s16, s13  }
0x297: {  	s16 =	sor.u32 s15, s13;
	v2 =	vmul.f32 $1.442695020e+00, v2  }
0x298: {  	v6 =	vld [tilespmem:s16+$0x8000];
	v8 =	vmul.f32 $1.428571490e-01, v4  }
0x299: {  	v7 =	vimm.f32 $-Inf;
	(erf) = vpow2.f32 v2  }
0x29a: {  	v3 =	vimm.f32 $0.0e+00;
	vm1 =	veq.s32 v1, s11;
	v10 =	vmul.f32 $5.000000070e-02, v8  }
0x29b: {  	s22 =	simm.s32 $0x1;
	s18 =	simm.s32 $0x180;
	v9 =	vmax.f32 v7, v5;
	v4 =	vmin.f32 v7, v5;
	v5 =	vsel vm1, v5, v3  }
0x29c: {  	s23 =	simm.s32 $0x30;
	s18 =	sand.u32 $0x1C00, s18;
	vm1 =	veq.s32 v1, s22;
	v7 =	vmax.f32 v7, v4;
	v10 =	vmul.f32 $1.442695020e+00, v10  }
0x29d: {  	s18 =	sor.u32 s18, s14;
	s13 =	sand.u32 $0x70, s23;
	v4 =	vmul.f32 $1.428571490e-01, v6;
	v11 =	vmin.f32 v9, v8;
	v9 =	vmax.f32 v9, v8  }
0x29e: {  	s18 =	sor.u32 s13, s18;
	v2 =	vsel vm1, v8, v5;
	v5 =	vmax.f32 v7, v11;
	v7 =	vld [tilespmem:s17+$0xC000];
	(erf) = vpow2.f32 v10  }
0x29f: {  	s20 =	simm.s32 $0x40;
	s19 =	simm.s32 $0x2;
	v6 =	vmax.f32 v9, v4;
	v9 =	vmin.f32 v9, v4;
	s17 =	sor.u32 s15, s18  }
0x2a0: {  	s13 =	simm.s32 $0x3;
	vm1 =	veq.s32 v1, s19;
	v11 =	vmul.f32 $5.000000070e-02, v4;
	s18 =	simm.s32 $0x4;
	s19 =	simm.s32 $0x200;
	v8 =	vimm.f32 $0.0e+00;
	v10 =	vld [tilespmem:s17+$0x8000]  }
.LBB2_35:
0x2a1: {  	s21 =	sand.u32 $0x1C00, s19  }
0x2a2: {  	p0 =	sne.s32 s18, $0x3D;
	v2 =	vsel vm1, v4, v2;
	v5 =	vmax.f32 v5, v9;
	v4 =	vpop (erf);
	s22 =	smov.u32 s18;
	s18 =	sadd.s32 $0x1, s18  }
.Ltmp16:
0x2a3: {  	s23 =	sand.u32 $0x70, s20;
	s21 =	sor.u32 s21, s14;
	v9 =	vmul.f32 $1.442695020e+00, v11;
	v3 =	vadd.f32 v4, v3;
	v11 =	vmul.f32 v4, v7;
	(pc) =	sbr.rel @p0 .LBB2_35-.Ltmp16, $4  }
0x2a4: {  	s21 =	sor.u32 s23, s21;
	v7 =	vld [tilespmem:s12+$0xC000];
	s12 =	smov.u32 s16;
	s16 =	smov.u32 s17  }
0x2a5: {  	s17 =	sor.u32 s15, s21;
	v4 =	vmul.f32 $1.428571490e-01, v10;
	(erf) = vpow2.f32 v9;
	v8 =	vadd.f32 v11, v8  }
0x2a6: {  	vm1 =	veq.s32 v1, s13;
	s13 =	smov.u32 s22;
	v10 =	vld [tilespmem:s17+$0x8000]  }
0x2a7: {  	s19 =	sadd.s32 $0x80, s19;
	s20 =	sadd.s32 $0x10, s20;
	v11 =	vmul.f32 $5.000000070e-02, v4;
	v9 =	vmin.f32 v6, v4;
	v6 =	vmax.f32 v6, v4  }
0x2a8: {  	s10 =	sor.u32 s10, s15  }
0x2a9: {  	s14 =	sor.u32 $0x1C50, s10  }
0x2aa: {  	s10 =	sor.u32 $0x1C60, s10;
	v12 =	vld [tilespmem:s14+$0x8000]  }
0x2ab: {  	v13 =	vld.msk [tilespmem:s10+$0x8000], $0xff;
	_ =	sdelay $0x4  }
0x2ac: {  	v12 =	vmul.f32 $1.428571490e-01, v12;
	v13 =	vmul.f32 $1.428571490e-01, v13  }
0x2ad: {  	v10 =	vmul.f32 $1.428571490e-01, v10  }
0x2ae: {  	v12 =	vperm.xlane v12, v0;
	v13 =	vperm.xlane v13, v0  }
0x2af: {  	v11 =	vmul.f32 $1.442695020e+00, v11  }
0x2b0: {  	v14 =	vmul.f32 $5.000000070e-02, v10;
	v12 =	vsel vm0, v12, v13  }
0x2b1: {  	(erf) = vpow2.f32 v11;
	v13 =	vsel vm0, $0xF149F2CA, v12  }
0x2b2: {  	v47 =	vmul.f32 $1.442695020e+00, v14;
	v48 =	vmul.f32 $5.000000070e-02, v13;
	_ =	sdelay $0x1  }
0x2b3: {  	v49 =	vld [tilespmem:s12+$0xC000];
	(erf) = vpow2.f32 v47;
	v11 =	vmul.f32 $1.442695020e+00, v48  }
0x2b4: {  	v16 =	vld [tilespmem:s16+$0xC000]  }
0x2b5: {  	v15 =	vpop (erf);
	v18 =	vld [tilespmem:s14+$0xC000];
	(erf) = vpow2.f32 v11  }
0x2b6: {  	v7 =	vmul.f32 v15, v7;
	v52 =	vld.msk [tilespmem:s10+$0xC000], $0xff  }
0x2b7: {  	v5 =	vmax.f32 v5, v9;
	v2 =	vsel vm1, v4, v2  }
0x2b8: {  	v17 =	vld [tilespmem:s17+$0xC000];
	vm1 =	veq.s32 v1, s13;
	v3 =	vadd.f32 v15, v3;
	v7 =	vadd.f32 v7, v8;
	v50 =	vpop (erf)  }
0x2b9: {  	v57 =	vmin.f32 v6, v10;
	v59 =	vmax.f32 v6, v10;
	v51 =	vmul.f32 v50, v49  }
0x2ba: {  	v2 =	vsel vm1, v10, v2;
	v3 =	vadd.f32 v50, v3;
	v58 =	vperm.xlane v18, v0;
	v53 =	vpop (erf)  }
0x2bb: {  	v14 =	vperm.xlane v52, v0;
	v7 =	vadd.f32 v51, v7;
	v54 =	vmul.f32 v53, v16  }
0x2bc: {  	vm1 =	veq.s32 v1, $0x3E;
	v5 =	vmax.f32 v5, v57;
	v3 =	vadd.f32 v53, v3;
	v55 =	vpop (erf)  }
0x2bd: {  	s23 =	sshll.u32 s9, $0x4;
	s9 =	sadd.s32 $0x1, s9;
	v60 =	vsel vm0, v58, v14;
	v7 =	vadd.f32 v54, v7;
	v56 =	vmul.f32 v55, v17  }
0x2be: {  	p0 =	sne.s32 s9, $0x10;
	v1 =	vsel vm1, v12, v2;
	v62 =	vmax.f32 v59, v13;
	v3 =	vadd.f32 v55, v3;
	v61 =	vpop (erf)  }
.Ltmp17:
0x2bf: {  	v6 =	vmin.f32 v59, v13;
	[tilespmem:s23+$0x12F00] =	vst v1;
	v7 =	vadd.f32 v56, v7;
	v8 =	vmul.f32 v60, v61;
	(pc) =	sbr.rel @p0 .LBB2_34-.Ltmp17, $4  }
0x2c0: {  	v5 =	vmax.f32 v5, v6;
	[tilespmem:s23+$0x10F00] =	vst v62;
	v3 =	vadd.f32 v61, v3  }
0x2c1: {  	[tilespmem:s23+$0x11700] =	vst v5;
	v63 =	vadd.f32 v8, v7  }
0x2c2: {  	[tilespmem:s23+$0x11F00] =	vst v3  }
0x2c3: {  	[tilespmem:s23+$0x12700] =	vst v63  }
0x2c4: {  	s9 =	simm.s32 $0x0;
	s10 =	rddreg [dreg:$0x13];
	s11 =	simm.s32 $0x10800  }
0x2c5: {  	[hbm4b:s10+s9] =	stream.linear.scatter [tilespmem:s11], [sflag:$0x1], $0x800, $0x38;
	[tilespmem:$0x13300] =	vst v63  }
0x2c6: {  	_ =	swait.ge [sflag:s6], $0x800  }
0x2c7: {  	[sflag:s6] =	ssyncset.done $0x0  }
0x2c8: {  	s23 =	simm.s32 $0x11000;
	s22 =	rddreg [dreg:$0x14];
	[sflag:s6] =	ssyncadd.s32 $0xFFFFF800  }
0x2c9: {  	[hbm4b:s22+s9] =	stream.linear.scatter [tilespmem:s23], [sflag:$0x1], $0x800, $0x38;
	[tilespmem:$0x13300] =	vst v63  }
0x2ca: {  	_ =	swait.ge [sflag:s6], $0x800  }
0x2cb: {  	[sflag:s6] =	ssyncset.done $0x0  }
0x2cc: {  	s13 =	simm.s32 $0x11800;
	s12 =	rddreg [dreg:$0x15];
	[sflag:s6] =	ssyncadd.s32 $0xFFFFF800  }
0x2cd: {  	[hbm4b:s12+s9] =	stream.linear.scatter [tilespmem:s13], [sflag:$0x1], $0x800, $0x38;
	[tilespmem:$0x13300] =	vst v63  }
0x2ce: {  	_ =	swait.ge [sflag:s6], $0x800  }
0x2cf: {  	[sflag:s6] =	ssyncset.done $0x0  }
0x2d0: {  	s15 =	simm.s32 $0x12000;
	s14 =	rddreg [dreg:$0x16];
	[sflag:s6] =	ssyncadd.s32 $0xFFFFF800  }
0x2d1: {  	[hbm4b:s14+s9] =	stream.linear.scatter [tilespmem:s15], [sflag:$0x1], $0x800, $0x38;
	[tilespmem:$0x13300] =	vst v63  }
0x2d2: {  	_ =	swait.ge [sflag:s6], $0x800  }
0x2d3: {  	[sflag:s6] =	ssyncset.done $0x0  }
0x2d4: {  	s17 =	simm.s32 $0x12800;
	s16 =	rddreg [dreg:$0x17];
	[sflag:s6] =	ssyncadd.s32 $0xFFFFF800  }
0x2d5: {  	[hbm4b:s16+s9] =	stream.linear.scatter [tilespmem:s17], [sflag:$0x1], $0x800, $0x38;
	[tilespmem:$0x13300] =	vst v63  }
0x2d6: {  	_ =	swait.ge [sflag:s6], $0x800  }
0x2d7: {  	[sflag:s6] =	ssyncset.done $0x0  }
0x2d8: {  	s18 =	simm.s32 $0x13000;
	[sflag:s6] =	ssyncadd.s32 $0xFFFFF800  }
0x2d9: {  	[hbm4b:s31+s9] =	stream.linear.scatter [tilespmem:s18], [sflag:$0x1], $0x100, $0x38;
	[tilespmem:$0x13300] =	vst v63  }
0x2da: {  	_ =	swait.ge [sflag:s6], $0x100  }
0x2db: {  	[sflag:s6] =	ssyncset.done $0x0  }
0x2dc: {  	s19 =	simm.s32 $0x13100;
	[sflag:s6] =	ssyncadd.s32 $0xFFFFFF00  }
0x2dd: {  	[hbm4b:s0+s9] =	stream.linear.scatter [tilespmem:s19], [sflag:$0x1], $0x100, $0x38;
	[tilespmem:$0x13300] =	vst v63  }
0x2de: {  	_ =	swait.ge [sflag:s6], $0x100  }
0x2df: {  	[sflag:s6] =	ssyncset.done $0x0  }
0x2e0: {  	s20 =	simm.s32 $0x13200;
	[sflag:s6] =	ssyncadd.s32 $0xFFFFFF00  }
0x2e1: {  	[hbm4b:s1+s9] =	stream.linear.scatter [tilespmem:s20], [sflag:$0x1], $0x100, $0x38;
	[tilespmem:$0x13300] =	vst v63  }
0x2e2: {  	_ =	swait.ge [sflag:s6], $0x100  }
0x2e3: {  	[sflag:s6] =	ssyncset.done $0x0  }
0x2e4: {  	s21 =	rddreg [dreg:$0xa];
	[sflag:s6] =	ssyncadd.s32 $0xFFFFFF00  }
0x2e5: {  	[tilespmem:s9], [sflag:$0x1] =	stream.linear.gather [hbm4b:s21+s9], $0x4000, $0x38;
	[tilespmem:$0x13300] =	vst v63  }
0x2e6: {  	_ =	swait.ge [sflag:s6], $0x4000  }
0x2e7: {  	[sflag:s6] =	ssyncset.done $0x0  }
0x2e8: {  	s23 =	simm.s32 $0x10000;
	s22 =	rddreg [dreg:$0x18];
	[sflag:s6] =	ssyncadd.s32 $0xFFFFC000  }
0x2e9: {  	[tilespmem:s23], [sflag:$0x1] =	stream.linear.gather [hbm4b:s22+s9], $0x800, $0x38;
	[tilespmem:$0x13300] =	vst v63  }
0x2ea: {  	_ =	swait.ge [sflag:s6], $0x800  }
0x2eb: {  	[sflag:s6] =	ssyncset.done $0x0  }
0x2ec: {  	s10 =	simm.s32 $0x0;
	[sflag:s6] =	ssyncadd.s32 $0xFFFFF800  }
.LBB2_38:
0x2ed: {  	s11 =	sshll.u32 s10, $0xA  }
0x2ee: {  	s12 =	sshll.u32 s10, $0x7;
	s14 =	sand.u32 $0x1C00, s9;
	s13 =	sand.u32 $0x2000, s11  }
0x2ef: {  	s16 =	sand.u32 $0x70, s9;
	s19 =	simm.s32 $0x80;
	s17 =	sor.u32 s14, s13  }
0x2f0: {  	s15 =	sand.u32 $0x3FFFFF80, s12;
	s14 =	sand.u32 $0x380, s12;
	s18 =	sor.u32 s16, s17  }
0x2f1: {  	s20 =	simm.s32 $0x10;
	v1 =	vld [tilespmem:s15+$0x10000];
	s16 =	sand.u32 $0x1C00, s19;
	s12 =	sor.u32 s14, s18  }
0x2f2: {  	s15 =	sand.u32 $0x70, s20;
	s16 =	sor.u32 s16, s13;
	v2 =	vld [tilespmem:s12+$0x0]  }
0x2f3: {  	s15 =	sor.u32 s15, s16  }
0x2f4: {  	s19 =	sor.u32 s14, s15  }
0x2f5: {  	v3 =	vld [tilespmem:s19+$0x0];
	_ =	sdelay $0x1  }
0x2f6: {  	v1 =	vshra.s32 v1, $0x4;
	v5 =	vmul.f32 $5.000000070e-02, v2;
	v6 =	vmul.f32 $1.442695020e+00, v2  }
0x2f7: {  	v4 =	vimm.f32 $0.0e+00;
	vm1 =	veq.s32 v1, s9  }
0x2f8: {  	s21 =	simm.s32 $0x100;
	v7 =	vsel vm1, v2, v4;
	v2 =	vmul.f32 $1.442695020e+00, v5;
	(erf) = vpow2.f32 v6  }
0x2f9: {  	s22 =	simm.s32 $0x20;
	s15 =	sand.u32 $0x1C00, s21;
	v8 =	vmul.f32 $1.442695020e+00, v3  }
0x2fa: {  	s16 =	sand.u32 $0x70, s22;
	s15 =	sor.u32 s15, s13;
	(erf) = vpow2.f32 v2  }
0x2fb: {  	s23 =	simm.s32 $0x1;
	s15 =	sor.u32 s16, s15;
	[tilespmem:s12+$0xC000] =	vst v5;
	v5 =	vmul.f32 $5.000000070e-02, v3;
	(erf) = vpow2.f32 v8  }
0x2fc: {  	s17 =	simm.s32 $0x180;
	s15 =	sor.u32 s14, s15;
	vm1 =	veq.s32 v1, s23  }
0x2fd: {  	s18 =	simm.s32 $0x30;
	s16 =	simm.s32 $0x3;
	s12 =	simm.s32 $0x2;
	v3 =	vsel vm1, v3, v7;
	v2 =	vld [tilespmem:s15+$0x0];
	[tilespmem:s19+$0xC000] =	vst v5;
	v6 =	vmul.f32 $1.442695020e+00, v5;
	v5 =	vimm.f32 $0.0e+00  }
.LBB2_39:
0x2fe: {  	s19 =	sand.u32 $0x1C00, s17  }
0x2ff: {  	p0 =	sne.s32 s16, $0x3D;
	s20 =	smov.u32 s16;
	s16 =	sadd.s32 $0x1, s16  }
.Ltmp18:
0x300: {  	s21 =	sand.u32 $0x70, s18;
	s19 =	sor.u32 s19, s13;
	(erf) = vpow2.f32 v6;
	(pc) =	sbr.rel @p0 .LBB2_39-.Ltmp18, $4  }
0x301: {  	vm1 =	veq.s32 v1, s12;
	s12 =	smov.u32 s20;
	s19 =	sor.u32 s21, s19;
	v6 =	vpop (erf)  }
0x302: {  	s19 =	sor.u32 s14, s19;
	v7 =	vmul.f32 $5.000000070e-02, v2;
	v8 =	vmul.f32 $1.442695020e+00, v2;
	v4 =	vadd.f32 v6, v4  }
0x303: {  	v3 =	vsel vm1, v2, v3;
	v2 =	vld [tilespmem:s19+$0x0];
	v9 =	vpop (erf)  }
0x304: {  	s17 =	sadd.s32 $0x80, s17;
	s18 =	sadd.s32 $0x10, s18;
	[tilespmem:s15+$0xC000] =	vst v7;
	v6 =	vmul.f32 $1.442695020e+00, v7;
	(erf) = vpow2.f32 v8;
	v5 =	vadd.f32 v9, v5;
	s15 =	smov.u32 s19  }
0x305: {  	_ =	sdelay $0x2  }
0x306: {  	v7 =	vmul.f32 $5.000000070e-02, v2  }
0x307: {  	s11 =	sor.u32 s11, s14  }
0x308: {  	s13 =	sor.u32 $0x1C60, s11;
	[tilespmem:s15+$0xC000] =	vst v7  }
0x309: {  	v8 =	vld.msk [tilespmem:s13+$0x0], $0xff;
	_ =	sdelay $0x3  }
0x30a: {  	(erf) = vpow2.f32 v6;
	v9 =	vmul.f32 $1.442695020e+00, v2  }
0x30b: {  	v53 =	vmul.f32 $1.442695020e+00, v7;
	v54 =	vmul.f32 $5.000000070e-02, v8  }
0x30c: {  	(erf) = vpow2.f32 v9;
	v55 =	vmul.f32 $1.442695020e+00, v8  }
0x30d: {  	(erf) = vpow2.f32 v53;
	v56 =	vmul.f32 $1.442695020e+00, v54  }
0x30e: {  	(erf) = vpow2.f32 v55  }
0x30f: {  	(erf) = vpow2.f32 v56;
	_ =	sdelay $0x1  }
0x310: {  	v57 =	vpop (erf);
	s11 =	sor.u32 $0x1C50, s11  }
0x311: {  	v58 =	vpop (erf);
	v12 =	vld [tilespmem:s11+$0x0]  }
0x312: {  	v10 =	vpop (erf)  }
0x313: {  	v11 =	vpop (erf)  }
0x314: {  	vm1 =	veq.s32 v1, s12;
	v4 =	vadd.f32 v57, v4;
	v59 =	vpop (erf)  }
0x315: {  	v2 =	vsel vm1, v2, v3;
	v5 =	vadd.f32 v58, v5;
	v13 =	vpop (erf)  }
0x316: {  	v4 =	vadd.f32 v10, v4;
	v62 =	vmul.f32 $5.000000070e-02, v12;
	v63 =	vperm.xlane v12, v0;
	v60 =	vpop (erf)  }
0x317: {  	s23 =	sshll.u32 s10, $0x4;
	s10 =	sadd.s32 $0x1, s10;
	v5 =	vadd.f32 v11, v5;
	v8 =	vperm.xlane v8, v0;
	v9 =	vperm.xlane v60, v0;
	v61 =	vpop (erf)  }
0x318: {  	p0 =	sne.s32 s10, $0x10;
	vm1 =	veq.s32 v1, $0x3E;
	v4 =	vadd.f32 v59, v4;
	v6 =	vperm.xlane v61, v0  }
.Ltmp19:
0x319: {  	[tilespmem:s11+$0xC000] =	vst v62;
	v3 =	vsel vm0, v63, v8;
	v5 =	vadd.f32 v13, v5;
	v9 =	vsel vm0, $0x0, v9;
	(pc) =	sbr.rel @p0 .LBB2_38-.Ltmp19, $4  }
0x31a: {  	[tilespmem:s13+$0xC000] =	vst.msk $0xff, v54;
	v1 =	vsel vm1, v3, v2;
	v4 =	vadd.f32 v9, v4;
	v6 =	vsel vm0, $0x0, v6  }
0x31b: {  	[tilespmem:s23+$0x13000] =	vst v1;
	v5 =	vadd.f32 v6, v5  }
0x31c: {  	[tilespmem:s23+$0x13100] =	vst v4  }
0x31d: {  	[tilespmem:s23+$0x13200] =	vst v5  }
0x31e: {  	s9 =	simm.s32 $0x0;
	s10 =	rddreg [dreg:$0xb]  }
0x31f: {  	[tilespmem:s7], [sflag:$0x1] =	stream.linear.gather [hbm4b:s10+s9], $0x4000, $0x38;
	[tilespmem:$0x13300] =	vst v63  }
0x320: {  	_ =	swait.ge [sflag:s6], $0x4000  }
0x321: {  	[sflag:s6] =	ssyncset.done $0x0  }
0x322: {  	s10 =	simm.s32 $0x0;
	[sflag:s6] =	ssyncadd.s32 $0xFFFFC000  }
.LBB2_42:
0x323: {  	s11 =	sshll.u32 s10, $0xA  }
0x324: {  	s13 =	sand.u32 $0x1C00, s9;
	s12 =	sand.u32 $0x2000, s11  }
0x325: {  	s14 =	sshll.u32 s10, $0x7;
	s15 =	sand.u32 $0x70, s9;
	s16 =	sor.u32 s13, s12  }
0x326: {  	s13 =	sand.u32 $0x380, s14;
	s15 =	sor.u32 s15, s16  }
0x327: {  	s17 =	sor.u32 s13, s15  }
0x328: {  	v3 =	vld [tilespmem:s17+$0x4000]  }
0x329: {  	s22 =	simm.s32 $0x80  }
0x32a: {  	s23 =	simm.s32 $0x10;
	s15 =	sand.u32 $0x1C00, s22  }
0x32b: {  	s16 =	sand.u32 $0x70, s23;
	s15 =	sor.u32 s15, s12  }
0x32c: {  	s14 =	sand.u32 $0x3FFFFF80, s14;
	s16 =	sor.u32 s16, s15  }
0x32d: {  	v1 =	vld [tilespmem:s14+$0x10000];
	s16 =	sor.u32 s13, s16;
	[tilespmem:s17+$0x8000] =	vst v3;
	v2 =	vmul.f32 $5.000000070e-02, v3  }
0x32e: {  	v4 =	vld [tilespmem:s16+$0x4000]  }
0x32f: {  	s18 =	simm.s32 $0x100;
	v2 =	vmul.f32 $1.442695020e+00, v2  }
0x330: {  	s19 =	simm.s32 $0x20;
	s14 =	sand.u32 $0x1C00, s18  }
0x331: {  	s14 =	sor.u32 s14, s12;
	s15 =	sand.u32 $0x70, s19;
	(erf) = vpow2.f32 v2  }
0x332: {  	s14 =	sor.u32 s15, s14  }
0x333: {  	v1 =	vshra.s32 v1, $0x4;
	s15 =	sor.u32 s13, s14;
	[tilespmem:s16+$0x8000] =	vst v4  }
0x334: {  	v5 =	vimm.f32 $-Inf;
	vm1 =	veq.s32 v1, s9;
	v6 =	vmul.f32 $5.000000070e-02, v4;
	v7 =	vld [tilespmem:s15+$0x4000]  }
0x335: {  	v8 =	vmax.f32 v5, v3;
	v9 =	vmin.f32 v5, v3;
	v2 =	vimm.f32 $0.0e+00  }
0x336: {  	s20 =	simm.s32 $0x1;
	s18 =	simm.s32 $0x180;
	v5 =	vmax.f32 v5, v9;
	v3 =	vsel vm1, v3, v2;
	v10 =	vld [tilespmem:s17+$0xC000];
	v6 =	vmul.f32 $1.442695020e+00, v6  }
0x337: {  	s21 =	simm.s32 $0x30;
	s23 =	simm.s32 $0x2;
	s22 =	sand.u32 $0x1C00, s18;
	vm1 =	veq.s32 v1, s20;
	v9 =	vmax.f32 v8, v4;
	v8 =	vmin.f32 v8, v4  }
0x338: {  	s14 =	sand.u32 $0x70, s21;
	v3 =	vsel vm1, v4, v3;
	vm1 =	veq.s32 v1, s23;
	s17 =	sor.u32 s22, s12;
	(erf) = vpow2.f32 v6  }
0x339: {  	v4 =	vmax.f32 v5, v8;
	s17 =	sor.u32 s14, s17;
	v8 =	vmul.f32 $5.000000070e-02, v7;
	v6 =	vmin.f32 v9, v7  }
0x33a: {  	s18 =	simm.s32 $0x4;
	s17 =	sor.u32 s13, s17;
	[tilespmem:s15+$0x8000] =	vst v7;
	v5 =	vmax.f32 v9, v7;
	v3 =	vsel vm1, v7, v3;
	v6 =	vmax.f32 v4, v6;
	v11 =	vpop (erf)  }
0x33b: {  	s19 =	simm.s32 $0x200;
	s20 =	simm.s32 $0x40;
	s14 =	simm.s32 $0x3;
	v4 =	vld [tilespmem:s17+$0x4000];
	v9 =	vmul.f32 $1.442695020e+00, v8;
	v7 =	vadd.f32 v11, v2;
	v8 =	vmul.f32 v11, v10  }
.LBB2_43:
0x33c: {  	s21 =	sand.u32 $0x1C00, s19;
	p0 =	sne.s32 s18, $0x3D;
	s22 =	smov.u32 s18  }
0x33d: {  	v10 =	vld [tilespmem:s16+$0xC000];
	s18 =	sadd.s32 $0x1, s18;
	s16 =	smov.u32 s15;
	s15 =	smov.u32 s17  }
.Ltmp20:
0x33e: {  	s17 =	sand.u32 $0x70, s20;
	s21 =	sor.u32 s21, s12;
	(erf) = vpow2.f32 v9;
	v2 =	vadd.f32 v8, v2;
	(pc) =	sbr.rel @p0 .LBB2_43-.Ltmp20, $4  }
0x33f: {  	vm1 =	veq.s32 v1, s14;
	s14 =	smov.u32 s22;
	s17 =	sor.u32 s17, s21  }
0x340: {  	s17 =	sor.u32 s13, s17;
	[tilespmem:s15+$0x8000] =	vst v4;
	v8 =	vmul.f32 $5.000000070e-02, v4;
	v9 =	vmin.f32 v5, v4;
	v5 =	vmax.f32 v5, v4  }
0x341: {  	v3 =	vsel vm1, v4, v3;
	v4 =	vld [tilespmem:s17+$0x4000];
	v6 =	vmax.f32 v6, v9;
	v11 =	vpop (erf)  }
0x342: {  	s19 =	sadd.s32 $0x80, s19;
	s20 =	sadd.s32 $0x10, s20;
	v9 =	vmul.f32 $1.442695020e+00, v8;
	v7 =	vadd.f32 v11, v7;
	v8 =	vmul.f32 v11, v10  }
0x343: {  	_ =	sdelay $0x1  }
0x344: {  	s11 =	sor.u32 s11, s13  }
0x345: {  	v10 =	vld [tilespmem:s16+$0xC000];
	s12 =	sor.u32 $0x1C50, s11;
	[tilespmem:s17+$0x8000] =	vst v4  }
0x346: {  	s11 =	sor.u32 $0x1C60, s11;
	v11 =	vld [tilespmem:s12+$0x4000]  }
0x347: {  	v12 =	vld.msk [tilespmem:s11+$0x4000], $0xff;
	_ =	sdelay $0x4  }
0x348: {  	v14 =	vperm.xlane v11, v0;
	v15 =	vperm.xlane v12, v0;
	_ =	sdelay $0x1  }
0x349: {  	v13 =	vmul.f32 $5.000000070e-02, v4;
	v47 =	vsel vm0, v14, v15  }
0x34a: {  	(erf) = vpow2.f32 v9;
	v14 =	vsel vm0, $0xF149F2CA, v47  }
0x34b: {  	v46 =	vmul.f32 $1.442695020e+00, v13;
	v48 =	vmul.f32 $5.000000070e-02, v14;
	_ =	sdelay $0x1  }
0x34c: {  	(erf) = vpow2.f32 v46;
	v9 =	vmul.f32 $1.442695020e+00, v48  }
0x34d: {  	v16 =	vld [tilespmem:s17+$0xC000]  }
0x34e: {  	v49 =	vld [tilespmem:s15+$0xC000];
	[tilespmem:s12+$0x8000] =	vst v11;
	(erf) = vpow2.f32 v9  }
0x34f: {  	[tilespmem:s11+$0x8000] =	vst.msk $0xff, v12;
	v53 =	vld.msk [tilespmem:s11+$0xC000], $0xff  }
0x350: {  	v51 =	vld [tilespmem:s12+$0xC000]  }
0x351: {  	vm1 =	veq.s32 v1, s14;
	v2 =	vadd.f32 v8, v2;
	v50 =	vpop (erf)  }
0x352: {  	v58 =	vmin.f32 v5, v4;
	v59 =	vmax.f32 v5, v4;
	v52 =	vmul.f32 v50, v10  }
0x353: {  	v3 =	vsel vm1, v4, v3;
	vm1 =	veq.s32 v1, $0x3E;
	v7 =	vadd.f32 v50, v7;
	v54 =	vpop (erf)  }
0x354: {  	v6 =	vmax.f32 v6, v58;
	v2 =	vadd.f32 v52, v2;
	v55 =	vmul.f32 v54, v49  }
0x355: {  	v7 =	vadd.f32 v54, v7;
	v10 =	vperm.xlane v53, v0;
	v56 =	vpop (erf);
	v11 =	vperm.xlane v51, v0  }
0x356: {  	s23 =	sshll.u32 s10, $0x4;
	s10 =	sadd.s32 $0x1, s10;
	v1 =	vsel vm1, v47, v3;
	v2 =	vadd.f32 v55, v2;
	v57 =	vmul.f32 v56, v16  }
0x357: {  	p0 =	sne.s32 s10, $0x10;
	v62 =	vmax.f32 v59, v14;
	v7 =	vadd.f32 v56, v7;
	v60 =	vsel vm0, v11, v10;
	v61 =	vpop (erf)  }
.Ltmp21:
0x358: {  	v5 =	vmin.f32 v59, v14;
	[tilespmem:s23+$0x12800] =	vst v1;
	v2 =	vadd.f32 v57, v2;
	v8 =	vmul.f32 v60, v61;
	(pc) =	sbr.rel @p0 .LBB2_42-.Ltmp21, $4  }
0x359: {  	v5 =	vmax.f32 v6, v5;
	[tilespmem:s23+$0x10800] =	vst v62;
	v63 =	vadd.f32 v61, v7  }
0x35a: {  	[tilespmem:s23+$0x11000] =	vst v5;
	v2 =	vadd.f32 v8, v2  }
0x35b: {  	[tilespmem:s23+$0x11800] =	vst v63  }
0x35c: {  	[tilespmem:s23+$0x12000] =	vst v2  }
0x35d: {  	s9 =	simm.s32 $0x0;
	s10 =	rddreg [dreg:$0xc]  }
0x35e: {  	[tilespmem:s7], [sflag:$0x1] =	stream.linear.gather [hbm4b:s10+s9], $0x4000, $0x38;
	[tilespmem:$0x13300] =	vst v63  }
0x35f: {  	_ =	swait.ge [sflag:s6], $0x4000  }
0x360: {  	[sflag:s6] =	ssyncset.done $0x0  }
0x361: {  	s10 =	simm.s32 $0x0;
	[sflag:s6] =	ssyncadd.s32 $0xFFFFC000  }
.LBB2_46:
0x362: {  	s14 =	sshll.u32 s10, $0xA  }
0x363: {  	s11 =	sand.u32 $0x1C00, s9;
	s16 =	sand.u32 $0x2000, s14  }
0x364: {  	s12 =	sshll.u32 s10, $0x7;
	s13 =	sand.u32 $0x70, s9;
	s11 =	sor.u32 s11, s16  }
0x365: {  	s15 =	sand.u32 $0x380, s12;
	s11 =	sor.u32 s13, s11  }
0x366: {  	s20 =	sor.u32 s15, s11  }
0x367: {  	v2 =	vld [tilespmem:s20+$0x4000]  }
0x368: {  	v1 =	vld [tilespmem:s20+$0x8000]  }
0x369: {  	s18 =	simm.s32 $0x80  }
0x36a: {  	s19 =	simm.s32 $0x10;
	s11 =	sand.u32 $0x1C00, s18  }
0x36b: {  	s21 =	sand.u32 $0x70, s19;
	s11 =	sor.u32 s11, s16  }
0x36c: {  	s12 =	sand.u32 $0x3FFFFF80, s12;
	s11 =	sor.u32 s21, s11;
	v4 =	vmul.f32 $5.000000070e-02, v2  }
0x36d: {  	v3 =	vld [tilespmem:s12+$0x10000];
	s17 =	sor.u32 s15, s11;
	v1 =	vadd.f32 v1, v2  }
0x36e: {  	v7 =	vld [tilespmem:s17+$0x4000];
	v4 =	vmul.f32 $1.442695020e+00, v4  }
0x36f: {  	[tilespmem:s20+$0x8000] =	vst v1  }
0x370: {  	v6 =	vimm.f32 $-Inf;
	v5 =	vld [tilespmem:s17+$0x8000];
	(erf) = vpow2.f32 v4  }
0x371: {  	v9 =	vmin.f32 v6, v2  }
0x372: {  	s18 =	simm.s32 $0x100;
	v8 =	vmax.f32 v6, v2;
	v9 =	vmax.f32 v6, v9;
	v1 =	vshra.s32 v3, $0x4  }
0x373: {  	s22 =	simm.s32 $0x1;
	s19 =	simm.s32 $0x20;
	s23 =	sand.u32 $0x1C00, s18;
	v3 =	vimm.f32 $0.0e+00;
	vm1 =	veq.s32 v1, s9;
	v11 =	vmul.f32 $5.000000070e-02, v7  }
0x374: {  	s21 =	sand.u32 $0x70, s19;
	s12 =	sor.u32 s23, s16;
	v6 =	vld [tilespmem:s20+$0xC000];
	v12 =	vmin.f32 v8, v7;
	v2 =	vsel vm1, v2, v3;
	vm1 =	veq.s32 v1, s22  }
0x375: {  	s13 =	simm.s32 $0x2;
	s11 =	simm.s32 $0x3;
	s21 =	sor.u32 s21, s12;
	v4 =	vmax.f32 v8, v7;
	v8 =	vld [tilespmem:s17+$0xC000];
	v2 =	vsel vm1, v7, v2;
	v10 =	vadd.f32 v5, v7  }
0x376: {  	s12 =	simm.s32 $0x4;
	s21 =	sor.u32 s15, s21;
	s20 =	simm.s32 $0x5;
	v5 =	vmax.f32 v9, v12;
	v9 =	vmul.f32 $1.442695020e+00, v11;
	v7 =	vimm.f32 $0.0e+00  }
.LBB2_47:
0x377: {  	p0 =	sne.s32 s20, $0x3D;
	v11 =	vld [tilespmem:s21+$0x4000];
	[tilespmem:s17+$0x8000] =	vst v10;
	s17 =	smov.u32 s21  }
0x378: {  	v10 =	vld [tilespmem:s17+$0x8000];
	(erf) = vpow2.f32 v9  }
0x379: {  	v12 =	vld [tilespmem:s17+$0xC000];
	v9 =	vpop (erf)  }
.Ltmp22:
0x37a: {  	s18 =	sadd.s32 $0x80, s18;
	v3 =	vadd.f32 v9, v3;
	v9 =	vmul.f32 v6, v9;
	v6 =	vmov v8;
	(pc) =	sbr.rel @p0 .LBB2_47-.Ltmp22, $4  }
0x37b: {  	vm1 =	veq.s32 v1, s13;
	s19 =	sadd.s32 $0x10, s19;
	s13 =	smov.u32 s11;
	s21 =	sand.u32 $0x1C00, s18  }
0x37c: {  	s11 =	smov.u32 s12;
	s22 =	sand.u32 $0x70, s19;
	s21 =	sor.u32 s21, s16;
	v14 =	vmul.f32 $5.000000070e-02, v11;
	v13 =	vmin.f32 v4, v11;
	v4 =	vmax.f32 v4, v11  }
0x37d: {  	s12 =	smov.u32 s20;
	s21 =	sor.u32 s22, s21;
	v7 =	vadd.f32 v9, v7;
	v10 =	vadd.f32 v10, v11;
	v5 =	vmax.f32 v5, v13  }
0x37e: {  	s20 =	sadd.s32 $0x1, s20;
	s21 =	sor.u32 s15, s21;
	v2 =	vsel vm1, v11, v2;
	v9 =	vmul.f32 $1.442695020e+00, v14;
	v8 =	vmov v12  }
0x37f: {  	v11 =	vld [tilespmem:s21+$0x4000];
	[tilespmem:s17+$0x8000] =	vst v10  }
0x380: {  	v10 =	vld [tilespmem:s21+$0x8000];
	_ =	sdelay $0x1  }
0x381: {  	s23 =	sadd.s32 $0x80, s18  }
0x382: {  	s19 =	sadd.s32 $0x10, s19;
	s18 =	sand.u32 $0x1C00, s23  }
0x383: {  	s20 =	sand.u32 $0x70, s19;
	s18 =	sor.u32 s18, s16  }
0x384: {  	s18 =	sor.u32 s20, s18;
	v10 =	vadd.f32 v10, v11  }
0x385: {  	s18 =	sor.u32 s15, s18  }
0x386: {  	v13 =	vld [tilespmem:s18+$0x4000];
	[tilespmem:s21+$0x8000] =	vst v10  }
0x387: {  	v10 =	vld [tilespmem:s18+$0x8000];
	_ =	sdelay $0x1  }
0x388: {  	s17 =	sadd.s32 $0x80, s23  }
0x389: {  	s19 =	sadd.s32 $0x10, s19;
	s17 =	sand.u32 $0x1C00, s17  }
0x38a: {  	s19 =	sand.u32 $0x70, s19;
	s22 =	sor.u32 s17, s16  }
0x38b: {  	s16 =	sor.u32 s19, s22;
	v10 =	vadd.f32 v10, v13  }
0x38c: {  	v12 =	vld [tilespmem:s21+$0xC000];
	s16 =	sor.u32 s15, s16  }
0x38d: {  	v14 =	vld [tilespmem:s16+$0x4000];
	[tilespmem:s18+$0x8000] =	vst v10  }
0x38e: {  	v10 =	vld [tilespmem:s16+$0x8000];
	_ =	sdelay $0x4  }
0x38f: {  	v10 =	vadd.f32 v10, v14  }
0x390: {  	s14 =	sor.u32 s14, s15  }
0x391: {  	s15 =	sor.u32 $0x1C60, s14;
	v15 =	vld [tilespmem:s18+$0xC000];
	[tilespmem:s16+$0x8000] =	vst v10  }
0x392: {  	s14 =	sor.u32 $0x1C50, s14;
	v10 =	vld.msk [tilespmem:s15+$0x4000], $0xff  }
0x393: {  	v17 =	vld [tilespmem:s14+$0x4000]  }
0x394: {  	v18 =	vld.msk [tilespmem:s15+$0x8000], $0xff  }
0x395: {  	v16 =	vmul.f32 $5.000000070e-02, v11;
	_ =	sdelay $0x1  }
0x396: {  	(erf) = vpow2.f32 v9;
	v16 =	vmul.f32 $1.442695020e+00, v16;
	v19 =	vld [tilespmem:s14+$0x8000]  }
0x397: {  	v37 =	vmul.f32 $5.000000070e-02, v13;
	v38 =	vmul.f32 $5.000000070e-02, v14  }
0x398: {  	v17 =	vperm.xlane v17, v0;
	v18 =	vadd.f32 v18, v10;
	v10 =	vperm.xlane v10, v0  }
0x399: {  	(erf) = vpow2.f32 v16  }
0x39a: {  	v9 =	vmul.f32 $1.442695020e+00, v37;
	v39 =	vmul.f32 $1.442695020e+00, v38;
	v10 =	vsel vm0, v17, v10  }
0x39b: {  	v40 =	vperm.xlane v19, v0;
	v41 =	vperm.xlane v18, v0;
	v42 =	vsel vm0, $0xF149F2CA, v10  }
0x39c: {  	vm1 =	veq.s32 v1, s13;
	v45 =	vpop (erf);
	(erf) = vpow2.f32 v9;
	v44 =	vmul.f32 $5.000000070e-02, v42  }
0x39d: {  	v6 =	vmul.f32 v6, v45;
	(erf) = vpow2.f32 v39;
	v43 =	vsel vm0, v40, v41  }
0x39e: {  	v3 =	vadd.f32 v45, v3;
	v9 =	vperm.xlane v43, v0;
	v16 =	vmul.f32 $1.442695020e+00, v44  }
0x39f: {  	v6 =	vadd.f32 v6, v7;
	v50 =	vmin.f32 v4, v11;
	v54 =	vmax.f32 v4, v11  }
0x3a0: {  	v2 =	vsel vm1, v11, v2;
	vm1 =	veq.s32 v1, s11;
	v47 =	vpop (erf);
	v46 =	vld [tilespmem:s16+$0xC000];
	[tilespmem:s14+$0x8000] =	vst v9;
	(erf) = vpow2.f32 v16  }
0x3a1: {  	v5 =	vmax.f32 v5, v50;
	v55 =	vmin.f32 v54, v13;
	v48 =	vmul.f32 v8, v47;
	[tilespmem:s15+$0x8000] =	vst.msk $0xff, v9;
	v52 =	vld.msk [tilespmem:s15+$0xC000], $0xff  }
0x3a2: {  	v4 =	vmax.f32 v54, v13;
	v2 =	vsel vm1, v13, v2;
	v3 =	vadd.f32 v47, v3;
	v9 =	vld [tilespmem:s14+$0xC000]  }
0x3a3: {  	vm1 =	veq.s32 v1, s12;
	v5 =	vmax.f32 v5, v55;
	v6 =	vadd.f32 v48, v6;
	v49 =	vpop (erf)  }
0x3a4: {  	v59 =	vmin.f32 v4, v14;
	v51 =	vmul.f32 v12, v49;
	v3 =	vadd.f32 v49, v3  }
0x3a5: {  	v4 =	vmax.f32 v4, v14;
	v2 =	vsel vm1, v14, v2;
	vm1 =	veq.s32 v1, $0x3E;
	v53 =	vpop (erf)  }
0x3a6: {  	v6 =	vadd.f32 v51, v6;
	v56 =	vmul.f32 v15, v53;
	v3 =	vadd.f32 v53, v3  }
0x3a7: {  	v5 =	vmax.f32 v5, v59;
	v57 =	vpop (erf);
	v12 =	vperm.xlane v52, v0;
	v9 =	vperm.xlane v9, v0  }
0x3a8: {  	s23 =	sshll.u32 s10, $0x4;
	s10 =	sadd.s32 $0x1, s10;
	v6 =	vadd.f32 v56, v6;
	v58 =	vmul.f32 v46, v57;
	v3 =	vadd.f32 v57, v3  }
0x3a9: {  	p0 =	sne.s32 s10, $0x10;
	v62 =	vmax.f32 v4, v42;
	v4 =	vmin.f32 v4, v42;
	v60 =	vsel vm0, v9, v12;
	v61 =	vpop (erf)  }
.Ltmp23:
0x3aa: {  	v6 =	vadd.f32 v58, v6;
	v4 =	vmax.f32 v5, v4;
	[tilespmem:s23+$0x10900] =	vst v62;
	v7 =	vmul.f32 v60, v61;
	(pc) =	sbr.rel @p0 .LBB2_46-.Ltmp23, $4  }
0x3ab: {  	v1 =	vsel vm1, v10, v2;
	[tilespmem:s23+$0x11100] =	vst v4;
	v3 =	vadd.f32 v61, v3  }
0x3ac: {  	[tilespmem:s23+$0x12900] =	vst v1;
	v63 =	vadd.f32 v7, v6  }
0x3ad: {  	[tilespmem:s23+$0x11900] =	vst v3  }
0x3ae: {  	[tilespmem:s23+$0x12100] =	vst v63  }
0x3af: {  	s9 =	simm.s32 $0x0;
	s10 =	rddreg [dreg:$0xd]  }
0x3b0: {  	[tilespmem:s7], [sflag:$0x1] =	stream.linear.gather [hbm4b:s10+s9], $0x4000, $0x38;
	[tilespmem:$0x13300] =	vst v63  }
0x3b1: {  	_ =	swait.ge [sflag:s6], $0x4000  }
0x3b2: {  	[sflag:s6] =	ssyncset.done $0x0  }
0x3b3: {  	s10 =	simm.s32 $0x0;
	[sflag:s6] =	ssyncadd.s32 $0xFFFFC000  }
.LBB2_50:
0x3b4: {  	s14 =	sshll.u32 s10, $0xA  }
0x3b5: {  	s11 =	sand.u32 $0x1C00, s9;
	s16 =	sand.u32 $0x2000, s14  }
0x3b6: {  	s12 =	sshll.u32 s10, $0x7;
	s13 =	sand.u32 $0x70, s9;
	s11 =	sor.u32 s11, s16  }
0x3b7: {  	s15 =	sand.u32 $0x380, s12;
	s11 =	sor.u32 s13, s11  }
0x3b8: {  	s20 =	sor.u32 s15, s11  }
0x3b9: {  	v2 =	vld [tilespmem:s20+$0x4000]  }
0x3ba: {  	v1 =	vld [tilespmem:s20+$0x8000]  }
0x3bb: {  	s18 =	simm.s32 $0x80  }
0x3bc: {  	s19 =	simm.s32 $0x10;
	s11 =	sand.u32 $0x1C00, s18  }
0x3bd: {  	s21 =	sand.u32 $0x70, s19;
	s11 =	sor.u32 s11, s16  }
0x3be: {  	s12 =	sand.u32 $0x3FFFFF80, s12;
	s11 =	sor.u32 s21, s11;
	v4 =	vmul.f32 $5.000000070e-02, v2  }
0x3bf: {  	v3 =	vld [tilespmem:s12+$0x10000];
	s17 =	sor.u32 s15, s11;
	v1 =	vadd.f32 v1, v2  }
0x3c0: {  	v7 =	vld [tilespmem:s17+$0x4000];
	v4 =	vmul.f32 $1.442695020e+00, v4  }
0x3c1: {  	[tilespmem:s20+$0x8000] =	vst v1  }
0x3c2: {  	v6 =	vimm.f32 $-Inf;
	v5 =	vld [tilespmem:s17+$0x8000];
	(erf) = vpow2.f32 v4  }
0x3c3: {  	v9 =	vmin.f32 v6, v2  }
0x3c4: {  	s18 =	simm.s32 $0x100;
	v8 =	vmax.f32 v6, v2;
	v9 =	vmax.f32 v6, v9;
	v1 =	vshra.s32 v3, $0x4  }
0x3c5: {  	s22 =	simm.s32 $0x1;
	s19 =	simm.s32 $0x20;
	s23 =	sand.u32 $0x1C00, s18;
	v3 =	vimm.f32 $0.0e+00;
	vm1 =	veq.s32 v1, s9;
	v11 =	vmul.f32 $5.000000070e-02, v7  }
0x3c6: {  	s21 =	sand.u32 $0x70, s19;
	s12 =	sor.u32 s23, s16;
	v6 =	vld [tilespmem:s20+$0xC000];
	v12 =	vmin.f32 v8, v7;
	v2 =	vsel vm1, v2, v3;
	vm1 =	veq.s32 v1, s22  }
0x3c7: {  	s13 =	simm.s32 $0x2;
	s11 =	simm.s32 $0x3;
	s21 =	sor.u32 s21, s12;
	v4 =	vmax.f32 v8, v7;
	v8 =	vld [tilespmem:s17+$0xC000];
	v2 =	vsel vm1, v7, v2;
	v10 =	vadd.f32 v5, v7  }
0x3c8: {  	s12 =	simm.s32 $0x4;
	s21 =	sor.u32 s15, s21;
	s20 =	simm.s32 $0x5;
	v5 =	vmax.f32 v9, v12;
	v9 =	vmul.f32 $1.442695020e+00, v11;
	v7 =	vimm.f32 $0.0e+00  }
.LBB2_51:
0x3c9: {  	p0 =	sne.s32 s20, $0x3D;
	v11 =	vld [tilespmem:s21+$0x4000];
	[tilespmem:s17+$0x8000] =	vst v10;
	s17 =	smov.u32 s21  }
0x3ca: {  	v10 =	vld [tilespmem:s17+$0x8000];
	(erf) = vpow2.f32 v9  }
0x3cb: {  	v12 =	vld [tilespmem:s17+$0xC000];
	v9 =	vpop (erf)  }
.Ltmp24:
0x3cc: {  	s18 =	sadd.s32 $0x80, s18;
	v3 =	vadd.f32 v9, v3;
	v9 =	vmul.f32 v6, v9;
	v6 =	vmov v8;
	(pc) =	sbr.rel @p0 .LBB2_51-.Ltmp24, $4  }
0x3cd: {  	vm1 =	veq.s32 v1, s13;
	s19 =	sadd.s32 $0x10, s19;
	s13 =	smov.u32 s11;
	s21 =	sand.u32 $0x1C00, s18  }
0x3ce: {  	s11 =	smov.u32 s12;
	s22 =	sand.u32 $0x70, s19;
	s21 =	sor.u32 s21, s16;
	v14 =	vmul.f32 $5.000000070e-02, v11;
	v13 =	vmin.f32 v4, v11;
	v4 =	vmax.f32 v4, v11  }
0x3cf: {  	s12 =	smov.u32 s20;
	s21 =	sor.u32 s22, s21;
	v7 =	vadd.f32 v9, v7;
	v10 =	vadd.f32 v10, v11;
	v5 =	vmax.f32 v5, v13  }
0x3d0: {  	s20 =	sadd.s32 $0x1, s20;
	s21 =	sor.u32 s15, s21;
	v2 =	vsel vm1, v11, v2;
	v9 =	vmul.f32 $1.442695020e+00, v14;
	v8 =	vmov v12  }
0x3d1: {  	v11 =	vld [tilespmem:s21+$0x4000];
	[tilespmem:s17+$0x8000] =	vst v10  }
0x3d2: {  	v10 =	vld [tilespmem:s21+$0x8000];
	_ =	sdelay $0x1  }
0x3d3: {  	s23 =	sadd.s32 $0x80, s18  }
0x3d4: {  	s19 =	sadd.s32 $0x10, s19;
	s18 =	sand.u32 $0x1C00, s23  }
0x3d5: {  	s20 =	sand.u32 $0x70, s19;
	s18 =	sor.u32 s18, s16  }
0x3d6: {  	s18 =	sor.u32 s20, s18;
	v10 =	vadd.f32 v10, v11  }
0x3d7: {  	s18 =	sor.u32 s15, s18  }
0x3d8: {  	v13 =	vld [tilespmem:s18+$0x4000];
	[tilespmem:s21+$0x8000] =	vst v10  }
0x3d9: {  	v10 =	vld [tilespmem:s18+$0x8000];
	_ =	sdelay $0x1  }
0x3da: {  	s17 =	sadd.s32 $0x80, s23  }
0x3db: {  	s19 =	sadd.s32 $0x10, s19;
	s17 =	sand.u32 $0x1C00, s17  }
0x3dc: {  	s19 =	sand.u32 $0x70, s19;
	s22 =	sor.u32 s17, s16  }
0x3dd: {  	s16 =	sor.u32 s19, s22;
	v10 =	vadd.f32 v10, v13  }
0x3de: {  	v12 =	vld [tilespmem:s21+$0xC000];
	s16 =	sor.u32 s15, s16  }
0x3df: {  	v14 =	vld [tilespmem:s16+$0x4000];
	[tilespmem:s18+$0x8000] =	vst v10  }
0x3e0: {  	v10 =	vld [tilespmem:s16+$0x8000];
	_ =	sdelay $0x4  }
0x3e1: {  	v10 =	vadd.f32 v10, v14  }
0x3e2: {  	s14 =	sor.u32 s14, s15  }
0x3e3: {  	s15 =	sor.u32 $0x1C60, s14;
	v15 =	vld [tilespmem:s18+$0xC000];
	[tilespmem:s16+$0x8000] =	vst v10  }
0x3e4: {  	s14 =	sor.u32 $0x1C50, s14;
	v10 =	vld.msk [tilespmem:s15+$0x4000], $0xff  }
0x3e5: {  	v17 =	vld [tilespmem:s14+$0x4000]  }
0x3e6: {  	v18 =	vld.msk [tilespmem:s15+$0x8000], $0xff  }
0x3e7: {  	v16 =	vmul.f32 $5.000000070e-02, v11;
	_ =	sdelay $0x1  }
0x3e8: {  	(erf) = vpow2.f32 v9;
	v16 =	vmul.f32 $1.442695020e+00, v16;
	v19 =	vld [tilespmem:s14+$0x8000]  }
0x3e9: {  	v37 =	vmul.f32 $5.000000070e-02, v13;
	v38 =	vmul.f32 $5.000000070e-02, v14  }
0x3ea: {  	v17 =	vperm.xlane v17, v0;
	v18 =	vadd.f32 v18, v10;
	v10 =	vperm.xlane v10, v0  }
0x3eb: {  	(erf) = vpow2.f32 v16  }
0x3ec: {  	v9 =	vmul.f32 $1.442695020e+00, v37;
	v39 =	vmul.f32 $1.442695020e+00, v38;
	v10 =	vsel vm0, v17, v10  }
0x3ed: {  	v40 =	vperm.xlane v19, v0;
	v41 =	vperm.xlane v18, v0;
	v42 =	vsel vm0, $0xF149F2CA, v10  }
0x3ee: {  	vm1 =	veq.s32 v1, s13;
	v45 =	vpop (erf);
	(erf) = vpow2.f32 v9;
	v44 =	vmul.f32 $5.000000070e-02, v42  }
0x3ef: {  	v6 =	vmul.f32 v6, v45;
	(erf) = vpow2.f32 v39;
	v43 =	vsel vm0, v40, v41  }
0x3f0: {  	v3 =	vadd.f32 v45, v3;
	v9 =	vperm.xlane v43, v0;
	v16 =	vmul.f32 $1.442695020e+00, v44  }
0x3f1: {  	v6 =	vadd.f32 v6, v7;
	v50 =	vmin.f32 v4, v11;
	v54 =	vmax.f32 v4, v11  }
0x3f2: {  	v2 =	vsel vm1, v11, v2;
	vm1 =	veq.s32 v1, s11;
	v47 =	vpop (erf);
	v46 =	vld [tilespmem:s16+$0xC000];
	[tilespmem:s14+$0x8000] =	vst v9;
	(erf) = vpow2.f32 v16  }
0x3f3: {  	v5 =	vmax.f32 v5, v50;
	v55 =	vmin.f32 v54, v13;
	v48 =	vmul.f32 v8, v47;
	[tilespmem:s15+$0x8000] =	vst.msk $0xff, v9;
	v52 =	vld.msk [tilespmem:s15+$0xC000], $0xff  }
0x3f4: {  	v4 =	vmax.f32 v54, v13;
	v2 =	vsel vm1, v13, v2;
	v3 =	vadd.f32 v47, v3;
	v9 =	vld [tilespmem:s14+$0xC000]  }
0x3f5: {  	vm1 =	veq.s32 v1, s12;
	v5 =	vmax.f32 v5, v55;
	v6 =	vadd.f32 v48, v6;
	v49 =	vpop (erf)  }
0x3f6: {  	v59 =	vmin.f32 v4, v14;
	v51 =	vmul.f32 v12, v49;
	v3 =	vadd.f32 v49, v3  }
0x3f7: {  	v4 =	vmax.f32 v4, v14;
	v2 =	vsel vm1, v14, v2;
	vm1 =	veq.s32 v1, $0x3E;
	v53 =	vpop (erf)  }
0x3f8: {  	v6 =	vadd.f32 v51, v6;
	v56 =	vmul.f32 v15, v53;
	v3 =	vadd.f32 v53, v3  }
0x3f9: {  	v5 =	vmax.f32 v5, v59;
	v57 =	vpop (erf);
	v12 =	vperm.xlane v52, v0;
	v9 =	vperm.xlane v9, v0  }
0x3fa: {  	s23 =	sshll.u32 s10, $0x4;
	s10 =	sadd.s32 $0x1, s10;
	v6 =	vadd.f32 v56, v6;
	v58 =	vmul.f32 v46, v57;
	v3 =	vadd.f32 v57, v3  }
0x3fb: {  	p0 =	sne.s32 s10, $0x10;
	v62 =	vmax.f32 v4, v42;
	v4 =	vmin.f32 v4, v42;
	v60 =	vsel vm0, v9, v12;
	v61 =	vpop (erf)  }
.Ltmp25:
0x3fc: {  	v6 =	vadd.f32 v58, v6;
	v4 =	vmax.f32 v5, v4;
	[tilespmem:s23+$0x10A00] =	vst v62;
	v7 =	vmul.f32 v60, v61;
	(pc) =	sbr.rel @p0 .LBB2_50-.Ltmp25, $4  }
0x3fd: {  	v1 =	vsel vm1, v10, v2;
	[tilespmem:s23+$0x11200] =	vst v4;
	v3 =	vadd.f32 v61, v3  }
0x3fe: {  	[tilespmem:s23+$0x12A00] =	vst v1;
	v63 =	vadd.f32 v7, v6  }
0x3ff: {  	[tilespmem:s23+$0x11A00] =	vst v3  }
0x400: {  	[tilespmem:s23+$0x12200] =	vst v63  }
0x401: {  	s9 =	simm.s32 $0x0;
	s10 =	rddreg [dreg:$0xe]  }
0x402: {  	[tilespmem:s7], [sflag:$0x1] =	stream.linear.gather [hbm4b:s10+s9], $0x4000, $0x38;
	[tilespmem:$0x13300] =	vst v63  }
0x403: {  	_ =	swait.ge [sflag:s6], $0x4000  }
0x404: {  	[sflag:s6] =	ssyncset.done $0x0  }
0x405: {  	s10 =	simm.s32 $0x0;
	[sflag:s6] =	ssyncadd.s32 $0xFFFFC000  }
.LBB2_54:
0x406: {  	s14 =	sshll.u32 s10, $0xA  }
0x407: {  	s11 =	sand.u32 $0x1C00, s9;
	s16 =	sand.u32 $0x2000, s14  }
0x408: {  	s12 =	sshll.u32 s10, $0x7;
	s13 =	sand.u32 $0x70, s9;
	s11 =	sor.u32 s11, s16  }
0x409: {  	s15 =	sand.u32 $0x380, s12;
	s11 =	sor.u32 s13, s11  }
0x40a: {  	s20 =	sor.u32 s15, s11  }
0x40b: {  	v2 =	vld [tilespmem:s20+$0x4000]  }
0x40c: {  	v1 =	vld [tilespmem:s20+$0x8000]  }
0x40d: {  	s18 =	simm.s32 $0x80  }
0x40e: {  	s19 =	simm.s32 $0x10;
	s11 =	sand.u32 $0x1C00, s18  }
0x40f: {  	s21 =	sand.u32 $0x70, s19;
	s11 =	sor.u32 s11, s16  }
0x410: {  	s12 =	sand.u32 $0x3FFFFF80, s12;
	s11 =	sor.u32 s21, s11;
	v4 =	vmul.f32 $5.000000070e-02, v2  }
0x411: {  	v3 =	vld [tilespmem:s12+$0x10000];
	s17 =	sor.u32 s15, s11;
	v1 =	vadd.f32 v1, v2  }
0x412: {  	v7 =	vld [tilespmem:s17+$0x4000];
	v4 =	vmul.f32 $1.442695020e+00, v4  }
0x413: {  	[tilespmem:s20+$0x8000] =	vst v1  }
0x414: {  	v6 =	vimm.f32 $-Inf;
	v5 =	vld [tilespmem:s17+$0x8000];
	(erf) = vpow2.f32 v4  }
0x415: {  	v9 =	vmin.f32 v6, v2  }
0x416: {  	s18 =	simm.s32 $0x100;
	v8 =	vmax.f32 v6, v2;
	v9 =	vmax.f32 v6, v9;
	v1 =	vshra.s32 v3, $0x4  }
0x417: {  	s22 =	simm.s32 $0x1;
	s19 =	simm.s32 $0x20;
	s23 =	sand.u32 $0x1C00, s18;
	v3 =	vimm.f32 $0.0e+00;
	vm1 =	veq.s32 v1, s9;
	v11 =	vmul.f32 $5.000000070e-02, v7  }
0x418: {  	s21 =	sand.u32 $0x70, s19;
	s12 =	sor.u32 s23, s16;
	v6 =	vld [tilespmem:s20+$0xC000];
	v12 =	vmin.f32 v8, v7;
	v2 =	vsel vm1, v2, v3;
	vm1 =	veq.s32 v1, s22  }
0x419: {  	s13 =	simm.s32 $0x2;
	s11 =	simm.s32 $0x3;
	s21 =	sor.u32 s21, s12;
	v4 =	vmax.f32 v8, v7;
	v8 =	vld [tilespmem:s17+$0xC000];
	v2 =	vsel vm1, v7, v2;
	v10 =	vadd.f32 v5, v7  }
0x41a: {  	s12 =	simm.s32 $0x4;
	s21 =	sor.u32 s15, s21;
	s20 =	simm.s32 $0x5;
	v5 =	vmax.f32 v9, v12;
	v9 =	vmul.f32 $1.442695020e+00, v11;
	v7 =	vimm.f32 $0.0e+00  }
.LBB2_55:
0x41b: {  	p0 =	sne.s32 s20, $0x3D;
	v11 =	vld [tilespmem:s21+$0x4000];
	[tilespmem:s17+$0x8000] =	vst v10;
	s17 =	smov.u32 s21  }
0x41c: {  	v10 =	vld [tilespmem:s17+$0x8000];
	(erf) = vpow2.f32 v9  }
0x41d: {  	v12 =	vld [tilespmem:s17+$0xC000];
	v9 =	vpop (erf)  }
.Ltmp26:
0x41e: {  	s18 =	sadd.s32 $0x80, s18;
	v3 =	vadd.f32 v9, v3;
	v9 =	vmul.f32 v6, v9;
	v6 =	vmov v8;
	(pc) =	sbr.rel @p0 .LBB2_55-.Ltmp26, $4  }
0x41f: {  	vm1 =	veq.s32 v1, s13;
	s19 =	sadd.s32 $0x10, s19;
	s13 =	smov.u32 s11;
	s21 =	sand.u32 $0x1C00, s18  }
0x420: {  	s11 =	smov.u32 s12;
	s22 =	sand.u32 $0x70, s19;
	s21 =	sor.u32 s21, s16;
	v14 =	vmul.f32 $5.000000070e-02, v11;
	v13 =	vmin.f32 v4, v11;
	v4 =	vmax.f32 v4, v11  }
0x421: {  	s12 =	smov.u32 s20;
	s21 =	sor.u32 s22, s21;
	v7 =	vadd.f32 v9, v7;
	v10 =	vadd.f32 v10, v11;
	v5 =	vmax.f32 v5, v13  }
0x422: {  	s20 =	sadd.s32 $0x1, s20;
	s21 =	sor.u32 s15, s21;
	v2 =	vsel vm1, v11, v2;
	v9 =	vmul.f32 $1.442695020e+00, v14;
	v8 =	vmov v12  }
0x423: {  	v11 =	vld [tilespmem:s21+$0x4000];
	[tilespmem:s17+$0x8000] =	vst v10  }
0x424: {  	v10 =	vld [tilespmem:s21+$0x8000];
	_ =	sdelay $0x1  }
0x425: {  	s23 =	sadd.s32 $0x80, s18  }
0x426: {  	s19 =	sadd.s32 $0x10, s19;
	s18 =	sand.u32 $0x1C00, s23  }
0x427: {  	s20 =	sand.u32 $0x70, s19;
	s18 =	sor.u32 s18, s16  }
0x428: {  	s18 =	sor.u32 s20, s18;
	v10 =	vadd.f32 v10, v11  }
0x429: {  	s18 =	sor.u32 s15, s18  }
0x42a: {  	v13 =	vld [tilespmem:s18+$0x4000];
	[tilespmem:s21+$0x8000] =	vst v10  }
0x42b: {  	v10 =	vld [tilespmem:s18+$0x8000];
	_ =	sdelay $0x1  }
0x42c: {  	s17 =	sadd.s32 $0x80, s23  }
0x42d: {  	s19 =	sadd.s32 $0x10, s19;
	s17 =	sand.u32 $0x1C00, s17  }
0x42e: {  	s19 =	sand.u32 $0x70, s19;
	s22 =	sor.u32 s17, s16  }
0x42f: {  	s16 =	sor.u32 s19, s22;
	v10 =	vadd.f32 v10, v13  }
0x430: {  	v12 =	vld [tilespmem:s21+$0xC000];
	s16 =	sor.u32 s15, s16  }
0x431: {  	v14 =	vld [tilespmem:s16+$0x4000];
	[tilespmem:s18+$0x8000] =	vst v10  }
0x432: {  	v10 =	vld [tilespmem:s16+$0x8000];
	_ =	sdelay $0x4  }
0x433: {  	v10 =	vadd.f32 v10, v14  }
0x434: {  	s14 =	sor.u32 s14, s15  }
0x435: {  	s15 =	sor.u32 $0x1C60, s14;
	v15 =	vld [tilespmem:s18+$0xC000];
	[tilespmem:s16+$0x8000] =	vst v10  }
0x436: {  	s14 =	sor.u32 $0x1C50, s14;
	v10 =	vld.msk [tilespmem:s15+$0x4000], $0xff  }
0x437: {  	v17 =	vld [tilespmem:s14+$0x4000]  }
0x438: {  	v18 =	vld.msk [tilespmem:s15+$0x8000], $0xff  }
0x439: {  	v16 =	vmul.f32 $5.000000070e-02, v11;
	_ =	sdelay $0x1  }
0x43a: {  	(erf) = vpow2.f32 v9;
	v16 =	vmul.f32 $1.442695020e+00, v16;
	v19 =	vld [tilespmem:s14+$0x8000]  }
0x43b: {  	v37 =	vmul.f32 $5.000000070e-02, v13;
	v38 =	vmul.f32 $5.000000070e-02, v14  }
0x43c: {  	v17 =	vperm.xlane v17, v0;
	v18 =	vadd.f32 v18, v10;
	v10 =	vperm.xlane v10, v0  }
0x43d: {  	(erf) = vpow2.f32 v16  }
0x43e: {  	v9 =	vmul.f32 $1.442695020e+00, v37;
	v39 =	vmul.f32 $1.442695020e+00, v38;
	v10 =	vsel vm0, v17, v10  }
0x43f: {  	v40 =	vperm.xlane v19, v0;
	v41 =	vperm.xlane v18, v0;
	v42 =	vsel vm0, $0xF149F2CA, v10  }
0x440: {  	vm1 =	veq.s32 v1, s13;
	v45 =	vpop (erf);
	(erf) = vpow2.f32 v9;
	v44 =	vmul.f32 $5.000000070e-02, v42  }
0x441: {  	v6 =	vmul.f32 v6, v45;
	(erf) = vpow2.f32 v39;
	v43 =	vsel vm0, v40, v41  }
0x442: {  	v3 =	vadd.f32 v45, v3;
	v9 =	vperm.xlane v43, v0;
	v16 =	vmul.f32 $1.442695020e+00, v44  }
0x443: {  	v6 =	vadd.f32 v6, v7;
	v50 =	vmin.f32 v4, v11;
	v54 =	vmax.f32 v4, v11  }
0x444: {  	v2 =	vsel vm1, v11, v2;
	vm1 =	veq.s32 v1, s11;
	v47 =	vpop (erf);
	v46 =	vld [tilespmem:s16+$0xC000];
	[tilespmem:s14+$0x8000] =	vst v9;
	(erf) = vpow2.f32 v16  }
0x445: {  	v5 =	vmax.f32 v5, v50;
	v55 =	vmin.f32 v54, v13;
	v48 =	vmul.f32 v8, v47;
	[tilespmem:s15+$0x8000] =	vst.msk $0xff, v9;
	v52 =	vld.msk [tilespmem:s15+$0xC000], $0xff  }
0x446: {  	v4 =	vmax.f32 v54, v13;
	v2 =	vsel vm1, v13, v2;
	v3 =	vadd.f32 v47, v3;
	v9 =	vld [tilespmem:s14+$0xC000]  }
0x447: {  	vm1 =	veq.s32 v1, s12;
	v5 =	vmax.f32 v5, v55;
	v6 =	vadd.f32 v48, v6;
	v49 =	vpop (erf)  }
0x448: {  	v59 =	vmin.f32 v4, v14;
	v51 =	vmul.f32 v12, v49;
	v3 =	vadd.f32 v49, v3  }
0x449: {  	v4 =	vmax.f32 v4, v14;
	v2 =	vsel vm1, v14, v2;
	vm1 =	veq.s32 v1, $0x3E;
	v53 =	vpop (erf)  }
0x44a: {  	v6 =	vadd.f32 v51, v6;
	v56 =	vmul.f32 v15, v53;
	v3 =	vadd.f32 v53, v3  }
0x44b: {  	v5 =	vmax.f32 v5, v59;
	v57 =	vpop (erf);
	v12 =	vperm.xlane v52, v0;
	v9 =	vperm.xlane v9, v0  }
0x44c: {  	s23 =	sshll.u32 s10, $0x4;
	s10 =	sadd.s32 $0x1, s10;
	v6 =	vadd.f32 v56, v6;
	v58 =	vmul.f32 v46, v57;
	v3 =	vadd.f32 v57, v3  }
0x44d: {  	p0 =	sne.s32 s10, $0x10;
	v62 =	vmax.f32 v4, v42;
	v4 =	vmin.f32 v4, v42;
	v60 =	vsel vm0, v9, v12;
	v61 =	vpop (erf)  }
.Ltmp27:
0x44e: {  	v6 =	vadd.f32 v58, v6;
	v4 =	vmax.f32 v5, v4;
	[tilespmem:s23+$0x10B00] =	vst v62;
	v7 =	vmul.f32 v60, v61;
	(pc) =	sbr.rel @p0 .LBB2_54-.Ltmp27, $4  }
0x44f: {  	v1 =	vsel vm1, v10, v2;
	[tilespmem:s23+$0x11300] =	vst v4;
	v3 =	vadd.f32 v61, v3  }
0x450: {  	[tilespmem:s23+$0x12B00] =	vst v1;
	v63 =	vadd.f32 v7, v6  }
0x451: {  	[tilespmem:s23+$0x11B00] =	vst v3  }
0x452: {  	[tilespmem:s23+$0x12300] =	vst v63  }
0x453: {  	s9 =	simm.s32 $0x0;
	s10 =	rddreg [dreg:$0xf]  }
0x454: {  	[tilespmem:s7], [sflag:$0x1] =	stream.linear.gather [hbm4b:s10+s9], $0x4000, $0x38;
	[tilespmem:$0x13300] =	vst v63  }
0x455: {  	_ =	swait.ge [sflag:s6], $0x4000  }
0x456: {  	[sflag:s6] =	ssyncset.done $0x0  }
0x457: {  	s10 =	simm.s32 $0x0;
	[sflag:s6] =	ssyncadd.s32 $0xFFFFC000  }
.LBB2_58:
0x458: {  	s14 =	sshll.u32 s10, $0xA  }
0x459: {  	s11 =	sand.u32 $0x1C00, s9;
	s16 =	sand.u32 $0x2000, s14  }
0x45a: {  	s12 =	sshll.u32 s10, $0x7;
	s13 =	sand.u32 $0x70, s9;
	s11 =	sor.u32 s11, s16  }
0x45b: {  	s15 =	sand.u32 $0x380, s12;
	s11 =	sor.u32 s13, s11  }
0x45c: {  	s20 =	sor.u32 s15, s11  }
0x45d: {  	v2 =	vld [tilespmem:s20+$0x4000]  }
0x45e: {  	v1 =	vld [tilespmem:s20+$0x8000]  }
0x45f: {  	s18 =	simm.s32 $0x80  }
0x460: {  	s19 =	simm.s32 $0x10;
	s11 =	sand.u32 $0x1C00, s18  }
0x461: {  	s21 =	sand.u32 $0x70, s19;
	s11 =	sor.u32 s11, s16  }
0x462: {  	s12 =	sand.u32 $0x3FFFFF80, s12;
	s11 =	sor.u32 s21, s11;
	v4 =	vmul.f32 $5.000000070e-02, v2  }
0x463: {  	v3 =	vld [tilespmem:s12+$0x10000];
	s17 =	sor.u32 s15, s11;
	v1 =	vadd.f32 v1, v2  }
0x464: {  	v7 =	vld [tilespmem:s17+$0x4000];
	v4 =	vmul.f32 $1.442695020e+00, v4  }
0x465: {  	[tilespmem:s20+$0x8000] =	vst v1  }
0x466: {  	v6 =	vimm.f32 $-Inf;
	v5 =	vld [tilespmem:s17+$0x8000];
	(erf) = vpow2.f32 v4  }
0x467: {  	v9 =	vmin.f32 v6, v2  }
0x468: {  	s18 =	simm.s32 $0x100;
	v8 =	vmax.f32 v6, v2;
	v9 =	vmax.f32 v6, v9;
	v1 =	vshra.s32 v3, $0x4  }
0x469: {  	s22 =	simm.s32 $0x1;
	s19 =	simm.s32 $0x20;
	s23 =	sand.u32 $0x1C00, s18;
	v3 =	vimm.f32 $0.0e+00;
	vm1 =	veq.s32 v1, s9;
	v11 =	vmul.f32 $5.000000070e-02, v7  }
0x46a: {  	s21 =	sand.u32 $0x70, s19;
	s12 =	sor.u32 s23, s16;
	v6 =	vld [tilespmem:s20+$0xC000];
	v12 =	vmin.f32 v8, v7;
	v2 =	vsel vm1, v2, v3;
	vm1 =	veq.s32 v1, s22  }
0x46b: {  	s13 =	simm.s32 $0x2;
	s11 =	simm.s32 $0x3;
	s21 =	sor.u32 s21, s12;
	v4 =	vmax.f32 v8, v7;
	v8 =	vld [tilespmem:s17+$0xC000];
	v2 =	vsel vm1, v7, v2;
	v10 =	vadd.f32 v5, v7  }
0x46c: {  	s12 =	simm.s32 $0x4;
	s21 =	sor.u32 s15, s21;
	s20 =	simm.s32 $0x5;
	v5 =	vmax.f32 v9, v12;
	v9 =	vmul.f32 $1.442695020e+00, v11;
	v7 =	vimm.f32 $0.0e+00  }
.LBB2_59:
0x46d: {  	p0 =	sne.s32 s20, $0x3D;
	v11 =	vld [tilespmem:s21+$0x4000];
	[tilespmem:s17+$0x8000] =	vst v10;
	s17 =	smov.u32 s21  }
0x46e: {  	v10 =	vld [tilespmem:s17+$0x8000];
	(erf) = vpow2.f32 v9  }
0x46f: {  	v12 =	vld [tilespmem:s17+$0xC000];
	v9 =	vpop (erf)  }
.Ltmp28:
0x470: {  	s18 =	sadd.s32 $0x80, s18;
	v3 =	vadd.f32 v9, v3;
	v9 =	vmul.f32 v6, v9;
	v6 =	vmov v8;
	(pc) =	sbr.rel @p0 .LBB2_59-.Ltmp28, $4  }
0x471: {  	vm1 =	veq.s32 v1, s13;
	s19 =	sadd.s32 $0x10, s19;
	s13 =	smov.u32 s11;
	s21 =	sand.u32 $0x1C00, s18  }
0x472: {  	s11 =	smov.u32 s12;
	s22 =	sand.u32 $0x70, s19;
	s21 =	sor.u32 s21, s16;
	v14 =	vmul.f32 $5.000000070e-02, v11;
	v13 =	vmin.f32 v4, v11;
	v4 =	vmax.f32 v4, v11  }
0x473: {  	s12 =	smov.u32 s20;
	s21 =	sor.u32 s22, s21;
	v7 =	vadd.f32 v9, v7;
	v10 =	vadd.f32 v10, v11;
	v5 =	vmax.f32 v5, v13  }
0x474: {  	s20 =	sadd.s32 $0x1, s20;
	s21 =	sor.u32 s15, s21;
	v2 =	vsel vm1, v11, v2;
	v9 =	vmul.f32 $1.442695020e+00, v14;
	v8 =	vmov v12  }
0x475: {  	v11 =	vld [tilespmem:s21+$0x4000];
	[tilespmem:s17+$0x8000] =	vst v10  }
0x476: {  	v10 =	vld [tilespmem:s21+$0x8000];
	_ =	sdelay $0x1  }
0x477: {  	s23 =	sadd.s32 $0x80, s18  }
0x478: {  	s19 =	sadd.s32 $0x10, s19;
	s18 =	sand.u32 $0x1C00, s23  }
0x479: {  	s20 =	sand.u32 $0x70, s19;
	s18 =	sor.u32 s18, s16  }
0x47a: {  	s18 =	sor.u32 s20, s18;
	v10 =	vadd.f32 v10, v11  }
0x47b: {  	s18 =	sor.u32 s15, s18  }
0x47c: {  	v13 =	vld [tilespmem:s18+$0x4000];
	[tilespmem:s21+$0x8000] =	vst v10  }
0x47d: {  	v10 =	vld [tilespmem:s18+$0x8000];
	_ =	sdelay $0x1  }
0x47e: {  	s17 =	sadd.s32 $0x80, s23  }
0x47f: {  	s19 =	sadd.s32 $0x10, s19;
	s17 =	sand.u32 $0x1C00, s17  }
0x480: {  	s19 =	sand.u32 $0x70, s19;
	s22 =	sor.u32 s17, s16  }
0x481: {  	s16 =	sor.u32 s19, s22;
	v10 =	vadd.f32 v10, v13  }
0x482: {  	v12 =	vld [tilespmem:s21+$0xC000];
	s16 =	sor.u32 s15, s16  }
0x483: {  	v14 =	vld [tilespmem:s16+$0x4000];
	[tilespmem:s18+$0x8000] =	vst v10  }
0x484: {  	v10 =	vld [tilespmem:s16+$0x8000];
	_ =	sdelay $0x4  }
0x485: {  	v10 =	vadd.f32 v10, v14  }
0x486: {  	s14 =	sor.u32 s14, s15  }
0x487: {  	s15 =	sor.u32 $0x1C60, s14;
	v15 =	vld [tilespmem:s18+$0xC000];
	[tilespmem:s16+$0x8000] =	vst v10  }
0x488: {  	s14 =	sor.u32 $0x1C50, s14;
	v10 =	vld.msk [tilespmem:s15+$0x4000], $0xff  }
0x489: {  	v17 =	vld [tilespmem:s14+$0x4000]  }
0x48a: {  	v18 =	vld.msk [tilespmem:s15+$0x8000], $0xff  }
0x48b: {  	v16 =	vmul.f32 $5.000000070e-02, v11;
	_ =	sdelay $0x1  }
0x48c: {  	(erf) = vpow2.f32 v9;
	v16 =	vmul.f32 $1.442695020e+00, v16;
	v19 =	vld [tilespmem:s14+$0x8000]  }
0x48d: {  	v37 =	vmul.f32 $5.000000070e-02, v13;
	v38 =	vmul.f32 $5.000000070e-02, v14  }
0x48e: {  	v17 =	vperm.xlane v17, v0;
	v18 =	vadd.f32 v18, v10;
	v10 =	vperm.xlane v10, v0  }
0x48f: {  	(erf) = vpow2.f32 v16  }
0x490: {  	v9 =	vmul.f32 $1.442695020e+00, v37;
	v39 =	vmul.f32 $1.442695020e+00, v38;
	v10 =	vsel vm0, v17, v10  }
0x491: {  	v40 =	vperm.xlane v19, v0;
	v41 =	vperm.xlane v18, v0;
	v42 =	vsel vm0, $0xF149F2CA, v10  }
0x492: {  	vm1 =	veq.s32 v1, s13;
	v45 =	vpop (erf);
	(erf) = vpow2.f32 v9;
	v44 =	vmul.f32 $5.000000070e-02, v42  }
0x493: {  	v6 =	vmul.f32 v6, v45;
	(erf) = vpow2.f32 v39;
	v43 =	vsel vm0, v40, v41  }
0x494: {  	v3 =	vadd.f32 v45, v3;
	v9 =	vperm.xlane v43, v0;
	v16 =	vmul.f32 $1.442695020e+00, v44  }
0x495: {  	v6 =	vadd.f32 v6, v7;
	v50 =	vmin.f32 v4, v11;
	v54 =	vmax.f32 v4, v11  }
0x496: {  	v2 =	vsel vm1, v11, v2;
	vm1 =	veq.s32 v1, s11;
	v47 =	vpop (erf);
	v46 =	vld [tilespmem:s16+$0xC000];
	[tilespmem:s14+$0x8000] =	vst v9;
	(erf) = vpow2.f32 v16  }
0x497: {  	v5 =	vmax.f32 v5, v50;
	v55 =	vmin.f32 v54, v13;
	v48 =	vmul.f32 v8, v47;
	[tilespmem:s15+$0x8000] =	vst.msk $0xff, v9;
	v52 =	vld.msk [tilespmem:s15+$0xC000], $0xff  }
0x498: {  	v4 =	vmax.f32 v54, v13;
	v2 =	vsel vm1, v13, v2;
	v3 =	vadd.f32 v47, v3;
	v9 =	vld [tilespmem:s14+$0xC000]  }
0x499: {  	vm1 =	veq.s32 v1, s12;
	v5 =	vmax.f32 v5, v55;
	v6 =	vadd.f32 v48, v6;
	v49 =	vpop (erf)  }
0x49a: {  	v59 =	vmin.f32 v4, v14;
	v51 =	vmul.f32 v12, v49;
	v3 =	vadd.f32 v49, v3  }
0x49b: {  	v4 =	vmax.f32 v4, v14;
	v2 =	vsel vm1, v14, v2;
	vm1 =	veq.s32 v1, $0x3E;
	v53 =	vpop (erf)  }
0x49c: {  	v6 =	vadd.f32 v51, v6;
	v56 =	vmul.f32 v15, v53;
	v3 =	vadd.f32 v53, v3  }
0x49d: {  	v5 =	vmax.f32 v5, v59;
	v57 =	vpop (erf);
	v12 =	vperm.xlane v52, v0;
	v9 =	vperm.xlane v9, v0  }
0x49e: {  	s23 =	sshll.u32 s10, $0x4;
	s10 =	sadd.s32 $0x1, s10;
	v6 =	vadd.f32 v56, v6;
	v58 =	vmul.f32 v46, v57;
	v3 =	vadd.f32 v57, v3  }
0x49f: {  	p0 =	sne.s32 s10, $0x10;
	v62 =	vmax.f32 v4, v42;
	v4 =	vmin.f32 v4, v42;
	v60 =	vsel vm0, v9, v12;
	v61 =	vpop (erf)  }
.Ltmp29:
0x4a0: {  	v6 =	vadd.f32 v58, v6;
	v4 =	vmax.f32 v5, v4;
	[tilespmem:s23+$0x10C00] =	vst v62;
	v7 =	vmul.f32 v60, v61;
	(pc) =	sbr.rel @p0 .LBB2_58-.Ltmp29, $4  }
0x4a1: {  	v1 =	vsel vm1, v10, v2;
	[tilespmem:s23+$0x11400] =	vst v4;
	v3 =	vadd.f32 v61, v3  }
0x4a2: {  	[tilespmem:s23+$0x12C00] =	vst v1;
	v63 =	vadd.f32 v7, v6  }
0x4a3: {  	[tilespmem:s23+$0x11C00] =	vst v3  }
0x4a4: {  	[tilespmem:s23+$0x12400] =	vst v63  }
0x4a5: {  	s9 =	simm.s32 $0x0;
	s10 =	rddreg [dreg:$0x10]  }
0x4a6: {  	[tilespmem:s7], [sflag:$0x1] =	stream.linear.gather [hbm4b:s10+s9], $0x4000, $0x38;
	[tilespmem:$0x13300] =	vst v63  }
0x4a7: {  	_ =	swait.ge [sflag:s6], $0x4000  }
0x4a8: {  	[sflag:s6] =	ssyncset.done $0x0  }
0x4a9: {  	s10 =	simm.s32 $0x0;
	[sflag:s6] =	ssyncadd.s32 $0xFFFFC000  }
.LBB2_62:
0x4aa: {  	s14 =	sshll.u32 s10, $0xA  }
0x4ab: {  	s11 =	sand.u32 $0x1C00, s9;
	s16 =	sand.u32 $0x2000, s14  }
0x4ac: {  	s12 =	sshll.u32 s10, $0x7;
	s13 =	sand.u32 $0x70, s9;
	s11 =	sor.u32 s11, s16  }
0x4ad: {  	s15 =	sand.u32 $0x380, s12;
	s11 =	sor.u32 s13, s11  }
0x4ae: {  	s20 =	sor.u32 s15, s11  }
0x4af: {  	v2 =	vld [tilespmem:s20+$0x4000]  }
0x4b0: {  	v1 =	vld [tilespmem:s20+$0x8000]  }
0x4b1: {  	s18 =	simm.s32 $0x80  }
0x4b2: {  	s19 =	simm.s32 $0x10;
	s11 =	sand.u32 $0x1C00, s18  }
0x4b3: {  	s21 =	sand.u32 $0x70, s19;
	s11 =	sor.u32 s11, s16  }
0x4b4: {  	s12 =	sand.u32 $0x3FFFFF80, s12;
	s11 =	sor.u32 s21, s11;
	v4 =	vmul.f32 $5.000000070e-02, v2  }
0x4b5: {  	v3 =	vld [tilespmem:s12+$0x10000];
	s17 =	sor.u32 s15, s11;
	v1 =	vadd.f32 v1, v2  }
0x4b6: {  	v7 =	vld [tilespmem:s17+$0x4000];
	v4 =	vmul.f32 $1.442695020e+00, v4  }
0x4b7: {  	[tilespmem:s20+$0x8000] =	vst v1  }
0x4b8: {  	v6 =	vimm.f32 $-Inf;
	v5 =	vld [tilespmem:s17+$0x8000];
	(erf) = vpow2.f32 v4  }
0x4b9: {  	v9 =	vmin.f32 v6, v2  }
0x4ba: {  	s18 =	simm.s32 $0x100;
	v8 =	vmax.f32 v6, v2;
	v9 =	vmax.f32 v6, v9;
	v1 =	vshra.s32 v3, $0x4  }
0x4bb: {  	s22 =	simm.s32 $0x1;
	s19 =	simm.s32 $0x20;
	s23 =	sand.u32 $0x1C00, s18;
	v3 =	vimm.f32 $0.0e+00;
	vm1 =	veq.s32 v1, s9;
	v11 =	vmul.f32 $5.000000070e-02, v7  }
0x4bc: {  	s21 =	sand.u32 $0x70, s19;
	s12 =	sor.u32 s23, s16;
	v6 =	vld [tilespmem:s20+$0xC000];
	v12 =	vmin.f32 v8, v7;
	v2 =	vsel vm1, v2, v3;
	vm1 =	veq.s32 v1, s22  }
0x4bd: {  	s13 =	simm.s32 $0x2;
	s11 =	simm.s32 $0x3;
	s21 =	sor.u32 s21, s12;
	v4 =	vmax.f32 v8, v7;
	v8 =	vld [tilespmem:s17+$0xC000];
	v2 =	vsel vm1, v7, v2;
	v10 =	vadd.f32 v5, v7  }
0x4be: {  	s12 =	simm.s32 $0x4;
	s21 =	sor.u32 s15, s21;
	s20 =	simm.s32 $0x5;
	v5 =	vmax.f32 v9, v12;
	v9 =	vmul.f32 $1.442695020e+00, v11;
	v7 =	vimm.f32 $0.0e+00  }
.LBB2_63:
0x4bf: {  	p0 =	sne.s32 s20, $0x3D;
	v11 =	vld [tilespmem:s21+$0x4000];
	[tilespmem:s17+$0x8000] =	vst v10;
	s17 =	smov.u32 s21  }
0x4c0: {  	v10 =	vld [tilespmem:s17+$0x8000];
	(erf) = vpow2.f32 v9  }
0x4c1: {  	v12 =	vld [tilespmem:s17+$0xC000];
	v9 =	vpop (erf)  }
.Ltmp30:
0x4c2: {  	s18 =	sadd.s32 $0x80, s18;
	v3 =	vadd.f32 v9, v3;
	v9 =	vmul.f32 v6, v9;
	v6 =	vmov v8;
	(pc) =	sbr.rel @p0 .LBB2_63-.Ltmp30, $4  }
0x4c3: {  	vm1 =	veq.s32 v1, s13;
	s19 =	sadd.s32 $0x10, s19;
	s13 =	smov.u32 s11;
	s21 =	sand.u32 $0x1C00, s18  }
0x4c4: {  	s11 =	smov.u32 s12;
	s22 =	sand.u32 $0x70, s19;
	s21 =	sor.u32 s21, s16;
	v14 =	vmul.f32 $5.000000070e-02, v11;
	v13 =	vmin.f32 v4, v11;
	v4 =	vmax.f32 v4, v11  }
0x4c5: {  	s12 =	smov.u32 s20;
	s21 =	sor.u32 s22, s21;
	v7 =	vadd.f32 v9, v7;
	v10 =	vadd.f32 v10, v11;
	v5 =	vmax.f32 v5, v13  }
0x4c6: {  	s20 =	sadd.s32 $0x1, s20;
	s21 =	sor.u32 s15, s21;
	v2 =	vsel vm1, v11, v2;
	v9 =	vmul.f32 $1.442695020e+00, v14;
	v8 =	vmov v12  }
0x4c7: {  	v11 =	vld [tilespmem:s21+$0x4000];
	[tilespmem:s17+$0x8000] =	vst v10  }
0x4c8: {  	v10 =	vld [tilespmem:s21+$0x8000];
	_ =	sdelay $0x1  }
0x4c9: {  	s23 =	sadd.s32 $0x80, s18  }
0x4ca: {  	s19 =	sadd.s32 $0x10, s19;
	s18 =	sand.u32 $0x1C00, s23  }
0x4cb: {  	s20 =	sand.u32 $0x70, s19;
	s18 =	sor.u32 s18, s16  }
0x4cc: {  	s18 =	sor.u32 s20, s18;
	v10 =	vadd.f32 v10, v11  }
0x4cd: {  	s18 =	sor.u32 s15, s18  }
0x4ce: {  	v13 =	vld [tilespmem:s18+$0x4000];
	[tilespmem:s21+$0x8000] =	vst v10  }
0x4cf: {  	v10 =	vld [tilespmem:s18+$0x8000];
	_ =	sdelay $0x1  }
0x4d0: {  	s17 =	sadd.s32 $0x80, s23  }
0x4d1: {  	s19 =	sadd.s32 $0x10, s19;
	s17 =	sand.u32 $0x1C00, s17  }
0x4d2: {  	s19 =	sand.u32 $0x70, s19;
	s22 =	sor.u32 s17, s16  }
0x4d3: {  	s16 =	sor.u32 s19, s22;
	v10 =	vadd.f32 v10, v13  }
0x4d4: {  	v12 =	vld [tilespmem:s21+$0xC000];
	s16 =	sor.u32 s15, s16  }
0x4d5: {  	v14 =	vld [tilespmem:s16+$0x4000];
	[tilespmem:s18+$0x8000] =	vst v10  }
0x4d6: {  	v10 =	vld [tilespmem:s16+$0x8000];
	_ =	sdelay $0x4  }
0x4d7: {  	v10 =	vadd.f32 v10, v14  }
0x4d8: {  	s14 =	sor.u32 s14, s15  }
0x4d9: {  	s15 =	sor.u32 $0x1C60, s14;
	v15 =	vld [tilespmem:s18+$0xC000];
	[tilespmem:s16+$0x8000] =	vst v10  }
0x4da: {  	s14 =	sor.u32 $0x1C50, s14;
	v10 =	vld.msk [tilespmem:s15+$0x4000], $0xff  }
0x4db: {  	v17 =	vld [tilespmem:s14+$0x4000]  }
0x4dc: {  	v18 =	vld.msk [tilespmem:s15+$0x8000], $0xff  }
0x4dd: {  	v16 =	vmul.f32 $5.000000070e-02, v11;
	_ =	sdelay $0x1  }
0x4de: {  	(erf) = vpow2.f32 v9;
	v16 =	vmul.f32 $1.442695020e+00, v16;
	v19 =	vld [tilespmem:s14+$0x8000]  }
0x4df: {  	v37 =	vmul.f32 $5.000000070e-02, v13;
	v38 =	vmul.f32 $5.000000070e-02, v14  }
0x4e0: {  	v17 =	vperm.xlane v17, v0;
	v18 =	vadd.f32 v18, v10;
	v10 =	vperm.xlane v10, v0  }
0x4e1: {  	(erf) = vpow2.f32 v16  }
0x4e2: {  	v9 =	vmul.f32 $1.442695020e+00, v37;
	v39 =	vmul.f32 $1.442695020e+00, v38;
	v10 =	vsel vm0, v17, v10  }
0x4e3: {  	v40 =	vperm.xlane v19, v0;
	v41 =	vperm.xlane v18, v0;
	v42 =	vsel vm0, $0xF149F2CA, v10  }
0x4e4: {  	vm1 =	veq.s32 v1, s13;
	v45 =	vpop (erf);
	(erf) = vpow2.f32 v9;
	v44 =	vmul.f32 $5.000000070e-02, v42  }
0x4e5: {  	v6 =	vmul.f32 v6, v45;
	(erf) = vpow2.f32 v39;
	v43 =	vsel vm0, v40, v41  }
0x4e6: {  	v3 =	vadd.f32 v45, v3;
	v9 =	vperm.xlane v43, v0;
	v16 =	vmul.f32 $1.442695020e+00, v44  }
0x4e7: {  	v6 =	vadd.f32 v6, v7;
	v50 =	vmin.f32 v4, v11;
	v54 =	vmax.f32 v4, v11  }
0x4e8: {  	v2 =	vsel vm1, v11, v2;
	vm1 =	veq.s32 v1, s11;
	v47 =	vpop (erf);
	v46 =	vld [tilespmem:s16+$0xC000];
	[tilespmem:s14+$0x8000] =	vst v9;
	(erf) = vpow2.f32 v16  }
0x4e9: {  	v5 =	vmax.f32 v5, v50;
	v55 =	vmin.f32 v54, v13;
	v48 =	vmul.f32 v8, v47;
	[tilespmem:s15+$0x8000] =	vst.msk $0xff, v9;
	v52 =	vld.msk [tilespmem:s15+$0xC000], $0xff  }
0x4ea: {  	v4 =	vmax.f32 v54, v13;
	v2 =	vsel vm1, v13, v2;
	v3 =	vadd.f32 v47, v3;
	v9 =	vld [tilespmem:s14+$0xC000]  }
0x4eb: {  	vm1 =	veq.s32 v1, s12;
	v5 =	vmax.f32 v5, v55;
	v6 =	vadd.f32 v48, v6;
	v49 =	vpop (erf)  }
0x4ec: {  	v59 =	vmin.f32 v4, v14;
	v51 =	vmul.f32 v12, v49;
	v3 =	vadd.f32 v49, v3  }
0x4ed: {  	v4 =	vmax.f32 v4, v14;
	v2 =	vsel vm1, v14, v2;
	vm1 =	veq.s32 v1, $0x3E;
	v53 =	vpop (erf)  }
0x4ee: {  	v6 =	vadd.f32 v51, v6;
	v56 =	vmul.f32 v15, v53;
	v3 =	vadd.f32 v53, v3  }
0x4ef: {  	v5 =	vmax.f32 v5, v59;
	v57 =	vpop (erf);
	v12 =	vperm.xlane v52, v0;
	v9 =	vperm.xlane v9, v0  }
0x4f0: {  	s23 =	sshll.u32 s10, $0x4;
	s10 =	sadd.s32 $0x1, s10;
	v6 =	vadd.f32 v56, v6;
	v58 =	vmul.f32 v46, v57;
	v3 =	vadd.f32 v57, v3  }
0x4f1: {  	p0 =	sne.s32 s10, $0x10;
	v62 =	vmax.f32 v4, v42;
	v4 =	vmin.f32 v4, v42;
	v60 =	vsel vm0, v9, v12;
	v61 =	vpop (erf)  }
.Ltmp31:
0x4f2: {  	v6 =	vadd.f32 v58, v6;
	v4 =	vmax.f32 v5, v4;
	[tilespmem:s23+$0x10D00] =	vst v62;
	v7 =	vmul.f32 v60, v61;
	(pc) =	sbr.rel @p0 .LBB2_62-.Ltmp31, $4  }
0x4f3: {  	v1 =	vsel vm1, v10, v2;
	[tilespmem:s23+$0x11500] =	vst v4;
	v3 =	vadd.f32 v61, v3  }
0x4f4: {  	[tilespmem:s23+$0x12D00] =	vst v1;
	v63 =	vadd.f32 v7, v6  }
0x4f5: {  	[tilespmem:s23+$0x11D00] =	vst v3  }
0x4f6: {  	[tilespmem:s23+$0x12500] =	vst v63  }
0x4f7: {  	s9 =	simm.s32 $0x0;
	s10 =	rddreg [dreg:$0x11]  }
0x4f8: {  	[tilespmem:s7], [sflag:$0x1] =	stream.linear.gather [hbm4b:s10+s9], $0x4000, $0x38;
	[tilespmem:$0x13300] =	vst v63  }
0x4f9: {  	_ =	swait.ge [sflag:s6], $0x4000  }
0x4fa: {  	[sflag:s6] =	ssyncset.done $0x0  }
0x4fb: {  	s10 =	simm.s32 $0x0;
	[sflag:s6] =	ssyncadd.s32 $0xFFFFC000  }
.LBB2_66:
0x4fc: {  	s14 =	sshll.u32 s10, $0xA  }
0x4fd: {  	s11 =	sand.u32 $0x1C00, s9;
	s16 =	sand.u32 $0x2000, s14  }
0x4fe: {  	s12 =	sshll.u32 s10, $0x7;
	s13 =	sand.u32 $0x70, s9;
	s11 =	sor.u32 s11, s16  }
0x4ff: {  	s15 =	sand.u32 $0x380, s12;
	s11 =	sor.u32 s13, s11  }
0x500: {  	s20 =	sor.u32 s15, s11  }
0x501: {  	v2 =	vld [tilespmem:s20+$0x4000]  }
0x502: {  	v1 =	vld [tilespmem:s20+$0x8000]  }
0x503: {  	s18 =	simm.s32 $0x80  }
0x504: {  	s19 =	simm.s32 $0x10;
	s11 =	sand.u32 $0x1C00, s18  }
0x505: {  	s21 =	sand.u32 $0x70, s19;
	s11 =	sor.u32 s11, s16  }
0x506: {  	s12 =	sand.u32 $0x3FFFFF80, s12;
	s11 =	sor.u32 s21, s11;
	v4 =	vmul.f32 $5.000000070e-02, v2  }
0x507: {  	v3 =	vld [tilespmem:s12+$0x10000];
	s17 =	sor.u32 s15, s11;
	v1 =	vadd.f32 v1, v2  }
0x508: {  	v7 =	vld [tilespmem:s17+$0x4000];
	v4 =	vmul.f32 $1.442695020e+00, v4  }
0x509: {  	[tilespmem:s20+$0x8000] =	vst v1  }
0x50a: {  	v6 =	vimm.f32 $-Inf;
	v5 =	vld [tilespmem:s17+$0x8000];
	(erf) = vpow2.f32 v4  }
0x50b: {  	v9 =	vmin.f32 v6, v2  }
0x50c: {  	s18 =	simm.s32 $0x100;
	v8 =	vmax.f32 v6, v2;
	v9 =	vmax.f32 v6, v9;
	v1 =	vshra.s32 v3, $0x4  }
0x50d: {  	s22 =	simm.s32 $0x1;
	s19 =	simm.s32 $0x20;
	s23 =	sand.u32 $0x1C00, s18;
	v3 =	vimm.f32 $0.0e+00;
	vm1 =	veq.s32 v1, s9;
	v11 =	vmul.f32 $5.000000070e-02, v7  }
0x50e: {  	s21 =	sand.u32 $0x70, s19;
	s12 =	sor.u32 s23, s16;
	v6 =	vld [tilespmem:s20+$0xC000];
	v12 =	vmin.f32 v8, v7;
	v2 =	vsel vm1, v2, v3;
	vm1 =	veq.s32 v1, s22  }
0x50f: {  	s13 =	simm.s32 $0x2;
	s11 =	simm.s32 $0x3;
	s21 =	sor.u32 s21, s12;
	v4 =	vmax.f32 v8, v7;
	v8 =	vld [tilespmem:s17+$0xC000];
	v2 =	vsel vm1, v7, v2;
	v10 =	vadd.f32 v5, v7  }
0x510: {  	s12 =	simm.s32 $0x4;
	s21 =	sor.u32 s15, s21;
	s20 =	simm.s32 $0x5;
	v5 =	vmax.f32 v9, v12;
	v9 =	vmul.f32 $1.442695020e+00, v11;
	v7 =	vimm.f32 $0.0e+00  }
.LBB2_67:
0x511: {  	p0 =	sne.s32 s20, $0x3D;
	v11 =	vld [tilespmem:s21+$0x4000];
	[tilespmem:s17+$0x8000] =	vst v10;
	s17 =	smov.u32 s21  }
0x512: {  	v10 =	vld [tilespmem:s17+$0x8000];
	(erf) = vpow2.f32 v9  }
0x513: {  	v12 =	vld [tilespmem:s17+$0xC000];
	v9 =	vpop (erf)  }
.Ltmp32:
0x514: {  	s18 =	sadd.s32 $0x80, s18;
	v3 =	vadd.f32 v9, v3;
	v9 =	vmul.f32 v6, v9;
	v6 =	vmov v8;
	(pc) =	sbr.rel @p0 .LBB2_67-.Ltmp32, $4  }
0x515: {  	vm1 =	veq.s32 v1, s13;
	s19 =	sadd.s32 $0x10, s19;
	s13 =	smov.u32 s11;
	s21 =	sand.u32 $0x1C00, s18  }
0x516: {  	s11 =	smov.u32 s12;
	s22 =	sand.u32 $0x70, s19;
	s21 =	sor.u32 s21, s16;
	v14 =	vmul.f32 $5.000000070e-02, v11;
	v13 =	vmin.f32 v4, v11;
	v4 =	vmax.f32 v4, v11  }
0x517: {  	s12 =	smov.u32 s20;
	s21 =	sor.u32 s22, s21;
	v7 =	vadd.f32 v9, v7;
	v10 =	vadd.f32 v10, v11;
	v5 =	vmax.f32 v5, v13  }
0x518: {  	s20 =	sadd.s32 $0x1, s20;
	s21 =	sor.u32 s15, s21;
	v2 =	vsel vm1, v11, v2;
	v9 =	vmul.f32 $1.442695020e+00, v14;
	v8 =	vmov v12  }
0x519: {  	v11 =	vld [tilespmem:s21+$0x4000];
	[tilespmem:s17+$0x8000] =	vst v10  }
0x51a: {  	v10 =	vld [tilespmem:s21+$0x8000];
	_ =	sdelay $0x1  }
0x51b: {  	s23 =	sadd.s32 $0x80, s18  }
0x51c: {  	s19 =	sadd.s32 $0x10, s19;
	s18 =	sand.u32 $0x1C00, s23  }
0x51d: {  	s20 =	sand.u32 $0x70, s19;
	s18 =	sor.u32 s18, s16  }
0x51e: {  	s18 =	sor.u32 s20, s18;
	v10 =	vadd.f32 v10, v11  }
0x51f: {  	s18 =	sor.u32 s15, s18  }
0x520: {  	v13 =	vld [tilespmem:s18+$0x4000];
	[tilespmem:s21+$0x8000] =	vst v10  }
0x521: {  	v10 =	vld [tilespmem:s18+$0x8000];
	_ =	sdelay $0x1  }
0x522: {  	s17 =	sadd.s32 $0x80, s23  }
0x523: {  	s19 =	sadd.s32 $0x10, s19;
	s17 =	sand.u32 $0x1C00, s17  }
0x524: {  	s19 =	sand.u32 $0x70, s19;
	s22 =	sor.u32 s17, s16  }
0x525: {  	s16 =	sor.u32 s19, s22;
	v10 =	vadd.f32 v10, v13  }
0x526: {  	v12 =	vld [tilespmem:s21+$0xC000];
	s16 =	sor.u32 s15, s16  }
0x527: {  	v14 =	vld [tilespmem:s16+$0x4000];
	[tilespmem:s18+$0x8000] =	vst v10  }
0x528: {  	v10 =	vld [tilespmem:s16+$0x8000];
	_ =	sdelay $0x4  }
0x529: {  	v10 =	vadd.f32 v10, v14  }
0x52a: {  	s14 =	sor.u32 s14, s15  }
0x52b: {  	s15 =	sor.u32 $0x1C60, s14;
	v15 =	vld [tilespmem:s18+$0xC000];
	[tilespmem:s16+$0x8000] =	vst v10  }
0x52c: {  	s14 =	sor.u32 $0x1C50, s14;
	v10 =	vld.msk [tilespmem:s15+$0x4000], $0xff  }
0x52d: {  	v17 =	vld [tilespmem:s14+$0x4000]  }
0x52e: {  	v18 =	vld.msk [tilespmem:s15+$0x8000], $0xff  }
0x52f: {  	v16 =	vmul.f32 $5.000000070e-02, v11;
	_ =	sdelay $0x1  }
0x530: {  	(erf) = vpow2.f32 v9;
	v16 =	vmul.f32 $1.442695020e+00, v16;
	v19 =	vld [tilespmem:s14+$0x8000]  }
0x531: {  	v37 =	vmul.f32 $5.000000070e-02, v13;
	v38 =	vmul.f32 $5.000000070e-02, v14  }
0x532: {  	v17 =	vperm.xlane v17, v0;
	v18 =	vadd.f32 v18, v10;
	v10 =	vperm.xlane v10, v0  }
0x533: {  	(erf) = vpow2.f32 v16  }
0x534: {  	v9 =	vmul.f32 $1.442695020e+00, v37;
	v39 =	vmul.f32 $1.442695020e+00, v38;
	v10 =	vsel vm0, v17, v10  }
0x535: {  	v40 =	vperm.xlane v19, v0;
	v41 =	vperm.xlane v18, v0;
	v42 =	vsel vm0, $0xF149F2CA, v10  }
0x536: {  	vm1 =	veq.s32 v1, s13;
	v45 =	vpop (erf);
	(erf) = vpow2.f32 v9;
	v44 =	vmul.f32 $5.000000070e-02, v42  }
0x537: {  	v6 =	vmul.f32 v6, v45;
	(erf) = vpow2.f32 v39;
	v43 =	vsel vm0, v40, v41  }
0x538: {  	v3 =	vadd.f32 v45, v3;
	v9 =	vperm.xlane v43, v0;
	v16 =	vmul.f32 $1.442695020e+00, v44  }
0x539: {  	v6 =	vadd.f32 v6, v7;
	v50 =	vmin.f32 v4, v11;
	v54 =	vmax.f32 v4, v11  }
0x53a: {  	v2 =	vsel vm1, v11, v2;
	vm1 =	veq.s32 v1, s11;
	v47 =	vpop (erf);
	v46 =	vld [tilespmem:s16+$0xC000];
	[tilespmem:s14+$0x8000] =	vst v9;
	(erf) = vpow2.f32 v16  }
0x53b: {  	v5 =	vmax.f32 v5, v50;
	v55 =	vmin.f32 v54, v13;
	v48 =	vmul.f32 v8, v47;
	[tilespmem:s15+$0x8000] =	vst.msk $0xff, v9;
	v52 =	vld.msk [tilespmem:s15+$0xC000], $0xff  }
0x53c: {  	v4 =	vmax.f32 v54, v13;
	v2 =	vsel vm1, v13, v2;
	v3 =	vadd.f32 v47, v3;
	v9 =	vld [tilespmem:s14+$0xC000]  }
0x53d: {  	vm1 =	veq.s32 v1, s12;
	v5 =	vmax.f32 v5, v55;
	v6 =	vadd.f32 v48, v6;
	v49 =	vpop (erf)  }
0x53e: {  	v59 =	vmin.f32 v4, v14;
	v51 =	vmul.f32 v12, v49;
	v3 =	vadd.f32 v49, v3  }
0x53f: {  	v4 =	vmax.f32 v4, v14;
	v2 =	vsel vm1, v14, v2;
	vm1 =	veq.s32 v1, $0x3E;
	v53 =	vpop (erf)  }
0x540: {  	v6 =	vadd.f32 v51, v6;
	v56 =	vmul.f32 v15, v53;
	v3 =	vadd.f32 v53, v3  }
0x541: {  	v5 =	vmax.f32 v5, v59;
	v57 =	vpop (erf);
	v12 =	vperm.xlane v52, v0;
	v9 =	vperm.xlane v9, v0  }
0x542: {  	s23 =	sshll.u32 s10, $0x4;
	s10 =	sadd.s32 $0x1, s10;
	v6 =	vadd.f32 v56, v6;
	v58 =	vmul.f32 v46, v57;
	v3 =	vadd.f32 v57, v3  }
0x543: {  	p0 =	sne.s32 s10, $0x10;
	v62 =	vmax.f32 v4, v42;
	v4 =	vmin.f32 v4, v42;
	v60 =	vsel vm0, v9, v12;
	v61 =	vpop (erf)  }
.Ltmp33:
0x544: {  	v6 =	vadd.f32 v58, v6;
	v4 =	vmax.f32 v5, v4;
	[tilespmem:s23+$0x10E00] =	vst v62;
	v7 =	vmul.f32 v60, v61;
	(pc) =	sbr.rel @p0 .LBB2_66-.Ltmp33, $4  }
0x545: {  	v1 =	vsel vm1, v10, v2;
	[tilespmem:s23+$0x11600] =	vst v4;
	v3 =	vadd.f32 v61, v3  }
0x546: {  	[tilespmem:s23+$0x12E00] =	vst v1;
	v63 =	vadd.f32 v7, v6  }
0x547: {  	[tilespmem:s23+$0x11E00] =	vst v3  }
0x548: {  	s11 =	simm.s32 $0x0;
	[tilespmem:s23+$0x12600] =	vst v63  }
0x549: {  	s9 =	simm.s32 $0x0  }
.LBB2_70:
0x54a: {  	s10 =	sshll.u32 s9, $0xA  }
0x54b: {  	s12 =	sand.u32 $0x1C00, s11;
	s14 =	sand.u32 $0x2000, s10  }
0x54c: {  	s13 =	sshll.u32 s9, $0x7;
	s16 =	sand.u32 $0x70, s11;
	s12 =	sor.u32 s12, s14  }
0x54d: {  	s15 =	sand.u32 $0x380, s13;
	s12 =	sor.u32 s16, s12  }
0x54e: {  	s17 =	sor.u32 s15, s12  }
0x54f: {  	s18 =	simm.s32 $0x80;
	v1 =	vld [tilespmem:s17+$0x8000]  }
0x550: {  	s19 =	simm.s32 $0x10;
	s13 =	sand.u32 $0x3FFFFF80, s13;
	s16 =	sand.u32 $0x1C00, s18  }
0x551: {  	v2 =	vld [tilespmem:s13+$0x10000];
	s12 =	sand.u32 $0x70, s19;
	s16 =	sor.u32 s16, s14  }
0x552: {  	s12 =	sor.u32 s12, s16  }
0x553: {  	s12 =	sor.u32 s15, s12  }
0x554: {  	s20 =	simm.s32 $0x100;
	v4 =	vld [tilespmem:s12+$0x8000];
	v5 =	vmul.f32 $1.428571490e-01, v1  }
0x555: {  	s21 =	simm.s32 $0x20;
	s13 =	sand.u32 $0x1C00, s20  }
0x556: {  	s13 =	sor.u32 s13, s14;
	s16 =	sand.u32 $0x70, s21;
	v1 =	vshra.s32 v2, $0x4;
	v2 =	vmul.f32 $5.000000070e-02, v5  }
0x557: {  	s13 =	sor.u32 s16, s13  }
0x558: {  	s16 =	sor.u32 s15, s13;
	v2 =	vmul.f32 $1.442695020e+00, v2  }
0x559: {  	v6 =	vld [tilespmem:s16+$0x8000];
	v8 =	vmul.f32 $1.428571490e-01, v4  }
0x55a: {  	v7 =	vimm.f32 $-Inf;
	(erf) = vpow2.f32 v2  }
0x55b: {  	v3 =	vimm.f32 $0.0e+00;
	vm1 =	veq.s32 v1, s11;
	v10 =	vmul.f32 $5.000000070e-02, v8  }
0x55c: {  	s22 =	simm.s32 $0x1;
	s18 =	simm.s32 $0x180;
	v9 =	vmax.f32 v7, v5;
	v4 =	vmin.f32 v7, v5;
	v5 =	vsel vm1, v5, v3  }
0x55d: {  	s23 =	simm.s32 $0x30;
	s18 =	sand.u32 $0x1C00, s18;
	vm1 =	veq.s32 v1, s22;
	v7 =	vmax.f32 v7, v4;
	v10 =	vmul.f32 $1.442695020e+00, v10  }
0x55e: {  	s18 =	sor.u32 s18, s14;
	s13 =	sand.u32 $0x70, s23;
	v4 =	vmul.f32 $1.428571490e-01, v6;
	v11 =	vmin.f32 v9, v8;
	v9 =	vmax.f32 v9, v8  }
0x55f: {  	s18 =	sor.u32 s13, s18;
	v2 =	vsel vm1, v8, v5;
	v5 =	vmax.f32 v7, v11;
	v7 =	vld [tilespmem:s17+$0xC000];
	(erf) = vpow2.f32 v10  }
0x560: {  	s20 =	simm.s32 $0x40;
	s19 =	simm.s32 $0x2;
	v6 =	vmax.f32 v9, v4;
	v9 =	vmin.f32 v9, v4;
	s17 =	sor.u32 s15, s18  }
0x561: {  	s13 =	simm.s32 $0x3;
	vm1 =	veq.s32 v1, s19;
	v11 =	vmul.f32 $5.000000070e-02, v4;
	s18 =	simm.s32 $0x4;
	s19 =	simm.s32 $0x200;
	v8 =	vimm.f32 $0.0e+00;
	v10 =	vld [tilespmem:s17+$0x8000]  }
.LBB2_71:
0x562: {  	s21 =	sand.u32 $0x1C00, s19  }
0x563: {  	p0 =	sne.s32 s18, $0x3D;
	v2 =	vsel vm1, v4, v2;
	v5 =	vmax.f32 v5, v9;
	v4 =	vpop (erf);
	s22 =	smov.u32 s18;
	s18 =	sadd.s32 $0x1, s18  }
.Ltmp34:
0x564: {  	s23 =	sand.u32 $0x70, s20;
	s21 =	sor.u32 s21, s14;
	v9 =	vmul.f32 $1.442695020e+00, v11;
	v3 =	vadd.f32 v4, v3;
	v11 =	vmul.f32 v4, v7;
	(pc) =	sbr.rel @p0 .LBB2_71-.Ltmp34, $4  }
0x565: {  	s21 =	sor.u32 s23, s21;
	v7 =	vld [tilespmem:s12+$0xC000];
	s12 =	smov.u32 s16;
	s16 =	smov.u32 s17  }
0x566: {  	s17 =	sor.u32 s15, s21;
	v4 =	vmul.f32 $1.428571490e-01, v10;
	(erf) = vpow2.f32 v9;
	v8 =	vadd.f32 v11, v8  }
0x567: {  	vm1 =	veq.s32 v1, s13;
	s13 =	smov.u32 s22;
	v10 =	vld [tilespmem:s17+$0x8000]  }
0x568: {  	s19 =	sadd.s32 $0x80, s19;
	s20 =	sadd.s32 $0x10, s20;
	v11 =	vmul.f32 $5.000000070e-02, v4;
	v9 =	vmin.f32 v6, v4;
	v6 =	vmax.f32 v6, v4  }
0x569: {  	s10 =	sor.u32 s10, s15  }
0x56a: {  	s14 =	sor.u32 $0x1C50, s10  }
0x56b: {  	s10 =	sor.u32 $0x1C60, s10;
	v12 =	vld [tilespmem:s14+$0x8000]  }
0x56c: {  	v13 =	vld.msk [tilespmem:s10+$0x8000], $0xff;
	_ =	sdelay $0x4  }
0x56d: {  	v12 =	vmul.f32 $1.428571490e-01, v12;
	v13 =	vmul.f32 $1.428571490e-01, v13  }
0x56e: {  	v10 =	vmul.f32 $1.428571490e-01, v10  }
0x56f: {  	v12 =	vperm.xlane v12, v0;
	v13 =	vperm.xlane v13, v0  }
0x570: {  	v11 =	vmul.f32 $1.442695020e+00, v11  }
0x571: {  	v14 =	vmul.f32 $5.000000070e-02, v10;
	v12 =	vsel vm0, v12, v13  }
0x572: {  	(erf) = vpow2.f32 v11;
	v13 =	vsel vm0, $0xF149F2CA, v12  }
0x573: {  	v47 =	vmul.f32 $1.442695020e+00, v14;
	v48 =	vmul.f32 $5.000000070e-02, v13;
	_ =	sdelay $0x1  }
0x574: {  	v49 =	vld [tilespmem:s12+$0xC000];
	(erf) = vpow2.f32 v47;
	v11 =	vmul.f32 $1.442695020e+00, v48  }
0x575: {  	v16 =	vld [tilespmem:s16+$0xC000]  }
0x576: {  	v15 =	vpop (erf);
	v18 =	vld [tilespmem:s14+$0xC000];
	(erf) = vpow2.f32 v11  }
0x577: {  	v7 =	vmul.f32 v15, v7;
	v52 =	vld.msk [tilespmem:s10+$0xC000], $0xff  }
0x578: {  	v5 =	vmax.f32 v5, v9;
	v2 =	vsel vm1, v4, v2  }
0x579: {  	v17 =	vld [tilespmem:s17+$0xC000];
	vm1 =	veq.s32 v1, s13;
	v3 =	vadd.f32 v15, v3;
	v7 =	vadd.f32 v7, v8;
	v50 =	vpop (erf)  }
0x57a: {  	v57 =	vmin.f32 v6, v10;
	v59 =	vmax.f32 v6, v10;
	v51 =	vmul.f32 v50, v49  }
0x57b: {  	v2 =	vsel vm1, v10, v2;
	v3 =	vadd.f32 v50, v3;
	v58 =	vperm.xlane v18, v0;
	v53 =	vpop (erf)  }
0x57c: {  	v14 =	vperm.xlane v52, v0;
	v7 =	vadd.f32 v51, v7;
	v54 =	vmul.f32 v53, v16  }
0x57d: {  	vm1 =	veq.s32 v1, $0x3E;
	v5 =	vmax.f32 v5, v57;
	v3 =	vadd.f32 v53, v3;
	v55 =	vpop (erf)  }
0x57e: {  	s23 =	sshll.u32 s9, $0x4;
	s9 =	sadd.s32 $0x1, s9;
	v60 =	vsel vm0, v58, v14;
	v7 =	vadd.f32 v54, v7;
	v56 =	vmul.f32 v55, v17  }
0x57f: {  	p0 =	sne.s32 s9, $0x10;
	v1 =	vsel vm1, v12, v2;
	v62 =	vmax.f32 v59, v13;
	v3 =	vadd.f32 v55, v3;
	v61 =	vpop (erf)  }
.Ltmp35:
0x580: {  	v6 =	vmin.f32 v59, v13;
	[tilespmem:s23+$0x12F00] =	vst v1;
	v7 =	vadd.f32 v56, v7;
	v8 =	vmul.f32 v60, v61;
	(pc) =	sbr.rel @p0 .LBB2_70-.Ltmp35, $4  }
0x581: {  	v5 =	vmax.f32 v5, v6;
	[tilespmem:s23+$0x10F00] =	vst v62;
	v3 =	vadd.f32 v61, v3  }
0x582: {  	[tilespmem:s23+$0x11700] =	vst v5;
	v63 =	vadd.f32 v8, v7  }
0x583: {  	[tilespmem:s23+$0x11F00] =	vst v3  }
0x584: {  	[tilespmem:s23+$0x12700] =	vst v63  }
0x585: {  	s9 =	simm.s32 $0x10800  }
0x586: {  	[hbm4b:s24+s30] =	stream.linear.scatter [tilespmem:s9], [sflag:$0x1], $0x800, $0x38;
	[tilespmem:$0x13300] =	vst v63  }
0x587: {  	_ =	swait.ge [sflag:s6], $0x800  }
0x588: {  	[sflag:s6] =	ssyncset.done $0x0  }
0x589: {  	s17 =	simm.s32 $0x11000;
	[sflag:s6] =	ssyncadd.s32 $0xFFFFF800  }
0x58a: {  	[hbm4b:s25+s30] =	stream.linear.scatter [tilespmem:s17], [sflag:$0x1], $0x800, $0x38;
	[tilespmem:$0x13300] =	vst v63  }
0x58b: {  	_ =	swait.ge [sflag:s6], $0x800  }
0x58c: {  	[sflag:s6] =	ssyncset.done $0x0  }
0x58d: {  	s18 =	simm.s32 $0x11800;
	[sflag:s6] =	ssyncadd.s32 $0xFFFFF800  }
0x58e: {  	[hbm4b:s26+s30] =	stream.linear.scatter [tilespmem:s18], [sflag:$0x1], $0x800, $0x38;
	[tilespmem:$0x13300] =	vst v63  }
0x58f: {  	_ =	swait.ge [sflag:s6], $0x800  }
0x590: {  	[sflag:s6] =	ssyncset.done $0x0  }
0x591: {  	s19 =	simm.s32 $0x12000;
	[sflag:s6] =	ssyncadd.s32 $0xFFFFF800  }
0x592: {  	[hbm4b:s28+s30] =	stream.linear.scatter [tilespmem:s19], [sflag:$0x1], $0x800, $0x38;
	[tilespmem:$0x13300] =	vst v63  }
0x593: {  	_ =	swait.ge [sflag:s6], $0x800  }
0x594: {  	[sflag:s6] =	ssyncset.done $0x0  }
0x595: {  	s20 =	simm.s32 $0x12800;
	[sflag:s6] =	ssyncadd.s32 $0xFFFFF800  }
0x596: {  	[hbm4b:s29+s30] =	stream.linear.scatter [tilespmem:s20], [sflag:$0x1], $0x800, $0x38;
	[tilespmem:$0x13300] =	vst v63  }
0x597: {  	_ =	swait.ge [sflag:s6], $0x800  }
0x598: {  	[sflag:s6] =	ssyncset.done $0x0  }
0x599: {  	s21 =	simm.s32 $0x13000;
	[sflag:s6] =	ssyncadd.s32 $0xFFFFF800  }
0x59a: {  	[hbm4b:s2+s30] =	stream.linear.scatter [tilespmem:s21], [sflag:$0x1], $0x100, $0x38;
	[tilespmem:$0x13300] =	vst v63  }
0x59b: {  	_ =	swait.ge [sflag:s6], $0x100  }
0x59c: {  	[sflag:s6] =	ssyncset.done $0x0  }
0x59d: {  	s22 =	simm.s32 $0x13100;
	[sflag:s6] =	ssyncadd.s32 $0xFFFFFF00  }
0x59e: {  	[hbm4b:s3+s30] =	stream.linear.scatter [tilespmem:s22], [sflag:$0x1], $0x100, $0x38;
	[tilespmem:$0x13300] =	vst v63  }
0x59f: {  	s8 =	sadd.s32 $0x1, s8;
	_ =	swait.ge [sflag:s6], $0x100  }
0x5a0: {  	p0 =	sne.s32 s8, s5;
	[sflag:s6] =	ssyncset.done $0x0  }
.Ltmp36:
0x5a1: {  	s23 =	simm.s32 $0x13200;
	[sflag:s6] =	ssyncadd.s32 $0xFFFFFF00;
	(pc) =	sbr.rel @p0 .LBB2_1-.Ltmp36, $4  }
0x5a2: {  	[hbm4b:s4+s30] =	stream.linear.scatter [tilespmem:s23], [sflag:$0x1], $0x100, $0x38;
	[tilespmem:$0x13300] =	vst v63  }
0x5a3: {  	_ =	swait.ge [sflag:s6], $0x100  }
0x5a4: {  	[sflag:s6] =	ssyncset.done $0x0  }
0x5a5: {  	[sflag:s6] =	ssyncadd.s32 $0xFFFFFF00  }
0x5a6: {  	_ =	sfence.sel $0x180000  }
0x5a7: {  	[bflag:$0x0] =	sbarrier.arrive $0xFFFF  }
0x5a8: {  	_ =	strace $0x90000047  }
0x5a9: {  	s0 =	stileid.u32;
	[bflag:$0x2] =	sbarrier.arrive $0xFFFF  }
0x5aa: {  	p0 =	sne.s32 s0, $0x0;
	s0 =	rddreg [dreg:$0x1]  }
0x5ab: {  	s0 =	sadd.s32 @!p0 $0x100000, s0  }
0x5ac: {  	[sflag:s0] =	ssyncadd.tile.s32 @!p0 $0x1;
	_ =	shalt  }
.Lfunc_end2:
_tile_overlayer_lowered:
.L_overlay_start_2:
0x5ad: {  	(tag) =	ssettag $0x2  }
0x5ae: {  	s0 =	rddreg [dreg:$0x0];
	s2 =	stileid.u32  }
0x5af: {  	s1 =	rddreg [dreg:$0x1];
	p0 =	sne.s32 s2, $0x0  }
0x5b0: {  	s3 =	rddreg [dreg:$0x2];
	[bflag:$0x3] =	sbarrier.arrive $0xFFFF;
	s2 =	simm.s32 @!p0 $0x1C01  }
0x5b1: {  	[timem:s3], [sflag:s2] =	dma.local @!p0 [hbm:s0], s1  }
0x5b2: {  	s0 =	simm.s32 @!p0 $0x1  }
0x5b3: {  	_ =	swait.ge @!p0 [sflag:s0], s1  }
0x5b4: {  	s1 =	ssub.s32 @!p0 $0x0, s1;
	[sflag:s0] =	ssyncset.done @!p0 $0x0  }
0x5b5: {  	[sflag:s0] =	ssyncadd.s32 @!p0 s1  }
0x5b6: {  	[bflag:$0x3] =	sbarrier.arrive $0xFFFF  }
0x5b7: {  	_ =	shalt  }

</sc_bundles>
